<compile_context>
chip_gen: v7x
topology: tpu7x:2x2x1
jax: 0.10.2.dev20260603
libtpu: 0.0.44.dev20260713+nightly
codegen_flags: <defaults>
</compile_context>

<pallas_src>
import functools

import jax
import jax.numpy as jnp
from jax.experimental import pallas as pl
from jax.experimental.pallas import tpu as pltpu

N, D, H, W, C = 1, 4, 224, 224, 96
N_WIN = 14
NUM_HEADS = 8
TOPK = 4
QK_DIM = C
DIM = C
SCALE = QK_DIM ** (-0.5)
R = 4

HW = H // N_WIN
WW = W // N_WIN
P2 = N_WIN * N_WIN
PIX = HW * WW
HD, WD = HW // R, WW // R
W2D = HD * WD
CPH = QK_DIM // NUM_HEADS
KW2 = TOPK * W2D
BD = NUM_HEADS * KW2
K3_BATCH = 14


def _dot(a, b, dims=(((1,), (0,)), ((), ())), prec=jax.lax.Precision.HIGHEST):
    return jax.lax.dot_general(a, b, dims, precision=prec,
                               preferred_element_type=jnp.float32)


_DEF = jax.lax.Precision.DEFAULT


def _k1_body(x_ref, wq_ref, wk_ref, wv_ref, bq_ref, bk_ref, bv_ref,
             q_ref, kp_ref, vp_ref, qm_ref, km_ref):
    xb = x_ref[...]
    qs = []
    ks = []
    vs = []
    for r in range(HW):
        x_r = xb[0, r]
        qs.append(_dot(x_r, wq_ref[...], (((0,), (0,)), ((), ())), prec=_DEF)
                  + bq_ref[...])
        ks.append(_dot(x_r, wk_ref[...], (((0,), (0,)), ((), ())), prec=_DEF)
                  + bk_ref[...])
        vs.append(_dot(x_r, wv_ref[...], (((0,), (0,)), ((), ())), prec=_DEF)
                  + bv_ref[...])
    Q = jnp.stack(qs, axis=0)
    qw = Q.reshape(HW, N_WIN, WW, C).transpose(1, 0, 2, 3).reshape(1, N_WIN, PIX, C)
    q_ref[...] = qw
    pc_op = jnp.where(
        jax.lax.broadcasted_iota(jnp.int32, (W // R, W), 0)
        == jax.lax.broadcasted_iota(jnp.int32, (W // R, W), 1) // R, 1.0, 0.0)
    for dst, srcs in ((kp_ref, ks), (vp_ref, vs)):
        pooled = []
        for pr in range(HD):
            rsumT = srcs[R * pr]
            for dr in range(1, R):
                rsumT = rsumT + srcs[R * pr + dr]
            pooled.append(_dot(pc_op, rsumT))
        pool = jnp.stack(pooled, axis=0) * (1.0 / (R * R))
        pool = pool.reshape(HD, N_WIN, WD, C).transpose(1, 0, 2, 3)
        dst[...] = pool.reshape(1, N_WIN, W2D, C)
    m_op = jnp.where(
        jax.lax.broadcasted_iota(jnp.int32, (N_WIN, W), 0)
        == jax.lax.broadcasted_iota(jnp.int32, (N_WIN, W), 1) // WW, 1.0, 0.0)
    sq = qs[0]
    sk = ks[0]
    for r in range(1, HW):
        sq = sq + qs[r]
        sk = sk + ks[r]
    qm_ref[...] = (_dot(m_op, sq) * (1.0 / PIX)).reshape(1, N_WIN, 1, C)
    km_ref[...] = (_dot(m_op, sk) * (1.0 / PIX)).reshape(1, N_WIN, 1, C)


def _k2_body(qm_ref, km_ref, idx_ref):
    qw = qm_ref[...].reshape(P2, C)
    kw = km_ref[...].reshape(P2, C)
    lg = _dot(qw * SCALE, kw, (((1,), (1,)), ((), ())), prec=_DEF)
    cols = jax.lax.broadcasted_iota(jnp.int32, (P2, P2), 1)
    cur = lg
    picks = []
    for _ in range(TOPK):
        m = jnp.max(cur, axis=1, keepdims=True)
        eq = cur >= m
        am = jnp.min(jnp.where(eq, cols, jnp.int32(2 ** 30)), axis=1, keepdims=True)
        picks.append(am)
        cur = jnp.where(cols == am, -jnp.inf, cur)
    idx_ref[...] = jnp.concatenate(picks, axis=1).reshape(1, P2, TOPK)


def _attn_one(q, ks, vs, wo, bo):
    rows = jax.lax.broadcasted_iota(jnp.int32, (BD, C), 0) // KW2
    colh = jax.lax.broadcasted_iota(jnp.int32, (BD, C), 1) // CPH
    hm = rows == colh
    Kb = jnp.where(hm, jnp.concatenate([ks] * NUM_HEADS, axis=0), 0.0)
    L = _dot(q * SCALE, Kb, (((1,), (1,)), ((), ())), prec=_DEF)
    m = jnp.max(L, axis=1, keepdims=True)
    e = jnp.exp(L - m)
    eb = jnp.where(
        jax.lax.broadcasted_iota(jnp.int32, (BD, NUM_HEADS), 0) // KW2
        == jax.lax.broadcasted_iota(jnp.int32, (BD, NUM_HEADS), 1), 1.0, 0.0)
    s = _dot(e, eb, prec=_DEF)
    rec = 1.0 / jnp.maximum(s, 1e-30)
    Vb = jnp.where(hm, jnp.concatenate([vs] * NUM_HEADS, axis=0), 0.0)
    ou = _dot(e, Vb, prec=_DEF)
    ex = jnp.where(
        jax.lax.broadcasted_iota(jnp.int32, (NUM_HEADS, C), 0)
        == jax.lax.broadcasted_iota(jnp.int32, (NUM_HEADS, C), 1) // CPH, 1.0, 0.0)
    out = ou * _dot(rec, ex, prec=_DEF)
    o = _dot(out, wo, prec=_DEF) + bo
    return o.reshape(HW, WW, C)


def _k3_body(sref, q_ref, kp_ref, vp_ref, wo_ref, bo_ref, o_ref):
    t = pl.program_id(0)
    w2 = pl.program_id(1)
    wo = wo_ref[...]
    bo = bo_ref[...]
    outs = []
    for j in range(K3_BATCH):
        w = w2 * K3_BATCH + j
        q = q_ref[...][0, j]
        krows = []
        vrows = []
        for kk in range(TOPK):
            i = sref[t, w, kk]
            krows.append(kp_ref[0, i])
            vrows.append(vp_ref[0, i])
        ks = jnp.concatenate(krows, axis=0)
        vs = jnp.concatenate(vrows, axis=0)
        outs.append(_attn_one(q, ks, vs, wo, bo))
    o_ref[...] = jnp.concatenate(outs, axis=1).reshape(1, HW, K3_BATCH * WW, C)


@jax.jit
def kernel(x, w_qkv, b_qkv, w_o, b_o):
    xt = jnp.transpose(x.reshape(D, H, W, C), (0, 1, 3, 2))
    wq = w_qkv[:, :QK_DIM]
    wk = w_qkv[:, QK_DIM:2 * QK_DIM]
    wv = w_qkv[:, 2 * QK_DIM:]
    bq = b_qkv[:QK_DIM].reshape(1, QK_DIM)
    bk = b_qkv[QK_DIM:2 * QK_DIM].reshape(1, QK_DIM)
    bv = b_qkv[2 * QK_DIM:].reshape(1, DIM)
    bo = b_o.reshape(1, C)

    q_pix, kp, vp, qm, km = pl.pallas_call(
        _k1_body,
        grid=(D, N_WIN),
        in_specs=[
            pl.BlockSpec((1, HW, C, W), lambda t, wj: (t, wj, 0, 0)),
            pl.BlockSpec((C, QK_DIM), lambda t, wj: (0, 0)),
            pl.BlockSpec((C, QK_DIM), lambda t, wj: (0, 0)),
            pl.BlockSpec((C, DIM), lambda t, wj: (0, 0)),
            pl.BlockSpec((1, QK_DIM), lambda t, wj: (0, 0)),
            pl.BlockSpec((1, QK_DIM), lambda t, wj: (0, 0)),
            pl.BlockSpec((1, DIM), lambda t, wj: (0, 0)),
        ],
        out_specs=[
            pl.BlockSpec((1, N_WIN, PIX, C), lambda t, wj: (t, wj, 0, 0)),
            pl.BlockSpec((1, N_WIN, W2D, QK_DIM), lambda t, wj: (t, wj, 0, 0)),
            pl.BlockSpec((1, N_WIN, W2D, DIM), lambda t, wj: (t, wj, 0, 0)),
            pl.BlockSpec((1, N_WIN, 1, C), lambda t, wj: (t, wj, 0, 0)),
            pl.BlockSpec((1, N_WIN, 1, C), lambda t, wj: (t, wj, 0, 0)),
        ],
        out_shape=[
            jax.ShapeDtypeStruct((D, P2, PIX, C), jnp.float32),
            jax.ShapeDtypeStruct((D, P2, W2D, QK_DIM), jnp.float32),
            jax.ShapeDtypeStruct((D, P2, W2D, DIM), jnp.float32),
            jax.ShapeDtypeStruct((D, P2, 1, C), jnp.float32),
            jax.ShapeDtypeStruct((D, P2, 1, C), jnp.float32),
        ],
    )(xt, wq, wk, wv, bq, bk, bv)

    r_idx = pl.pallas_call(
        _k2_body,
        grid=(D,),
        in_specs=[
            pl.BlockSpec((1, P2, 1, C), lambda t: (t, 0, 0, 0)),
            pl.BlockSpec((1, P2, 1, C),
                         lambda t: (jnp.minimum(t + 1, D - 1), 0, 0, 0)),
        ],
        out_specs=pl.BlockSpec((1, P2, TOPK), lambda t: (t, 0, 0)),
        out_shape=jax.ShapeDtypeStruct((D, P2, TOPK), jnp.int32),
    )(qm, km)

    npair = N_WIN // K3_BATCH
    grid_spec = pltpu.PrefetchScalarGridSpec(
        num_scalar_prefetch=1,
        grid=(D, P2 // K3_BATCH),
        in_specs=[
            pl.BlockSpec((1, K3_BATCH, PIX, C), lambda t, w2, s: (t, w2, 0, 0)),
            pl.BlockSpec((1, P2, W2D, QK_DIM),
                         lambda t, w2, s: (jnp.minimum(t + 1, D - 1), 0, 0, 0)),
            pl.BlockSpec((1, P2, W2D, DIM),
                         lambda t, w2, s: (jnp.minimum(t + 1, D - 1), 0, 0, 0)),
            pl.BlockSpec((C, C), lambda t, w2, s: (0, 0)),
            pl.BlockSpec((1, C), lambda t, w2, s: (0, 0)),
        ],
        out_specs=pl.BlockSpec((1, HW, K3_BATCH * WW, C),
                               lambda t, w2, s: (t, w2 // npair, w2 % npair, 0)),
    )
    out = pl.pallas_call(
        _k3_body,
        grid_spec=grid_spec,
        out_shape=jax.ShapeDtypeStruct((D, H, W, C), jnp.float32),
    )(r_idx, q_pix, kp, vp, w_o, bo)

    return out.reshape(N, D, H, W, C)

# --- scband reference (transcript-rebuilt; emitter-appended) ---
"""Pipeline reference for scband-inter-frame-bi-level-routing-attention-22402549416186 (READ-ONLY COPY).

The authoritative reference and input builder live on the scoring server;
editing this copy changes nothing except your own understanding.
"""

import jax, jax.numpy as jnp
import numpy as np

N, D, H, W, C = 1, 4, 224, 224, 96
N_WIN = 14
NUM_HEADS = 8
TOPK = 4
QK_DIM = C
DIM = C
SCALE = QK_DIM ** (-0.5)
R = 4  # kv_downsample_ratio (avgpool)


def setup_inputs(seed: int = 0):
    key = jax.random.key(seed)
    k1, k2, k3, k4 = jax.random.split(key, 4)
    x = jax.random.normal(k1, (N, D, H, W, C), dtype=jnp.float32)
    w_qkv = jax.random.normal(k2, (C, 2 * QK_DIM + DIM), dtype=jnp.float32) * 0.02
    b_qkv = jnp.zeros((2 * QK_DIM + DIM,), dtype=jnp.float32)
    w_o = jax.random.normal(k3, (C, C), dtype=jnp.float32) * 0.02
    b_o = jnp.zeros((C,), dtype=jnp.float32)
    return {"x": x, "w_qkv": w_qkv, "b_qkv": b_qkv, "w_o": w_o, "b_o": b_o}


def _forward(x, w_qkv, b_qkv, w_o, b_o):
    n_win = N_WIN
    m = NUM_HEADS
    topk = TOPK
    h = H // n_win
    w = W // n_win
    # rearrange 'n t (j h) (i w) c -> n t (j i) h w c'
    xw = x.reshape(N, D, n_win, h, n_win, w, C).transpose(0, 1, 2, 4, 3, 5, 6)
    xw = xw.reshape(N, D, n_win * n_win, h, w, C)
    # QKVLinear
    qkv = xw @ w_qkv + b_qkv
    q = qkv[..., :QK_DIM]
    kv = qkv[..., QK_DIM:]
    # inter-frame temporal shift of kv: shift_kv[:, :-1] = kv[:, 1:]
    kv = jnp.concatenate([kv[:, 1:], kv[:, -1:]], axis=1)
    q = q.reshape(N * D, n_win * n_win, h, w, QK_DIM)
    kv = kv.reshape(N * D, n_win * n_win, h, w, QK_DIM + DIM)
    q_pix = q.reshape(N * D, n_win * n_win, h * w, QK_DIM)
    # kv_down: AvgPool2d(R) on per-window spatial grid
    hd, wd = h // R, w // R
    kv_ds = kv.reshape(N * D, n_win * n_win, hd, R, wd, R, QK_DIM + DIM).mean(axis=(3, 5))
    kv_pix = kv_ds.reshape(N * D, n_win * n_win, hd * wd, QK_DIM + DIM)
    # window-level descriptors
    q_win = q.mean(axis=(2, 3))
    k_win = kv[..., :QK_DIM].mean(axis=(2, 3))
    # TopkRouting (diff_routing=False -> detach)
    qd = jax.lax.stop_gradient(q_win)
    kd = jax.lax.stop_gradient(k_win)
    attn_logit = (qd * SCALE) @ jnp.swapaxes(kd, -1, -2)
    topk_logit, r_idx = jax.lax.top_k(attn_logit, topk)
    r_weight = jax.nn.softmax(topk_logit, axis=-1)  # mul_weight='none' -> not applied
    # KVGather: per batch row, per query window, gather top-k kv windows
    kv_sel = jax.vmap(lambda kvp, idx: kvp[idx])(kv_pix, r_idx)  # (n, p2, topk, w2d, c_kv)
    k_sel = kv_sel[..., :QK_DIM]
    v_sel = kv_sel[..., QK_DIM:]
    cph = QK_DIM // m
    dph = DIM // m
    n_ = N * D
    p2 = n_win * n_win
    w2d = hd * wd
    # 'n p2 k w2 (m c) -> (n p2) m c (k w2)'
    k_sel = k_sel.reshape(n_, p2, topk, w2d, m, cph).transpose(0, 1, 4, 5, 2, 3).reshape(n_ * p2, m, cph, topk * w2d)
    # 'n p2 k w2 (m c) -> (n p2) m (k w2) c'
    v_sel = v_sel.reshape(n_, p2, topk, w2d, m, dph).transpose(0, 1, 4, 2, 3, 5).reshape(n_ * p2, m, topk * w2d, dph)
    # 'n p2 w2 (m c) -> (n p2) m w2 c'
    q_pix = q_pix.reshape(n_, p2, h * w, m, cph).transpose(0, 1, 3, 2, 4).reshape(n_ * p2, m, h * w, cph)
    attn = (q_pix * SCALE) @ k_sel
    attn = jax.nn.softmax(attn, axis=-1)
    out = attn @ v_sel  # (n*p2, m, h*w, dph)
    # '(n j i) m (h w) c -> n (j h) (i w) (m c)'
    out = out.reshape(n_, n_win, n_win, m, h, w, dph).transpose(0, 1, 4, 2, 5, 3, 6).reshape(n_, H, W, DIM)
    out = out @ w_o + b_o
    return out.reshape(N, D, H, W, C)


def reference(x, w_qkv, b_qkv, w_o, b_o):
    return _forward(x, w_qkv, b_qkv, w_o, b_o)

if __name__ == "__main__":
    import jax
    _d = setup_inputs()
    print(jax.jit(kernel)(*tuple(_d.values())))

</pallas_src>

<mosaic_0001>
module attributes {stable_mosaic.version = 14 : i64} {
  func.func @_k1_body(%arg0: i32, %arg1: i32, %arg2: memref<1x16x96x224xf32, #tpu.memory_space<vmem>>, %arg3: memref<96x96xf32, #tpu.memory_space<vmem>>, %arg4: memref<96x96xf32, #tpu.memory_space<vmem>>, %arg5: memref<96x96xf32, #tpu.memory_space<vmem>>, %arg6: memref<1x96xf32, #tpu.memory_space<vmem>>, %arg7: memref<1x96xf32, #tpu.memory_space<vmem>>, %arg8: memref<1x96xf32, #tpu.memory_space<vmem>>, %arg9: memref<1x14x256x96xf32, #tpu.memory_space<vmem>>, %arg10: memref<1x14x16x96xf32, #tpu.memory_space<vmem>>, %arg11: memref<1x14x16x96xf32, #tpu.memory_space<vmem>>, %arg12: memref<1x14x1x96xf32, #tpu.memory_space<vmem>>, %arg13: memref<1x14x1x96xf32, #tpu.memory_space<vmem>>) attributes {dimension_semantics = [#tpu.dimension_semantics<arbitrary>, #tpu.dimension_semantics<arbitrary>], iteration_bounds = array<i64: 4, 14>, scalar_prefetch = 0 : i64, scratch_operands = 0 : i64, tpu.core_type = #tpu.core_type<tc>, window_params = [{transform_indices = @transform_0, window_bounds = array<i64: 1, 16, 96, 224>}, {pipeline_mode = #tpu.pipeline_mode<synchronous>, transform_indices = @transform_1, window_bounds = array<i64: 96, 96>}, {pipeline_mode = #tpu.pipeline_mode<synchronous>, transform_indices = @transform_2, window_bounds = array<i64: 96, 96>}, {pipeline_mode = #tpu.pipeline_mode<synchronous>, transform_indices = @transform_3, window_bounds = array<i64: 96, 96>}, {pipeline_mode = #tpu.pipeline_mode<synchronous>, transform_indices = @transform_4, window_bounds = array<i64: 1, 96>}, {pipeline_mode = #tpu.pipeline_mode<synchronous>, transform_indices = @transform_5, window_bounds = array<i64: 1, 96>}, {pipeline_mode = #tpu.pipeline_mode<synchronous>, transform_indices = @transform_6, window_bounds = array<i64: 1, 96>}, {transform_indices = @transform_7, window_bounds = array<i64: 1, 14, 256, 96>}, {transform_indices = @transform_8, window_bounds = array<i64: 1, 14, 16, 96>}, {transform_indices = @transform_9, window_bounds = array<i64: 1, 14, 16, 96>}, {transform_indices = @transform_10, window_bounds = array<i64: 1, 14, 1, 96>}, {transform_indices = @transform_11, window_bounds = array<i64: 1, 14, 1, 96>}]} {
    %get3A = arith.constant 0 : index
    %get3A_0 = arith.constant 0 : index
    %get3A_1 = arith.constant 0 : index
    %get3A_2 = arith.constant 0 : index
    %get3A_3 = vector.load %arg2[%get3A, %get3A_0, %get3A_1, %get3A_2] : memref<1x16x96x224xf32, #tpu.memory_space<vmem>>, vector<1x16x96x224xf32>
    %slice3A = vector.extract_strided_slice %get3A_3 {offsets = [0, 0, 0, 0], sizes = [1, 1, 96, 224], strides = [1, 1, 1, 1]} : vector<1x16x96x224xf32> to vector<1x1x96x224xf32>
    %squeeze3A = vector.shape_cast %slice3A : vector<1x1x96x224xf32> to vector<96x224xf32>
    %get3A_4 = arith.constant 0 : index
    %get3A_5 = arith.constant 0 : index
    %get3A_6 = vector.load %arg3[%get3A_4, %get3A_5] : memref<96x96xf32, #tpu.memory_space<vmem>>, vector<96x96xf32>
    %dot_general3A = arith.constant dense<0.000000e+00> : vector<224x96xf32>
    %dot_general3A_7 = tpu.matmul %squeeze3A, %get3A_6, %dot_general3A {dimension_numbers = #tpu.dot_dimension_numbers<[0], [0], [1], [1], [0, 1, 1, 1], [], []>, transpose_lhs_hint = false} : vector<96x224xf32>, vector<96x96xf32>, vector<224x96xf32> -> vector<224x96xf32>
    %get3A_8 = arith.constant 0 : index
    %get3A_9 = arith.constant 0 : index
    %get3A_10 = vector.load %arg6[%get3A_8, %get3A_9] : memref<1x96xf32, #tpu.memory_space<vmem>>, vector<1x96xf32>
    %add3A = vector.broadcast %get3A_10 : vector<1x96xf32> to vector<224x96xf32>
    %add3A_11 = arith.addf %dot_general3A_7, %add3A : vector<224x96xf32>
    %get3A_12 = arith.constant 0 : index
    %get3A_13 = arith.constant 0 : index
    %get3A_14 = vector.load %arg4[%get3A_12, %get3A_13] : memref<96x96xf32, #tpu.memory_space<vmem>>, vector<96x96xf32>
    %dot_general3A_15 = arith.constant dense<0.000000e+00> : vector<224x96xf32>
    %dot_general3A_16 = tpu.matmul %squeeze3A, %get3A_14, %dot_general3A_15 {dimension_numbers = #tpu.dot_dimension_numbers<[0], [0], [1], [1], [0, 1, 1, 1], [], []>, transpose_lhs_hint = false} : vector<96x224xf32>, vector<96x96xf32>, vector<224x96xf32> -> vector<224x96xf32>
    %get3A_17 = arith.constant 0 : index
    %get3A_18 = arith.constant 0 : index
    %get3A_19 = vector.load %arg7[%get3A_17, %get3A_18] : memref<1x96xf32, #tpu.memory_space<vmem>>, vector<1x96xf32>
    %add3A_20 = vector.broadcast %get3A_19 : vector<1x96xf32> to vector<224x96xf32>
    %add3A_21 = arith.addf %dot_general3A_16, %add3A_20 : vector<224x96xf32>
    %get3A_22 = arith.constant 0 : index
    %get3A_23 = arith.constant 0 : index
    %get3A_24 = vector.load %arg5[%get3A_22, %get3A_23] : memref<96x96xf32, #tpu.memory_space<vmem>>, vector<96x96xf32>
    %dot_general3A_25 = arith.constant dense<0.000000e+00> : vector<224x96xf32>
    %dot_general3A_26 = tpu.matmul %squeeze3A, %get3A_24, %dot_general3A_25 {dimension_numbers = #tpu.dot_dimension_numbers<[0], [0], [1], [1], [0, 1, 1, 1], [], []>, transpose_lhs_hint = false} : vector<96x224xf32>, vector<96x96xf32>, vector<224x96xf32> -> vector<224x96xf32>
    %get3A_27 = arith.constant 0 : index
    %get3A_28 = arith.constant 0 : index
    %get3A_29 = vector.load %arg8[%get3A_27, %get3A_28] : memref<1x96xf32, #tpu.memory_space<vmem>>, vector<1x96xf32>
    %add3A_30 = vector.broadcast %get3A_29 : vector<1x96xf32> to vector<224x96xf32>
    %add3A_31 = arith.addf %dot_general3A_26, %add3A_30 : vector<224x96xf32>
    %slice3A_32 = vector.extract_strided_slice %get3A_3 {offsets = [0, 1, 0, 0], sizes = [1, 1, 96, 224], strides = [1, 1, 1, 1]} : vector<1x16x96x224xf32> to vector<1x1x96x224xf32>
    %squeeze3A_33 = vector.shape_cast %slice3A_32 : vector<1x1x96x224xf32> to vector<96x224xf32>
    %get3A_34 = arith.constant 0 : index
    %get3A_35 = arith.constant 0 : index
    %get3A_36 = vector.load %arg3[%get3A_34, %get3A_35] : memref<96x96xf32, #tpu.memory_space<vmem>>, vector<96x96xf32>
    %dot_general3A_37 = arith.constant dense<0.000000e+00> : vector<224x96xf32>
    %dot_general3A_38 = tpu.matmul %squeeze3A_33, %get3A_36, %dot_general3A_37 {dimension_numbers = #tpu.dot_dimension_numbers<[0], [0], [1], [1], [0, 1, 1, 1], [], []>, transpose_lhs_hint = false} : vector<96x224xf32>, vector<96x96xf32>, vector<224x96xf32> -> vector<224x96xf32>
    %get3A_39 = arith.constant 0 : index
    %get3A_40 = arith.constant 0 : index
    %get3A_41 = vector.load %arg6[%get3A_39, %get3A_40] : memref<1x96xf32, #tpu.memory_space<vmem>>, vector<1x96xf32>
    %add3A_42 = vector.broadcast %get3A_41 : vector<1x96xf32> to vector<224x96xf32>
    %add3A_43 = arith.addf %dot_general3A_38, %add3A_42 : vector<224x96xf32>
    %get3A_44 = arith.constant 0 : index
    %get3A_45 = arith.constant 0 : index
    %get3A_46 = vector.load %arg4[%get3A_44, %get3A_45] : memref<96x96xf32, #tpu.memory_space<vmem>>, vector<96x96xf32>
    %dot_general3A_47 = arith.constant dense<0.000000e+00> : vector<224x96xf32>
    %dot_general3A_48 = tpu.matmul %squeeze3A_33, %get3A_46, %dot_general3A_47 {dimension_numbers = #tpu.dot_dimension_numbers<[0], [0], [1], [1], [0, 1, 1, 1], [], []>, transpose_lhs_hint = false} : vector<96x224xf32>, vector<96x96xf32>, vector<224x96xf32> -> vector<224x96xf32>
    %get3A_49 = arith.constant 0 : index
    %get3A_50 = arith.constant 0 : index
    %get3A_51 = vector.load %arg7[%get3A_49, %get3A_50] : memref<1x96xf32, #tpu.memory_space<vmem>>, vector<1x96xf32>
    %add3A_52 = vector.broadcast %get3A_51 : vector<1x96xf32> to vector<224x96xf32>
    %add3A_53 = arith.addf %dot_general3A_48, %add3A_52 : vector<224x96xf32>
    %get3A_54 = arith.constant 0 : index
    %get3A_55 = arith.constant 0 : index
    %get3A_56 = vector.load %arg5[%get3A_54, %get3A_55] : memref<96x96xf32, #tpu.memory_space<vmem>>, vector<96x96xf32>
    %dot_general3A_57 = arith.constant dense<0.000000e+00> : vector<224x96xf32>
    %dot_general3A_58 = tpu.matmul %squeeze3A_33, %get3A_56, %dot_general3A_57 {dimension_numbers = #tpu.dot_dimension_numbers<[0], [0], [1], [1], [0, 1, 1, 1], [], []>, transpose_lhs_hint = false} : vector<96x224xf32>, vector<96x96xf32>, vector<224x96xf32> -> vector<224x96xf32>
    %get3A_59 = arith.constant 0 : index
    %get3A_60 = arith.constant 0 : index
    %get3A_61 = vector.load %arg8[%get3A_59, %get3A_60] : memref<1x96xf32, #tpu.memory_space<vmem>>, vector<1x96xf32>
    %add3A_62 = vector.broadcast %get3A_61 : vector<1x96xf32> to vector<224x96xf32>
    %add3A_63 = arith.addf %dot_general3A_58, %add3A_62 : vector<224x96xf32>
    %slice3A_64 = vector.extract_strided_slice %get3A_3 {offsets = [0, 2, 0, 0], sizes = [1, 1, 96, 224], strides = [1, 1, 1, 1]} : vector<1x16x96x224xf32> to vector<1x1x96x224xf32>
    %squeeze3A_65 = vector.shape_cast %slice3A_64 : vector<1x1x96x224xf32> to vector<96x224xf32>
    %get3A_66 = arith.constant 0 : index
    %get3A_67 = arith.constant 0 : index
    %get3A_68 = vector.load %arg3[%get3A_66, %get3A_67] : memref<96x96xf32, #tpu.memory_space<vmem>>, vector<96x96xf32>
    %dot_general3A_69 = arith.constant dense<0.000000e+00> : vector<224x96xf32>
    %dot_general3A_70 = tpu.matmul %squeeze3A_65, %get3A_68, %dot_general3A_69 {dimension_numbers = #tpu.dot_dimension_numbers<[0], [0], [1], [1], [0, 1, 1, 1], [], []>, transpose_lhs_hint = false} : vector<96x224xf32>, vector<96x96xf32>, vector<224x96xf32> -> vector<224x96xf32>
    %get3A_71 = arith.constant 0 : index
    %get3A_72 = arith.constant 0 : index
    %get3A_73 = vector.load %arg6[%get3A_71, %get3A_72] : memref<1x96xf32, #tpu.memory_space<vmem>>, vector<1x96xf32>
    %add3A_74 = vector.broadcast %get3A_73 : vector<1x96xf32> to vector<224x96xf32>
    %add3A_75 = arith.addf %dot_general3A_70, %add3A_74 : vector<224x96xf32>
    %get3A_76 = arith.constant 0 : index
    %get3A_77 = arith.constant 0 : index
    %get3A_78 = vector.load %arg4[%get3A_76, %get3A_77] : memref<96x96xf32, #tpu.memory_space<vmem>>, vector<96x96xf32>
    %dot_general3A_79 = arith.constant dense<0.000000e+00> : vector<224x96xf32>
    %dot_general3A_80 = tpu.matmul %squeeze3A_65, %get3A_78, %dot_general3A_79 {dimension_numbers = #tpu.dot_dimension_numbers<[0], [0], [1], [1], [0, 1, 1, 1], [], []>, transpose_lhs_hint = false} : vector<96x224xf32>, vector<96x96xf32>, vector<224x96xf32> -> vector<224x96xf32>
    %get3A_81 = arith.constant 0 : index
    %get3A_82 = arith.constant 0 : index
    %get3A_83 = vector.load %arg7[%get3A_81, %get3A_82] : memref<1x96xf32, #tpu.memory_space<vmem>>, vector<1x96xf32>
    %add3A_84 = vector.broadcast %get3A_83 : vector<1x96xf32> to vector<224x96xf32>
    %add3A_85 = arith.addf %dot_general3A_80, %add3A_84 : vector<224x96xf32>
    %get3A_86 = arith.constant 0 : index
    %get3A_87 = arith.constant 0 : index
    %get3A_88 = vector.load %arg5[%get3A_86, %get3A_87] : memref<96x96xf32, #tpu.memory_space<vmem>>, vector<96x96xf32>
    %dot_general3A_89 = arith.constant dense<0.000000e+00> : vector<224x96xf32>
    %dot_general3A_90 = tpu.matmul %squeeze3A_65, %get3A_88, %dot_general3A_89 {dimension_numbers = #tpu.dot_dimension_numbers<[0], [0], [1], [1], [0, 1, 1, 1], [], []>, transpose_lhs_hint = false} : vector<96x224xf32>, vector<96x96xf32>, vector<224x96xf32> -> vector<224x96xf32>
    %get3A_91 = arith.constant 0 : index
    %get3A_92 = arith.constant 0 : index
    %get3A_93 = vector.load %arg8[%get3A_91, %get3A_92] : memref<1x96xf32, #tpu.memory_space<vmem>>, vector<1x96xf32>
    %add3A_94 = vector.broadcast %get3A_93 : vector<1x96xf32> to vector<224x96xf32>
    %add3A_95 = arith.addf %dot_general3A_90, %add3A_94 : vector<224x96xf32>
    %slice3A_96 = vector.extract_strided_slice %get3A_3 {offsets = [0, 3, 0, 0], sizes = [1, 1, 96, 224], strides = [1, 1, 1, 1]} : vector<1x16x96x224xf32> to vector<1x1x96x224xf32>
    %squeeze3A_97 = vector.shape_cast %slice3A_96 : vector<1x1x96x224xf32> to vector<96x224xf32>
    %get3A_98 = arith.constant 0 : index
    %get3A_99 = arith.constant 0 : index
    %get3A_100 = vector.load %arg3[%get3A_98, %get3A_99] : memref<96x96xf32, #tpu.memory_space<vmem>>, vector<96x96xf32>
    %dot_general3A_101 = arith.constant dense<0.000000e+00> : vector<224x96xf32>
    %dot_general3A_102 = tpu.matmul %squeeze3A_97, %get3A_100, %dot_general3A_101 {dimension_numbers = #tpu.dot_dimension_numbers<[0], [0], [1], [1], [0, 1, 1, 1], [], []>, transpose_lhs_hint = false} : vector<96x224xf32>, vector<96x96xf32>, vector<224x96xf32> -> vector<224x96xf32>
    %get3A_103 = arith.constant 0 : index
    %get3A_104 = arith.constant 0 : index
    %get3A_105 = vector.load %arg6[%get3A_103, %get3A_104] : memref<1x96xf32, #tpu.memory_space<vmem>>, vector<1x96xf32>
    %add3A_106 = vector.broadcast %get3A_105 : vector<1x96xf32> to vector<224x96xf32>
    %add3A_107 = arith.addf %dot_general3A_102, %add3A_106 : vector<224x96xf32>
    %get3A_108 = arith.constant 0 : index
    %get3A_109 = arith.constant 0 : index
    %get3A_110 = vector.load %arg4[%get3A_108, %get3A_109] : memref<96x96xf32, #tpu.memory_space<vmem>>, vector<96x96xf32>
    %dot_general3A_111 = arith.constant dense<0.000000e+00> : vector<224x96xf32>
    %dot_general3A_112 = tpu.matmul %squeeze3A_97, %get3A_110, %dot_general3A_111 {dimension_numbers = #tpu.dot_dimension_numbers<[0], [0], [1], [1], [0, 1, 1, 1], [], []>, transpose_lhs_hint = false} : vector<96x224xf32>, vector<96x96xf32>, vector<224x96xf32> -> vector<224x96xf32>
    %get3A_113 = arith.constant 0 : index
    %get3A_114 = arith.constant 0 : index
    %get3A_115 = vector.load %arg7[%get3A_113, %get3A_114] : memref<1x96xf32, #tpu.memory_space<vmem>>, vector<1x96xf32>
    %add3A_116 = vector.broadcast %get3A_115 : vector<1x96xf32> to vector<224x96xf32>
    %add3A_117 = arith.addf %dot_general3A_112, %add3A_116 : vector<224x96xf32>
    %get3A_118 = arith.constant 0 : index
    %get3A_119 = arith.constant 0 : index
    %get3A_120 = vector.load %arg5[%get3A_118, %get3A_119] : memref<96x96xf32, #tpu.memory_space<vmem>>, vector<96x96xf32>
    %dot_general3A_121 = arith.constant dense<0.000000e+00> : vector<224x96xf32>
    %dot_general3A_122 = tpu.matmul %squeeze3A_97, %get3A_120, %dot_general3A_121 {dimension_numbers = #tpu.dot_dimension_numbers<[0], [0], [1], [1], [0, 1, 1, 1], [], []>, transpose_lhs_hint = false} : vector<96x224xf32>, vector<96x96xf32>, vector<224x96xf32> -> vector<224x96xf32>
    %get3A_123 = arith.constant 0 : index
    %get3A_124 = arith.constant 0 : index
    %get3A_125 = vector.load %arg8[%get3A_123, %get3A_124] : memref<1x96xf32, #tpu.memory_space<vmem>>, vector<1x96xf32>
    %add3A_126 = vector.broadcast %get3A_125 : vector<1x96xf32> to vector<224x96xf32>
    %add3A_127 = arith.addf %dot_general3A_122, %add3A_126 : vector<224x96xf32>
    %slice3A_128 = vector.extract_strided_slice %get3A_3 {offsets = [0, 4, 0, 0], sizes = [1, 1, 96, 224], strides = [1, 1, 1, 1]} : vector<1x16x96x224xf32> to vector<1x1x96x224xf32>
    %squeeze3A_129 = vector.shape_cast %slice3A_128 : vector<1x1x96x224xf32> to vector<96x224xf32>
    %get3A_130 = arith.constant 0 : index
    %get3A_131 = arith.constant 0 : index
    %get3A_132 = vector.load %arg3[%get3A_130, %get3A_131] : memref<96x96xf32, #tpu.memory_space<vmem>>, vector<96x96xf32>
    %dot_general3A_133 = arith.constant dense<0.000000e+00> : vector<224x96xf32>
    %dot_general3A_134 = tpu.matmul %squeeze3A_129, %get3A_132, %dot_general3A_133 {dimension_numbers = #tpu.dot_dimension_numbers<[0], [0], [1], [1], [0, 1, 1, 1], [], []>, transpose_lhs_hint = false} : vector<96x224xf32>, vector<96x96xf32>, vector<224x96xf32> -> vector<224x96xf32>
    %get3A_135 = arith.constant 0 : index
    %get3A_136 = arith.constant 0 : index
    %get3A_137 = vector.load %arg6[%get3A_135, %get3A_136] : memref<1x96xf32, #tpu.memory_space<vmem>>, vector<1x96xf32>
    %add3A_138 = vector.broadcast %get3A_137 : vector<1x96xf32> to vector<224x96xf32>
    %add3A_139 = arith.addf %dot_general3A_134, %add3A_138 : vector<224x96xf32>
    %get3A_140 = arith.constant 0 : index
    %get3A_141 = arith.constant 0 : index
    %get3A_142 = vector.load %arg4[%get3A_140, %get3A_141] : memref<96x96xf32, #tpu.memory_space<vmem>>, vector<96x96xf32>
    %dot_general3A_143 = arith.constant dense<0.000000e+00> : vector<224x96xf32>
    %dot_general3A_144 = tpu.matmul %squeeze3A_129, %get3A_142, %dot_general3A_143 {dimension_numbers = #tpu.dot_dimension_numbers<[0], [0], [1], [1], [0, 1, 1, 1], [], []>, transpose_lhs_hint = false} : vector<96x224xf32>, vector<96x96xf32>, vector<224x96xf32> -> vector<224x96xf32>
    %get3A_145 = arith.constant 0 : index
    %get3A_146 = arith.constant 0 : index
    %get3A_147 = vector.load %arg7[%get3A_145, %get3A_146] : memref<1x96xf32, #tpu.memory_space<vmem>>, vector<1x96xf32>
    %add3A_148 = vector.broadcast %get3A_147 : vector<1x96xf32> to vector<224x96xf32>
    %add3A_149 = arith.addf %dot_general3A_144, %add3A_148 : vector<224x96xf32>
    %get3A_150 = arith.constant 0 : index
    %get3A_151 = arith.constant 0 : index
    %get3A_152 = vector.load %arg5[%get3A_150, %get3A_151] : memref<96x96xf32, #tpu.memory_space<vmem>>, vector<96x96xf32>
    %dot_general3A_153 = arith.constant dense<0.000000e+00> : vector<224x96xf32>
    %dot_general3A_154 = tpu.matmul %squeeze3A_129, %get3A_152, %dot_general3A_153 {dimension_numbers = #tpu.dot_dimension_numbers<[0], [0], [1], [1], [0, 1, 1, 1], [], []>, transpose_lhs_hint = false} : vector<96x224xf32>, vector<96x96xf32>, vector<224x96xf32> -> vector<224x96xf32>
    %get3A_155 = arith.constant 0 : index
    %get3A_156 = arith.constant 0 : index
    %get3A_157 = vector.load %arg8[%get3A_155, %get3A_156] : memref<1x96xf32, #tpu.memory_space<vmem>>, vector<1x96xf32>
    %add3A_158 = vector.broadcast %get3A_157 : vector<1x96xf32> to vector<224x96xf32>
    %add3A_159 = arith.addf %dot_general3A_154, %add3A_158 : vector<224x96xf32>
    %slice3A_160 = vector.extract_strided_slice %get3A_3 {offsets = [0, 5, 0, 0], sizes = [1, 1, 96, 224], strides = [1, 1, 1, 1]} : vector<1x16x96x224xf32> to vector<1x1x96x224xf32>
    %squeeze3A_161 = vector.shape_cast %slice3A_160 : vector<1x1x96x224xf32> to vector<96x224xf32>
    %get3A_162 = arith.constant 0 : index
    %get3A_163 = arith.constant 0 : index
    %get3A_164 = vector.load %arg3[%get3A_162, %get3A_163] : memref<96x96xf32, #tpu.memory_space<vmem>>, vector<96x96xf32>
    %dot_general3A_165 = arith.constant dense<0.000000e+00> : vector<224x96xf32>
    %dot_general3A_166 = tpu.matmul %squeeze3A_161, %get3A_164, %dot_general3A_165 {dimension_numbers = #tpu.dot_dimension_numbers<[0], [0], [1], [1], [0, 1, 1, 1], [], []>, transpose_lhs_hint = false} : vector<96x224xf32>, vector<96x96xf32>, vector<224x96xf32> -> vector<224x96xf32>
    %get3A_167 = arith.constant 0 : index
    %get3A_168 = arith.constant 0 : index
    %get3A_169 = vector.load %arg6[%get3A_167, %get3A_168] : memref<1x96xf32, #tpu.memory_space<vmem>>, vector<1x96xf32>
    %add3A_170 = vector.broadcast %get3A_169 : vector<1x96xf32> to vector<224x96xf32>
    %add3A_171 = arith.addf %dot_general3A_166, %add3A_170 : vector<224x96xf32>
    %get3A_172 = arith.constant 0 : index
    %get3A_173 = arith.constant 0 : index
    %get3A_174 = vector.load %arg4[%get3A_172, %get3A_173] : memref<96x96xf32, #tpu.memory_space<vmem>>, vector<96x96xf32>
    %dot_general3A_175 = arith.constant dense<0.000000e+00> : vector<224x96xf32>
    %dot_general3A_176 = tpu.matmul %squeeze3A_161, %get3A_174, %dot_general3A_175 {dimension_numbers = #tpu.dot_dimension_numbers<[0], [0], [1], [1], [0, 1, 1, 1], [], []>, transpose_lhs_hint = false} : vector<96x224xf32>, vector<96x96xf32>, vector<224x96xf32> -> vector<224x96xf32>
    %get3A_177 = arith.constant 0 : index
    %get3A_178 = arith.constant 0 : index
    %get3A_179 = vector.load %arg7[%get3A_177, %get3A_178] : memref<1x96xf32, #tpu.memory_space<vmem>>, vector<1x96xf32>
    %add3A_180 = vector.broadcast %get3A_179 : vector<1x96xf32> to vector<224x96xf32>
    %add3A_181 = arith.addf %dot_general3A_176, %add3A_180 : vector<224x96xf32>
    %get3A_182 = arith.constant 0 : index
    %get3A_183 = arith.constant 0 : index
    %get3A_184 = vector.load %arg5[%get3A_182, %get3A_183] : memref<96x96xf32, #tpu.memory_space<vmem>>, vector<96x96xf32>
    %dot_general3A_185 = arith.constant dense<0.000000e+00> : vector<224x96xf32>
    %dot_general3A_186 = tpu.matmul %squeeze3A_161, %get3A_184, %dot_general3A_185 {dimension_numbers = #tpu.dot_dimension_numbers<[0], [0], [1], [1], [0, 1, 1, 1], [], []>, transpose_lhs_hint = false} : vector<96x224xf32>, vector<96x96xf32>, vector<224x96xf32> -> vector<224x96xf32>
    %get3A_187 = arith.constant 0 : index
    %get3A_188 = arith.constant 0 : index
    %get3A_189 = vector.load %arg8[%get3A_187, %get3A_188] : memref<1x96xf32, #tpu.memory_space<vmem>>, vector<1x96xf32>
    %add3A_190 = vector.broadcast %get3A_189 : vector<1x96xf32> to vector<224x96xf32>
    %add3A_191 = arith.addf %dot_general3A_186, %add3A_190 : vector<224x96xf32>
    %slice3A_192 = vector.extract_strided_slice %get3A_3 {offsets = [0, 6, 0, 0], sizes = [1, 1, 96, 224], strides = [1, 1, 1, 1]} : vector<1x16x96x224xf32> to vector<1x1x96x224xf32>
    %squeeze3A_193 = vector.shape_cast %slice3A_192 : vector<1x1x96x224xf32> to vector<96x224xf32>
    %get3A_194 = arith.constant 0 : index
    %get3A_195 = arith.constant 0 : index
    %get3A_196 = vector.load %arg3[%get3A_194, %get3A_195] : memref<96x96xf32, #tpu.memory_space<vmem>>, vector<96x96xf32>
    %dot_general3A_197 = arith.constant dense<0.000000e+00> : vector<224x96xf32>
    %dot_general3A_198 = tpu.matmul %squeeze3A_193, %get3A_196, %dot_general3A_197 {dimension_numbers = #tpu.dot_dimension_numbers<[0], [0], [1], [1], [0, 1, 1, 1], [], []>, transpose_lhs_hint = false} : vector<96x224xf32>, vector<96x96xf32>, vector<224x96xf32> -> vector<224x96xf32>
    %get3A_199 = arith.constant 0 : index
    %get3A_200 = arith.constant 0 : index
    %get3A_201 = vector.load %arg6[%get3A_199, %get3A_200] : memref<1x96xf32, #tpu.memory_space<vmem>>, vector<1x96xf32>
    %add3A_202 = vector.broadcast %get3A_201 : vector<1x96xf32> to vector<224x96xf32>
    %add3A_203 = arith.addf %dot_general3A_198, %add3A_202 : vector<224x96xf32>
    %get3A_204 = arith.constant 0 : index
    %get3A_205 = arith.constant 0 : index
    %get3A_206 = vector.load %arg4[%get3A_204, %get3A_205] : memref<96x96xf32, #tpu.memory_space<vmem>>, vector<96x96xf32>
    %dot_general3A_207 = arith.constant dense<0.000000e+00> : vector<224x96xf32>
    %dot_general3A_208 = tpu.matmul %squeeze3A_193, %get3A_206, %dot_general3A_207 {dimension_numbers = #tpu.dot_dimension_numbers<[0], [0], [1], [1], [0, 1, 1, 1], [], []>, transpose_lhs_hint = false} : vector<96x224xf32>, vector<96x96xf32>, vector<224x96xf32> -> vector<224x96xf32>
    %get3A_209 = arith.constant 0 : index
    %get3A_210 = arith.constant 0 : index
    %get3A_211 = vector.load %arg7[%get3A_209, %get3A_210] : memref<1x96xf32, #tpu.memory_space<vmem>>, vector<1x96xf32>
    %add3A_212 = vector.broadcast %get3A_211 : vector<1x96xf32> to vector<224x96xf32>
    %add3A_213 = arith.addf %dot_general3A_208, %add3A_212 : vector<224x96xf32>
    %get3A_214 = arith.constant 0 : index
    %get3A_215 = arith.constant 0 : index
    %get3A_216 = vector.load %arg5[%get3A_214, %get3A_215] : memref<96x96xf32, #tpu.memory_space<vmem>>, vector<96x96xf32>
    %dot_general3A_217 = arith.constant dense<0.000000e+00> : vector<224x96xf32>
    %dot_general3A_218 = tpu.matmul %squeeze3A_193, %get3A_216, %dot_general3A_217 {dimension_numbers = #tpu.dot_dimension_numbers<[0], [0], [1], [1], [0, 1, 1, 1], [], []>, transpose_lhs_hint = false} : vector<96x224xf32>, vector<96x96xf32>, vector<224x96xf32> -> vector<224x96xf32>
    %get3A_219 = arith.constant 0 : index
    %get3A_220 = arith.constant 0 : index
    %get3A_221 = vector.load %arg8[%get3A_219, %get3A_220] : memref<1x96xf32, #tpu.memory_space<vmem>>, vector<1x96xf32>
    %add3A_222 = vector.broadcast %get3A_221 : vector<1x96xf32> to vector<224x96xf32>
    %add3A_223 = arith.addf %dot_general3A_218, %add3A_222 : vector<224x96xf32>
    %slice3A_224 = vector.extract_strided_slice %get3A_3 {offsets = [0, 7, 0, 0], sizes = [1, 1, 96, 224], strides = [1, 1, 1, 1]} : vector<1x16x96x224xf32> to vector<1x1x96x224xf32>
    %squeeze3A_225 = vector.shape_cast %slice3A_224 : vector<1x1x96x224xf32> to vector<96x224xf32>
    %get3A_226 = arith.constant 0 : index
    %get3A_227 = arith.constant 0 : index
    %get3A_228 = vector.load %arg3[%get3A_226, %get3A_227] : memref<96x96xf32, #tpu.memory_space<vmem>>, vector<96x96xf32>
    %dot_general3A_229 = arith.constant dense<0.000000e+00> : vector<224x96xf32>
    %dot_general3A_230 = tpu.matmul %squeeze3A_225, %get3A_228, %dot_general3A_229 {dimension_numbers = #tpu.dot_dimension_numbers<[0], [0], [1], [1], [0, 1, 1, 1], [], []>, transpose_lhs_hint = false} : vector<96x224xf32>, vector<96x96xf32>, vector<224x96xf32> -> vector<224x96xf32>
    %get3A_231 = arith.constant 0 : index
    %get3A_232 = arith.constant 0 : index
    %get3A_233 = vector.load %arg6[%get3A_231, %get3A_232] : memref<1x96xf32, #tpu.memory_space<vmem>>, vector<1x96xf32>
    %add3A_234 = vector.broadcast %get3A_233 : vector<1x96xf32> to vector<224x96xf32>
    %add3A_235 = arith.addf %dot_general3A_230, %add3A_234 : vector<224x96xf32>
    %get3A_236 = arith.constant 0 : index
    %get3A_237 = arith.constant 0 : index
    %get3A_238 = vector.load %arg4[%get3A_236, %get3A_237] : memref<96x96xf32, #tpu.memory_space<vmem>>, vector<96x96xf32>
    %dot_general3A_239 = arith.constant dense<0.000000e+00> : vector<224x96xf32>
    %dot_general3A_240 = tpu.matmul %squeeze3A_225, %get3A_238, %dot_general3A_239 {dimension_numbers = #tpu.dot_dimension_numbers<[0], [0], [1], [1], [0, 1, 1, 1], [], []>, transpose_lhs_hint = false} : vector<96x224xf32>, vector<96x96xf32>, vector<224x96xf32> -> vector<224x96xf32>
    %get3A_241 = arith.constant 0 : index
    %get3A_242 = arith.constant 0 : index
    %get3A_243 = vector.load %arg7[%get3A_241, %get3A_242] : memref<1x96xf32, #tpu.memory_space<vmem>>, vector<1x96xf32>
    %add3A_244 = vector.broadcast %get3A_243 : vector<1x96xf32> to vector<224x96xf32>
    %add3A_245 = arith.addf %dot_general3A_240, %add3A_244 : vector<224x96xf32>
    %get3A_246 = arith.constant 0 : index
    %get3A_247 = arith.constant 0 : index
    %get3A_248 = vector.load %arg5[%get3A_246, %get3A_247] : memref<96x96xf32, #tpu.memory_space<vmem>>, vector<96x96xf32>
    %dot_general3A_249 = arith.constant dense<0.000000e+00> : vector<224x96xf32>
    %dot_general3A_250 = tpu.matmul %squeeze3A_225, %get3A_248, %dot_general3A_249 {dimension_numbers = #tpu.dot_dimension_numbers<[0], [0], [1], [1], [0, 1, 1, 1], [], []>, transpose_lhs_hint = false} : vector<96x224xf32>, vector<96x96xf32>, vector<224x96xf32> -> vector<224x96xf32>
    %get3A_251 = arith.constant 0 : index
    %get3A_252 = arith.constant 0 : index
    %get3A_253 = vector.load %arg8[%get3A_251, %get3A_252] : memref<1x96xf32, #tpu.memory_space<vmem>>, vector<1x96xf32>
    %add3A_254 = vector.broadcast %get3A_253 : vector<1x96xf32> to vector<224x96xf32>
    %add3A_255 = arith.addf %dot_general3A_250, %add3A_254 : vector<224x96xf32>
    %slice3A_256 = vector.extract_strided_slice %get3A_3 {offsets = [0, 8, 0, 0], sizes = [1, 1, 96, 224], strides = [1, 1, 1, 1]} : vector<1x16x96x224xf32> to vector<1x1x96x224xf32>
    %squeeze3A_257 = vector.shape_cast %slice3A_256 : vector<1x1x96x224xf32> to vector<96x224xf32>
    %get3A_258 = arith.constant 0 : index
    %get3A_259 = arith.constant 0 : index
    %get3A_260 = vector.load %arg3[%get3A_258, %get3A_259] : memref<96x96xf32, #tpu.memory_space<vmem>>, vector<96x96xf32>
    %dot_general3A_261 = arith.constant dense<0.000000e+00> : vector<224x96xf32>
    %dot_general3A_262 = tpu.matmul %squeeze3A_257, %get3A_260, %dot_general3A_261 {dimension_numbers = #tpu.dot_dimension_numbers<[0], [0], [1], [1], [0, 1, 1, 1], [], []>, transpose_lhs_hint = false} : vector<96x224xf32>, vector<96x96xf32>, vector<224x96xf32> -> vector<224x96xf32>
    %get3A_263 = arith.constant 0 : index
    %get3A_264 = arith.constant 0 : index
    %get3A_265 = vector.load %arg6[%get3A_263, %get3A_264] : memref<1x96xf32, #tpu.memory_space<vmem>>, vector<1x96xf32>
    %add3A_266 = vector.broadcast %get3A_265 : vector<1x96xf32> to vector<224x96xf32>
    %add3A_267 = arith.addf %dot_general3A_262, %add3A_266 : vector<224x96xf32>
    %get3A_268 = arith.constant 0 : index
    %get3A_269 = arith.constant 0 : index
    %get3A_270 = vector.load %arg4[%get3A_268, %get3A_269] : memref<96x96xf32, #tpu.memory_space<vmem>>, vector<96x96xf32>
    %dot_general3A_271 = arith.constant dense<0.000000e+00> : vector<224x96xf32>
    %dot_general3A_272 = tpu.matmul %squeeze3A_257, %get3A_270, %dot_general3A_271 {dimension_numbers = #tpu.dot_dimension_numbers<[0], [0], [1], [1], [0, 1, 1, 1], [], []>, transpose_lhs_hint = false} : vector<96x224xf32>, vector<96x96xf32>, vector<224x96xf32> -> vector<224x96xf32>
    %get3A_273 = arith.constant 0 : index
    %get3A_274 = arith.constant 0 : index
    %get3A_275 = vector.load %arg7[%get3A_273, %get3A_274] : memref<1x96xf32, #tpu.memory_space<vmem>>, vector<1x96xf32>
    %add3A_276 = vector.broadcast %get3A_275 : vector<1x96xf32> to vector<224x96xf32>
    %add3A_277 = arith.addf %dot_general3A_272, %add3A_276 : vector<224x96xf32>
    %get3A_278 = arith.constant 0 : index
    %get3A_279 = arith.constant 0 : index
    %get3A_280 = vector.load %arg5[%get3A_278, %get3A_279] : memref<96x96xf32, #tpu.memory_space<vmem>>, vector<96x96xf32>
    %dot_general3A_281 = arith.constant dense<0.000000e+00> : vector<224x96xf32>
    %dot_general3A_282 = tpu.matmul %squeeze3A_257, %get3A_280, %dot_general3A_281 {dimension_numbers = #tpu.dot_dimension_numbers<[0], [0], [1], [1], [0, 1, 1, 1], [], []>, transpose_lhs_hint = false} : vector<96x224xf32>, vector<96x96xf32>, vector<224x96xf32> -> vector<224x96xf32>
    %get3A_283 = arith.constant 0 : index
    %get3A_284 = arith.constant 0 : index
    %get3A_285 = vector.load %arg8[%get3A_283, %get3A_284] : memref<1x96xf32, #tpu.memory_space<vmem>>, vector<1x96xf32>
    %add3A_286 = vector.broadcast %get3A_285 : vector<1x96xf32> to vector<224x96xf32>
    %add3A_287 = arith.addf %dot_general3A_282, %add3A_286 : vector<224x96xf32>
    %slice3A_288 = vector.extract_strided_slice %get3A_3 {offsets = [0, 9, 0, 0], sizes = [1, 1, 96, 224], strides = [1, 1, 1, 1]} : vector<1x16x96x224xf32> to vector<1x1x96x224xf32>
    %squeeze3A_289 = vector.shape_cast %slice3A_288 : vector<1x1x96x224xf32> to vector<96x224xf32>
    %get3A_290 = arith.constant 0 : index
    %get3A_291 = arith.constant 0 : index
    %get3A_292 = vector.load %arg3[%get3A_290, %get3A_291] : memref<96x96xf32, #tpu.memory_space<vmem>>, vector<96x96xf32>
    %dot_general3A_293 = arith.constant dense<0.000000e+00> : vector<224x96xf32>
    %dot_general3A_294 = tpu.matmul %squeeze3A_289, %get3A_292, %dot_general3A_293 {dimension_numbers = #tpu.dot_dimension_numbers<[0], [0], [1], [1], [0, 1, 1, 1], [], []>, transpose_lhs_hint = false} : vector<96x224xf32>, vector<96x96xf32>, vector<224x96xf32> -> vector<224x96xf32>
    %get3A_295 = arith.constant 0 : index
    %get3A_296 = arith.constant 0 : index
    %get3A_297 = vector.load %arg6[%get3A_295, %get3A_296] : memref<1x96xf32, #tpu.memory_space<vmem>>, vector<1x96xf32>
    %add3A_298 = vector.broadcast %get3A_297 : vector<1x96xf32> to vector<224x96xf32>
    %add3A_299 = arith.addf %dot_general3A_294, %add3A_298 : vector<224x96xf32>
    %get3A_300 = arith.constant 0 : index
    %get3A_301 = arith.constant 0 : index
    %get3A_302 = vector.load %arg4[%get3A_300, %get3A_301] : memref<96x96xf32, #tpu.memory_space<vmem>>, vector<96x96xf32>
    %dot_general3A_303 = arith.constant dense<0.000000e+00> : vector<224x96xf32>
    %dot_general3A_304 = tpu.matmul %squeeze3A_289, %get3A_302, %dot_general3A_303 {dimension_numbers = #tpu.dot_dimension_numbers<[0], [0], [1], [1], [0, 1, 1, 1], [], []>, transpose_lhs_hint = false} : vector<96x224xf32>, vector<96x96xf32>, vector<224x96xf32> -> vector<224x96xf32>
    %get3A_305 = arith.constant 0 : index
    %get3A_306 = arith.constant 0 : index
    %get3A_307 = vector.load %arg7[%get3A_305, %get3A_306] : memref<1x96xf32, #tpu.memory_space<vmem>>, vector<1x96xf32>
    %add3A_308 = vector.broadcast %get3A_307 : vector<1x96xf32> to vector<224x96xf32>
    %add3A_309 = arith.addf %dot_general3A_304, %add3A_308 : vector<224x96xf32>
    %get3A_310 = arith.constant 0 : index
    %get3A_311 = arith.constant 0 : index
    %get3A_312 = vector.load %arg5[%get3A_310, %get3A_311] : memref<96x96xf32, #tpu.memory_space<vmem>>, vector<96x96xf32>
    %dot_general3A_313 = arith.constant dense<0.000000e+00> : vector<224x96xf32>
    %dot_general3A_314 = tpu.matmul %squeeze3A_289, %get3A_312, %dot_general3A_313 {dimension_numbers = #tpu.dot_dimension_numbers<[0], [0], [1], [1], [0, 1, 1, 1], [], []>, transpose_lhs_hint = false} : vector<96x224xf32>, vector<96x96xf32>, vector<224x96xf32> -> vector<224x96xf32>
    %get3A_315 = arith.constant 0 : index
    %get3A_316 = arith.constant 0 : index
    %get3A_317 = vector.load %arg8[%get3A_315, %get3A_316] : memref<1x96xf32, #tpu.memory_space<vmem>>, vector<1x96xf32>
    %add3A_318 = vector.broadcast %get3A_317 : vector<1x96xf32> to vector<224x96xf32>
    %add3A_319 = arith.addf %dot_general3A_314, %add3A_318 : vector<224x96xf32>
    %slice3A_320 = vector.extract_strided_slice %get3A_3 {offsets = [0, 10, 0, 0], sizes = [1, 1, 96, 224], strides = [1, 1, 1, 1]} : vector<1x16x96x224xf32> to vector<1x1x96x224xf32>
    %squeeze3A_321 = vector.shape_cast %slice3A_320 : vector<1x1x96x224xf32> to vector<96x224xf32>
    %get3A_322 = arith.constant 0 : index
    %get3A_323 = arith.constant 0 : index
    %get3A_324 = vector.load %arg3[%get3A_322, %get3A_323] : memref<96x96xf32, #tpu.memory_space<vmem>>, vector<96x96xf32>
    %dot_general3A_325 = arith.constant dense<0.000000e+00> : vector<224x96xf32>
    %dot_general3A_326 = tpu.matmul %squeeze3A_321, %get3A_324, %dot_general3A_325 {dimension_numbers = #tpu.dot_dimension_numbers<[0], [0], [1], [1], [0, 1, 1, 1], [], []>, transpose_lhs_hint = false} : vector<96x224xf32>, vector<96x96xf32>, vector<224x96xf32> -> vector<224x96xf32>
    %get3A_327 = arith.constant 0 : index
    %get3A_328 = arith.constant 0 : index
    %get3A_329 = vector.load %arg6[%get3A_327, %get3A_328] : memref<1x96xf32, #tpu.memory_space<vmem>>, vector<1x96xf32>
    %add3A_330 = vector.broadcast %get3A_329 : vector<1x96xf32> to vector<224x96xf32>
    %add3A_331 = arith.addf %dot_general3A_326, %add3A_330 : vector<224x96xf32>
    %get3A_332 = arith.constant 0 : index
    %get3A_333 = arith.constant 0 : index
    %get3A_334 = vector.load %arg4[%get3A_332, %get3A_333] : memref<96x96xf32, #tpu.memory_space<vmem>>, vector<96x96xf32>
    %dot_general3A_335 = arith.constant dense<0.000000e+00> : vector<224x96xf32>
    %dot_general3A_336 = tpu.matmul %squeeze3A_321, %get3A_334, %dot_general3A_335 {dimension_numbers = #tpu.dot_dimension_numbers<[0], [0], [1], [1], [0, 1, 1, 1], [], []>, transpose_lhs_hint = false} : vector<96x224xf32>, vector<96x96xf32>, vector<224x96xf32> -> vector<224x96xf32>
    %get3A_337 = arith.constant 0 : index
    %get3A_338 = arith.constant 0 : index
    %get3A_339 = vector.load %arg7[%get3A_337, %get3A_338] : memref<1x96xf32, #tpu.memory_space<vmem>>, vector<1x96xf32>
    %add3A_340 = vector.broadcast %get3A_339 : vector<1x96xf32> to vector<224x96xf32>
    %add3A_341 = arith.addf %dot_general3A_336, %add3A_340 : vector<224x96xf32>
    %get3A_342 = arith.constant 0 : index
    %get3A_343 = arith.constant 0 : index
    %get3A_344 = vector.load %arg5[%get3A_342, %get3A_343] : memref<96x96xf32, #tpu.memory_space<vmem>>, vector<96x96xf32>
    %dot_general3A_345 = arith.constant dense<0.000000e+00> : vector<224x96xf32>
    %dot_general3A_346 = tpu.matmul %squeeze3A_321, %get3A_344, %dot_general3A_345 {dimension_numbers = #tpu.dot_dimension_numbers<[0], [0], [1], [1], [0, 1, 1, 1], [], []>, transpose_lhs_hint = false} : vector<96x224xf32>, vector<96x96xf32>, vector<224x96xf32> -> vector<224x96xf32>
    %get3A_347 = arith.constant 0 : index
    %get3A_348 = arith.constant 0 : index
    %get3A_349 = vector.load %arg8[%get3A_347, %get3A_348] : memref<1x96xf32, #tpu.memory_space<vmem>>, vector<1x96xf32>
    %add3A_350 = vector.broadcast %get3A_349 : vector<1x96xf32> to vector<224x96xf32>
    %add3A_351 = arith.addf %dot_general3A_346, %add3A_350 : vector<224x96xf32>
    %slice3A_352 = vector.extract_strided_slice %get3A_3 {offsets = [0, 11, 0, 0], sizes = [1, 1, 96, 224], strides = [1, 1, 1, 1]} : vector<1x16x96x224xf32> to vector<1x1x96x224xf32>
    %squeeze3A_353 = vector.shape_cast %slice3A_352 : vector<1x1x96x224xf32> to vector<96x224xf32>
    %get3A_354 = arith.constant 0 : index
    %get3A_355 = arith.constant 0 : index
    %get3A_356 = vector.load %arg3[%get3A_354, %get3A_355] : memref<96x96xf32, #tpu.memory_space<vmem>>, vector<96x96xf32>
    %dot_general3A_357 = arith.constant dense<0.000000e+00> : vector<224x96xf32>
    %dot_general3A_358 = tpu.matmul %squeeze3A_353, %get3A_356, %dot_general3A_357 {dimension_numbers = #tpu.dot_dimension_numbers<[0], [0], [1], [1], [0, 1, 1, 1], [], []>, transpose_lhs_hint = false} : vector<96x224xf32>, vector<96x96xf32>, vector<224x96xf32> -> vector<224x96xf32>
    %get3A_359 = arith.constant 0 : index
    %get3A_360 = arith.constant 0 : index
    %get3A_361 = vector.load %arg6[%get3A_359, %get3A_360] : memref<1x96xf32, #tpu.memory_space<vmem>>, vector<1x96xf32>
    %add3A_362 = vector.broadcast %get3A_361 : vector<1x96xf32> to vector<224x96xf32>
    %add3A_363 = arith.addf %dot_general3A_358, %add3A_362 : vector<224x96xf32>
    %get3A_364 = arith.constant 0 : index
    %get3A_365 = arith.constant 0 : index
    %get3A_366 = vector.load %arg4[%get3A_364, %get3A_365] : memref<96x96xf32, #tpu.memory_space<vmem>>, vector<96x96xf32>
    %dot_general3A_367 = arith.constant dense<0.000000e+00> : vector<224x96xf32>
    %dot_general3A_368 = tpu.matmul %squeeze3A_353, %get3A_366, %dot_general3A_367 {dimension_numbers = #tpu.dot_dimension_numbers<[0], [0], [1], [1], [0, 1, 1, 1], [], []>, transpose_lhs_hint = false} : vector<96x224xf32>, vector<96x96xf32>, vector<224x96xf32> -> vector<224x96xf32>
    %get3A_369 = arith.constant 0 : index
    %get3A_370 = arith.constant 0 : index
    %get3A_371 = vector.load %arg7[%get3A_369, %get3A_370] : memref<1x96xf32, #tpu.memory_space<vmem>>, vector<1x96xf32>
    %add3A_372 = vector.broadcast %get3A_371 : vector<1x96xf32> to vector<224x96xf32>
    %add3A_373 = arith.addf %dot_general3A_368, %add3A_372 : vector<224x96xf32>
    %get3A_374 = arith.constant 0 : index
    %get3A_375 = arith.constant 0 : index
    %get3A_376 = vector.load %arg5[%get3A_374, %get3A_375] : memref<96x96xf32, #tpu.memory_space<vmem>>, vector<96x96xf32>
    %dot_general3A_377 = arith.constant dense<0.000000e+00> : vector<224x96xf32>
    %dot_general3A_378 = tpu.matmul %squeeze3A_353, %get3A_376, %dot_general3A_377 {dimension_numbers = #tpu.dot_dimension_numbers<[0], [0], [1], [1], [0, 1, 1, 1], [], []>, transpose_lhs_hint = false} : vector<96x224xf32>, vector<96x96xf32>, vector<224x96xf32> -> vector<224x96xf32>
    %get3A_379 = arith.constant 0 : index
    %get3A_380 = arith.constant 0 : index
    %get3A_381 = vector.load %arg8[%get3A_379, %get3A_380] : memref<1x96xf32, #tpu.memory_space<vmem>>, vector<1x96xf32>
    %add3A_382 = vector.broadcast %get3A_381 : vector<1x96xf32> to vector<224x96xf32>
    %add3A_383 = arith.addf %dot_general3A_378, %add3A_382 : vector<224x96xf32>
    %slice3A_384 = vector.extract_strided_slice %get3A_3 {offsets = [0, 12, 0, 0], sizes = [1, 1, 96, 224], strides = [1, 1, 1, 1]} : vector<1x16x96x224xf32> to vector<1x1x96x224xf32>
    %squeeze3A_385 = vector.shape_cast %slice3A_384 : vector<1x1x96x224xf32> to vector<96x224xf32>
    %get3A_386 = arith.constant 0 : index
    %get3A_387 = arith.constant 0 : index
    %get3A_388 = vector.load %arg3[%get3A_386, %get3A_387] : memref<96x96xf32, #tpu.memory_space<vmem>>, vector<96x96xf32>
    %dot_general3A_389 = arith.constant dense<0.000000e+00> : vector<224x96xf32>
    %dot_general3A_390 = tpu.matmul %squeeze3A_385, %get3A_388, %dot_general3A_389 {dimension_numbers = #tpu.dot_dimension_numbers<[0], [0], [1], [1], [0, 1, 1, 1], [], []>, transpose_lhs_hint = false} : vector<96x224xf32>, vector<96x96xf32>, vector<224x96xf32> -> vector<224x96xf32>
    %get3A_391 = arith.constant 0 : index
    %get3A_392 = arith.constant 0 : index
    %get3A_393 = vector.load %arg6[%get3A_391, %get3A_392] : memref<1x96xf32, #tpu.memory_space<vmem>>, vector<1x96xf32>
    %add3A_394 = vector.broadcast %get3A_393 : vector<1x96xf32> to vector<224x96xf32>
    %add3A_395 = arith.addf %dot_general3A_390, %add3A_394 : vector<224x96xf32>
    %get3A_396 = arith.constant 0 : index
    %get3A_397 = arith.constant 0 : index
    %get3A_398 = vector.load %arg4[%get3A_396, %get3A_397] : memref<96x96xf32, #tpu.memory_space<vmem>>, vector<96x96xf32>
    %dot_general3A_399 = arith.constant dense<0.000000e+00> : vector<224x96xf32>
    %dot_general3A_400 = tpu.matmul %squeeze3A_385, %get3A_398, %dot_general3A_399 {dimension_numbers = #tpu.dot_dimension_numbers<[0], [0], [1], [1], [0, 1, 1, 1], [], []>, transpose_lhs_hint = false} : vector<96x224xf32>, vector<96x96xf32>, vector<224x96xf32> -> vector<224x96xf32>
    %get3A_401 = arith.constant 0 : index
    %get3A_402 = arith.constant 0 : index
    %get3A_403 = vector.load %arg7[%get3A_401, %get3A_402] : memref<1x96xf32, #tpu.memory_space<vmem>>, vector<1x96xf32>
    %add3A_404 = vector.broadcast %get3A_403 : vector<1x96xf32> to vector<224x96xf32>
    %add3A_405 = arith.addf %dot_general3A_400, %add3A_404 : vector<224x96xf32>
    %get3A_406 = arith.constant 0 : index
    %get3A_407 = arith.constant 0 : index
    %get3A_408 = vector.load %arg5[%get3A_406, %get3A_407] : memref<96x96xf32, #tpu.memory_space<vmem>>, vector<96x96xf32>
    %dot_general3A_409 = arith.constant dense<0.000000e+00> : vector<224x96xf32>
    %dot_general3A_410 = tpu.matmul %squeeze3A_385, %get3A_408, %dot_general3A_409 {dimension_numbers = #tpu.dot_dimension_numbers<[0], [0], [1], [1], [0, 1, 1, 1], [], []>, transpose_lhs_hint = false} : vector<96x224xf32>, vector<96x96xf32>, vector<224x96xf32> -> vector<224x96xf32>
    %get3A_411 = arith.constant 0 : index
    %get3A_412 = arith.constant 0 : index
    %get3A_413 = vector.load %arg8[%get3A_411, %get3A_412] : memref<1x96xf32, #tpu.memory_space<vmem>>, vector<1x96xf32>
    %add3A_414 = vector.broadcast %get3A_413 : vector<1x96xf32> to vector<224x96xf32>
    %add3A_415 = arith.addf %dot_general3A_410, %add3A_414 : vector<224x96xf32>
    %slice3A_416 = vector.extract_strided_slice %get3A_3 {offsets = [0, 13, 0, 0], sizes = [1, 1, 96, 224], strides = [1, 1, 1, 1]} : vector<1x16x96x224xf32> to vector<1x1x96x224xf32>
    %squeeze3A_417 = vector.shape_cast %slice3A_416 : vector<1x1x96x224xf32> to vector<96x224xf32>
    %get3A_418 = arith.constant 0 : index
    %get3A_419 = arith.constant 0 : index
    %get3A_420 = vector.load %arg3[%get3A_418, %get3A_419] : memref<96x96xf32, #tpu.memory_space<vmem>>, vector<96x96xf32>
    %dot_general3A_421 = arith.constant dense<0.000000e+00> : vector<224x96xf32>
    %dot_general3A_422 = tpu.matmul %squeeze3A_417, %get3A_420, %dot_general3A_421 {dimension_numbers = #tpu.dot_dimension_numbers<[0], [0], [1], [1], [0, 1, 1, 1], [], []>, transpose_lhs_hint = false} : vector<96x224xf32>, vector<96x96xf32>, vector<224x96xf32> -> vector<224x96xf32>
    %get3A_423 = arith.constant 0 : index
    %get3A_424 = arith.constant 0 : index
    %get3A_425 = vector.load %arg6[%get3A_423, %get3A_424] : memref<1x96xf32, #tpu.memory_space<vmem>>, vector<1x96xf32>
    %add3A_426 = vector.broadcast %get3A_425 : vector<1x96xf32> to vector<224x96xf32>
    %add3A_427 = arith.addf %dot_general3A_422, %add3A_426 : vector<224x96xf32>
    %get3A_428 = arith.constant 0 : index
    %get3A_429 = arith.constant 0 : index
    %get3A_430 = vector.load %arg4[%get3A_428, %get3A_429] : memref<96x96xf32, #tpu.memory_space<vmem>>, vector<96x96xf32>
    %dot_general3A_431 = arith.constant dense<0.000000e+00> : vector<224x96xf32>
    %dot_general3A_432 = tpu.matmul %squeeze3A_417, %get3A_430, %dot_general3A_431 {dimension_numbers = #tpu.dot_dimension_numbers<[0], [0], [1], [1], [0, 1, 1, 1], [], []>, transpose_lhs_hint = false} : vector<96x224xf32>, vector<96x96xf32>, vector<224x96xf32> -> vector<224x96xf32>
    %get3A_433 = arith.constant 0 : index
    %get3A_434 = arith.constant 0 : index
    %get3A_435 = vector.load %arg7[%get3A_433, %get3A_434] : memref<1x96xf32, #tpu.memory_space<vmem>>, vector<1x96xf32>
    %add3A_436 = vector.broadcast %get3A_435 : vector<1x96xf32> to vector<224x96xf32>
    %add3A_437 = arith.addf %dot_general3A_432, %add3A_436 : vector<224x96xf32>
    %get3A_438 = arith.constant 0 : index
    %get3A_439 = arith.constant 0 : index
    %get3A_440 = vector.load %arg5[%get3A_438, %get3A_439] : memref<96x96xf32, #tpu.memory_space<vmem>>, vector<96x96xf32>
    %dot_general3A_441 = arith.constant dense<0.000000e+00> : vector<224x96xf32>
    %dot_general3A_442 = tpu.matmul %squeeze3A_417, %get3A_440, %dot_general3A_441 {dimension_numbers = #tpu.dot_dimension_numbers<[0], [0], [1], [1], [0, 1, 1, 1], [], []>, transpose_lhs_hint = false} : vector<96x224xf32>, vector<96x96xf32>, vector<224x96xf32> -> vector<224x96xf32>
    %get3A_443 = arith.constant 0 : index
    %get3A_444 = arith.constant 0 : index
    %get3A_445 = vector.load %arg8[%get3A_443, %get3A_444] : memref<1x96xf32, #tpu.memory_space<vmem>>, vector<1x96xf32>
    %add3A_446 = vector.broadcast %get3A_445 : vector<1x96xf32> to vector<224x96xf32>
    %add3A_447 = arith.addf %dot_general3A_442, %add3A_446 : vector<224x96xf32>
    %slice3A_448 = vector.extract_strided_slice %get3A_3 {offsets = [0, 14, 0, 0], sizes = [1, 1, 96, 224], strides = [1, 1, 1, 1]} : vector<1x16x96x224xf32> to vector<1x1x96x224xf32>
    %squeeze3A_449 = vector.shape_cast %slice3A_448 : vector<1x1x96x224xf32> to vector<96x224xf32>
    %get3A_450 = arith.constant 0 : index
    %get3A_451 = arith.constant 0 : index
    %get3A_452 = vector.load %arg3[%get3A_450, %get3A_451] : memref<96x96xf32, #tpu.memory_space<vmem>>, vector<96x96xf32>
    %dot_general3A_453 = arith.constant dense<0.000000e+00> : vector<224x96xf32>
    %dot_general3A_454 = tpu.matmul %squeeze3A_449, %get3A_452, %dot_general3A_453 {dimension_numbers = #tpu.dot_dimension_numbers<[0], [0], [1], [1], [0, 1, 1, 1], [], []>, transpose_lhs_hint = false} : vector<96x224xf32>, vector<96x96xf32>, vector<224x96xf32> -> vector<224x96xf32>
    %get3A_455 = arith.constant 0 : index
    %get3A_456 = arith.constant 0 : index
    %get3A_457 = vector.load %arg6[%get3A_455, %get3A_456] : memref<1x96xf32, #tpu.memory_space<vmem>>, vector<1x96xf32>
    %add3A_458 = vector.broadcast %get3A_457 : vector<1x96xf32> to vector<224x96xf32>
    %add3A_459 = arith.addf %dot_general3A_454, %add3A_458 : vector<224x96xf32>
    %get3A_460 = arith.constant 0 : index
    %get3A_461 = arith.constant 0 : index
    %get3A_462 = vector.load %arg4[%get3A_460, %get3A_461] : memref<96x96xf32, #tpu.memory_space<vmem>>, vector<96x96xf32>
    %dot_general3A_463 = arith.constant dense<0.000000e+00> : vector<224x96xf32>
    %dot_general3A_464 = tpu.matmul %squeeze3A_449, %get3A_462, %dot_general3A_463 {dimension_numbers = #tpu.dot_dimension_numbers<[0], [0], [1], [1], [0, 1, 1, 1], [], []>, transpose_lhs_hint = false} : vector<96x224xf32>, vector<96x96xf32>, vector<224x96xf32> -> vector<224x96xf32>
    %get3A_465 = arith.constant 0 : index
    %get3A_466 = arith.constant 0 : index
    %get3A_467 = vector.load %arg7[%get3A_465, %get3A_466] : memref<1x96xf32, #tpu.memory_space<vmem>>, vector<1x96xf32>
    %add3A_468 = vector.broadcast %get3A_467 : vector<1x96xf32> to vector<224x96xf32>
    %add3A_469 = arith.addf %dot_general3A_464, %add3A_468 : vector<224x96xf32>
    %get3A_470 = arith.constant 0 : index
    %get3A_471 = arith.constant 0 : index
    %get3A_472 = vector.load %arg5[%get3A_470, %get3A_471] : memref<96x96xf32, #tpu.memory_space<vmem>>, vector<96x96xf32>
    %dot_general3A_473 = arith.constant dense<0.000000e+00> : vector<224x96xf32>
    %dot_general3A_474 = tpu.matmul %squeeze3A_449, %get3A_472, %dot_general3A_473 {dimension_numbers = #tpu.dot_dimension_numbers<[0], [0], [1], [1], [0, 1, 1, 1], [], []>, transpose_lhs_hint = false} : vector<96x224xf32>, vector<96x96xf32>, vector<224x96xf32> -> vector<224x96xf32>
    %get3A_475 = arith.constant 0 : index
    %get3A_476 = arith.constant 0 : index
    %get3A_477 = vector.load %arg8[%get3A_475, %get3A_476] : memref<1x96xf32, #tpu.memory_space<vmem>>, vector<1x96xf32>
    %add3A_478 = vector.broadcast %get3A_477 : vector<1x96xf32> to vector<224x96xf32>
    %add3A_479 = arith.addf %dot_general3A_474, %add3A_478 : vector<224x96xf32>
    %slice3A_480 = vector.extract_strided_slice %get3A_3 {offsets = [0, 15, 0, 0], sizes = [1, 1, 96, 224], strides = [1, 1, 1, 1]} : vector<1x16x96x224xf32> to vector<1x1x96x224xf32>
    %squeeze3A_481 = vector.shape_cast %slice3A_480 : vector<1x1x96x224xf32> to vector<96x224xf32>
    %get3A_482 = arith.constant 0 : index
    %get3A_483 = arith.constant 0 : index
    %get3A_484 = vector.load %arg3[%get3A_482, %get3A_483] : memref<96x96xf32, #tpu.memory_space<vmem>>, vector<96x96xf32>
    %dot_general3A_485 = arith.constant dense<0.000000e+00> : vector<224x96xf32>
    %dot_general3A_486 = tpu.matmul %squeeze3A_481, %get3A_484, %dot_general3A_485 {dimension_numbers = #tpu.dot_dimension_numbers<[0], [0], [1], [1], [0, 1, 1, 1], [], []>, transpose_lhs_hint = false} : vector<96x224xf32>, vector<96x96xf32>, vector<224x96xf32> -> vector<224x96xf32>
    %get3A_487 = arith.constant 0 : index
    %get3A_488 = arith.constant 0 : index
    %get3A_489 = vector.load %arg6[%get3A_487, %get3A_488] : memref<1x96xf32, #tpu.memory_space<vmem>>, vector<1x96xf32>
    %add3A_490 = vector.broadcast %get3A_489 : vector<1x96xf32> to vector<224x96xf32>
    %add3A_491 = arith.addf %dot_general3A_486, %add3A_490 : vector<224x96xf32>
    %get3A_492 = arith.constant 0 : index
    %get3A_493 = arith.constant 0 : index
    %get3A_494 = vector.load %arg4[%get3A_492, %get3A_493] : memref<96x96xf32, #tpu.memory_space<vmem>>, vector<96x96xf32>
    %dot_general3A_495 = arith.constant dense<0.000000e+00> : vector<224x96xf32>
    %dot_general3A_496 = tpu.matmul %squeeze3A_481, %get3A_494, %dot_general3A_495 {dimension_numbers = #tpu.dot_dimension_numbers<[0], [0], [1], [1], [0, 1, 1, 1], [], []>, transpose_lhs_hint = false} : vector<96x224xf32>, vector<96x96xf32>, vector<224x96xf32> -> vector<224x96xf32>
    %get3A_497 = arith.constant 0 : index
    %get3A_498 = arith.constant 0 : index
    %get3A_499 = vector.load %arg7[%get3A_497, %get3A_498] : memref<1x96xf32, #tpu.memory_space<vmem>>, vector<1x96xf32>
    %add3A_500 = vector.broadcast %get3A_499 : vector<1x96xf32> to vector<224x96xf32>
    %add3A_501 = arith.addf %dot_general3A_496, %add3A_500 : vector<224x96xf32>
    %get3A_502 = arith.constant 0 : index
    %get3A_503 = arith.constant 0 : index
    %get3A_504 = vector.load %arg5[%get3A_502, %get3A_503] : memref<96x96xf32, #tpu.memory_space<vmem>>, vector<96x96xf32>
    %dot_general3A_505 = arith.constant dense<0.000000e+00> : vector<224x96xf32>
    %dot_general3A_506 = tpu.matmul %squeeze3A_481, %get3A_504, %dot_general3A_505 {dimension_numbers = #tpu.dot_dimension_numbers<[0], [0], [1], [1], [0, 1, 1, 1], [], []>, transpose_lhs_hint = false} : vector<96x224xf32>, vector<96x96xf32>, vector<224x96xf32> -> vector<224x96xf32>
    %get3A_507 = arith.constant 0 : index
    %get3A_508 = arith.constant 0 : index
    %get3A_509 = vector.load %arg8[%get3A_507, %get3A_508] : memref<1x96xf32, #tpu.memory_space<vmem>>, vector<1x96xf32>
    %add3A_510 = vector.broadcast %get3A_509 : vector<1x96xf32> to vector<224x96xf32>
    %add3A_511 = arith.addf %dot_general3A_506, %add3A_510 : vector<224x96xf32>
    %stack3A = vector.shape_cast %add3A_11 : vector<224x96xf32> to vector<1x224x96xf32>
    %stack3A_512 = vector.shape_cast %add3A_43 : vector<224x96xf32> to vector<1x224x96xf32>
    %stack3A_513 = vector.shape_cast %add3A_75 : vector<224x96xf32> to vector<1x224x96xf32>
    %stack3A_514 = vector.shape_cast %add3A_107 : vector<224x96xf32> to vector<1x224x96xf32>
    %stack3A_515 = vector.shape_cast %add3A_139 : vector<224x96xf32> to vector<1x224x96xf32>
    %stack3A_516 = vector.shape_cast %add3A_171 : vector<224x96xf32> to vector<1x224x96xf32>
    %stack3A_517 = vector.shape_cast %add3A_203 : vector<224x96xf32> to vector<1x224x96xf32>
    %stack3A_518 = vector.shape_cast %add3A_235 : vector<224x96xf32> to vector<1x224x96xf32>
    %stack3A_519 = vector.shape_cast %add3A_267 : vector<224x96xf32> to vector<1x224x96xf32>
    %stack3A_520 = vector.shape_cast %add3A_299 : vector<224x96xf32> to vector<1x224x96xf32>
    %stack3A_521 = vector.shape_cast %add3A_331 : vector<224x96xf32> to vector<1x224x96xf32>
    %stack3A_522 = vector.shape_cast %add3A_363 : vector<224x96xf32> to vector<1x224x96xf32>
    %stack3A_523 = vector.shape_cast %add3A_395 : vector<224x96xf32> to vector<1x224x96xf32>
    %stack3A_524 = vector.shape_cast %add3A_427 : vector<224x96xf32> to vector<1x224x96xf32>
    %stack3A_525 = vector.shape_cast %add3A_459 : vector<224x96xf32> to vector<1x224x96xf32>
    %stack3A_526 = vector.shape_cast %add3A_491 : vector<224x96xf32> to vector<1x224x96xf32>
    %stack3A_527 = tpu.concatenate %stack3A, %stack3A_512, %stack3A_513, %stack3A_514, %stack3A_515, %stack3A_516, %stack3A_517, %stack3A_518, %stack3A_519, %stack3A_520, %stack3A_521, %stack3A_522, %stack3A_523, %stack3A_524, %stack3A_525, %stack3A_526 in 0 : vector<1x224x96xf32>, vector<1x224x96xf32>, vector<1x224x96xf32>, vector<1x224x96xf32>, vector<1x224x96xf32>, vector<1x224x96xf32>, vector<1x224x96xf32>, vector<1x224x96xf32>, vector<1x224x96xf32>, vector<1x224x96xf32>, vector<1x224x96xf32>, vector<1x224x96xf32>, vector<1x224x96xf32>, vector<1x224x96xf32>, vector<1x224x96xf32>, vector<1x224x96xf32> -> vector<16x224x96xf32>
    %reshape3A = vector.shape_cast %stack3A_527 : vector<16x224x96xf32> to vector<16x14x16x96xf32>
    %transpose3A = tpu.transpose %reshape3A, [1, 0, 2, 3] : vector<16x14x16x96xf32> -> vector<14x16x16x96xf32>
    %reshape3A_528 = vector.shape_cast %transpose3A : vector<14x16x16x96xf32> to vector<1x14x256x96xf32>
    %swap3A = arith.constant 0 : index
    %swap3A_529 = arith.constant 0 : index
    %swap3A_530 = arith.constant 0 : index
    %swap3A_531 = arith.constant 0 : index
    %swap3A_532 = vector.load %arg9[%swap3A, %swap3A_529, %swap3A_530, %swap3A_531] : memref<1x14x256x96xf32, #tpu.memory_space<vmem>>, vector<1x14x256x96xf32>
    tpu.vector_store %arg9[%swap3A, %swap3A_529, %swap3A_530, %swap3A_531], %reshape3A_528 {strides = array<i32>} : memref<1x14x256x96xf32, #tpu.memory_space<vmem>>, vector<1x14x256x96xf32>,
    %iota3A = tpu.iota {dimensions = array<i32: 0>} : vector<56x224xi32>
    %iota3A_533 = tpu.iota {dimensions = array<i32: 1>} : vector<56x224xi32>
    %jit3A = arith.constant 4 : i32
    %div3A = vector.broadcast %jit3A : i32 to vector<56x224xi32>
    %div3A_534 = arith.divsi %iota3A_533, %div3A : vector<56x224xi32>
    %sign3A = arith.constant 0 : i32
    %sign3A_535 = vector.broadcast %sign3A : i32 to vector<56x224xi32>
    %sign3A_536 = arith.cmpi sgt, %iota3A_533, %sign3A_535 : vector<56x224xi32>
    %sign3A_537 = arith.extui %sign3A_536 : vector<56x224xi1> to vector<56x224xi32>
    %sign3A_538 = arith.constant 0 : i32
    %sign3A_539 = vector.broadcast %sign3A_538 : i32 to vector<56x224xi32>
    %sign3A_540 = arith.cmpi slt, %iota3A_533, %sign3A_539 : vector<56x224xi32>
    %sign3A_541 = arith.extui %sign3A_540 : vector<56x224xi1> to vector<56x224xi32>
    %sign3A_542 = arith.subi %sign3A_537, %sign3A_541 : vector<56x224xi32>
    %sign3A_543 = arith.constant 0 : i32
    %sign3A_544 = arith.cmpi sgt, %jit3A, %sign3A_543 : i32
    %sign3A_545 = arith.extui %sign3A_544 : i1 to i32
    %sign3A_546 = arith.constant 0 : i32
    %sign3A_547 = arith.cmpi slt, %jit3A, %sign3A_546 : i32
    %sign3A_548 = arith.extui %sign3A_547 : i1 to i32
    %sign3A_549 = arith.subi %sign3A_545, %sign3A_548 : i32
    %ne3A = vector.broadcast %sign3A_549 : i32 to vector<56x224xi32>
    %ne3A_550 = arith.cmpi ne, %sign3A_542, %ne3A : vector<56x224xi32>
    %rem3A = vector.broadcast %jit3A : i32 to vector<56x224xi32>
    %rem3A_551 = arith.remsi %iota3A_533, %rem3A : vector<56x224xi32>
    %ne3A_552 = arith.constant 0 : i32
    %ne3A_553 = vector.broadcast %ne3A_552 : i32 to vector<56x224xi32>
    %ne3A_554 = arith.cmpi ne, %rem3A_551, %ne3A_553 : vector<56x224xi32>
    %and3A = arith.andi %ne3A_550, %ne3A_554 : vector<56x224xi1>
    %sub3A = arith.constant 1 : i32
    %sub3A_555 = vector.broadcast %sub3A : i32 to vector<56x224xi32>
    %sub3A_556 = arith.subi %div3A_534, %sub3A_555 : vector<56x224xi32>
    %select_n3A = arith.select %and3A, %sub3A_556, %div3A_534 : vector<56x224xi1>, vector<56x224xi32>
    %eq3A = arith.cmpi eq, %iota3A, %select_n3A : vector<56x224xi32>
    %jit3A_557 = arith.constant 1.000000e+00 : f32
    %jit3A_558 = arith.constant 0.000000e+00 : f32
    %broadcast_in_dim3A = vector.broadcast %jit3A_557 : f32 to vector<56x224xf32>
    %broadcast_in_dim3A_559 = vector.broadcast %jit3A_558 : f32 to vector<56x224xf32>
    %select_n3A_560 = arith.select %eq3A, %broadcast_in_dim3A, %broadcast_in_dim3A_559 : vector<56x224xi1>, vector<56x224xf32>
    %add3A_561 = arith.addf %add3A_21, %add3A_53 : vector<224x96xf32>
    %add3A_562 = arith.addf %add3A_561, %add3A_85 : vector<224x96xf32>
    %add3A_563 = arith.addf %add3A_562, %add3A_117 : vector<224x96xf32>
    %dot_general3A_564 = arith.constant dense<0.000000e+00> : vector<56x96xf32>
    %dot_general3A_565 = tpu.matmul %select_n3A_560, %add3A_563, %dot_general3A_564 {dimension_numbers = #tpu.dot_dimension_numbers<[1], [0], [0], [1], [0, 0, 1, 1], [], []>, precision = #tpu.contract_precision<fp32>, transpose_lhs_hint = false} : vector<56x224xf32>, vector<224x96xf32>, vector<56x96xf32> -> vector<56x96xf32>
    %add3A_566 = arith.addf %add3A_149, %add3A_181 : vector<224x96xf32>
    %add3A_567 = arith.addf %add3A_566, %add3A_213 : vector<224x96xf32>
    %add3A_568 = arith.addf %add3A_567, %add3A_245 : vector<224x96xf32>
    %dot_general3A_569 = arith.constant dense<0.000000e+00> : vector<56x96xf32>
    %dot_general3A_570 = tpu.matmul %select_n3A_560, %add3A_568, %dot_general3A_569 {dimension_numbers = #tpu.dot_dimension_numbers<[1], [0], [0], [1], [0, 0, 1, 1], [], []>, precision = #tpu.contract_precision<fp32>, transpose_lhs_hint = false} : vector<56x224xf32>, vector<224x96xf32>, vector<56x96xf32> -> vector<56x96xf32>
    %add3A_571 = arith.addf %add3A_277, %add3A_309 : vector<224x96xf32>
    %add3A_572 = arith.addf %add3A_571, %add3A_341 : vector<224x96xf32>
    %add3A_573 = arith.addf %add3A_572, %add3A_373 : vector<224x96xf32>
    %dot_general3A_574 = arith.constant dense<0.000000e+00> : vector<56x96xf32>
    %dot_general3A_575 = tpu.matmul %select_n3A_560, %add3A_573, %dot_general3A_574 {dimension_numbers = #tpu.dot_dimension_numbers<[1], [0], [0], [1], [0, 0, 1, 1], [], []>, precision = #tpu.contract_precision<fp32>, transpose_lhs_hint = false} : vector<56x224xf32>, vector<224x96xf32>, vector<56x96xf32> -> vector<56x96xf32>
    %add3A_576 = arith.addf %add3A_405, %add3A_437 : vector<224x96xf32>
    %add3A_577 = arith.addf %add3A_576, %add3A_469 : vector<224x96xf32>
    %add3A_578 = arith.addf %add3A_577, %add3A_501 : vector<224x96xf32>
    %dot_general3A_579 = arith.constant dense<0.000000e+00> : vector<56x96xf32>
    %dot_general3A_580 = tpu.matmul %select_n3A_560, %add3A_578, %dot_general3A_579 {dimension_numbers = #tpu.dot_dimension_numbers<[1], [0], [0], [1], [0, 0, 1, 1], [], []>, precision = #tpu.contract_precision<fp32>, transpose_lhs_hint = false} : vector<56x224xf32>, vector<224x96xf32>, vector<56x96xf32> -> vector<56x96xf32>
    %stack3A_581 = vector.shape_cast %dot_general3A_565 : vector<56x96xf32> to vector<1x56x96xf32>
    %stack3A_582 = vector.shape_cast %dot_general3A_570 : vector<56x96xf32> to vector<1x56x96xf32>
    %stack3A_583 = vector.shape_cast %dot_general3A_575 : vector<56x96xf32> to vector<1x56x96xf32>
    %stack3A_584 = vector.shape_cast %dot_general3A_580 : vector<56x96xf32> to vector<1x56x96xf32>
    %stack3A_585 = tpu.concatenate %stack3A_581, %stack3A_582, %stack3A_583, %stack3A_584 in 0 : vector<1x56x96xf32>, vector<1x56x96xf32>, vector<1x56x96xf32>, vector<1x56x96xf32> -> vector<4x56x96xf32>
    %mul3A = arith.constant 6.250000e-02 : f32
    %mul3A_586 = vector.broadcast %mul3A : f32 to vector<4x56x96xf32>
    %mul3A_587 = arith.mulf %stack3A_585, %mul3A_586 : vector<4x56x96xf32>
    %reshape3A_588 = vector.shape_cast %mul3A_587 : vector<4x56x96xf32> to vector<4x14x4x96xf32>
    %transpose3A_589 = tpu.transpose %reshape3A_588, [1, 0, 2, 3] : vector<4x14x4x96xf32> -> vector<14x4x4x96xf32>
    %reshape3A_590 = vector.shape_cast %transpose3A_589 : vector<14x4x4x96xf32> to vector<1x14x16x96xf32>
    %swap3A_591 = arith.constant 0 : index
    %swap3A_592 = arith.constant 0 : index
    %swap3A_593 = arith.constant 0 : index
    %swap3A_594 = arith.constant 0 : index
    %swap3A_595 = vector.load %arg10[%swap3A_591, %swap3A_592, %swap3A_593, %swap3A_594] : memref<1x14x16x96xf32, #tpu.memory_space<vmem>>, vector<1x14x16x96xf32>
    tpu.vector_store %arg10[%swap3A_591, %swap3A_592, %swap3A_593, %swap3A_594], %reshape3A_590 {strides = array<i32>} : memref<1x14x16x96xf32, #tpu.memory_space<vmem>>, vector<1x14x16x96xf32>,
    %add3A_596 = arith.addf %add3A_31, %add3A_63 : vector<224x96xf32>
    %add3A_597 = arith.addf %add3A_596, %add3A_95 : vector<224x96xf32>
    %add3A_598 = arith.addf %add3A_597, %add3A_127 : vector<224x96xf32>
    %dot_general3A_599 = arith.constant dense<0.000000e+00> : vector<56x96xf32>
    %dot_general3A_600 = tpu.matmul %select_n3A_560, %add3A_598, %dot_general3A_599 {dimension_numbers = #tpu.dot_dimension_numbers<[1], [0], [0], [1], [0, 0, 1, 1], [], []>, precision = #tpu.contract_precision<fp32>, transpose_lhs_hint = false} : vector<56x224xf32>, vector<224x96xf32>, vector<56x96xf32> -> vector<56x96xf32>
    %add3A_601 = arith.addf %add3A_159, %add3A_191 : vector<224x96xf32>
    %add3A_602 = arith.addf %add3A_601, %add3A_223 : vector<224x96xf32>
    %add3A_603 = arith.addf %add3A_602, %add3A_255 : vector<224x96xf32>
    %dot_general3A_604 = arith.constant dense<0.000000e+00> : vector<56x96xf32>
    %dot_general3A_605 = tpu.matmul %select_n3A_560, %add3A_603, %dot_general3A_604 {dimension_numbers = #tpu.dot_dimension_numbers<[1], [0], [0], [1], [0, 0, 1, 1], [], []>, precision = #tpu.contract_precision<fp32>, transpose_lhs_hint = false} : vector<56x224xf32>, vector<224x96xf32>, vector<56x96xf32> -> vector<56x96xf32>
    %add3A_606 = arith.addf %add3A_287, %add3A_319 : vector<224x96xf32>
    %add3A_607 = arith.addf %add3A_606, %add3A_351 : vector<224x96xf32>
    %add3A_608 = arith.addf %add3A_607, %add3A_383 : vector<224x96xf32>
    %dot_general3A_609 = arith.constant dense<0.000000e+00> : vector<56x96xf32>
    %dot_general3A_610 = tpu.matmul %select_n3A_560, %add3A_608, %dot_general3A_609 {dimension_numbers = #tpu.dot_dimension_numbers<[1], [0], [0], [1], [0, 0, 1, 1], [], []>, precision = #tpu.contract_precision<fp32>, transpose_lhs_hint = false} : vector<56x224xf32>, vector<224x96xf32>, vector<56x96xf32> -> vector<56x96xf32>
    %add3A_611 = arith.addf %add3A_415, %add3A_447 : vector<224x96xf32>
    %add3A_612 = arith.addf %add3A_611, %add3A_479 : vector<224x96xf32>
    %add3A_613 = arith.addf %add3A_612, %add3A_511 : vector<224x96xf32>
    %dot_general3A_614 = arith.constant dense<0.000000e+00> : vector<56x96xf32>
    %dot_general3A_615 = tpu.matmul %select_n3A_560, %add3A_613, %dot_general3A_614 {dimension_numbers = #tpu.dot_dimension_numbers<[1], [0], [0], [1], [0, 0, 1, 1], [], []>, precision = #tpu.contract_precision<fp32>, transpose_lhs_hint = false} : vector<56x224xf32>, vector<224x96xf32>, vector<56x96xf32> -> vector<56x96xf32>
    %stack3A_616 = vector.shape_cast %dot_general3A_600 : vector<56x96xf32> to vector<1x56x96xf32>
    %stack3A_617 = vector.shape_cast %dot_general3A_605 : vector<56x96xf32> to vector<1x56x96xf32>
    %stack3A_618 = vector.shape_cast %dot_general3A_610 : vector<56x96xf32> to vector<1x56x96xf32>
    %stack3A_619 = vector.shape_cast %dot_general3A_615 : vector<56x96xf32> to vector<1x56x96xf32>
    %stack3A_620 = tpu.concatenate %stack3A_616, %stack3A_617, %stack3A_618, %stack3A_619 in 0 : vector<1x56x96xf32>, vector<1x56x96xf32>, vector<1x56x96xf32>, vector<1x56x96xf32> -> vector<4x56x96xf32>
    %mul3A_621 = arith.constant 6.250000e-02 : f32
    %mul3A_622 = vector.broadcast %mul3A_621 : f32 to vector<4x56x96xf32>
    %mul3A_623 = arith.mulf %stack3A_620, %mul3A_622 : vector<4x56x96xf32>
    %reshape3A_624 = vector.shape_cast %mul3A_623 : vector<4x56x96xf32> to vector<4x14x4x96xf32>
    %transpose3A_625 = tpu.transpose %reshape3A_624, [1, 0, 2, 3] : vector<4x14x4x96xf32> -> vector<14x4x4x96xf32>
    %reshape3A_626 = vector.shape_cast %transpose3A_625 : vector<14x4x4x96xf32> to vector<1x14x16x96xf32>
    %swap3A_627 = arith.constant 0 : index
    %swap3A_628 = arith.constant 0 : index
    %swap3A_629 = arith.constant 0 : index
    %swap3A_630 = arith.constant 0 : index
    %swap3A_631 = vector.load %arg11[%swap3A_627, %swap3A_628, %swap3A_629, %swap3A_630] : memref<1x14x16x96xf32, #tpu.memory_space<vmem>>, vector<1x14x16x96xf32>
    tpu.vector_store %arg11[%swap3A_627, %swap3A_628, %swap3A_629, %swap3A_630], %reshape3A_626 {strides = array<i32>} : memref<1x14x16x96xf32, #tpu.memory_space<vmem>>, vector<1x14x16x96xf32>,
    %iota3A_632 = tpu.iota {dimensions = array<i32: 0>} : vector<14x224xi32>
    %iota3A_633 = tpu.iota {dimensions = array<i32: 1>} : vector<14x224xi32>
    %jit3A_634 = arith.constant 16 : i32
    %div3A_635 = vector.broadcast %jit3A_634 : i32 to vector<14x224xi32>
    %div3A_636 = arith.divsi %iota3A_633, %div3A_635 : vector<14x224xi32>
    %sign3A_637 = arith.constant 0 : i32
    %sign3A_638 = vector.broadcast %sign3A_637 : i32 to vector<14x224xi32>
    %sign3A_639 = arith.cmpi sgt, %iota3A_633, %sign3A_638 : vector<14x224xi32>
    %sign3A_640 = arith.extui %sign3A_639 : vector<14x224xi1> to vector<14x224xi32>
    %sign3A_641 = arith.constant 0 : i32
    %sign3A_642 = vector.broadcast %sign3A_641 : i32 to vector<14x224xi32>
    %sign3A_643 = arith.cmpi slt, %iota3A_633, %sign3A_642 : vector<14x224xi32>
    %sign3A_644 = arith.extui %sign3A_643 : vector<14x224xi1> to vector<14x224xi32>
    %sign3A_645 = arith.subi %sign3A_640, %sign3A_644 : vector<14x224xi32>
    %sign3A_646 = arith.constant 0 : i32
    %sign3A_647 = arith.cmpi sgt, %jit3A_634, %sign3A_646 : i32
    %sign3A_648 = arith.extui %sign3A_647 : i1 to i32
    %sign3A_649 = arith.constant 0 : i32
    %sign3A_650 = arith.cmpi slt, %jit3A_634, %sign3A_649 : i32
    %sign3A_651 = arith.extui %sign3A_650 : i1 to i32
    %sign3A_652 = arith.subi %sign3A_648, %sign3A_651 : i32
    %ne3A_653 = vector.broadcast %sign3A_652 : i32 to vector<14x224xi32>
    %ne3A_654 = arith.cmpi ne, %sign3A_645, %ne3A_653 : vector<14x224xi32>
    %rem3A_655 = vector.broadcast %jit3A_634 : i32 to vector<14x224xi32>
    %rem3A_656 = arith.remsi %iota3A_633, %rem3A_655 : vector<14x224xi32>
    %ne3A_657 = arith.constant 0 : i32
    %ne3A_658 = vector.broadcast %ne3A_657 : i32 to vector<14x224xi32>
    %ne3A_659 = arith.cmpi ne, %rem3A_656, %ne3A_658 : vector<14x224xi32>
    %and3A_660 = arith.andi %ne3A_654, %ne3A_659 : vector<14x224xi1>
    %sub3A_661 = arith.constant 1 : i32
    %sub3A_662 = vector.broadcast %sub3A_661 : i32 to vector<14x224xi32>
    %sub3A_663 = arith.subi %div3A_636, %sub3A_662 : vector<14x224xi32>
    %select_n3A_664 = arith.select %and3A_660, %sub3A_663, %div3A_636 : vector<14x224xi1>, vector<14x224xi32>
    %eq3A_665 = arith.cmpi eq, %iota3A_632, %select_n3A_664 : vector<14x224xi32>
    %jit3A_666 = arith.constant 1.000000e+00 : f32
    %jit3A_667 = arith.constant 0.000000e+00 : f32
    %broadcast_in_dim3A_668 = vector.broadcast %jit3A_666 : f32 to vector<14x224xf32>
    %broadcast_in_dim3A_669 = vector.broadcast %jit3A_667 : f32 to vector<14x224xf32>
    %select_n3A_670 = arith.select %eq3A_665, %broadcast_in_dim3A_668, %broadcast_in_dim3A_669 : vector<14x224xi1>, vector<14x224xf32>
    %add3A_671 = arith.addf %add3A_11, %add3A_43 : vector<224x96xf32>
    %add3A_672 = arith.addf %add3A_21, %add3A_53 : vector<224x96xf32>
    %add3A_673 = arith.addf %add3A_671, %add3A_75 : vector<224x96xf32>
    %add3A_674 = arith.addf %add3A_672, %add3A_85 : vector<224x96xf32>
    %add3A_675 = arith.addf %add3A_673, %add3A_107 : vector<224x96xf32>
    %add3A_676 = arith.addf %add3A_674, %add3A_117 : vector<224x96xf32>
    %add3A_677 = arith.addf %add3A_675, %add3A_139 : vector<224x96xf32>
    %add3A_678 = arith.addf %add3A_676, %add3A_149 : vector<224x96xf32>
    %add3A_679 = arith.addf %add3A_677, %add3A_171 : vector<224x96xf32>
    %add3A_680 = arith.addf %add3A_678, %add3A_181 : vector<224x96xf32>
    %add3A_681 = arith.addf %add3A_679, %add3A_203 : vector<224x96xf32>
    %add3A_682 = arith.addf %add3A_680, %add3A_213 : vector<224x96xf32>
    %add3A_683 = arith.addf %add3A_681, %add3A_235 : vector<224x96xf32>
    %add3A_684 = arith.addf %add3A_682, %add3A_245 : vector<224x96xf32>
    %add3A_685 = arith.addf %add3A_683, %add3A_267 : vector<224x96xf32>
    %add3A_686 = arith.addf %add3A_684, %add3A_277 : vector<224x96xf32>
    %add3A_687 = arith.addf %add3A_685, %add3A_299 : vector<224x96xf32>
    %add3A_688 = arith.addf %add3A_686, %add3A_309 : vector<224x96xf32>
    %add3A_689 = arith.addf %add3A_687, %add3A_331 : vector<224x96xf32>
    %add3A_690 = arith.addf %add3A_688, %add3A_341 : vector<224x96xf32>
    %add3A_691 = arith.addf %add3A_689, %add3A_363 : vector<224x96xf32>
    %add3A_692 = arith.addf %add3A_690, %add3A_373 : vector<224x96xf32>
    %add3A_693 = arith.addf %add3A_691, %add3A_395 : vector<224x96xf32>
    %add3A_694 = arith.addf %add3A_692, %add3A_405 : vector<224x96xf32>
    %add3A_695 = arith.addf %add3A_693, %add3A_427 : vector<224x96xf32>
    %add3A_696 = arith.addf %add3A_694, %add3A_437 : vector<224x96xf32>
    %add3A_697 = arith.addf %add3A_695, %add3A_459 : vector<224x96xf32>
    %add3A_698 = arith.addf %add3A_696, %add3A_469 : vector<224x96xf32>
    %add3A_699 = arith.addf %add3A_697, %add3A_491 : vector<224x96xf32>
    %add3A_700 = arith.addf %add3A_698, %add3A_501 : vector<224x96xf32>
    %dot_general3A_701 = arith.constant dense<0.000000e+00> : vector<14x96xf32>
    %dot_general3A_702 = tpu.matmul %select_n3A_670, %add3A_699, %dot_general3A_701 {dimension_numbers = #tpu.dot_dimension_numbers<[1], [0], [0], [1], [0, 0, 1, 1], [], []>, precision = #tpu.contract_precision<fp32>, transpose_lhs_hint = false} : vector<14x224xf32>, vector<224x96xf32>, vector<14x96xf32> -> vector<14x96xf32>
    %mul3A_703 = arith.constant 3.906250e-03 : f32
    %mul3A_704 = vector.broadcast %mul3A_703 : f32 to vector<14x96xf32>
    %mul3A_705 = arith.mulf %dot_general3A_702, %mul3A_704 : vector<14x96xf32>
    %reshape3A_706 = vector.shape_cast %mul3A_705 : vector<14x96xf32> to vector<1x14x1x96xf32>
    %swap3A_707 = arith.constant 0 : index
    %swap3A_708 = arith.constant 0 : index
    %swap3A_709 = arith.constant 0 : index
    %swap3A_710 = arith.constant 0 : index
    %swap3A_711 = vector.load %arg12[%swap3A_707, %swap3A_708, %swap3A_709, %swap3A_710] : memref<1x14x1x96xf32, #tpu.memory_space<vmem>>, vector<1x14x1x96xf32>
    tpu.vector_store %arg12[%swap3A_707, %swap3A_708, %swap3A_709, %swap3A_710], %reshape3A_706 {strides = array<i32>} : memref<1x14x1x96xf32, #tpu.memory_space<vmem>>, vector<1x14x1x96xf32>,
    %dot_general3A_712 = arith.constant dense<0.000000e+00> : vector<14x96xf32>
    %dot_general3A_713 = tpu.matmul %select_n3A_670, %add3A_700, %dot_general3A_712 {dimension_numbers = #tpu.dot_dimension_numbers<[1], [0], [0], [1], [0, 0, 1, 1], [], []>, precision = #tpu.contract_precision<fp32>, transpose_lhs_hint = false} : vector<14x224xf32>, vector<224x96xf32>, vector<14x96xf32> -> vector<14x96xf32>
    %mul3A_714 = arith.constant 3.906250e-03 : f32
    %mul3A_715 = vector.broadcast %mul3A_714 : f32 to vector<14x96xf32>
    %mul3A_716 = arith.mulf %dot_general3A_713, %mul3A_715 : vector<14x96xf32>
    %reshape3A_717 = vector.shape_cast %mul3A_716 : vector<14x96xf32> to vector<1x14x1x96xf32>
    %swap3A_718 = arith.constant 0 : index
    %swap3A_719 = arith.constant 0 : index
    %swap3A_720 = arith.constant 0 : index
    %swap3A_721 = arith.constant 0 : index
    %swap3A_722 = vector.load %arg13[%swap3A_718, %swap3A_719, %swap3A_720, %swap3A_721] : memref<1x14x1x96xf32, #tpu.memory_space<vmem>>, vector<1x14x1x96xf32>
    tpu.vector_store %arg13[%swap3A_718, %swap3A_719, %swap3A_720, %swap3A_721], %reshape3A_717 {strides = array<i32>} : memref<1x14x1x96xf32, #tpu.memory_space<vmem>>, vector<1x14x1x96xf32>,
    return
  }
  func.func @transform_0(%arg0: i32, %arg1: i32) -> (i32, i32, i32, i32) {
    %c0_i32 = arith.constant 0 : i32
    %c0_i32_0 = arith.constant 0 : i32
    %c0_i32_1 = arith.constant 0 : i32
    return %arg0, %arg1, %c0_i32, %c0_i32_0 : i32, i32, i32, i32
  }
  func.func @transform_1(%arg0: i32, %arg1: i32) -> (i32, i32) {
    %c0_i32 = arith.constant 0 : i32
    %c0_i32_0 = arith.constant 0 : i32
    %c0_i32_1 = arith.constant 0 : i32
    return %c0_i32, %c0_i32_0 : i32, i32
  }
  func.func @transform_2(%arg0: i32, %arg1: i32) -> (i32, i32) {
    %c0_i32 = arith.constant 0 : i32
    %c0_i32_0 = arith.constant 0 : i32
    %c0_i32_1 = arith.constant 0 : i32
    return %c0_i32, %c0_i32_0 : i32, i32
  }
  func.func @transform_3(%arg0: i32, %arg1: i32) -> (i32, i32) {
    %c0_i32 = arith.constant 0 : i32
    %c0_i32_0 = arith.constant 0 : i32
    %c0_i32_1 = arith.constant 0 : i32
    return %c0_i32, %c0_i32_0 : i32, i32
  }
  func.func @transform_4(%arg0: i32, %arg1: i32) -> (i32, i32) {
    %c0_i32 = arith.constant 0 : i32
    %c0_i32_0 = arith.constant 0 : i32
    %c0_i32_1 = arith.constant 0 : i32
    return %c0_i32, %c0_i32_0 : i32, i32
  }
  func.func @transform_5(%arg0: i32, %arg1: i32) -> (i32, i32) {
    %c0_i32 = arith.constant 0 : i32
    %c0_i32_0 = arith.constant 0 : i32
    %c0_i32_1 = arith.constant 0 : i32
    return %c0_i32, %c0_i32_0 : i32, i32
  }
  func.func @transform_6(%arg0: i32, %arg1: i32) -> (i32, i32) {
    %c0_i32 = arith.constant 0 : i32
    %c0_i32_0 = arith.constant 0 : i32
    %c0_i32_1 = arith.constant 0 : i32
    return %c0_i32, %c0_i32_0 : i32, i32
  }
  func.func @transform_7(%arg0: i32, %arg1: i32) -> (i32, i32, i32, i32) {
    %c0_i32 = arith.constant 0 : i32
    %c0_i32_0 = arith.constant 0 : i32
    %c0_i32_1 = arith.constant 0 : i32
    return %arg0, %arg1, %c0_i32, %c0_i32_0 : i32, i32, i32, i32
  }
  func.func @transform_8(%arg0: i32, %arg1: i32) -> (i32, i32, i32, i32) {
    %c0_i32 = arith.constant 0 : i32
    %c0_i32_0 = arith.constant 0 : i32
    %c0_i32_1 = arith.constant 0 : i32
    return %arg0, %arg1, %c0_i32, %c0_i32_0 : i32, i32, i32, i32
  }
  func.func @transform_9(%arg0: i32, %arg1: i32) -> (i32, i32, i32, i32) {
    %c0_i32 = arith.constant 0 : i32
    %c0_i32_0 = arith.constant 0 : i32
    %c0_i32_1 = arith.constant 0 : i32
    return %arg0, %arg1, %c0_i32, %c0_i32_0 : i32, i32, i32, i32
  }
  func.func @transform_10(%arg0: i32, %arg1: i32) -> (i32, i32, i32, i32) {
    %c0_i32 = arith.constant 0 : i32
    %c0_i32_0 = arith.constant 0 : i32
    %c0_i32_1 = arith.constant 0 : i32
    return %arg0, %arg1, %c0_i32, %c0_i32_0 : i32, i32, i32, i32
  }
  func.func @transform_11(%arg0: i32, %arg1: i32) -> (i32, i32, i32, i32) {
    %c0_i32 = arith.constant 0 : i32
    %c0_i32_0 = arith.constant 0 : i32
    %c0_i32_1 = arith.constant 0 : i32
    return %arg0, %arg1, %c0_i32, %c0_i32_0 : i32, i32, i32, i32
  }
}

module attributes {stable_mosaic.version = 14 : i64} {
  func.func @_k2_body(%arg0: i32, %arg1: memref<1x196x1x96xf32, #tpu.memory_space<vmem>>, %arg2: memref<1x196x1x96xf32, #tpu.memory_space<vmem>>, %arg3: memref<1x196x4xi32, #tpu.memory_space<vmem>>) attributes {dimension_semantics = [#tpu.dimension_semantics<arbitrary>], iteration_bounds = array<i64: 4>, scalar_prefetch = 0 : i64, scratch_operands = 0 : i64, tpu.core_type = #tpu.core_type<tc>, window_params = [{transform_indices = @transform_0, window_bounds = array<i64: 1, 196, 1, 96>}, {transform_indices = @transform_1, window_bounds = array<i64: 1, 196, 1, 96>}, {transform_indices = @transform_2, window_bounds = array<i64: 1, 196, 4>}]} {
    %get3A = arith.constant 0 : index
    %get3A_0 = arith.constant 0 : index
    %get3A_1 = arith.constant 0 : index
    %get3A_2 = arith.constant 0 : index
    %get3A_3 = vector.load %arg1[%get3A, %get3A_0, %get3A_1, %get3A_2] : memref<1x196x1x96xf32, #tpu.memory_space<vmem>>, vector<1x196x1x96xf32>
    %reshape3A = vector.shape_cast %get3A_3 : vector<1x196x1x96xf32> to vector<196x96xf32>
    %get3A_4 = arith.constant 0 : index
    %get3A_5 = arith.constant 0 : index
    %get3A_6 = arith.constant 0 : index
    %get3A_7 = arith.constant 0 : index
    %get3A_8 = vector.load %arg2[%get3A_4, %get3A_5, %get3A_6, %get3A_7] : memref<1x196x1x96xf32, #tpu.memory_space<vmem>>, vector<1x196x1x96xf32>
    %reshape3A_9 = vector.shape_cast %get3A_8 : vector<1x196x1x96xf32> to vector<196x96xf32>
    %mul3A = arith.constant 0.102062076 : f32
    %mul3A_10 = vector.broadcast %mul3A : f32 to vector<196x96xf32>
    %mul3A_11 = arith.mulf %reshape3A, %mul3A_10 : vector<196x96xf32>
    %dot_general3A = arith.constant dense<0.000000e+00> : vector<196x196xf32>
    %dot_general3A_12 = tpu.matmul %mul3A_11, %reshape3A_9, %dot_general3A {dimension_numbers = #tpu.dot_dimension_numbers<[1], [1], [0], [0], [0, 0, 1, 0], [], []>, transpose_lhs_hint = false} : vector<196x96xf32>, vector<196x96xf32>, vector<196x196xf32> -> vector<196x196xf32>
    %iota3A = tpu.iota {dimensions = array<i32: 1>} : vector<196x196xi32>
    %reduce_max3A = arith.constant dense<0xFF800000> : vector<196xf32>
    %reduce_max3A_13 = vector.multi_reduction <maximumf>, %dot_general3A_12, %reduce_max3A [1] : vector<196x196xf32> to vector<196xf32>
    %broadcast_in_dim3A = vector.shape_cast %reduce_max3A_13 : vector<196xf32> to vector<196x1xf32>
    %ge3A = vector.broadcast %broadcast_in_dim3A : vector<196x1xf32> to vector<196x196xf32>
    %ge3A_14 = arith.cmpf oge, %dot_general3A_12, %ge3A : vector<196x196xf32>
    %jit3A = arith.constant 1073741824 : i32
    %broadcast_in_dim3A_15 = vector.broadcast %jit3A : i32 to vector<196x196xi32>
    %select_n3A = arith.select %ge3A_14, %iota3A, %broadcast_in_dim3A_15 : vector<196x196xi1>, vector<196x196xi32>
    %reduce_min3A = arith.constant dense<2147483647> : vector<196xi32>
    %reduce_min3A_16 = vector.multi_reduction <minsi>, %select_n3A, %reduce_min3A [1] : vector<196x196xi32> to vector<196xi32>
    %broadcast_in_dim3A_17 = vector.shape_cast %reduce_min3A_16 : vector<196xi32> to vector<196x1xi32>
    %eq3A = vector.broadcast %broadcast_in_dim3A_17 : vector<196x1xi32> to vector<196x196xi32>
    %eq3A_18 = arith.cmpi eq, %iota3A, %eq3A : vector<196x196xi32>
    %jit3A_19 = arith.constant 0xFF800000 : f32
    %broadcast_in_dim3A_20 = vector.broadcast %jit3A_19 : f32 to vector<196x196xf32>
    %select_n3A_21 = arith.select %eq3A_18, %broadcast_in_dim3A_20, %dot_general3A_12 : vector<196x196xi1>, vector<196x196xf32>
    %reduce_max3A_22 = arith.constant dense<0xFF800000> : vector<196xf32>
    %reduce_max3A_23 = vector.multi_reduction <maximumf>, %select_n3A_21, %reduce_max3A_22 [1] : vector<196x196xf32> to vector<196xf32>
    %broadcast_in_dim3A_24 = vector.shape_cast %reduce_max3A_23 : vector<196xf32> to vector<196x1xf32>
    %ge3A_25 = vector.broadcast %broadcast_in_dim3A_24 : vector<196x1xf32> to vector<196x196xf32>
    %ge3A_26 = arith.cmpf oge, %select_n3A_21, %ge3A_25 : vector<196x196xf32>
    %jit3A_27 = arith.constant 1073741824 : i32
    %broadcast_in_dim3A_28 = vector.broadcast %jit3A_27 : i32 to vector<196x196xi32>
    %select_n3A_29 = arith.select %ge3A_26, %iota3A, %broadcast_in_dim3A_28 : vector<196x196xi1>, vector<196x196xi32>
    %reduce_min3A_30 = arith.constant dense<2147483647> : vector<196xi32>
    %reduce_min3A_31 = vector.multi_reduction <minsi>, %select_n3A_29, %reduce_min3A_30 [1] : vector<196x196xi32> to vector<196xi32>
    %broadcast_in_dim3A_32 = vector.shape_cast %reduce_min3A_31 : vector<196xi32> to vector<196x1xi32>
    %eq3A_33 = vector.broadcast %broadcast_in_dim3A_32 : vector<196x1xi32> to vector<196x196xi32>
    %eq3A_34 = arith.cmpi eq, %iota3A, %eq3A_33 : vector<196x196xi32>
    %jit3A_35 = arith.constant 0xFF800000 : f32
    %broadcast_in_dim3A_36 = vector.broadcast %jit3A_35 : f32 to vector<196x196xf32>
    %select_n3A_37 = arith.select %eq3A_34, %broadcast_in_dim3A_36, %select_n3A_21 : vector<196x196xi1>, vector<196x196xf32>
    %reduce_max3A_38 = arith.constant dense<0xFF800000> : vector<196xf32>
    %reduce_max3A_39 = vector.multi_reduction <maximumf>, %select_n3A_37, %reduce_max3A_38 [1] : vector<196x196xf32> to vector<196xf32>
    %broadcast_in_dim3A_40 = vector.shape_cast %reduce_max3A_39 : vector<196xf32> to vector<196x1xf32>
    %ge3A_41 = vector.broadcast %broadcast_in_dim3A_40 : vector<196x1xf32> to vector<196x196xf32>
    %ge3A_42 = arith.cmpf oge, %select_n3A_37, %ge3A_41 : vector<196x196xf32>
    %jit3A_43 = arith.constant 1073741824 : i32
    %broadcast_in_dim3A_44 = vector.broadcast %jit3A_43 : i32 to vector<196x196xi32>
    %select_n3A_45 = arith.select %ge3A_42, %iota3A, %broadcast_in_dim3A_44 : vector<196x196xi1>, vector<196x196xi32>
    %reduce_min3A_46 = arith.constant dense<2147483647> : vector<196xi32>
    %reduce_min3A_47 = vector.multi_reduction <minsi>, %select_n3A_45, %reduce_min3A_46 [1] : vector<196x196xi32> to vector<196xi32>
    %broadcast_in_dim3A_48 = vector.shape_cast %reduce_min3A_47 : vector<196xi32> to vector<196x1xi32>
    %eq3A_49 = vector.broadcast %broadcast_in_dim3A_48 : vector<196x1xi32> to vector<196x196xi32>
    %eq3A_50 = arith.cmpi eq, %iota3A, %eq3A_49 : vector<196x196xi32>
    %jit3A_51 = arith.constant 0xFF800000 : f32
    %broadcast_in_dim3A_52 = vector.broadcast %jit3A_51 : f32 to vector<196x196xf32>
    %select_n3A_53 = arith.select %eq3A_50, %broadcast_in_dim3A_52, %select_n3A_37 : vector<196x196xi1>, vector<196x196xf32>
    %reduce_max3A_54 = arith.constant dense<0xFF800000> : vector<196xf32>
    %reduce_max3A_55 = vector.multi_reduction <maximumf>, %select_n3A_53, %reduce_max3A_54 [1] : vector<196x196xf32> to vector<196xf32>
    %broadcast_in_dim3A_56 = vector.shape_cast %reduce_max3A_55 : vector<196xf32> to vector<196x1xf32>
    %ge3A_57 = vector.broadcast %broadcast_in_dim3A_56 : vector<196x1xf32> to vector<196x196xf32>
    %ge3A_58 = arith.cmpf oge, %select_n3A_53, %ge3A_57 : vector<196x196xf32>
    %jit3A_59 = arith.constant 1073741824 : i32
    %broadcast_in_dim3A_60 = vector.broadcast %jit3A_59 : i32 to vector<196x196xi32>
    %select_n3A_61 = arith.select %ge3A_58, %iota3A, %broadcast_in_dim3A_60 : vector<196x196xi1>, vector<196x196xi32>
    %reduce_min3A_62 = arith.constant dense<2147483647> : vector<196xi32>
    %reduce_min3A_63 = vector.multi_reduction <minsi>, %select_n3A_61, %reduce_min3A_62 [1] : vector<196x196xi32> to vector<196xi32>
    %broadcast_in_dim3A_64 = vector.shape_cast %reduce_min3A_63 : vector<196xi32> to vector<196x1xi32>
    %concatenate3A = tpu.concatenate %broadcast_in_dim3A_17, %broadcast_in_dim3A_32, %broadcast_in_dim3A_48, %broadcast_in_dim3A_64 in 1 : vector<196x1xi32>, vector<196x1xi32>, vector<196x1xi32>, vector<196x1xi32> -> vector<196x4xi32>
    %reshape3A_65 = vector.shape_cast %concatenate3A : vector<196x4xi32> to vector<1x196x4xi32>
    %swap3A = arith.constant 0 : index
    %swap3A_66 = arith.constant 0 : index
    %swap3A_67 = arith.constant 0 : index
    %swap3A_68 = vector.load %arg3[%swap3A, %swap3A_66, %swap3A_67] : memref<1x196x4xi32, #tpu.memory_space<vmem>>, vector<1x196x4xi32>
    tpu.vector_store %arg3[%swap3A, %swap3A_66, %swap3A_67], %reshape3A_65 {strides = array<i32>} : memref<1x196x4xi32, #tpu.memory_space<vmem>>, vector<1x196x4xi32>,
    return
  }
  func.func @transform_0(%arg0: i32) -> (i32, i32, i32, i32) {
    %c0_i32 = arith.constant 0 : i32
    %c0_i32_0 = arith.constant 0 : i32
    %c0_i32_1 = arith.constant 0 : i32
    %c0_i32_2 = arith.constant 0 : i32
    return %arg0, %c0_i32, %c0_i32_0, %c0_i32_1 : i32, i32, i32, i32
  }
  func.func @transform_1(%arg0: i32) -> (i32, i32, i32, i32) {
    %add3A = arith.constant 1 : i32
    %add3A_0 = arith.addi %arg0, %add3A : i32
    %min3A = arith.constant 3 : i32
    %min3A_1 = arith.minsi %add3A_0, %min3A : i32
    %c0_i32 = arith.constant 0 : i32
    %c0_i32_2 = arith.constant 0 : i32
    %c0_i32_3 = arith.constant 0 : i32
    %c0_i32_4 = arith.constant 0 : i32
    return %min3A_1, %c0_i32, %c0_i32_2, %c0_i32_3 : i32, i32, i32, i32
  }
  func.func @transform_2(%arg0: i32) -> (i32, i32, i32) {
    %c0_i32 = arith.constant 0 : i32
    %c0_i32_0 = arith.constant 0 : i32
    %c0_i32_1 = arith.constant 0 : i32
    return %arg0, %c0_i32, %c0_i32_0 : i32, i32, i32
  }
}

module attributes {stable_mosaic.version = 14 : i64} {
  func.func @_k3_body(%arg0: i32, %arg1: i32, %arg2: memref<4x196x4xi32, #tpu.memory_space<smem>>, %arg3: memref<1x14x256x96xf32, #tpu.memory_space<vmem>>, %arg4: memref<1x196x16x96xf32, #tpu.memory_space<vmem>>, %arg5: memref<1x196x16x96xf32, #tpu.memory_space<vmem>>, %arg6: memref<96x96xf32, #tpu.memory_space<vmem>>, %arg7: memref<1x96xf32, #tpu.memory_space<vmem>>, %arg8: memref<1x16x224x96xf32, #tpu.memory_space<vmem>>) attributes {dimension_semantics = [#tpu.dimension_semantics<arbitrary>, #tpu.dimension_semantics<arbitrary>], iteration_bounds = array<i64: 4, 14>, scalar_prefetch = 1 : i64, scratch_operands = 0 : i64, tpu.core_type = #tpu.core_type<tc>, window_params = [{transform_indices = @transform_0, window_bounds = array<i64: 1, 14, 256, 96>}, {transform_indices = @transform_1, window_bounds = array<i64: 1, 196, 16, 96>}, {transform_indices = @transform_2, window_bounds = array<i64: 1, 196, 16, 96>}, {pipeline_mode = #tpu.pipeline_mode<synchronous>, transform_indices = @transform_3, window_bounds = array<i64: 96, 96>}, {pipeline_mode = #tpu.pipeline_mode<synchronous>, transform_indices = @transform_4, window_bounds = array<i64: 1, 96>}, {transform_indices = @transform_5, window_bounds = array<i64: 1, 16, 224, 96>}]} {
    %get3A = arith.constant 0 : index
    %get3A_0 = arith.constant 0 : index
    %get3A_1 = vector.load %arg6[%get3A, %get3A_0] : memref<96x96xf32, #tpu.memory_space<vmem>>, vector<96x96xf32>
    %get3A_2 = arith.constant 0 : index
    %get3A_3 = arith.constant 0 : index
    %get3A_4 = vector.load %arg7[%get3A_2, %get3A_3] : memref<1x96xf32, #tpu.memory_space<vmem>>, vector<1x96xf32>
    %mul3A = arith.constant 14 : i32
    %mul3A_5 = arith.muli %arg1, %mul3A : i32
    %add3A = arith.constant 0 : i32
    %add3A_6 = arith.addi %mul3A_5, %add3A : i32
    %get3A_7 = arith.constant 0 : index
    %get3A_8 = arith.constant 0 : index
    %get3A_9 = arith.constant 0 : index
    %get3A_10 = arith.constant 0 : index
    %get3A_11 = vector.load %arg3[%get3A_7, %get3A_8, %get3A_9, %get3A_10] : memref<1x14x256x96xf32, #tpu.memory_space<vmem>>, vector<1x14x256x96xf32>
    %slice3A = vector.extract_strided_slice %get3A_11 {offsets = [0, 0, 0, 0], sizes = [1, 1, 256, 96], strides = [1, 1, 1, 1]} : vector<1x14x256x96xf32> to vector<1x1x256x96xf32>
    %squeeze3A = vector.shape_cast %slice3A : vector<1x1x256x96xf32> to vector<256x96xf32>
    %get3A_12 = arith.index_cast %arg0 : i32 to index
    %get3A_13 = arith.index_cast %add3A_6 : i32 to index
    %get3A_14 = arith.constant 0 : index
    %get3A_15 = memref.load %arg2[%get3A_12, %get3A_13, %get3A_14] : memref<4x196x4xi32, #tpu.memory_space<smem>>
    %get3A_16 = arith.constant 0 : index
    %get3A_17 = arith.index_cast %get3A_15 : i32 to index
    %get3A_18 = arith.constant 0 : index
    %get3A_19 = arith.constant 0 : index
    %get3A_20 = vector.load %arg4[%get3A_16, %get3A_17, %get3A_18, %get3A_19] : memref<1x196x16x96xf32, #tpu.memory_space<vmem>>, vector<1x1x16x96xf32>
    %get3A_21 = vector.shape_cast %get3A_20 : vector<1x1x16x96xf32> to vector<16x96xf32>
    %get3A_22 = arith.constant 0 : index
    %get3A_23 = arith.index_cast %get3A_15 : i32 to index
    %get3A_24 = arith.constant 0 : index
    %get3A_25 = arith.constant 0 : index
    %get3A_26 = vector.load %arg5[%get3A_22, %get3A_23, %get3A_24, %get3A_25] : memref<1x196x16x96xf32, #tpu.memory_space<vmem>>, vector<1x1x16x96xf32>
    %get3A_27 = vector.shape_cast %get3A_26 : vector<1x1x16x96xf32> to vector<16x96xf32>
    %get3A_28 = arith.index_cast %arg0 : i32 to index
    %get3A_29 = arith.index_cast %add3A_6 : i32 to index
    %get3A_30 = arith.constant 1 : index
    %get3A_31 = memref.load %arg2[%get3A_28, %get3A_29, %get3A_30] : memref<4x196x4xi32, #tpu.memory_space<smem>>
    %get3A_32 = arith.constant 0 : index
    %get3A_33 = arith.index_cast %get3A_31 : i32 to index
    %get3A_34 = arith.constant 0 : index
    %get3A_35 = arith.constant 0 : index
    %get3A_36 = vector.load %arg4[%get3A_32, %get3A_33, %get3A_34, %get3A_35] : memref<1x196x16x96xf32, #tpu.memory_space<vmem>>, vector<1x1x16x96xf32>
    %get3A_37 = vector.shape_cast %get3A_36 : vector<1x1x16x96xf32> to vector<16x96xf32>
    %get3A_38 = arith.constant 0 : index
    %get3A_39 = arith.index_cast %get3A_31 : i32 to index
    %get3A_40 = arith.constant 0 : index
    %get3A_41 = arith.constant 0 : index
    %get3A_42 = vector.load %arg5[%get3A_38, %get3A_39, %get3A_40, %get3A_41] : memref<1x196x16x96xf32, #tpu.memory_space<vmem>>, vector<1x1x16x96xf32>
    %get3A_43 = vector.shape_cast %get3A_42 : vector<1x1x16x96xf32> to vector<16x96xf32>
    %get3A_44 = arith.index_cast %arg0 : i32 to index
    %get3A_45 = arith.index_cast %add3A_6 : i32 to index
    %get3A_46 = arith.constant 2 : index
    %get3A_47 = memref.load %arg2[%get3A_44, %get3A_45, %get3A_46] : memref<4x196x4xi32, #tpu.memory_space<smem>>
    %get3A_48 = arith.constant 0 : index
    %get3A_49 = arith.index_cast %get3A_47 : i32 to index
    %get3A_50 = arith.constant 0 : index
    %get3A_51 = arith.constant 0 : index
    %get3A_52 = vector.load %arg4[%get3A_48, %get3A_49, %get3A_50, %get3A_51] : memref<1x196x16x96xf32, #tpu.memory_space<vmem>>, vector<1x1x16x96xf32>
    %get3A_53 = vector.shape_cast %get3A_52 : vector<1x1x16x96xf32> to vector<16x96xf32>
    %get3A_54 = arith.constant 0 : index
    %get3A_55 = arith.index_cast %get3A_47 : i32 to index
    %get3A_56 = arith.constant 0 : index
    %get3A_57 = arith.constant 0 : index
    %get3A_58 = vector.load %arg5[%get3A_54, %get3A_55, %get3A_56, %get3A_57] : memref<1x196x16x96xf32, #tpu.memory_space<vmem>>, vector<1x1x16x96xf32>
    %get3A_59 = vector.shape_cast %get3A_58 : vector<1x1x16x96xf32> to vector<16x96xf32>
    %get3A_60 = arith.index_cast %arg0 : i32 to index
    %get3A_61 = arith.index_cast %add3A_6 : i32 to index
    %get3A_62 = arith.constant 3 : index
    %get3A_63 = memref.load %arg2[%get3A_60, %get3A_61, %get3A_62] : memref<4x196x4xi32, #tpu.memory_space<smem>>
    %get3A_64 = arith.constant 0 : index
    %get3A_65 = arith.index_cast %get3A_63 : i32 to index
    %get3A_66 = arith.constant 0 : index
    %get3A_67 = arith.constant 0 : index
    %get3A_68 = vector.load %arg4[%get3A_64, %get3A_65, %get3A_66, %get3A_67] : memref<1x196x16x96xf32, #tpu.memory_space<vmem>>, vector<1x1x16x96xf32>
    %get3A_69 = vector.shape_cast %get3A_68 : vector<1x1x16x96xf32> to vector<16x96xf32>
    %get3A_70 = arith.constant 0 : index
    %get3A_71 = arith.index_cast %get3A_63 : i32 to index
    %get3A_72 = arith.constant 0 : index
    %get3A_73 = arith.constant 0 : index
    %get3A_74 = vector.load %arg5[%get3A_70, %get3A_71, %get3A_72, %get3A_73] : memref<1x196x16x96xf32, #tpu.memory_space<vmem>>, vector<1x1x16x96xf32>
    %get3A_75 = vector.shape_cast %get3A_74 : vector<1x1x16x96xf32> to vector<16x96xf32>
    %concatenate3A = tpu.concatenate %get3A_21, %get3A_37, %get3A_53, %get3A_69 in 0 : vector<16x96xf32>, vector<16x96xf32>, vector<16x96xf32>, vector<16x96xf32> -> vector<64x96xf32>
    %concatenate3A_76 = tpu.concatenate %get3A_27, %get3A_43, %get3A_59, %get3A_75 in 0 : vector<16x96xf32>, vector<16x96xf32>, vector<16x96xf32>, vector<16x96xf32> -> vector<64x96xf32>
    %iota3A = tpu.iota {dimensions = array<i32: 0>} : vector<512x96xi32>
    %jit3A = arith.constant 64 : i32
    %div3A = vector.broadcast %jit3A : i32 to vector<512x96xi32>
    %div3A_77 = arith.divsi %iota3A, %div3A : vector<512x96xi32>
    %sign3A = arith.constant 0 : i32
    %sign3A_78 = vector.broadcast %sign3A : i32 to vector<512x96xi32>
    %sign3A_79 = arith.cmpi sgt, %iota3A, %sign3A_78 : vector<512x96xi32>
    %sign3A_80 = arith.extui %sign3A_79 : vector<512x96xi1> to vector<512x96xi32>
    %sign3A_81 = arith.constant 0 : i32
    %sign3A_82 = vector.broadcast %sign3A_81 : i32 to vector<512x96xi32>
    %sign3A_83 = arith.cmpi slt, %iota3A, %sign3A_82 : vector<512x96xi32>
    %sign3A_84 = arith.extui %sign3A_83 : vector<512x96xi1> to vector<512x96xi32>
    %sign3A_85 = arith.subi %sign3A_80, %sign3A_84 : vector<512x96xi32>
    %sign3A_86 = arith.constant 0 : i32
    %sign3A_87 = arith.cmpi sgt, %jit3A, %sign3A_86 : i32
    %sign3A_88 = arith.extui %sign3A_87 : i1 to i32
    %sign3A_89 = arith.constant 0 : i32
    %sign3A_90 = arith.cmpi slt, %jit3A, %sign3A_89 : i32
    %sign3A_91 = arith.extui %sign3A_90 : i1 to i32
    %sign3A_92 = arith.subi %sign3A_88, %sign3A_91 : i32
    %ne3A = vector.broadcast %sign3A_92 : i32 to vector<512x96xi32>
    %ne3A_93 = arith.cmpi ne, %sign3A_85, %ne3A : vector<512x96xi32>
    %rem3A = vector.broadcast %jit3A : i32 to vector<512x96xi32>
    %rem3A_94 = arith.remsi %iota3A, %rem3A : vector<512x96xi32>
    %ne3A_95 = arith.constant 0 : i32
    %ne3A_96 = vector.broadcast %ne3A_95 : i32 to vector<512x96xi32>
    %ne3A_97 = arith.cmpi ne, %rem3A_94, %ne3A_96 : vector<512x96xi32>
    %and3A = arith.andi %ne3A_93, %ne3A_97 : vector<512x96xi1>
    %sub3A = arith.constant 1 : i32
    %sub3A_98 = vector.broadcast %sub3A : i32 to vector<512x96xi32>
    %sub3A_99 = arith.subi %div3A_77, %sub3A_98 : vector<512x96xi32>
    %select_n3A = arith.select %and3A, %sub3A_99, %div3A_77 : vector<512x96xi1>, vector<512x96xi32>
    %iota3A_100 = tpu.iota {dimensions = array<i32: 1>} : vector<512x96xi32>
    %jit3A_101 = arith.constant 12 : i32
    %div3A_102 = vector.broadcast %jit3A_101 : i32 to vector<512x96xi32>
    %div3A_103 = arith.divsi %iota3A_100, %div3A_102 : vector<512x96xi32>
    %sign3A_104 = arith.constant 0 : i32
    %sign3A_105 = vector.broadcast %sign3A_104 : i32 to vector<512x96xi32>
    %sign3A_106 = arith.cmpi sgt, %iota3A_100, %sign3A_105 : vector<512x96xi32>
    %sign3A_107 = arith.extui %sign3A_106 : vector<512x96xi1> to vector<512x96xi32>
    %sign3A_108 = arith.constant 0 : i32
    %sign3A_109 = vector.broadcast %sign3A_108 : i32 to vector<512x96xi32>
    %sign3A_110 = arith.cmpi slt, %iota3A_100, %sign3A_109 : vector<512x96xi32>
    %sign3A_111 = arith.extui %sign3A_110 : vector<512x96xi1> to vector<512x96xi32>
    %sign3A_112 = arith.subi %sign3A_107, %sign3A_111 : vector<512x96xi32>
    %sign3A_113 = arith.constant 0 : i32
    %sign3A_114 = arith.cmpi sgt, %jit3A_101, %sign3A_113 : i32
    %sign3A_115 = arith.extui %sign3A_114 : i1 to i32
    %sign3A_116 = arith.constant 0 : i32
    %sign3A_117 = arith.cmpi slt, %jit3A_101, %sign3A_116 : i32
    %sign3A_118 = arith.extui %sign3A_117 : i1 to i32
    %sign3A_119 = arith.subi %sign3A_115, %sign3A_118 : i32
    %ne3A_120 = vector.broadcast %sign3A_119 : i32 to vector<512x96xi32>
    %ne3A_121 = arith.cmpi ne, %sign3A_112, %ne3A_120 : vector<512x96xi32>
    %rem3A_122 = vector.broadcast %jit3A_101 : i32 to vector<512x96xi32>
    %rem3A_123 = arith.remsi %iota3A_100, %rem3A_122 : vector<512x96xi32>
    %ne3A_124 = arith.constant 0 : i32
    %ne3A_125 = vector.broadcast %ne3A_124 : i32 to vector<512x96xi32>
    %ne3A_126 = arith.cmpi ne, %rem3A_123, %ne3A_125 : vector<512x96xi32>
    %and3A_127 = arith.andi %ne3A_121, %ne3A_126 : vector<512x96xi1>
    %sub3A_128 = arith.constant 1 : i32
    %sub3A_129 = vector.broadcast %sub3A_128 : i32 to vector<512x96xi32>
    %sub3A_130 = arith.subi %div3A_103, %sub3A_129 : vector<512x96xi32>
    %select_n3A_131 = arith.select %and3A_127, %sub3A_130, %div3A_103 : vector<512x96xi1>, vector<512x96xi32>
    %eq3A = arith.cmpi eq, %select_n3A, %select_n3A_131 : vector<512x96xi32>
    %concatenate3A_132 = tpu.concatenate %concatenate3A, %concatenate3A, %concatenate3A, %concatenate3A, %concatenate3A, %concatenate3A, %concatenate3A, %concatenate3A in 0 : vector<64x96xf32>, vector<64x96xf32>, vector<64x96xf32>, vector<64x96xf32>, vector<64x96xf32>, vector<64x96xf32>, vector<64x96xf32>, vector<64x96xf32> -> vector<512x96xf32>
    %jit3A_133 = arith.constant 0.000000e+00 : f32
    %broadcast_in_dim3A = vector.broadcast %jit3A_133 : f32 to vector<512x96xf32>
    %select_n3A_134 = arith.select %eq3A, %concatenate3A_132, %broadcast_in_dim3A : vector<512x96xi1>, vector<512x96xf32>
    %mul3A_135 = arith.constant 0.102062076 : f32
    %mul3A_136 = vector.broadcast %mul3A_135 : f32 to vector<256x96xf32>
    %mul3A_137 = arith.mulf %squeeze3A, %mul3A_136 : vector<256x96xf32>
    %dot_general3A = arith.constant dense<0.000000e+00> : vector<256x512xf32>
    %dot_general3A_138 = tpu.matmul %mul3A_137, %select_n3A_134, %dot_general3A {dimension_numbers = #tpu.dot_dimension_numbers<[1], [1], [0], [0], [0, 0, 1, 0], [], []>, transpose_lhs_hint = false} : vector<256x96xf32>, vector<512x96xf32>, vector<256x512xf32> -> vector<256x512xf32>
    %reduce_max3A = arith.constant dense<0xFF800000> : vector<256xf32>
    %reduce_max3A_139 = vector.multi_reduction <maximumf>, %dot_general3A_138, %reduce_max3A [1] : vector<256x512xf32> to vector<256xf32>
    %broadcast_in_dim3A_140 = vector.shape_cast %reduce_max3A_139 : vector<256xf32> to vector<256x1xf32>
    %sub3A_141 = vector.broadcast %broadcast_in_dim3A_140 : vector<256x1xf32> to vector<256x512xf32>
    %sub3A_142 = arith.subf %dot_general3A_138, %sub3A_141 : vector<256x512xf32>
    %exp3A = math.exp %sub3A_142 : vector<256x512xf32>
    %iota3A_143 = tpu.iota {dimensions = array<i32: 0>} : vector<512x8xi32>
    %jit3A_144 = arith.constant 64 : i32
    %div3A_145 = vector.broadcast %jit3A_144 : i32 to vector<512x8xi32>
    %div3A_146 = arith.divsi %iota3A_143, %div3A_145 : vector<512x8xi32>
    %sign3A_147 = arith.constant 0 : i32
    %sign3A_148 = vector.broadcast %sign3A_147 : i32 to vector<512x8xi32>
    %sign3A_149 = arith.cmpi sgt, %iota3A_143, %sign3A_148 : vector<512x8xi32>
    %sign3A_150 = arith.extui %sign3A_149 : vector<512x8xi1> to vector<512x8xi32>
    %sign3A_151 = arith.constant 0 : i32
    %sign3A_152 = vector.broadcast %sign3A_151 : i32 to vector<512x8xi32>
    %sign3A_153 = arith.cmpi slt, %iota3A_143, %sign3A_152 : vector<512x8xi32>
    %sign3A_154 = arith.extui %sign3A_153 : vector<512x8xi1> to vector<512x8xi32>
    %sign3A_155 = arith.subi %sign3A_150, %sign3A_154 : vector<512x8xi32>
    %sign3A_156 = arith.constant 0 : i32
    %sign3A_157 = arith.cmpi sgt, %jit3A_144, %sign3A_156 : i32
    %sign3A_158 = arith.extui %sign3A_157 : i1 to i32
    %sign3A_159 = arith.constant 0 : i32
    %sign3A_160 = arith.cmpi slt, %jit3A_144, %sign3A_159 : i32
    %sign3A_161 = arith.extui %sign3A_160 : i1 to i32
    %sign3A_162 = arith.subi %sign3A_158, %sign3A_161 : i32
    %ne3A_163 = vector.broadcast %sign3A_162 : i32 to vector<512x8xi32>
    %ne3A_164 = arith.cmpi ne, %sign3A_155, %ne3A_163 : vector<512x8xi32>
    %rem3A_165 = vector.broadcast %jit3A_144 : i32 to vector<512x8xi32>
    %rem3A_166 = arith.remsi %iota3A_143, %rem3A_165 : vector<512x8xi32>
    %ne3A_167 = arith.constant 0 : i32
    %ne3A_168 = vector.broadcast %ne3A_167 : i32 to vector<512x8xi32>
    %ne3A_169 = arith.cmpi ne, %rem3A_166, %ne3A_168 : vector<512x8xi32>
    %and3A_170 = arith.andi %ne3A_164, %ne3A_169 : vector<512x8xi1>
    %sub3A_171 = arith.constant 1 : i32
    %sub3A_172 = vector.broadcast %sub3A_171 : i32 to vector<512x8xi32>
    %sub3A_173 = arith.subi %div3A_146, %sub3A_172 : vector<512x8xi32>
    %select_n3A_174 = arith.select %and3A_170, %sub3A_173, %div3A_146 : vector<512x8xi1>, vector<512x8xi32>
    %iota3A_175 = tpu.iota {dimensions = array<i32: 1>} : vector<512x8xi32>
    %eq3A_176 = arith.cmpi eq, %select_n3A_174, %iota3A_175 : vector<512x8xi32>
    %jit3A_177 = arith.constant 1.000000e+00 : f32
    %jit3A_178 = arith.constant 0.000000e+00 : f32
    %broadcast_in_dim3A_179 = vector.broadcast %jit3A_177 : f32 to vector<512x8xf32>
    %broadcast_in_dim3A_180 = vector.broadcast %jit3A_178 : f32 to vector<512x8xf32>
    %select_n3A_181 = arith.select %eq3A_176, %broadcast_in_dim3A_179, %broadcast_in_dim3A_180 : vector<512x8xi1>, vector<512x8xf32>
    %dot_general3A_182 = arith.constant dense<0.000000e+00> : vector<256x8xf32>
    %dot_general3A_183 = tpu.matmul %exp3A, %select_n3A_181, %dot_general3A_182 {dimension_numbers = #tpu.dot_dimension_numbers<[1], [0], [0], [1], [0, 0, 1, 1], [], []>, transpose_lhs_hint = false} : vector<256x512xf32>, vector<512x8xf32>, vector<256x8xf32> -> vector<256x8xf32>
    %max3A = arith.constant 1.000000e-30 : f32
    %max3A_184 = vector.broadcast %max3A : f32 to vector<256x8xf32>
    %max3A_185 = arith.maximumf %dot_general3A_183, %max3A_184 : vector<256x8xf32>
    %div3A_186 = arith.constant 1.000000e+00 : f32
    %div3A_187 = vector.broadcast %div3A_186 : f32 to vector<256x8xf32>
    %div3A_188 = arith.divf %div3A_187, %max3A_185 : vector<256x8xf32>
    %concatenate3A_189 = tpu.concatenate %concatenate3A_76, %concatenate3A_76, %concatenate3A_76, %concatenate3A_76, %concatenate3A_76, %concatenate3A_76, %concatenate3A_76, %concatenate3A_76 in 0 : vector<64x96xf32>, vector<64x96xf32>, vector<64x96xf32>, vector<64x96xf32>, vector<64x96xf32>, vector<64x96xf32>, vector<64x96xf32>, vector<64x96xf32> -> vector<512x96xf32>
    %jit3A_190 = arith.constant 0.000000e+00 : f32
    %broadcast_in_dim3A_191 = vector.broadcast %jit3A_190 : f32 to vector<512x96xf32>
    %select_n3A_192 = arith.select %eq3A, %concatenate3A_189, %broadcast_in_dim3A_191 : vector<512x96xi1>, vector<512x96xf32>
    %dot_general3A_193 = arith.constant dense<0.000000e+00> : vector<256x96xf32>
    %dot_general3A_194 = tpu.matmul %exp3A, %select_n3A_192, %dot_general3A_193 {dimension_numbers = #tpu.dot_dimension_numbers<[1], [0], [0], [1], [0, 0, 1, 1], [], []>, transpose_lhs_hint = false} : vector<256x512xf32>, vector<512x96xf32>, vector<256x96xf32> -> vector<256x96xf32>
    %iota3A_195 = tpu.iota {dimensions = array<i32: 0>} : vector<8x96xi32>
    %iota3A_196 = tpu.iota {dimensions = array<i32: 1>} : vector<8x96xi32>
    %jit3A_197 = arith.constant 12 : i32
    %div3A_198 = vector.broadcast %jit3A_197 : i32 to vector<8x96xi32>
    %div3A_199 = arith.divsi %iota3A_196, %div3A_198 : vector<8x96xi32>
    %sign3A_200 = arith.constant 0 : i32
    %sign3A_201 = vector.broadcast %sign3A_200 : i32 to vector<8x96xi32>
    %sign3A_202 = arith.cmpi sgt, %iota3A_196, %sign3A_201 : vector<8x96xi32>
    %sign3A_203 = arith.extui %sign3A_202 : vector<8x96xi1> to vector<8x96xi32>
    %sign3A_204 = arith.constant 0 : i32
    %sign3A_205 = vector.broadcast %sign3A_204 : i32 to vector<8x96xi32>
    %sign3A_206 = arith.cmpi slt, %iota3A_196, %sign3A_205 : vector<8x96xi32>
    %sign3A_207 = arith.extui %sign3A_206 : vector<8x96xi1> to vector<8x96xi32>
    %sign3A_208 = arith.subi %sign3A_203, %sign3A_207 : vector<8x96xi32>
    %sign3A_209 = arith.constant 0 : i32
    %sign3A_210 = arith.cmpi sgt, %jit3A_197, %sign3A_209 : i32
    %sign3A_211 = arith.extui %sign3A_210 : i1 to i32
    %sign3A_212 = arith.constant 0 : i32
    %sign3A_213 = arith.cmpi slt, %jit3A_197, %sign3A_212 : i32
    %sign3A_214 = arith.extui %sign3A_213 : i1 to i32
    %sign3A_215 = arith.subi %sign3A_211, %sign3A_214 : i32
    %ne3A_216 = vector.broadcast %sign3A_215 : i32 to vector<8x96xi32>
    %ne3A_217 = arith.cmpi ne, %sign3A_208, %ne3A_216 : vector<8x96xi32>
    %rem3A_218 = vector.broadcast %jit3A_197 : i32 to vector<8x96xi32>
    %rem3A_219 = arith.remsi %iota3A_196, %rem3A_218 : vector<8x96xi32>
    %ne3A_220 = arith.constant 0 : i32
    %ne3A_221 = vector.broadcast %ne3A_220 : i32 to vector<8x96xi32>
    %ne3A_222 = arith.cmpi ne, %rem3A_219, %ne3A_221 : vector<8x96xi32>
    %and3A_223 = arith.andi %ne3A_217, %ne3A_222 : vector<8x96xi1>
    %sub3A_224 = arith.constant 1 : i32
    %sub3A_225 = vector.broadcast %sub3A_224 : i32 to vector<8x96xi32>
    %sub3A_226 = arith.subi %div3A_199, %sub3A_225 : vector<8x96xi32>
    %select_n3A_227 = arith.select %and3A_223, %sub3A_226, %div3A_199 : vector<8x96xi1>, vector<8x96xi32>
    %eq3A_228 = arith.cmpi eq, %iota3A_195, %select_n3A_227 : vector<8x96xi32>
    %jit3A_229 = arith.constant 1.000000e+00 : f32
    %jit3A_230 = arith.constant 0.000000e+00 : f32
    %broadcast_in_dim3A_231 = vector.broadcast %jit3A_229 : f32 to vector<8x96xf32>
    %broadcast_in_dim3A_232 = vector.broadcast %jit3A_230 : f32 to vector<8x96xf32>
    %select_n3A_233 = arith.select %eq3A_228, %broadcast_in_dim3A_231, %broadcast_in_dim3A_232 : vector<8x96xi1>, vector<8x96xf32>
    %dot_general3A_234 = arith.constant dense<0.000000e+00> : vector<256x96xf32>
    %dot_general3A_235 = tpu.matmul %div3A_188, %select_n3A_233, %dot_general3A_234 {dimension_numbers = #tpu.dot_dimension_numbers<[1], [0], [0], [1], [0, 0, 1, 1], [], []>, transpose_lhs_hint = false} : vector<256x8xf32>, vector<8x96xf32>, vector<256x96xf32> -> vector<256x96xf32>
    %mul3A_236 = arith.mulf %dot_general3A_194, %dot_general3A_235 : vector<256x96xf32>
    %dot_general3A_237 = arith.constant dense<0.000000e+00> : vector<256x96xf32>
    %dot_general3A_238 = tpu.matmul %mul3A_236, %get3A_1, %dot_general3A_237 {dimension_numbers = #tpu.dot_dimension_numbers<[1], [0], [0], [1], [0, 0, 1, 1], [], []>, transpose_lhs_hint = false} : vector<256x96xf32>, vector<96x96xf32>, vector<256x96xf32> -> vector<256x96xf32>
    %add3A_239 = vector.broadcast %get3A_4 : vector<1x96xf32> to vector<256x96xf32>
    %add3A_240 = arith.addf %dot_general3A_238, %add3A_239 : vector<256x96xf32>
    %reshape3A = vector.shape_cast %add3A_240 : vector<256x96xf32> to vector<16x16x96xf32>
    %mul3A_241 = arith.constant 14 : i32
    %mul3A_242 = arith.muli %arg1, %mul3A_241 : i32
    %add3A_243 = arith.constant 1 : i32
    %add3A_244 = arith.addi %mul3A_242, %add3A_243 : i32
    %get3A_245 = arith.constant 0 : index
    %get3A_246 = arith.constant 0 : index
    %get3A_247 = arith.constant 0 : index
    %get3A_248 = arith.constant 0 : index
    %get3A_249 = vector.load %arg3[%get3A_245, %get3A_246, %get3A_247, %get3A_248] : memref<1x14x256x96xf32, #tpu.memory_space<vmem>>, vector<1x14x256x96xf32>
    %slice3A_250 = vector.extract_strided_slice %get3A_249 {offsets = [0, 1, 0, 0], sizes = [1, 1, 256, 96], strides = [1, 1, 1, 1]} : vector<1x14x256x96xf32> to vector<1x1x256x96xf32>
    %squeeze3A_251 = vector.shape_cast %slice3A_250 : vector<1x1x256x96xf32> to vector<256x96xf32>
    %get3A_252 = arith.index_cast %arg0 : i32 to index
    %get3A_253 = arith.index_cast %add3A_244 : i32 to index
    %get3A_254 = arith.constant 0 : index
    %get3A_255 = memref.load %arg2[%get3A_252, %get3A_253, %get3A_254] : memref<4x196x4xi32, #tpu.memory_space<smem>>
    %get3A_256 = arith.constant 0 : index
    %get3A_257 = arith.index_cast %get3A_255 : i32 to index
    %get3A_258 = arith.constant 0 : index
    %get3A_259 = arith.constant 0 : index
    %get3A_260 = vector.load %arg4[%get3A_256, %get3A_257, %get3A_258, %get3A_259] : memref<1x196x16x96xf32, #tpu.memory_space<vmem>>, vector<1x1x16x96xf32>
    %get3A_261 = vector.shape_cast %get3A_260 : vector<1x1x16x96xf32> to vector<16x96xf32>
    %get3A_262 = arith.constant 0 : index
    %get3A_263 = arith.index_cast %get3A_255 : i32 to index
    %get3A_264 = arith.constant 0 : index
    %get3A_265 = arith.constant 0 : index
    %get3A_266 = vector.load %arg5[%get3A_262, %get3A_263, %get3A_264, %get3A_265] : memref<1x196x16x96xf32, #tpu.memory_space<vmem>>, vector<1x1x16x96xf32>
    %get3A_267 = vector.shape_cast %get3A_266 : vector<1x1x16x96xf32> to vector<16x96xf32>
    %get3A_268 = arith.index_cast %arg0 : i32 to index
    %get3A_269 = arith.index_cast %add3A_244 : i32 to index
    %get3A_270 = arith.constant 1 : index
    %get3A_271 = memref.load %arg2[%get3A_268, %get3A_269, %get3A_270] : memref<4x196x4xi32, #tpu.memory_space<smem>>
    %get3A_272 = arith.constant 0 : index
    %get3A_273 = arith.index_cast %get3A_271 : i32 to index
    %get3A_274 = arith.constant 0 : index
    %get3A_275 = arith.constant 0 : index
    %get3A_276 = vector.load %arg4[%get3A_272, %get3A_273, %get3A_274, %get3A_275] : memref<1x196x16x96xf32, #tpu.memory_space<vmem>>, vector<1x1x16x96xf32>
    %get3A_277 = vector.shape_cast %get3A_276 : vector<1x1x16x96xf32> to vector<16x96xf32>
    %get3A_278 = arith.constant 0 : index
    %get3A_279 = arith.index_cast %get3A_271 : i32 to index
    %get3A_280 = arith.constant 0 : index
    %get3A_281 = arith.constant 0 : index
    %get3A_282 = vector.load %arg5[%get3A_278, %get3A_279, %get3A_280, %get3A_281] : memref<1x196x16x96xf32, #tpu.memory_space<vmem>>, vector<1x1x16x96xf32>
    %get3A_283 = vector.shape_cast %get3A_282 : vector<1x1x16x96xf32> to vector<16x96xf32>
    %get3A_284 = arith.index_cast %arg0 : i32 to index
    %get3A_285 = arith.index_cast %add3A_244 : i32 to index
    %get3A_286 = arith.constant 2 : index
    %get3A_287 = memref.load %arg2[%get3A_284, %get3A_285, %get3A_286] : memref<4x196x4xi32, #tpu.memory_space<smem>>
    %get3A_288 = arith.constant 0 : index
    %get3A_289 = arith.index_cast %get3A_287 : i32 to index
    %get3A_290 = arith.constant 0 : index
    %get3A_291 = arith.constant 0 : index
    %get3A_292 = vector.load %arg4[%get3A_288, %get3A_289, %get3A_290, %get3A_291] : memref<1x196x16x96xf32, #tpu.memory_space<vmem>>, vector<1x1x16x96xf32>
    %get3A_293 = vector.shape_cast %get3A_292 : vector<1x1x16x96xf32> to vector<16x96xf32>
    %get3A_294 = arith.constant 0 : index
    %get3A_295 = arith.index_cast %get3A_287 : i32 to index
    %get3A_296 = arith.constant 0 : index
    %get3A_297 = arith.constant 0 : index
    %get3A_298 = vector.load %arg5[%get3A_294, %get3A_295, %get3A_296, %get3A_297] : memref<1x196x16x96xf32, #tpu.memory_space<vmem>>, vector<1x1x16x96xf32>
    %get3A_299 = vector.shape_cast %get3A_298 : vector<1x1x16x96xf32> to vector<16x96xf32>
    %get3A_300 = arith.index_cast %arg0 : i32 to index
    %get3A_301 = arith.index_cast %add3A_244 : i32 to index
    %get3A_302 = arith.constant 3 : index
    %get3A_303 = memref.load %arg2[%get3A_300, %get3A_301, %get3A_302] : memref<4x196x4xi32, #tpu.memory_space<smem>>
    %get3A_304 = arith.constant 0 : index
    %get3A_305 = arith.index_cast %get3A_303 : i32 to index
    %get3A_306 = arith.constant 0 : index
    %get3A_307 = arith.constant 0 : index
    %get3A_308 = vector.load %arg4[%get3A_304, %get3A_305, %get3A_306, %get3A_307] : memref<1x196x16x96xf32, #tpu.memory_space<vmem>>, vector<1x1x16x96xf32>
    %get3A_309 = vector.shape_cast %get3A_308 : vector<1x1x16x96xf32> to vector<16x96xf32>
    %get3A_310 = arith.constant 0 : index
    %get3A_311 = arith.index_cast %get3A_303 : i32 to index
    %get3A_312 = arith.constant 0 : index
    %get3A_313 = arith.constant 0 : index
    %get3A_314 = vector.load %arg5[%get3A_310, %get3A_311, %get3A_312, %get3A_313] : memref<1x196x16x96xf32, #tpu.memory_space<vmem>>, vector<1x1x16x96xf32>
    %get3A_315 = vector.shape_cast %get3A_314 : vector<1x1x16x96xf32> to vector<16x96xf32>
    %concatenate3A_316 = tpu.concatenate %get3A_261, %get3A_277, %get3A_293, %get3A_309 in 0 : vector<16x96xf32>, vector<16x96xf32>, vector<16x96xf32>, vector<16x96xf32> -> vector<64x96xf32>
    %concatenate3A_317 = tpu.concatenate %get3A_267, %get3A_283, %get3A_299, %get3A_315 in 0 : vector<16x96xf32>, vector<16x96xf32>, vector<16x96xf32>, vector<16x96xf32> -> vector<64x96xf32>
    %iota3A_318 = tpu.iota {dimensions = array<i32: 0>} : vector<512x96xi32>
    %jit3A_319 = arith.constant 64 : i32
    %div3A_320 = vector.broadcast %jit3A_319 : i32 to vector<512x96xi32>
    %div3A_321 = arith.divsi %iota3A_318, %div3A_320 : vector<512x96xi32>
    %sign3A_322 = arith.constant 0 : i32
    %sign3A_323 = vector.broadcast %sign3A_322 : i32 to vector<512x96xi32>
    %sign3A_324 = arith.cmpi sgt, %iota3A_318, %sign3A_323 : vector<512x96xi32>
    %sign3A_325 = arith.extui %sign3A_324 : vector<512x96xi1> to vector<512x96xi32>
    %sign3A_326 = arith.constant 0 : i32
    %sign3A_327 = vector.broadcast %sign3A_326 : i32 to vector<512x96xi32>
    %sign3A_328 = arith.cmpi slt, %iota3A_318, %sign3A_327 : vector<512x96xi32>
    %sign3A_329 = arith.extui %sign3A_328 : vector<512x96xi1> to vector<512x96xi32>
    %sign3A_330 = arith.subi %sign3A_325, %sign3A_329 : vector<512x96xi32>
    %sign3A_331 = arith.constant 0 : i32
    %sign3A_332 = arith.cmpi sgt, %jit3A_319, %sign3A_331 : i32
    %sign3A_333 = arith.extui %sign3A_332 : i1 to i32
    %sign3A_334 = arith.constant 0 : i32
    %sign3A_335 = arith.cmpi slt, %jit3A_319, %sign3A_334 : i32
    %sign3A_336 = arith.extui %sign3A_335 : i1 to i32
    %sign3A_337 = arith.subi %sign3A_333, %sign3A_336 : i32
    %ne3A_338 = vector.broadcast %sign3A_337 : i32 to vector<512x96xi32>
    %ne3A_339 = arith.cmpi ne, %sign3A_330, %ne3A_338 : vector<512x96xi32>
    %rem3A_340 = vector.broadcast %jit3A_319 : i32 to vector<512x96xi32>
    %rem3A_341 = arith.remsi %iota3A_318, %rem3A_340 : vector<512x96xi32>
    %ne3A_342 = arith.constant 0 : i32
    %ne3A_343 = vector.broadcast %ne3A_342 : i32 to vector<512x96xi32>
    %ne3A_344 = arith.cmpi ne, %rem3A_341, %ne3A_343 : vector<512x96xi32>
    %and3A_345 = arith.andi %ne3A_339, %ne3A_344 : vector<512x96xi1>
    %sub3A_346 = arith.constant 1 : i32
    %sub3A_347 = vector.broadcast %sub3A_346 : i32 to vector<512x96xi32>
    %sub3A_348 = arith.subi %div3A_321, %sub3A_347 : vector<512x96xi32>
    %select_n3A_349 = arith.select %and3A_345, %sub3A_348, %div3A_321 : vector<512x96xi1>, vector<512x96xi32>
    %iota3A_350 = tpu.iota {dimensions = array<i32: 1>} : vector<512x96xi32>
    %jit3A_351 = arith.constant 12 : i32
    %div3A_352 = vector.broadcast %jit3A_351 : i32 to vector<512x96xi32>
    %div3A_353 = arith.divsi %iota3A_350, %div3A_352 : vector<512x96xi32>
    %sign3A_354 = arith.constant 0 : i32
    %sign3A_355 = vector.broadcast %sign3A_354 : i32 to vector<512x96xi32>
    %sign3A_356 = arith.cmpi sgt, %iota3A_350, %sign3A_355 : vector<512x96xi32>
    %sign3A_357 = arith.extui %sign3A_356 : vector<512x96xi1> to vector<512x96xi32>
    %sign3A_358 = arith.constant 0 : i32
    %sign3A_359 = vector.broadcast %sign3A_358 : i32 to vector<512x96xi32>
    %sign3A_360 = arith.cmpi slt, %iota3A_350, %sign3A_359 : vector<512x96xi32>
    %sign3A_361 = arith.extui %sign3A_360 : vector<512x96xi1> to vector<512x96xi32>
    %sign3A_362 = arith.subi %sign3A_357, %sign3A_361 : vector<512x96xi32>
    %sign3A_363 = arith.constant 0 : i32
    %sign3A_364 = arith.cmpi sgt, %jit3A_351, %sign3A_363 : i32
    %sign3A_365 = arith.extui %sign3A_364 : i1 to i32
    %sign3A_366 = arith.constant 0 : i32
    %sign3A_367 = arith.cmpi slt, %jit3A_351, %sign3A_366 : i32
    %sign3A_368 = arith.extui %sign3A_367 : i1 to i32
    %sign3A_369 = arith.subi %sign3A_365, %sign3A_368 : i32
    %ne3A_370 = vector.broadcast %sign3A_369 : i32 to vector<512x96xi32>
    %ne3A_371 = arith.cmpi ne, %sign3A_362, %ne3A_370 : vector<512x96xi32>
    %rem3A_372 = vector.broadcast %jit3A_351 : i32 to vector<512x96xi32>
    %rem3A_373 = arith.remsi %iota3A_350, %rem3A_372 : vector<512x96xi32>
    %ne3A_374 = arith.constant 0 : i32
    %ne3A_375 = vector.broadcast %ne3A_374 : i32 to vector<512x96xi32>
    %ne3A_376 = arith.cmpi ne, %rem3A_373, %ne3A_375 : vector<512x96xi32>
    %and3A_377 = arith.andi %ne3A_371, %ne3A_376 : vector<512x96xi1>
    %sub3A_378 = arith.constant 1 : i32
    %sub3A_379 = vector.broadcast %sub3A_378 : i32 to vector<512x96xi32>
    %sub3A_380 = arith.subi %div3A_353, %sub3A_379 : vector<512x96xi32>
    %select_n3A_381 = arith.select %and3A_377, %sub3A_380, %div3A_353 : vector<512x96xi1>, vector<512x96xi32>
    %eq3A_382 = arith.cmpi eq, %select_n3A_349, %select_n3A_381 : vector<512x96xi32>
    %concatenate3A_383 = tpu.concatenate %concatenate3A_316, %concatenate3A_316, %concatenate3A_316, %concatenate3A_316, %concatenate3A_316, %concatenate3A_316, %concatenate3A_316, %concatenate3A_316 in 0 : vector<64x96xf32>, vector<64x96xf32>, vector<64x96xf32>, vector<64x96xf32>, vector<64x96xf32>, vector<64x96xf32>, vector<64x96xf32>, vector<64x96xf32> -> vector<512x96xf32>
    %jit3A_384 = arith.constant 0.000000e+00 : f32
    %broadcast_in_dim3A_385 = vector.broadcast %jit3A_384 : f32 to vector<512x96xf32>
    %select_n3A_386 = arith.select %eq3A_382, %concatenate3A_383, %broadcast_in_dim3A_385 : vector<512x96xi1>, vector<512x96xf32>
    %mul3A_387 = arith.constant 0.102062076 : f32
    %mul3A_388 = vector.broadcast %mul3A_387 : f32 to vector<256x96xf32>
    %mul3A_389 = arith.mulf %squeeze3A_251, %mul3A_388 : vector<256x96xf32>
    %dot_general3A_390 = arith.constant dense<0.000000e+00> : vector<256x512xf32>
    %dot_general3A_391 = tpu.matmul %mul3A_389, %select_n3A_386, %dot_general3A_390 {dimension_numbers = #tpu.dot_dimension_numbers<[1], [1], [0], [0], [0, 0, 1, 0], [], []>, transpose_lhs_hint = false} : vector<256x96xf32>, vector<512x96xf32>, vector<256x512xf32> -> vector<256x512xf32>
    %reduce_max3A_392 = arith.constant dense<0xFF800000> : vector<256xf32>
    %reduce_max3A_393 = vector.multi_reduction <maximumf>, %dot_general3A_391, %reduce_max3A_392 [1] : vector<256x512xf32> to vector<256xf32>
    %broadcast_in_dim3A_394 = vector.shape_cast %reduce_max3A_393 : vector<256xf32> to vector<256x1xf32>
    %sub3A_395 = vector.broadcast %broadcast_in_dim3A_394 : vector<256x1xf32> to vector<256x512xf32>
    %sub3A_396 = arith.subf %dot_general3A_391, %sub3A_395 : vector<256x512xf32>
    %exp3A_397 = math.exp %sub3A_396 : vector<256x512xf32>
    %iota3A_398 = tpu.iota {dimensions = array<i32: 0>} : vector<512x8xi32>
    %jit3A_399 = arith.constant 64 : i32
    %div3A_400 = vector.broadcast %jit3A_399 : i32 to vector<512x8xi32>
    %div3A_401 = arith.divsi %iota3A_398, %div3A_400 : vector<512x8xi32>
    %sign3A_402 = arith.constant 0 : i32
    %sign3A_403 = vector.broadcast %sign3A_402 : i32 to vector<512x8xi32>
    %sign3A_404 = arith.cmpi sgt, %iota3A_398, %sign3A_403 : vector<512x8xi32>
    %sign3A_405 = arith.extui %sign3A_404 : vector<512x8xi1> to vector<512x8xi32>
    %sign3A_406 = arith.constant 0 : i32
    %sign3A_407 = vector.broadcast %sign3A_406 : i32 to vector<512x8xi32>
    %sign3A_408 = arith.cmpi slt, %iota3A_398, %sign3A_407 : vector<512x8xi32>
    %sign3A_409 = arith.extui %sign3A_408 : vector<512x8xi1> to vector<512x8xi32>
    %sign3A_410 = arith.subi %sign3A_405, %sign3A_409 : vector<512x8xi32>
    %sign3A_411 = arith.constant 0 : i32
    %sign3A_412 = arith.cmpi sgt, %jit3A_399, %sign3A_411 : i32
    %sign3A_413 = arith.extui %sign3A_412 : i1 to i32
    %sign3A_414 = arith.constant 0 : i32
    %sign3A_415 = arith.cmpi slt, %jit3A_399, %sign3A_414 : i32
    %sign3A_416 = arith.extui %sign3A_415 : i1 to i32
    %sign3A_417 = arith.subi %sign3A_413, %sign3A_416 : i32
    %ne3A_418 = vector.broadcast %sign3A_417 : i32 to vector<512x8xi32>
    %ne3A_419 = arith.cmpi ne, %sign3A_410, %ne3A_418 : vector<512x8xi32>
    %rem3A_420 = vector.broadcast %jit3A_399 : i32 to vector<512x8xi32>
    %rem3A_421 = arith.remsi %iota3A_398, %rem3A_420 : vector<512x8xi32>
    %ne3A_422 = arith.constant 0 : i32
    %ne3A_423 = vector.broadcast %ne3A_422 : i32 to vector<512x8xi32>
    %ne3A_424 = arith.cmpi ne, %rem3A_421, %ne3A_423 : vector<512x8xi32>
    %and3A_425 = arith.andi %ne3A_419, %ne3A_424 : vector<512x8xi1>
    %sub3A_426 = arith.constant 1 : i32
    %sub3A_427 = vector.broadcast %sub3A_426 : i32 to vector<512x8xi32>
    %sub3A_428 = arith.subi %div3A_401, %sub3A_427 : vector<512x8xi32>
    %select_n3A_429 = arith.select %and3A_425, %sub3A_428, %div3A_401 : vector<512x8xi1>, vector<512x8xi32>
    %iota3A_430 = tpu.iota {dimensions = array<i32: 1>} : vector<512x8xi32>
    %eq3A_431 = arith.cmpi eq, %select_n3A_429, %iota3A_430 : vector<512x8xi32>
    %jit3A_432 = arith.constant 1.000000e+00 : f32
    %jit3A_433 = arith.constant 0.000000e+00 : f32
    %broadcast_in_dim3A_434 = vector.broadcast %jit3A_432 : f32 to vector<512x8xf32>
    %broadcast_in_dim3A_435 = vector.broadcast %jit3A_433 : f32 to vector<512x8xf32>
    %select_n3A_436 = arith.select %eq3A_431, %broadcast_in_dim3A_434, %broadcast_in_dim3A_435 : vector<512x8xi1>, vector<512x8xf32>
    %dot_general3A_437 = arith.constant dense<0.000000e+00> : vector<256x8xf32>
    %dot_general3A_438 = tpu.matmul %exp3A_397, %select_n3A_436, %dot_general3A_437 {dimension_numbers = #tpu.dot_dimension_numbers<[1], [0], [0], [1], [0, 0, 1, 1], [], []>, transpose_lhs_hint = false} : vector<256x512xf32>, vector<512x8xf32>, vector<256x8xf32> -> vector<256x8xf32>
    %max3A_439 = arith.constant 1.000000e-30 : f32
    %max3A_440 = vector.broadcast %max3A_439 : f32 to vector<256x8xf32>
    %max3A_441 = arith.maximumf %dot_general3A_438, %max3A_440 : vector<256x8xf32>
    %div3A_442 = arith.constant 1.000000e+00 : f32
    %div3A_443 = vector.broadcast %div3A_442 : f32 to vector<256x8xf32>
    %div3A_444 = arith.divf %div3A_443, %max3A_441 : vector<256x8xf32>
    %concatenate3A_445 = tpu.concatenate %concatenate3A_317, %concatenate3A_317, %concatenate3A_317, %concatenate3A_317, %concatenate3A_317, %concatenate3A_317, %concatenate3A_317, %concatenate3A_317 in 0 : vector<64x96xf32>, vector<64x96xf32>, vector<64x96xf32>, vector<64x96xf32>, vector<64x96xf32>, vector<64x96xf32>, vector<64x96xf32>, vector<64x96xf32> -> vector<512x96xf32>
    %jit3A_446 = arith.constant 0.000000e+00 : f32
    %broadcast_in_dim3A_447 = vector.broadcast %jit3A_446 : f32 to vector<512x96xf32>
    %select_n3A_448 = arith.select %eq3A_382, %concatenate3A_445, %broadcast_in_dim3A_447 : vector<512x96xi1>, vector<512x96xf32>
    %dot_general3A_449 = arith.constant dense<0.000000e+00> : vector<256x96xf32>
    %dot_general3A_450 = tpu.matmul %exp3A_397, %select_n3A_448, %dot_general3A_449 {dimension_numbers = #tpu.dot_dimension_numbers<[1], [0], [0], [1], [0, 0, 1, 1], [], []>, transpose_lhs_hint = false} : vector<256x512xf32>, vector<512x96xf32>, vector<256x96xf32> -> vector<256x96xf32>
    %iota3A_451 = tpu.iota {dimensions = array<i32: 0>} : vector<8x96xi32>
    %iota3A_452 = tpu.iota {dimensions = array<i32: 1>} : vector<8x96xi32>
    %jit3A_453 = arith.constant 12 : i32
    %div3A_454 = vector.broadcast %jit3A_453 : i32 to vector<8x96xi32>
    %div3A_455 = arith.divsi %iota3A_452, %div3A_454 : vector<8x96xi32>
    %sign3A_456 = arith.constant 0 : i32
    %sign3A_457 = vector.broadcast %sign3A_456 : i32 to vector<8x96xi32>
    %sign3A_458 = arith.cmpi sgt, %iota3A_452, %sign3A_457 : vector<8x96xi32>
    %sign3A_459 = arith.extui %sign3A_458 : vector<8x96xi1> to vector<8x96xi32>
    %sign3A_460 = arith.constant 0 : i32
    %sign3A_461 = vector.broadcast %sign3A_460 : i32 to vector<8x96xi32>
    %sign3A_462 = arith.cmpi slt, %iota3A_452, %sign3A_461 : vector<8x96xi32>
    %sign3A_463 = arith.extui %sign3A_462 : vector<8x96xi1> to vector<8x96xi32>
    %sign3A_464 = arith.subi %sign3A_459, %sign3A_463 : vector<8x96xi32>
    %sign3A_465 = arith.constant 0 : i32
    %sign3A_466 = arith.cmpi sgt, %jit3A_453, %sign3A_465 : i32
    %sign3A_467 = arith.extui %sign3A_466 : i1 to i32
    %sign3A_468 = arith.constant 0 : i32
    %sign3A_469 = arith.cmpi slt, %jit3A_453, %sign3A_468 : i32
    %sign3A_470 = arith.extui %sign3A_469 : i1 to i32
    %sign3A_471 = arith.subi %sign3A_467, %sign3A_470 : i32
    %ne3A_472 = vector.broadcast %sign3A_471 : i32 to vector<8x96xi32>
    %ne3A_473 = arith.cmpi ne, %sign3A_464, %ne3A_472 : vector<8x96xi32>
    %rem3A_474 = vector.broadcast %jit3A_453 : i32 to vector<8x96xi32>
    %rem3A_475 = arith.remsi %iota3A_452, %rem3A_474 : vector<8x96xi32>
    %ne3A_476 = arith.constant 0 : i32
    %ne3A_477 = vector.broadcast %ne3A_476 : i32 to vector<8x96xi32>
    %ne3A_478 = arith.cmpi ne, %rem3A_475, %ne3A_477 : vector<8x96xi32>
    %and3A_479 = arith.andi %ne3A_473, %ne3A_478 : vector<8x96xi1>
    %sub3A_480 = arith.constant 1 : i32
    %sub3A_481 = vector.broadcast %sub3A_480 : i32 to vector<8x96xi32>
    %sub3A_482 = arith.subi %div3A_455, %sub3A_481 : vector<8x96xi32>
    %select_n3A_483 = arith.select %and3A_479, %sub3A_482, %div3A_455 : vector<8x96xi1>, vector<8x96xi32>
    %eq3A_484 = arith.cmpi eq, %iota3A_451, %select_n3A_483 : vector<8x96xi32>
    %jit3A_485 = arith.constant 1.000000e+00 : f32
    %jit3A_486 = arith.constant 0.000000e+00 : f32
    %broadcast_in_dim3A_487 = vector.broadcast %jit3A_485 : f32 to vector<8x96xf32>
    %broadcast_in_dim3A_488 = vector.broadcast %jit3A_486 : f32 to vector<8x96xf32>
    %select_n3A_489 = arith.select %eq3A_484, %broadcast_in_dim3A_487, %broadcast_in_dim3A_488 : vector<8x96xi1>, vector<8x96xf32>
    %dot_general3A_490 = arith.constant dense<0.000000e+00> : vector<256x96xf32>
    %dot_general3A_491 = tpu.matmul %div3A_444, %select_n3A_489, %dot_general3A_490 {dimension_numbers = #tpu.dot_dimension_numbers<[1], [0], [0], [1], [0, 0, 1, 1], [], []>, transpose_lhs_hint = false} : vector<256x8xf32>, vector<8x96xf32>, vector<256x96xf32> -> vector<256x96xf32>
    %mul3A_492 = arith.mulf %dot_general3A_450, %dot_general3A_491 : vector<256x96xf32>
    %dot_general3A_493 = arith.constant dense<0.000000e+00> : vector<256x96xf32>
    %dot_general3A_494 = tpu.matmul %mul3A_492, %get3A_1, %dot_general3A_493 {dimension_numbers = #tpu.dot_dimension_numbers<[1], [0], [0], [1], [0, 0, 1, 1], [], []>, transpose_lhs_hint = false} : vector<256x96xf32>, vector<96x96xf32>, vector<256x96xf32> -> vector<256x96xf32>
    %add3A_495 = vector.broadcast %get3A_4 : vector<1x96xf32> to vector<256x96xf32>
    %add3A_496 = arith.addf %dot_general3A_494, %add3A_495 : vector<256x96xf32>
    %reshape3A_497 = vector.shape_cast %add3A_496 : vector<256x96xf32> to vector<16x16x96xf32>
    %mul3A_498 = arith.constant 14 : i32
    %mul3A_499 = arith.muli %arg1, %mul3A_498 : i32
    %add3A_500 = arith.constant 2 : i32
    %add3A_501 = arith.addi %mul3A_499, %add3A_500 : i32
    %get3A_502 = arith.constant 0 : index
    %get3A_503 = arith.constant 0 : index
    %get3A_504 = arith.constant 0 : index
    %get3A_505 = arith.constant 0 : index
    %get3A_506 = vector.load %arg3[%get3A_502, %get3A_503, %get3A_504, %get3A_505] : memref<1x14x256x96xf32, #tpu.memory_space<vmem>>, vector<1x14x256x96xf32>
    %slice3A_507 = vector.extract_strided_slice %get3A_506 {offsets = [0, 2, 0, 0], sizes = [1, 1, 256, 96], strides = [1, 1, 1, 1]} : vector<1x14x256x96xf32> to vector<1x1x256x96xf32>
    %squeeze3A_508 = vector.shape_cast %slice3A_507 : vector<1x1x256x96xf32> to vector<256x96xf32>
    %get3A_509 = arith.index_cast %arg0 : i32 to index
    %get3A_510 = arith.index_cast %add3A_501 : i32 to index
    %get3A_511 = arith.constant 0 : index
    %get3A_512 = memref.load %arg2[%get3A_509, %get3A_510, %get3A_511] : memref<4x196x4xi32, #tpu.memory_space<smem>>
    %get3A_513 = arith.constant 0 : index
    %get3A_514 = arith.index_cast %get3A_512 : i32 to index
    %get3A_515 = arith.constant 0 : index
    %get3A_516 = arith.constant 0 : index
    %get3A_517 = vector.load %arg4[%get3A_513, %get3A_514, %get3A_515, %get3A_516] : memref<1x196x16x96xf32, #tpu.memory_space<vmem>>, vector<1x1x16x96xf32>
    %get3A_518 = vector.shape_cast %get3A_517 : vector<1x1x16x96xf32> to vector<16x96xf32>
    %get3A_519 = arith.constant 0 : index
    %get3A_520 = arith.index_cast %get3A_512 : i32 to index
    %get3A_521 = arith.constant 0 : index
    %get3A_522 = arith.constant 0 : index
    %get3A_523 = vector.load %arg5[%get3A_519, %get3A_520, %get3A_521, %get3A_522] : memref<1x196x16x96xf32, #tpu.memory_space<vmem>>, vector<1x1x16x96xf32>
    %get3A_524 = vector.shape_cast %get3A_523 : vector<1x1x16x96xf32> to vector<16x96xf32>
    %get3A_525 = arith.index_cast %arg0 : i32 to index
    %get3A_526 = arith.index_cast %add3A_501 : i32 to index
    %get3A_527 = arith.constant 1 : index
    %get3A_528 = memref.load %arg2[%get3A_525, %get3A_526, %get3A_527] : memref<4x196x4xi32, #tpu.memory_space<smem>>
    %get3A_529 = arith.constant 0 : index
    %get3A_530 = arith.index_cast %get3A_528 : i32 to index
    %get3A_531 = arith.constant 0 : index
    %get3A_532 = arith.constant 0 : index
    %get3A_533 = vector.load %arg4[%get3A_529, %get3A_530, %get3A_531, %get3A_532] : memref<1x196x16x96xf32, #tpu.memory_space<vmem>>, vector<1x1x16x96xf32>
    %get3A_534 = vector.shape_cast %get3A_533 : vector<1x1x16x96xf32> to vector<16x96xf32>
    %get3A_535 = arith.constant 0 : index
    %get3A_536 = arith.index_cast %get3A_528 : i32 to index
    %get3A_537 = arith.constant 0 : index
    %get3A_538 = arith.constant 0 : index
    %get3A_539 = vector.load %arg5[%get3A_535, %get3A_536, %get3A_537, %get3A_538] : memref<1x196x16x96xf32, #tpu.memory_space<vmem>>, vector<1x1x16x96xf32>
    %get3A_540 = vector.shape_cast %get3A_539 : vector<1x1x16x96xf32> to vector<16x96xf32>
    %get3A_541 = arith.index_cast %arg0 : i32 to index
    %get3A_542 = arith.index_cast %add3A_501 : i32 to index
    %get3A_543 = arith.constant 2 : index
    %get3A_544 = memref.load %arg2[%get3A_541, %get3A_542, %get3A_543] : memref<4x196x4xi32, #tpu.memory_space<smem>>
    %get3A_545 = arith.constant 0 : index
    %get3A_546 = arith.index_cast %get3A_544 : i32 to index
    %get3A_547 = arith.constant 0 : index
    %get3A_548 = arith.constant 0 : index
    %get3A_549 = vector.load %arg4[%get3A_545, %get3A_546, %get3A_547, %get3A_548] : memref<1x196x16x96xf32, #tpu.memory_space<vmem>>, vector<1x1x16x96xf32>
    %get3A_550 = vector.shape_cast %get3A_549 : vector<1x1x16x96xf32> to vector<16x96xf32>
    %get3A_551 = arith.constant 0 : index
    %get3A_552 = arith.index_cast %get3A_544 : i32 to index
    %get3A_553 = arith.constant 0 : index
    %get3A_554 = arith.constant 0 : index
    %get3A_555 = vector.load %arg5[%get3A_551, %get3A_552, %get3A_553, %get3A_554] : memref<1x196x16x96xf32, #tpu.memory_space<vmem>>, vector<1x1x16x96xf32>
    %get3A_556 = vector.shape_cast %get3A_555 : vector<1x1x16x96xf32> to vector<16x96xf32>
    %get3A_557 = arith.index_cast %arg0 : i32 to index
    %get3A_558 = arith.index_cast %add3A_501 : i32 to index
    %get3A_559 = arith.constant 3 : index
    %get3A_560 = memref.load %arg2[%get3A_557, %get3A_558, %get3A_559] : memref<4x196x4xi32, #tpu.memory_space<smem>>
    %get3A_561 = arith.constant 0 : index
    %get3A_562 = arith.index_cast %get3A_560 : i32 to index
    %get3A_563 = arith.constant 0 : index
    %get3A_564 = arith.constant 0 : index
    %get3A_565 = vector.load %arg4[%get3A_561, %get3A_562, %get3A_563, %get3A_564] : memref<1x196x16x96xf32, #tpu.memory_space<vmem>>, vector<1x1x16x96xf32>
    %get3A_566 = vector.shape_cast %get3A_565 : vector<1x1x16x96xf32> to vector<16x96xf32>
    %get3A_567 = arith.constant 0 : index
    %get3A_568 = arith.index_cast %get3A_560 : i32 to index
    %get3A_569 = arith.constant 0 : index
    %get3A_570 = arith.constant 0 : index
    %get3A_571 = vector.load %arg5[%get3A_567, %get3A_568, %get3A_569, %get3A_570] : memref<1x196x16x96xf32, #tpu.memory_space<vmem>>, vector<1x1x16x96xf32>
    %get3A_572 = vector.shape_cast %get3A_571 : vector<1x1x16x96xf32> to vector<16x96xf32>
    %concatenate3A_573 = tpu.concatenate %get3A_518, %get3A_534, %get3A_550, %get3A_566 in 0 : vector<16x96xf32>, vector<16x96xf32>, vector<16x96xf32>, vector<16x96xf32> -> vector<64x96xf32>
    %concatenate3A_574 = tpu.concatenate %get3A_524, %get3A_540, %get3A_556, %get3A_572 in 0 : vector<16x96xf32>, vector<16x96xf32>, vector<16x96xf32>, vector<16x96xf32> -> vector<64x96xf32>
    %iota3A_575 = tpu.iota {dimensions = array<i32: 0>} : vector<512x96xi32>
    %jit3A_576 = arith.constant 64 : i32
    %div3A_577 = vector.broadcast %jit3A_576 : i32 to vector<512x96xi32>
    %div3A_578 = arith.divsi %iota3A_575, %div3A_577 : vector<512x96xi32>
    %sign3A_579 = arith.constant 0 : i32
    %sign3A_580 = vector.broadcast %sign3A_579 : i32 to vector<512x96xi32>
    %sign3A_581 = arith.cmpi sgt, %iota3A_575, %sign3A_580 : vector<512x96xi32>
    %sign3A_582 = arith.extui %sign3A_581 : vector<512x96xi1> to vector<512x96xi32>
    %sign3A_583 = arith.constant 0 : i32
    %sign3A_584 = vector.broadcast %sign3A_583 : i32 to vector<512x96xi32>
    %sign3A_585 = arith.cmpi slt, %iota3A_575, %sign3A_584 : vector<512x96xi32>
    %sign3A_586 = arith.extui %sign3A_585 : vector<512x96xi1> to vector<512x96xi32>
    %sign3A_587 = arith.subi %sign3A_582, %sign3A_586 : vector<512x96xi32>
    %sign3A_588 = arith.constant 0 : i32
    %sign3A_589 = arith.cmpi sgt, %jit3A_576, %sign3A_588 : i32
    %sign3A_590 = arith.extui %sign3A_589 : i1 to i32
    %sign3A_591 = arith.constant 0 : i32
    %sign3A_592 = arith.cmpi slt, %jit3A_576, %sign3A_591 : i32
    %sign3A_593 = arith.extui %sign3A_592 : i1 to i32
    %sign3A_594 = arith.subi %sign3A_590, %sign3A_593 : i32
    %ne3A_595 = vector.broadcast %sign3A_594 : i32 to vector<512x96xi32>
    %ne3A_596 = arith.cmpi ne, %sign3A_587, %ne3A_595 : vector<512x96xi32>
    %rem3A_597 = vector.broadcast %jit3A_576 : i32 to vector<512x96xi32>
    %rem3A_598 = arith.remsi %iota3A_575, %rem3A_597 : vector<512x96xi32>
    %ne3A_599 = arith.constant 0 : i32
    %ne3A_600 = vector.broadcast %ne3A_599 : i32 to vector<512x96xi32>
    %ne3A_601 = arith.cmpi ne, %rem3A_598, %ne3A_600 : vector<512x96xi32>
    %and3A_602 = arith.andi %ne3A_596, %ne3A_601 : vector<512x96xi1>
    %sub3A_603 = arith.constant 1 : i32
    %sub3A_604 = vector.broadcast %sub3A_603 : i32 to vector<512x96xi32>
    %sub3A_605 = arith.subi %div3A_578, %sub3A_604 : vector<512x96xi32>
    %select_n3A_606 = arith.select %and3A_602, %sub3A_605, %div3A_578 : vector<512x96xi1>, vector<512x96xi32>
    %iota3A_607 = tpu.iota {dimensions = array<i32: 1>} : vector<512x96xi32>
    %jit3A_608 = arith.constant 12 : i32
    %div3A_609 = vector.broadcast %jit3A_608 : i32 to vector<512x96xi32>
    %div3A_610 = arith.divsi %iota3A_607, %div3A_609 : vector<512x96xi32>
    %sign3A_611 = arith.constant 0 : i32
    %sign3A_612 = vector.broadcast %sign3A_611 : i32 to vector<512x96xi32>
    %sign3A_613 = arith.cmpi sgt, %iota3A_607, %sign3A_612 : vector<512x96xi32>
    %sign3A_614 = arith.extui %sign3A_613 : vector<512x96xi1> to vector<512x96xi32>
    %sign3A_615 = arith.constant 0 : i32
    %sign3A_616 = vector.broadcast %sign3A_615 : i32 to vector<512x96xi32>
    %sign3A_617 = arith.cmpi slt, %iota3A_607, %sign3A_616 : vector<512x96xi32>
    %sign3A_618 = arith.extui %sign3A_617 : vector<512x96xi1> to vector<512x96xi32>
    %sign3A_619 = arith.subi %sign3A_614, %sign3A_618 : vector<512x96xi32>
    %sign3A_620 = arith.constant 0 : i32
    %sign3A_621 = arith.cmpi sgt, %jit3A_608, %sign3A_620 : i32
    %sign3A_622 = arith.extui %sign3A_621 : i1 to i32
    %sign3A_623 = arith.constant 0 : i32
    %sign3A_624 = arith.cmpi slt, %jit3A_608, %sign3A_623 : i32
    %sign3A_625 = arith.extui %sign3A_624 : i1 to i32
    %sign3A_626 = arith.subi %sign3A_622, %sign3A_625 : i32
    %ne3A_627 = vector.broadcast %sign3A_626 : i32 to vector<512x96xi32>
    %ne3A_628 = arith.cmpi ne, %sign3A_619, %ne3A_627 : vector<512x96xi32>
    %rem3A_629 = vector.broadcast %jit3A_608 : i32 to vector<512x96xi32>
    %rem3A_630 = arith.remsi %iota3A_607, %rem3A_629 : vector<512x96xi32>
    %ne3A_631 = arith.constant 0 : i32
    %ne3A_632 = vector.broadcast %ne3A_631 : i32 to vector<512x96xi32>
    %ne3A_633 = arith.cmpi ne, %rem3A_630, %ne3A_632 : vector<512x96xi32>
    %and3A_634 = arith.andi %ne3A_628, %ne3A_633 : vector<512x96xi1>
    %sub3A_635 = arith.constant 1 : i32
    %sub3A_636 = vector.broadcast %sub3A_635 : i32 to vector<512x96xi32>
    %sub3A_637 = arith.subi %div3A_610, %sub3A_636 : vector<512x96xi32>
    %select_n3A_638 = arith.select %and3A_634, %sub3A_637, %div3A_610 : vector<512x96xi1>, vector<512x96xi32>
    %eq3A_639 = arith.cmpi eq, %select_n3A_606, %select_n3A_638 : vector<512x96xi32>
    %concatenate3A_640 = tpu.concatenate %concatenate3A_573, %concatenate3A_573, %concatenate3A_573, %concatenate3A_573, %concatenate3A_573, %concatenate3A_573, %concatenate3A_573, %concatenate3A_573 in 0 : vector<64x96xf32>, vector<64x96xf32>, vector<64x96xf32>, vector<64x96xf32>, vector<64x96xf32>, vector<64x96xf32>, vector<64x96xf32>, vector<64x96xf32> -> vector<512x96xf32>
    %jit3A_641 = arith.constant 0.000000e+00 : f32
    %broadcast_in_dim3A_642 = vector.broadcast %jit3A_641 : f32 to vector<512x96xf32>
    %select_n3A_643 = arith.select %eq3A_639, %concatenate3A_640, %broadcast_in_dim3A_642 : vector<512x96xi1>, vector<512x96xf32>
    %mul3A_644 = arith.constant 0.102062076 : f32
    %mul3A_645 = vector.broadcast %mul3A_644 : f32 to vector<256x96xf32>
    %mul3A_646 = arith.mulf %squeeze3A_508, %mul3A_645 : vector<256x96xf32>
    %dot_general3A_647 = arith.constant dense<0.000000e+00> : vector<256x512xf32>
    %dot_general3A_648 = tpu.matmul %mul3A_646, %select_n3A_643, %dot_general3A_647 {dimension_numbers = #tpu.dot_dimension_numbers<[1], [1], [0], [0], [0, 0, 1, 0], [], []>, transpose_lhs_hint = false} : vector<256x96xf32>, vector<512x96xf32>, vector<256x512xf32> -> vector<256x512xf32>
    %reduce_max3A_649 = arith.constant dense<0xFF800000> : vector<256xf32>
    %reduce_max3A_650 = vector.multi_reduction <maximumf>, %dot_general3A_648, %reduce_max3A_649 [1] : vector<256x512xf32> to vector<256xf32>
    %broadcast_in_dim3A_651 = vector.shape_cast %reduce_max3A_650 : vector<256xf32> to vector<256x1xf32>
    %sub3A_652 = vector.broadcast %broadcast_in_dim3A_651 : vector<256x1xf32> to vector<256x512xf32>
    %sub3A_653 = arith.subf %dot_general3A_648, %sub3A_652 : vector<256x512xf32>
    %exp3A_654 = math.exp %sub3A_653 : vector<256x512xf32>
    %iota3A_655 = tpu.iota {dimensions = array<i32: 0>} : vector<512x8xi32>
    %jit3A_656 = arith.constant 64 : i32
    %div3A_657 = vector.broadcast %jit3A_656 : i32 to vector<512x8xi32>
    %div3A_658 = arith.divsi %iota3A_655, %div3A_657 : vector<512x8xi32>
    %sign3A_659 = arith.constant 0 : i32
    %sign3A_660 = vector.broadcast %sign3A_659 : i32 to vector<512x8xi32>
    %sign3A_661 = arith.cmpi sgt, %iota3A_655, %sign3A_660 : vector<512x8xi32>
    %sign3A_662 = arith.extui %sign3A_661 : vector<512x8xi1> to vector<512x8xi32>
    %sign3A_663 = arith.constant 0 : i32
    %sign3A_664 = vector.broadcast %sign3A_663 : i32 to vector<512x8xi32>
    %sign3A_665 = arith.cmpi slt, %iota3A_655, %sign3A_664 : vector<512x8xi32>
    %sign3A_666 = arith.extui %sign3A_665 : vector<512x8xi1> to vector<512x8xi32>
    %sign3A_667 = arith.subi %sign3A_662, %sign3A_666 : vector<512x8xi32>
    %sign3A_668 = arith.constant 0 : i32
    %sign3A_669 = arith.cmpi sgt, %jit3A_656, %sign3A_668 : i32
    %sign3A_670 = arith.extui %sign3A_669 : i1 to i32
    %sign3A_671 = arith.constant 0 : i32
    %sign3A_672 = arith.cmpi slt, %jit3A_656, %sign3A_671 : i32
    %sign3A_673 = arith.extui %sign3A_672 : i1 to i32
    %sign3A_674 = arith.subi %sign3A_670, %sign3A_673 : i32
    %ne3A_675 = vector.broadcast %sign3A_674 : i32 to vector<512x8xi32>
    %ne3A_676 = arith.cmpi ne, %sign3A_667, %ne3A_675 : vector<512x8xi32>
    %rem3A_677 = vector.broadcast %jit3A_656 : i32 to vector<512x8xi32>
    %rem3A_678 = arith.remsi %iota3A_655, %rem3A_677 : vector<512x8xi32>
    %ne3A_679 = arith.constant 0 : i32
    %ne3A_680 = vector.broadcast %ne3A_679 : i32 to vector<512x8xi32>
    %ne3A_681 = arith.cmpi ne, %rem3A_678, %ne3A_680 : vector<512x8xi32>
    %and3A_682 = arith.andi %ne3A_676, %ne3A_681 : vector<512x8xi1>
    %sub3A_683 = arith.constant 1 : i32
    %sub3A_684 = vector.broadcast %sub3A_683 : i32 to vector<512x8xi32>
    %sub3A_685 = arith.subi %div3A_658, %sub3A_684 : vector<512x8xi32>
    %select_n3A_686 = arith.select %and3A_682, %sub3A_685, %div3A_658 : vector<512x8xi1>, vector<512x8xi32>
    %iota3A_687 = tpu.iota {dimensions = array<i32: 1>} : vector<512x8xi32>
    %eq3A_688 = arith.cmpi eq, %select_n3A_686, %iota3A_687 : vector<512x8xi32>
    %jit3A_689 = arith.constant 1.000000e+00 : f32
    %jit3A_690 = arith.constant 0.000000e+00 : f32
    %broadcast_in_dim3A_691 = vector.broadcast %jit3A_689 : f32 to vector<512x8xf32>
    %broadcast_in_dim3A_692 = vector.broadcast %jit3A_690 : f32 to vector<512x8xf32>
    %select_n3A_693 = arith.select %eq3A_688, %broadcast_in_dim3A_691, %broadcast_in_dim3A_692 : vector<512x8xi1>, vector<512x8xf32>
    %dot_general3A_694 = arith.constant dense<0.000000e+00> : vector<256x8xf32>
    %dot_general3A_695 = tpu.matmul %exp3A_654, %select_n3A_693, %dot_general3A_694 {dimension_numbers = #tpu.dot_dimension_numbers<[1], [0], [0], [1], [0, 0, 1, 1], [], []>, transpose_lhs_hint = false} : vector<256x512xf32>, vector<512x8xf32>, vector<256x8xf32> -> vector<256x8xf32>
    %max3A_696 = arith.constant 1.000000e-30 : f32
    %max3A_697 = vector.broadcast %max3A_696 : f32 to vector<256x8xf32>
    %max3A_698 = arith.maximumf %dot_general3A_695, %max3A_697 : vector<256x8xf32>
    %div3A_699 = arith.constant 1.000000e+00 : f32
    %div3A_700 = vector.broadcast %div3A_699 : f32 to vector<256x8xf32>
    %div3A_701 = arith.divf %div3A_700, %max3A_698 : vector<256x8xf32>
    %concatenate3A_702 = tpu.concatenate %concatenate3A_574, %concatenate3A_574, %concatenate3A_574, %concatenate3A_574, %concatenate3A_574, %concatenate3A_574, %concatenate3A_574, %concatenate3A_574 in 0 : vector<64x96xf32>, vector<64x96xf32>, vector<64x96xf32>, vector<64x96xf32>, vector<64x96xf32>, vector<64x96xf32>, vector<64x96xf32>, vector<64x96xf32> -> vector<512x96xf32>
    %jit3A_703 = arith.constant 0.000000e+00 : f32
    %broadcast_in_dim3A_704 = vector.broadcast %jit3A_703 : f32 to vector<512x96xf32>
    %select_n3A_705 = arith.select %eq3A_639, %concatenate3A_702, %broadcast_in_dim3A_704 : vector<512x96xi1>, vector<512x96xf32>
    %dot_general3A_706 = arith.constant dense<0.000000e+00> : vector<256x96xf32>
    %dot_general3A_707 = tpu.matmul %exp3A_654, %select_n3A_705, %dot_general3A_706 {dimension_numbers = #tpu.dot_dimension_numbers<[1], [0], [0], [1], [0, 0, 1, 1], [], []>, transpose_lhs_hint = false} : vector<256x512xf32>, vector<512x96xf32>, vector<256x96xf32> -> vector<256x96xf32>
    %iota3A_708 = tpu.iota {dimensions = array<i32: 0>} : vector<8x96xi32>
    %iota3A_709 = tpu.iota {dimensions = array<i32: 1>} : vector<8x96xi32>
    %jit3A_710 = arith.constant 12 : i32
    %div3A_711 = vector.broadcast %jit3A_710 : i32 to vector<8x96xi32>
    %div3A_712 = arith.divsi %iota3A_709, %div3A_711 : vector<8x96xi32>
    %sign3A_713 = arith.constant 0 : i32
    %sign3A_714 = vector.broadcast %sign3A_713 : i32 to vector<8x96xi32>
    %sign3A_715 = arith.cmpi sgt, %iota3A_709, %sign3A_714 : vector<8x96xi32>
    %sign3A_716 = arith.extui %sign3A_715 : vector<8x96xi1> to vector<8x96xi32>
    %sign3A_717 = arith.constant 0 : i32
    %sign3A_718 = vector.broadcast %sign3A_717 : i32 to vector<8x96xi32>
    %sign3A_719 = arith.cmpi slt, %iota3A_709, %sign3A_718 : vector<8x96xi32>
    %sign3A_720 = arith.extui %sign3A_719 : vector<8x96xi1> to vector<8x96xi32>
    %sign3A_721 = arith.subi %sign3A_716, %sign3A_720 : vector<8x96xi32>
    %sign3A_722 = arith.constant 0 : i32
    %sign3A_723 = arith.cmpi sgt, %jit3A_710, %sign3A_722 : i32
    %sign3A_724 = arith.extui %sign3A_723 : i1 to i32
    %sign3A_725 = arith.constant 0 : i32
    %sign3A_726 = arith.cmpi slt, %jit3A_710, %sign3A_725 : i32
    %sign3A_727 = arith.extui %sign3A_726 : i1 to i32
    %sign3A_728 = arith.subi %sign3A_724, %sign3A_727 : i32
    %ne3A_729 = vector.broadcast %sign3A_728 : i32 to vector<8x96xi32>
    %ne3A_730 = arith.cmpi ne, %sign3A_721, %ne3A_729 : vector<8x96xi32>
    %rem3A_731 = vector.broadcast %jit3A_710 : i32 to vector<8x96xi32>
    %rem3A_732 = arith.remsi %iota3A_709, %rem3A_731 : vector<8x96xi32>
    %ne3A_733 = arith.constant 0 : i32
    %ne3A_734 = vector.broadcast %ne3A_733 : i32 to vector<8x96xi32>
    %ne3A_735 = arith.cmpi ne, %rem3A_732, %ne3A_734 : vector<8x96xi32>
    %and3A_736 = arith.andi %ne3A_730, %ne3A_735 : vector<8x96xi1>
    %sub3A_737 = arith.constant 1 : i32
    %sub3A_738 = vector.broadcast %sub3A_737 : i32 to vector<8x96xi32>
    %sub3A_739 = arith.subi %div3A_712, %sub3A_738 : vector<8x96xi32>
    %select_n3A_740 = arith.select %and3A_736, %sub3A_739, %div3A_712 : vector<8x96xi1>, vector<8x96xi32>
    %eq3A_741 = arith.cmpi eq, %iota3A_708, %select_n3A_740 : vector<8x96xi32>
    %jit3A_742 = arith.constant 1.000000e+00 : f32
    %jit3A_743 = arith.constant 0.000000e+00 : f32
    %broadcast_in_dim3A_744 = vector.broadcast %jit3A_742 : f32 to vector<8x96xf32>
    %broadcast_in_dim3A_745 = vector.broadcast %jit3A_743 : f32 to vector<8x96xf32>
    %select_n3A_746 = arith.select %eq3A_741, %broadcast_in_dim3A_744, %broadcast_in_dim3A_745 : vector<8x96xi1>, vector<8x96xf32>
    %dot_general3A_747 = arith.constant dense<0.000000e+00> : vector<256x96xf32>
    %dot_general3A_748 = tpu.matmul %div3A_701, %select_n3A_746, %dot_general3A_747 {dimension_numbers = #tpu.dot_dimension_numbers<[1], [0], [0], [1], [0, 0, 1, 1], [], []>, transpose_lhs_hint = false} : vector<256x8xf32>, vector<8x96xf32>, vector<256x96xf32> -> vector<256x96xf32>
    %mul3A_749 = arith.mulf %dot_general3A_707, %dot_general3A_748 : vector<256x96xf32>
    %dot_general3A_750 = arith.constant dense<0.000000e+00> : vector<256x96xf32>
    %dot_general3A_751 = tpu.matmul %mul3A_749, %get3A_1, %dot_general3A_750 {dimension_numbers = #tpu.dot_dimension_numbers<[1], [0], [0], [1], [0, 0, 1, 1], [], []>, transpose_lhs_hint = false} : vector<256x96xf32>, vector<96x96xf32>, vector<256x96xf32> -> vector<256x96xf32>
    %add3A_752 = vector.broadcast %get3A_4 : vector<1x96xf32> to vector<256x96xf32>
    %add3A_753 = arith.addf %dot_general3A_751, %add3A_752 : vector<256x96xf32>
    %reshape3A_754 = vector.shape_cast %add3A_753 : vector<256x96xf32> to vector<16x16x96xf32>
    %mul3A_755 = arith.constant 14 : i32
    %mul3A_756 = arith.muli %arg1, %mul3A_755 : i32
    %add3A_757 = arith.constant 3 : i32
    %add3A_758 = arith.addi %mul3A_756, %add3A_757 : i32
    %get3A_759 = arith.constant 0 : index
    %get3A_760 = arith.constant 0 : index
    %get3A_761 = arith.constant 0 : index
    %get3A_762 = arith.constant 0 : index
    %get3A_763 = vector.load %arg3[%get3A_759, %get3A_760, %get3A_761, %get3A_762] : memref<1x14x256x96xf32, #tpu.memory_space<vmem>>, vector<1x14x256x96xf32>
    %slice3A_764 = vector.extract_strided_slice %get3A_763 {offsets = [0, 3, 0, 0], sizes = [1, 1, 256, 96], strides = [1, 1, 1, 1]} : vector<1x14x256x96xf32> to vector<1x1x256x96xf32>
    %squeeze3A_765 = vector.shape_cast %slice3A_764 : vector<1x1x256x96xf32> to vector<256x96xf32>
    %get3A_766 = arith.index_cast %arg0 : i32 to index
    %get3A_767 = arith.index_cast %add3A_758 : i32 to index
    %get3A_768 = arith.constant 0 : index
    %get3A_769 = memref.load %arg2[%get3A_766, %get3A_767, %get3A_768] : memref<4x196x4xi32, #tpu.memory_space<smem>>
    %get3A_770 = arith.constant 0 : index
    %get3A_771 = arith.index_cast %get3A_769 : i32 to index
    %get3A_772 = arith.constant 0 : index
    %get3A_773 = arith.constant 0 : index
    %get3A_774 = vector.load %arg4[%get3A_770, %get3A_771, %get3A_772, %get3A_773] : memref<1x196x16x96xf32, #tpu.memory_space<vmem>>, vector<1x1x16x96xf32>
    %get3A_775 = vector.shape_cast %get3A_774 : vector<1x1x16x96xf32> to vector<16x96xf32>
    %get3A_776 = arith.constant 0 : index
    %get3A_777 = arith.index_cast %get3A_769 : i32 to index
    %get3A_778 = arith.constant 0 : index
    %get3A_779 = arith.constant 0 : index
    %get3A_780 = vector.load %arg5[%get3A_776, %get3A_777, %get3A_778, %get3A_779] : memref<1x196x16x96xf32, #tpu.memory_space<vmem>>, vector<1x1x16x96xf32>
    %get3A_781 = vector.shape_cast %get3A_780 : vector<1x1x16x96xf32> to vector<16x96xf32>
    %get3A_782 = arith.index_cast %arg0 : i32 to index
    %get3A_783 = arith.index_cast %add3A_758 : i32 to index
    %get3A_784 = arith.constant 1 : index
    %get3A_785 = memref.load %arg2[%get3A_782, %get3A_783, %get3A_784] : memref<4x196x4xi32, #tpu.memory_space<smem>>
    %get3A_786 = arith.constant 0 : index
    %get3A_787 = arith.index_cast %get3A_785 : i32 to index
    %get3A_788 = arith.constant 0 : index
    %get3A_789 = arith.constant 0 : index
    %get3A_790 = vector.load %arg4[%get3A_786, %get3A_787, %get3A_788, %get3A_789] : memref<1x196x16x96xf32, #tpu.memory_space<vmem>>, vector<1x1x16x96xf32>
    %get3A_791 = vector.shape_cast %get3A_790 : vector<1x1x16x96xf32> to vector<16x96xf32>
    %get3A_792 = arith.constant 0 : index
    %get3A_793 = arith.index_cast %get3A_785 : i32 to index
    %get3A_794 = arith.constant 0 : index
    %get3A_795 = arith.constant 0 : index
    %get3A_796 = vector.load %arg5[%get3A_792, %get3A_793, %get3A_794, %get3A_795] : memref<1x196x16x96xf32, #tpu.memory_space<vmem>>, vector<1x1x16x96xf32>
    %get3A_797 = vector.shape_cast %get3A_796 : vector<1x1x16x96xf32> to vector<16x96xf32>
    %get3A_798 = arith.index_cast %arg0 : i32 to index
    %get3A_799 = arith.index_cast %add3A_758 : i32 to index
    %get3A_800 = arith.constant 2 : index
    %get3A_801 = memref.load %arg2[%get3A_798, %get3A_799, %get3A_800] : memref<4x196x4xi32, #tpu.memory_space<smem>>
    %get3A_802 = arith.constant 0 : index
    %get3A_803 = arith.index_cast %get3A_801 : i32 to index
    %get3A_804 = arith.constant 0 : index
    %get3A_805 = arith.constant 0 : index
    %get3A_806 = vector.load %arg4[%get3A_802, %get3A_803, %get3A_804, %get3A_805] : memref<1x196x16x96xf32, #tpu.memory_space<vmem>>, vector<1x1x16x96xf32>
    %get3A_807 = vector.shape_cast %get3A_806 : vector<1x1x16x96xf32> to vector<16x96xf32>
    %get3A_808 = arith.constant 0 : index
    %get3A_809 = arith.index_cast %get3A_801 : i32 to index
    %get3A_810 = arith.constant 0 : index
    %get3A_811 = arith.constant 0 : index
    %get3A_812 = vector.load %arg5[%get3A_808, %get3A_809, %get3A_810, %get3A_811] : memref<1x196x16x96xf32, #tpu.memory_space<vmem>>, vector<1x1x16x96xf32>
    %get3A_813 = vector.shape_cast %get3A_812 : vector<1x1x16x96xf32> to vector<16x96xf32>
    %get3A_814 = arith.index_cast %arg0 : i32 to index
    %get3A_815 = arith.index_cast %add3A_758 : i32 to index
    %get3A_816 = arith.constant 3 : index
    %get3A_817 = memref.load %arg2[%get3A_814, %get3A_815, %get3A_816] : memref<4x196x4xi32, #tpu.memory_space<smem>>
    %get3A_818 = arith.constant 0 : index
    %get3A_819 = arith.index_cast %get3A_817 : i32 to index
    %get3A_820 = arith.constant 0 : index
    %get3A_821 = arith.constant 0 : index
    %get3A_822 = vector.load %arg4[%get3A_818, %get3A_819, %get3A_820, %get3A_821] : memref<1x196x16x96xf32, #tpu.memory_space<vmem>>, vector<1x1x16x96xf32>
    %get3A_823 = vector.shape_cast %get3A_822 : vector<1x1x16x96xf32> to vector<16x96xf32>
    %get3A_824 = arith.constant 0 : index
    %get3A_825 = arith.index_cast %get3A_817 : i32 to index
    %get3A_826 = arith.constant 0 : index
    %get3A_827 = arith.constant 0 : index
    %get3A_828 = vector.load %arg5[%get3A_824, %get3A_825, %get3A_826, %get3A_827] : memref<1x196x16x96xf32, #tpu.memory_space<vmem>>, vector<1x1x16x96xf32>
    %get3A_829 = vector.shape_cast %get3A_828 : vector<1x1x16x96xf32> to vector<16x96xf32>
    %concatenate3A_830 = tpu.concatenate %get3A_775, %get3A_791, %get3A_807, %get3A_823 in 0 : vector<16x96xf32>, vector<16x96xf32>, vector<16x96xf32>, vector<16x96xf32> -> vector<64x96xf32>
    %concatenate3A_831 = tpu.concatenate %get3A_781, %get3A_797, %get3A_813, %get3A_829 in 0 : vector<16x96xf32>, vector<16x96xf32>, vector<16x96xf32>, vector<16x96xf32> -> vector<64x96xf32>
    %iota3A_832 = tpu.iota {dimensions = array<i32: 0>} : vector<512x96xi32>
    %jit3A_833 = arith.constant 64 : i32
    %div3A_834 = vector.broadcast %jit3A_833 : i32 to vector<512x96xi32>
    %div3A_835 = arith.divsi %iota3A_832, %div3A_834 : vector<512x96xi32>
    %sign3A_836 = arith.constant 0 : i32
    %sign3A_837 = vector.broadcast %sign3A_836 : i32 to vector<512x96xi32>
    %sign3A_838 = arith.cmpi sgt, %iota3A_832, %sign3A_837 : vector<512x96xi32>
    %sign3A_839 = arith.extui %sign3A_838 : vector<512x96xi1> to vector<512x96xi32>
    %sign3A_840 = arith.constant 0 : i32
    %sign3A_841 = vector.broadcast %sign3A_840 : i32 to vector<512x96xi32>
    %sign3A_842 = arith.cmpi slt, %iota3A_832, %sign3A_841 : vector<512x96xi32>
    %sign3A_843 = arith.extui %sign3A_842 : vector<512x96xi1> to vector<512x96xi32>
    %sign3A_844 = arith.subi %sign3A_839, %sign3A_843 : vector<512x96xi32>
    %sign3A_845 = arith.constant 0 : i32
    %sign3A_846 = arith.cmpi sgt, %jit3A_833, %sign3A_845 : i32
    %sign3A_847 = arith.extui %sign3A_846 : i1 to i32
    %sign3A_848 = arith.constant 0 : i32
    %sign3A_849 = arith.cmpi slt, %jit3A_833, %sign3A_848 : i32
    %sign3A_850 = arith.extui %sign3A_849 : i1 to i32
    %sign3A_851 = arith.subi %sign3A_847, %sign3A_850 : i32
    %ne3A_852 = vector.broadcast %sign3A_851 : i32 to vector<512x96xi32>
    %ne3A_853 = arith.cmpi ne, %sign3A_844, %ne3A_852 : vector<512x96xi32>
    %rem3A_854 = vector.broadcast %jit3A_833 : i32 to vector<512x96xi32>
    %rem3A_855 = arith.remsi %iota3A_832, %rem3A_854 : vector<512x96xi32>
    %ne3A_856 = arith.constant 0 : i32
    %ne3A_857 = vector.broadcast %ne3A_856 : i32 to vector<512x96xi32>
    %ne3A_858 = arith.cmpi ne, %rem3A_855, %ne3A_857 : vector<512x96xi32>
    %and3A_859 = arith.andi %ne3A_853, %ne3A_858 : vector<512x96xi1>
    %sub3A_860 = arith.constant 1 : i32
    %sub3A_861 = vector.broadcast %sub3A_860 : i32 to vector<512x96xi32>
    %sub3A_862 = arith.subi %div3A_835, %sub3A_861 : vector<512x96xi32>
    %select_n3A_863 = arith.select %and3A_859, %sub3A_862, %div3A_835 : vector<512x96xi1>, vector<512x96xi32>
    %iota3A_864 = tpu.iota {dimensions = array<i32: 1>} : vector<512x96xi32>
    %jit3A_865 = arith.constant 12 : i32
    %div3A_866 = vector.broadcast %jit3A_865 : i32 to vector<512x96xi32>
    %div3A_867 = arith.divsi %iota3A_864, %div3A_866 : vector<512x96xi32>
    %sign3A_868 = arith.constant 0 : i32
    %sign3A_869 = vector.broadcast %sign3A_868 : i32 to vector<512x96xi32>
    %sign3A_870 = arith.cmpi sgt, %iota3A_864, %sign3A_869 : vector<512x96xi32>
    %sign3A_871 = arith.extui %sign3A_870 : vector<512x96xi1> to vector<512x96xi32>
    %sign3A_872 = arith.constant 0 : i32
    %sign3A_873 = vector.broadcast %sign3A_872 : i32 to vector<512x96xi32>
    %sign3A_874 = arith.cmpi slt, %iota3A_864, %sign3A_873 : vector<512x96xi32>
    %sign3A_875 = arith.extui %sign3A_874 : vector<512x96xi1> to vector<512x96xi32>
    %sign3A_876 = arith.subi %sign3A_871, %sign3A_875 : vector<512x96xi32>
    %sign3A_877 = arith.constant 0 : i32
    %sign3A_878 = arith.cmpi sgt, %jit3A_865, %sign3A_877 : i32
    %sign3A_879 = arith.extui %sign3A_878 : i1 to i32
    %sign3A_880 = arith.constant 0 : i32
    %sign3A_881 = arith.cmpi slt, %jit3A_865, %sign3A_880 : i32
    %sign3A_882 = arith.extui %sign3A_881 : i1 to i32
    %sign3A_883 = arith.subi %sign3A_879, %sign3A_882 : i32
    %ne3A_884 = vector.broadcast %sign3A_883 : i32 to vector<512x96xi32>
    %ne3A_885 = arith.cmpi ne, %sign3A_876, %ne3A_884 : vector<512x96xi32>
    %rem3A_886 = vector.broadcast %jit3A_865 : i32 to vector<512x96xi32>
    %rem3A_887 = arith.remsi %iota3A_864, %rem3A_886 : vector<512x96xi32>
    %ne3A_888 = arith.constant 0 : i32
    %ne3A_889 = vector.broadcast %ne3A_888 : i32 to vector<512x96xi32>
    %ne3A_890 = arith.cmpi ne, %rem3A_887, %ne3A_889 : vector<512x96xi32>
    %and3A_891 = arith.andi %ne3A_885, %ne3A_890 : vector<512x96xi1>
    %sub3A_892 = arith.constant 1 : i32
    %sub3A_893 = vector.broadcast %sub3A_892 : i32 to vector<512x96xi32>
    %sub3A_894 = arith.subi %div3A_867, %sub3A_893 : vector<512x96xi32>
    %select_n3A_895 = arith.select %and3A_891, %sub3A_894, %div3A_867 : vector<512x96xi1>, vector<512x96xi32>
    %eq3A_896 = arith.cmpi eq, %select_n3A_863, %select_n3A_895 : vector<512x96xi32>
    %concatenate3A_897 = tpu.concatenate %concatenate3A_830, %concatenate3A_830, %concatenate3A_830, %concatenate3A_830, %concatenate3A_830, %concatenate3A_830, %concatenate3A_830, %concatenate3A_830 in 0 : vector<64x96xf32>, vector<64x96xf32>, vector<64x96xf32>, vector<64x96xf32>, vector<64x96xf32>, vector<64x96xf32>, vector<64x96xf32>, vector<64x96xf32> -> vector<512x96xf32>
    %jit3A_898 = arith.constant 0.000000e+00 : f32
    %broadcast_in_dim3A_899 = vector.broadcast %jit3A_898 : f32 to vector<512x96xf32>
    %select_n3A_900 = arith.select %eq3A_896, %concatenate3A_897, %broadcast_in_dim3A_899 : vector<512x96xi1>, vector<512x96xf32>
    %mul3A_901 = arith.constant 0.102062076 : f32
    %mul3A_902 = vector.broadcast %mul3A_901 : f32 to vector<256x96xf32>
    %mul3A_903 = arith.mulf %squeeze3A_765, %mul3A_902 : vector<256x96xf32>
    %dot_general3A_904 = arith.constant dense<0.000000e+00> : vector<256x512xf32>
    %dot_general3A_905 = tpu.matmul %mul3A_903, %select_n3A_900, %dot_general3A_904 {dimension_numbers = #tpu.dot_dimension_numbers<[1], [1], [0], [0], [0, 0, 1, 0], [], []>, transpose_lhs_hint = false} : vector<256x96xf32>, vector<512x96xf32>, vector<256x512xf32> -> vector<256x512xf32>
    %reduce_max3A_906 = arith.constant dense<0xFF800000> : vector<256xf32>
    %reduce_max3A_907 = vector.multi_reduction <maximumf>, %dot_general3A_905, %reduce_max3A_906 [1] : vector<256x512xf32> to vector<256xf32>
    %broadcast_in_dim3A_908 = vector.shape_cast %reduce_max3A_907 : vector<256xf32> to vector<256x1xf32>
    %sub3A_909 = vector.broadcast %broadcast_in_dim3A_908 : vector<256x1xf32> to vector<256x512xf32>
    %sub3A_910 = arith.subf %dot_general3A_905, %sub3A_909 : vector<256x512xf32>
    %exp3A_911 = math.exp %sub3A_910 : vector<256x512xf32>
    %iota3A_912 = tpu.iota {dimensions = array<i32: 0>} : vector<512x8xi32>
    %jit3A_913 = arith.constant 64 : i32
    %div3A_914 = vector.broadcast %jit3A_913 : i32 to vector<512x8xi32>
    %div3A_915 = arith.divsi %iota3A_912, %div3A_914 : vector<512x8xi32>
    %sign3A_916 = arith.constant 0 : i32
    %sign3A_917 = vector.broadcast %sign3A_916 : i32 to vector<512x8xi32>
    %sign3A_918 = arith.cmpi sgt, %iota3A_912, %sign3A_917 : vector<512x8xi32>
    %sign3A_919 = arith.extui %sign3A_918 : vector<512x8xi1> to vector<512x8xi32>
    %sign3A_920 = arith.constant 0 : i32
    %sign3A_921 = vector.broadcast %sign3A_920 : i32 to vector<512x8xi32>
    %sign3A_922 = arith.cmpi slt, %iota3A_912, %sign3A_921 : vector<512x8xi32>
    %sign3A_923 = arith.extui %sign3A_922 : vector<512x8xi1> to vector<512x8xi32>
    %sign3A_924 = arith.subi %sign3A_919, %sign3A_923 : vector<512x8xi32>
    %sign3A_925 = arith.constant 0 : i32
    %sign3A_926 = arith.cmpi sgt, %jit3A_913, %sign3A_925 : i32
    %sign3A_927 = arith.extui %sign3A_926 : i1 to i32
    %sign3A_928 = arith.constant 0 : i32
    %sign3A_929 = arith.cmpi slt, %jit3A_913, %sign3A_928 : i32
    %sign3A_930 = arith.extui %sign3A_929 : i1 to i32
    %sign3A_931 = arith.subi %sign3A_927, %sign3A_930 : i32
    %ne3A_932 = vector.broadcast %sign3A_931 : i32 to vector<512x8xi32>
    %ne3A_933 = arith.cmpi ne, %sign3A_924, %ne3A_932 : vector<512x8xi32>
    %rem3A_934 = vector.broadcast %jit3A_913 : i32 to vector<512x8xi32>
    %rem3A_935 = arith.remsi %iota3A_912, %rem3A_934 : vector<512x8xi32>
    %ne3A_936 = arith.constant 0 : i32
    %ne3A_937 = vector.broadcast %ne3A_936 : i32 to vector<512x8xi32>
    %ne3A_938 = arith.cmpi ne, %rem3A_935, %ne3A_937 : vector<512x8xi32>
    %and3A_939 = arith.andi %ne3A_933, %ne3A_938 : vector<512x8xi1>
    %sub3A_940 = arith.constant 1 : i32
    %sub3A_941 = vector.broadcast %sub3A_940 : i32 to vector<512x8xi32>
    %sub3A_942 = arith.subi %div3A_915, %sub3A_941 : vector<512x8xi32>
    %select_n3A_943 = arith.select %and3A_939, %sub3A_942, %div3A_915 : vector<512x8xi1>, vector<512x8xi32>
    %iota3A_944 = tpu.iota {dimensions = array<i32: 1>} : vector<512x8xi32>
    %eq3A_945 = arith.cmpi eq, %select_n3A_943, %iota3A_944 : vector<512x8xi32>
    %jit3A_946 = arith.constant 1.000000e+00 : f32
    %jit3A_947 = arith.constant 0.000000e+00 : f32
    %broadcast_in_dim3A_948 = vector.broadcast %jit3A_946 : f32 to vector<512x8xf32>
    %broadcast_in_dim3A_949 = vector.broadcast %jit3A_947 : f32 to vector<512x8xf32>
    %select_n3A_950 = arith.select %eq3A_945, %broadcast_in_dim3A_948, %broadcast_in_dim3A_949 : vector<512x8xi1>, vector<512x8xf32>
    %dot_general3A_951 = arith.constant dense<0.000000e+00> : vector<256x8xf32>
    %dot_general3A_952 = tpu.matmul %exp3A_911, %select_n3A_950, %dot_general3A_951 {dimension_numbers = #tpu.dot_dimension_numbers<[1], [0], [0], [1], [0, 0, 1, 1], [], []>, transpose_lhs_hint = false} : vector<256x512xf32>, vector<512x8xf32>, vector<256x8xf32> -> vector<256x8xf32>
    %max3A_953 = arith.constant 1.000000e-30 : f32
    %max3A_954 = vector.broadcast %max3A_953 : f32 to vector<256x8xf32>
    %max3A_955 = arith.maximumf %dot_general3A_952, %max3A_954 : vector<256x8xf32>
    %div3A_956 = arith.constant 1.000000e+00 : f32
    %div3A_957 = vector.broadcast %div3A_956 : f32 to vector<256x8xf32>
    %div3A_958 = arith.divf %div3A_957, %max3A_955 : vector<256x8xf32>
    %concatenate3A_959 = tpu.concatenate %concatenate3A_831, %concatenate3A_831, %concatenate3A_831, %concatenate3A_831, %concatenate3A_831, %concatenate3A_831, %concatenate3A_831, %concatenate3A_831 in 0 : vector<64x96xf32>, vector<64x96xf32>, vector<64x96xf32>, vector<64x96xf32>, vector<64x96xf32>, vector<64x96xf32>, vector<64x96xf32>, vector<64x96xf32> -> vector<512x96xf32>
    %jit3A_960 = arith.constant 0.000000e+00 : f32
    %broadcast_in_dim3A_961 = vector.broadcast %jit3A_960 : f32 to vector<512x96xf32>
    %select_n3A_962 = arith.select %eq3A_896, %concatenate3A_959, %broadcast_in_dim3A_961 : vector<512x96xi1>, vector<512x96xf32>
    %dot_general3A_963 = arith.constant dense<0.000000e+00> : vector<256x96xf32>
    %dot_general3A_964 = tpu.matmul %exp3A_911, %select_n3A_962, %dot_general3A_963 {dimension_numbers = #tpu.dot_dimension_numbers<[1], [0], [0], [1], [0, 0, 1, 1], [], []>, transpose_lhs_hint = false} : vector<256x512xf32>, vector<512x96xf32>, vector<256x96xf32> -> vector<256x96xf32>
    %iota3A_965 = tpu.iota {dimensions = array<i32: 0>} : vector<8x96xi32>
    %iota3A_966 = tpu.iota {dimensions = array<i32: 1>} : vector<8x96xi32>
    %jit3A_967 = arith.constant 12 : i32
    %div3A_968 = vector.broadcast %jit3A_967 : i32 to vector<8x96xi32>
    %div3A_969 = arith.divsi %iota3A_966, %div3A_968 : vector<8x96xi32>
    %sign3A_970 = arith.constant 0 : i32
    %sign3A_971 = vector.broadcast %sign3A_970 : i32 to vector<8x96xi32>
    %sign3A_972 = arith.cmpi sgt, %iota3A_966, %sign3A_971 : vector<8x96xi32>
    %sign3A_973 = arith.extui %sign3A_972 : vector<8x96xi1> to vector<8x96xi32>
    %sign3A_974 = arith.constant 0 : i32
    %sign3A_975 = vector.broadcast %sign3A_974 : i32 to vector<8x96xi32>
    %sign3A_976 = arith.cmpi slt, %iota3A_966, %sign3A_975 : vector<8x96xi32>
    %sign3A_977 = arith.extui %sign3A_976 : vector<8x96xi1> to vector<8x96xi32>
    %sign3A_978 = arith.subi %sign3A_973, %sign3A_977 : vector<8x96xi32>
    %sign3A_979 = arith.constant 0 : i32
    %sign3A_980 = arith.cmpi sgt, %jit3A_967, %sign3A_979 : i32
    %sign3A_981 = arith.extui %sign3A_980 : i1 to i32
    %sign3A_982 = arith.constant 0 : i32
    %sign3A_983 = arith.cmpi slt, %jit3A_967, %sign3A_982 : i32
    %sign3A_984 = arith.extui %sign3A_983 : i1 to i32
    %sign3A_985 = arith.subi %sign3A_981, %sign3A_984 : i32
    %ne3A_986 = vector.broadcast %sign3A_985 : i32 to vector<8x96xi32>
    %ne3A_987 = arith.cmpi ne, %sign3A_978, %ne3A_986 : vector<8x96xi32>
    %rem3A_988 = vector.broadcast %jit3A_967 : i32 to vector<8x96xi32>
    %rem3A_989 = arith.remsi %iota3A_966, %rem3A_988 : vector<8x96xi32>
    %ne3A_990 = arith.constant 0 : i32
    %ne3A_991 = vector.broadcast %ne3A_990 : i32 to vector<8x96xi32>
    %ne3A_992 = arith.cmpi ne, %rem3A_989, %ne3A_991 : vector<8x96xi32>
    %and3A_993 = arith.andi %ne3A_987, %ne3A_992 : vector<8x96xi1>
    %sub3A_994 = arith.constant 1 : i32
    %sub3A_995 = vector.broadcast %sub3A_994 : i32 to vector<8x96xi32>
    %sub3A_996 = arith.subi %div3A_969, %sub3A_995 : vector<8x96xi32>
    %select_n3A_997 = arith.select %and3A_993, %sub3A_996, %div3A_969 : vector<8x96xi1>, vector<8x96xi32>
    %eq3A_998 = arith.cmpi eq, %iota3A_965, %select_n3A_997 : vector<8x96xi32>
    %jit3A_999 = arith.constant 1.000000e+00 : f32
    %jit3A_1000 = arith.constant 0.000000e+00 : f32
    %broadcast_in_dim3A_1001 = vector.broadcast %jit3A_999 : f32 to vector<8x96xf32>
    %broadcast_in_dim3A_1002 = vector.broadcast %jit3A_1000 : f32 to vector<8x96xf32>
    %select_n3A_1003 = arith.select %eq3A_998, %broadcast_in_dim3A_1001, %broadcast_in_dim3A_1002 : vector<8x96xi1>, vector<8x96xf32>
    %dot_general3A_1004 = arith.constant dense<0.000000e+00> : vector<256x96xf32>
    %dot_general3A_1005 = tpu.matmul %div3A_958, %select_n3A_1003, %dot_general3A_1004 {dimension_numbers = #tpu.dot_dimension_numbers<[1], [0], [0], [1], [0, 0, 1, 1], [], []>, transpose_lhs_hint = false} : vector<256x8xf32>, vector<8x96xf32>, vector<256x96xf32> -> vector<256x96xf32>
    %mul3A_1006 = arith.mulf %dot_general3A_964, %dot_general3A_1005 : vector<256x96xf32>
    %dot_general3A_1007 = arith.constant dense<0.000000e+00> : vector<256x96xf32>
    %dot_general3A_1008 = tpu.matmul %mul3A_1006, %get3A_1, %dot_general3A_1007 {dimension_numbers = #tpu.dot_dimension_numbers<[1], [0], [0], [1], [0, 0, 1, 1], [], []>, transpose_lhs_hint = false} : vector<256x96xf32>, vector<96x96xf32>, vector<256x96xf32> -> vector<256x96xf32>
    %add3A_1009 = vector.broadcast %get3A_4 : vector<1x96xf32> to vector<256x96xf32>
    %add3A_1010 = arith.addf %dot_general3A_1008, %add3A_1009 : vector<256x96xf32>
    %reshape3A_1011 = vector.shape_cast %add3A_1010 : vector<256x96xf32> to vector<16x16x96xf32>
    %mul3A_1012 = arith.constant 14 : i32
    %mul3A_1013 = arith.muli %arg1, %mul3A_1012 : i32
    %add3A_1014 = arith.constant 4 : i32
    %add3A_1015 = arith.addi %mul3A_1013, %add3A_1014 : i32
    %get3A_1016 = arith.constant 0 : index
    %get3A_1017 = arith.constant 0 : index
    %get3A_1018 = arith.constant 0 : index
    %get3A_1019 = arith.constant 0 : index
    %get3A_1020 = vector.load %arg3[%get3A_1016, %get3A_1017, %get3A_1018, %get3A_1019] : memref<1x14x256x96xf32, #tpu.memory_space<vmem>>, vector<1x14x256x96xf32>
    %slice3A_1021 = vector.extract_strided_slice %get3A_1020 {offsets = [0, 4, 0, 0], sizes = [1, 1, 256, 96], strides = [1, 1, 1, 1]} : vector<1x14x256x96xf32> to vector<1x1x256x96xf32>
    %squeeze3A_1022 = vector.shape_cast %slice3A_1021 : vector<1x1x256x96xf32> to vector<256x96xf32>
    %get3A_1023 = arith.index_cast %arg0 : i32 to index
    %get3A_1024 = arith.index_cast %add3A_1015 : i32 to index
    %get3A_1025 = arith.constant 0 : index
    %get3A_1026 = memref.load %arg2[%get3A_1023, %get3A_1024, %get3A_1025] : memref<4x196x4xi32, #tpu.memory_space<smem>>
    %get3A_1027 = arith.constant 0 : index
    %get3A_1028 = arith.index_cast %get3A_1026 : i32 to index
    %get3A_1029 = arith.constant 0 : index
    %get3A_1030 = arith.constant 0 : index
    %get3A_1031 = vector.load %arg4[%get3A_1027, %get3A_1028, %get3A_1029, %get3A_1030] : memref<1x196x16x96xf32, #tpu.memory_space<vmem>>, vector<1x1x16x96xf32>
    %get3A_1032 = vector.shape_cast %get3A_1031 : vector<1x1x16x96xf32> to vector<16x96xf32>
    %get3A_1033 = arith.constant 0 : index
    %get3A_1034 = arith.index_cast %get3A_1026 : i32 to index
    %get3A_1035 = arith.constant 0 : index
    %get3A_1036 = arith.constant 0 : index
    %get3A_1037 = vector.load %arg5[%get3A_1033, %get3A_1034, %get3A_1035, %get3A_1036] : memref<1x196x16x96xf32, #tpu.memory_space<vmem>>, vector<1x1x16x96xf32>
    %get3A_1038 = vector.shape_cast %get3A_1037 : vector<1x1x16x96xf32> to vector<16x96xf32>
    %get3A_1039 = arith.index_cast %arg0 : i32 to index
    %get3A_1040 = arith.index_cast %add3A_1015 : i32 to index
    %get3A_1041 = arith.constant 1 : index
    %get3A_1042 = memref.load %arg2[%get3A_1039, %get3A_1040, %get3A_1041] : memref<4x196x4xi32, #tpu.memory_space<smem>>
    %get3A_1043 = arith.constant 0 : index
    %get3A_1044 = arith.index_cast %get3A_1042 : i32 to index
    %get3A_1045 = arith.constant 0 : index
    %get3A_1046 = arith.constant 0 : index
    %get3A_1047 = vector.load %arg4[%get3A_1043, %get3A_1044, %get3A_1045, %get3A_1046] : memref<1x196x16x96xf32, #tpu.memory_space<vmem>>, vector<1x1x16x96xf32>
    %get3A_1048 = vector.shape_cast %get3A_1047 : vector<1x1x16x96xf32> to vector<16x96xf32>
    %get3A_1049 = arith.constant 0 : index
    %get3A_1050 = arith.index_cast %get3A_1042 : i32 to index
    %get3A_1051 = arith.constant 0 : index
    %get3A_1052 = arith.constant 0 : index
    %get3A_1053 = vector.load %arg5[%get3A_1049, %get3A_1050, %get3A_1051, %get3A_1052] : memref<1x196x16x96xf32, #tpu.memory_space<vmem>>, vector<1x1x16x96xf32>
    %get3A_1054 = vector.shape_cast %get3A_1053 : vector<1x1x16x96xf32> to vector<16x96xf32>
    %get3A_1055 = arith.index_cast %arg0 : i32 to index
    %get3A_1056 = arith.index_cast %add3A_1015 : i32 to index
    %get3A_1057 = arith.constant 2 : index
    %get3A_1058 = memref.load %arg2[%get3A_1055, %get3A_1056, %get3A_1057] : memref<4x196x4xi32, #tpu.memory_space<smem>>
    %get3A_1059 = arith.constant 0 : index
    %get3A_1060 = arith.index_cast %get3A_1058 : i32 to index
    %get3A_1061 = arith.constant 0 : index
    %get3A_1062 = arith.constant 0 : index
    %get3A_1063 = vector.load %arg4[%get3A_1059, %get3A_1060, %get3A_1061, %get3A_1062] : memref<1x196x16x96xf32, #tpu.memory_space<vmem>>, vector<1x1x16x96xf32>
    %get3A_1064 = vector.shape_cast %get3A_1063 : vector<1x1x16x96xf32> to vector<16x96xf32>
    %get3A_1065 = arith.constant 0 : index
    %get3A_1066 = arith.index_cast %get3A_1058 : i32 to index
    %get3A_1067 = arith.constant 0 : index
    %get3A_1068 = arith.constant 0 : index
    %get3A_1069 = vector.load %arg5[%get3A_1065, %get3A_1066, %get3A_1067, %get3A_1068] : memref<1x196x16x96xf32, #tpu.memory_space<vmem>>, vector<1x1x16x96xf32>
    %get3A_1070 = vector.shape_cast %get3A_1069 : vector<1x1x16x96xf32> to vector<16x96xf32>
    %get3A_1071 = arith.index_cast %arg0 : i32 to index
    %get3A_1072 = arith.index_cast %add3A_1015 : i32 to index
    %get3A_1073 = arith.constant 3 : index
    %get3A_1074 = memref.load %arg2[%get3A_1071, %get3A_1072, %get3A_1073] : memref<4x196x4xi32, #tpu.memory_space<smem>>
    %get3A_1075 = arith.constant 0 : index
    %get3A_1076 = arith.index_cast %get3A_1074 : i32 to index
    %get3A_1077 = arith.constant 0 : index
    %get3A_1078 = arith.constant 0 : index
    %get3A_1079 = vector.load %arg4[%get3A_1075, %get3A_1076, %get3A_1077, %get3A_1078] : memref<1x196x16x96xf32, #tpu.memory_space<vmem>>, vector<1x1x16x96xf32>
    %get3A_1080 = vector.shape_cast %get3A_1079 : vector<1x1x16x96xf32> to vector<16x96xf32>
    %get3A_1081 = arith.constant 0 : index
    %get3A_1082 = arith.index_cast %get3A_1074 : i32 to index
    %get3A_1083 = arith.constant 0 : index
    %get3A_1084 = arith.constant 0 : index
    %get3A_1085 = vector.load %arg5[%get3A_1081, %get3A_1082, %get3A_1083, %get3A_1084] : memref<1x196x16x96xf32, #tpu.memory_space<vmem>>, vector<1x1x16x96xf32>
    %get3A_1086 = vector.shape_cast %get3A_1085 : vector<1x1x16x96xf32> to vector<16x96xf32>
    %concatenate3A_1087 = tpu.concatenate %get3A_1032, %get3A_1048, %get3A_1064, %get3A_1080 in 0 : vector<16x96xf32>, vector<16x96xf32>, vector<16x96xf32>, vector<16x96xf32> -> vector<64x96xf32>
    %concatenate3A_1088 = tpu.concatenate %get3A_1038, %get3A_1054, %get3A_1070, %get3A_1086 in 0 : vector<16x96xf32>, vector<16x96xf32>, vector<16x96xf32>, vector<16x96xf32> -> vector<64x96xf32>
    %iota3A_1089 = tpu.iota {dimensions = array<i32: 0>} : vector<512x96xi32>
    %jit3A_1090 = arith.constant 64 : i32
    %div3A_1091 = vector.broadcast %jit3A_1090 : i32 to vector<512x96xi32>
    %div3A_1092 = arith.divsi %iota3A_1089, %div3A_1091 : vector<512x96xi32>
    %sign3A_1093 = arith.constant 0 : i32
    %sign3A_1094 = vector.broadcast %sign3A_1093 : i32 to vector<512x96xi32>
    %sign3A_1095 = arith.cmpi sgt, %iota3A_1089, %sign3A_1094 : vector<512x96xi32>
    %sign3A_1096 = arith.extui %sign3A_1095 : vector<512x96xi1> to vector<512x96xi32>
    %sign3A_1097 = arith.constant 0 : i32
    %sign3A_1098 = vector.broadcast %sign3A_1097 : i32 to vector<512x96xi32>
    %sign3A_1099 = arith.cmpi slt, %iota3A_1089, %sign3A_1098 : vector<512x96xi32>
    %sign3A_1100 = arith.extui %sign3A_1099 : vector<512x96xi1> to vector<512x96xi32>
    %sign3A_1101 = arith.subi %sign3A_1096, %sign3A_1100 : vector<512x96xi32>
    %sign3A_1102 = arith.constant 0 : i32
    %sign3A_1103 = arith.cmpi sgt, %jit3A_1090, %sign3A_1102 : i32
    %sign3A_1104 = arith.extui %sign3A_1103 : i1 to i32
    %sign3A_1105 = arith.constant 0 : i32
    %sign3A_1106 = arith.cmpi slt, %jit3A_1090, %sign3A_1105 : i32
    %sign3A_1107 = arith.extui %sign3A_1106 : i1 to i32
    %sign3A_1108 = arith.subi %sign3A_1104, %sign3A_1107 : i32
    %ne3A_1109 = vector.broadcast %sign3A_1108 : i32 to vector<512x96xi32>
    %ne3A_1110 = arith.cmpi ne, %sign3A_1101, %ne3A_1109 : vector<512x96xi32>
    %rem3A_1111 = vector.broadcast %jit3A_1090 : i32 to vector<512x96xi32>
    %rem3A_1112 = arith.remsi %iota3A_1089, %rem3A_1111 : vector<512x96xi32>
    %ne3A_1113 = arith.constant 0 : i32
    %ne3A_1114 = vector.broadcast %ne3A_1113 : i32 to vector<512x96xi32>
    %ne3A_1115 = arith.cmpi ne, %rem3A_1112, %ne3A_1114 : vector<512x96xi32>
    %and3A_1116 = arith.andi %ne3A_1110, %ne3A_1115 : vector<512x96xi1>
    %sub3A_1117 = arith.constant 1 : i32
    %sub3A_1118 = vector.broadcast %sub3A_1117 : i32 to vector<512x96xi32>
    %sub3A_1119 = arith.subi %div3A_1092, %sub3A_1118 : vector<512x96xi32>
    %select_n3A_1120 = arith.select %and3A_1116, %sub3A_1119, %div3A_1092 : vector<512x96xi1>, vector<512x96xi32>
    %iota3A_1121 = tpu.iota {dimensions = array<i32: 1>} : vector<512x96xi32>
    %jit3A_1122 = arith.constant 12 : i32
    %div3A_1123 = vector.broadcast %jit3A_1122 : i32 to vector<512x96xi32>
    %div3A_1124 = arith.divsi %iota3A_1121, %div3A_1123 : vector<512x96xi32>
    %sign3A_1125 = arith.constant 0 : i32
    %sign3A_1126 = vector.broadcast %sign3A_1125 : i32 to vector<512x96xi32>
    %sign3A_1127 = arith.cmpi sgt, %iota3A_1121, %sign3A_1126 : vector<512x96xi32>
    %sign3A_1128 = arith.extui %sign3A_1127 : vector<512x96xi1> to vector<512x96xi32>
    %sign3A_1129 = arith.constant 0 : i32
    %sign3A_1130 = vector.broadcast %sign3A_1129 : i32 to vector<512x96xi32>
    %sign3A_1131 = arith.cmpi slt, %iota3A_1121, %sign3A_1130 : vector<512x96xi32>
    %sign3A_1132 = arith.extui %sign3A_1131 : vector<512x96xi1> to vector<512x96xi32>
    %sign3A_1133 = arith.subi %sign3A_1128, %sign3A_1132 : vector<512x96xi32>
    %sign3A_1134 = arith.constant 0 : i32
    %sign3A_1135 = arith.cmpi sgt, %jit3A_1122, %sign3A_1134 : i32
    %sign3A_1136 = arith.extui %sign3A_1135 : i1 to i32
    %sign3A_1137 = arith.constant 0 : i32
    %sign3A_1138 = arith.cmpi slt, %jit3A_1122, %sign3A_1137 : i32
    %sign3A_1139 = arith.extui %sign3A_1138 : i1 to i32
    %sign3A_1140 = arith.subi %sign3A_1136, %sign3A_1139 : i32
    %ne3A_1141 = vector.broadcast %sign3A_1140 : i32 to vector<512x96xi32>
    %ne3A_1142 = arith.cmpi ne, %sign3A_1133, %ne3A_1141 : vector<512x96xi32>
    %rem3A_1143 = vector.broadcast %jit3A_1122 : i32 to vector<512x96xi32>
    %rem3A_1144 = arith.remsi %iota3A_1121, %rem3A_1143 : vector<512x96xi32>
    %ne3A_1145 = arith.constant 0 : i32
    %ne3A_1146 = vector.broadcast %ne3A_1145 : i32 to vector<512x96xi32>
    %ne3A_1147 = arith.cmpi ne, %rem3A_1144, %ne3A_1146 : vector<512x96xi32>
    %and3A_1148 = arith.andi %ne3A_1142, %ne3A_1147 : vector<512x96xi1>
    %sub3A_1149 = arith.constant 1 : i32
    %sub3A_1150 = vector.broadcast %sub3A_1149 : i32 to vector<512x96xi32>
    %sub3A_1151 = arith.subi %div3A_1124, %sub3A_1150 : vector<512x96xi32>
    %select_n3A_1152 = arith.select %and3A_1148, %sub3A_1151, %div3A_1124 : vector<512x96xi1>, vector<512x96xi32>
    %eq3A_1153 = arith.cmpi eq, %select_n3A_1120, %select_n3A_1152 : vector<512x96xi32>
    %concatenate3A_1154 = tpu.concatenate %concatenate3A_1087, %concatenate3A_1087, %concatenate3A_1087, %concatenate3A_1087, %concatenate3A_1087, %concatenate3A_1087, %concatenate3A_1087, %concatenate3A_1087 in 0 : vector<64x96xf32>, vector<64x96xf32>, vector<64x96xf32>, vector<64x96xf32>, vector<64x96xf32>, vector<64x96xf32>, vector<64x96xf32>, vector<64x96xf32> -> vector<512x96xf32>
    %jit3A_1155 = arith.constant 0.000000e+00 : f32
    %broadcast_in_dim3A_1156 = vector.broadcast %jit3A_1155 : f32 to vector<512x96xf32>
    %select_n3A_1157 = arith.select %eq3A_1153, %concatenate3A_1154, %broadcast_in_dim3A_1156 : vector<512x96xi1>, vector<512x96xf32>
    %mul3A_1158 = arith.constant 0.102062076 : f32
    %mul3A_1159 = vector.broadcast %mul3A_1158 : f32 to vector<256x96xf32>
    %mul3A_1160 = arith.mulf %squeeze3A_1022, %mul3A_1159 : vector<256x96xf32>
    %dot_general3A_1161 = arith.constant dense<0.000000e+00> : vector<256x512xf32>
    %dot_general3A_1162 = tpu.matmul %mul3A_1160, %select_n3A_1157, %dot_general3A_1161 {dimension_numbers = #tpu.dot_dimension_numbers<[1], [1], [0], [0], [0, 0, 1, 0], [], []>, transpose_lhs_hint = false} : vector<256x96xf32>, vector<512x96xf32>, vector<256x512xf32> -> vector<256x512xf32>
    %reduce_max3A_1163 = arith.constant dense<0xFF800000> : vector<256xf32>
    %reduce_max3A_1164 = vector.multi_reduction <maximumf>, %dot_general3A_1162, %reduce_max3A_1163 [1] : vector<256x512xf32> to vector<256xf32>
    %broadcast_in_dim3A_1165 = vector.shape_cast %reduce_max3A_1164 : vector<256xf32> to vector<256x1xf32>
    %sub3A_1166 = vector.broadcast %broadcast_in_dim3A_1165 : vector<256x1xf32> to vector<256x512xf32>
    %sub3A_1167 = arith.subf %dot_general3A_1162, %sub3A_1166 : vector<256x512xf32>
    %exp3A_1168 = math.exp %sub3A_1167 : vector<256x512xf32>
    %iota3A_1169 = tpu.iota {dimensions = array<i32: 0>} : vector<512x8xi32>
    %jit3A_1170 = arith.constant 64 : i32
    %div3A_1171 = vector.broadcast %jit3A_1170 : i32 to vector<512x8xi32>
    %div3A_1172 = arith.divsi %iota3A_1169, %div3A_1171 : vector<512x8xi32>
    %sign3A_1173 = arith.constant 0 : i32
    %sign3A_1174 = vector.broadcast %sign3A_1173 : i32 to vector<512x8xi32>
    %sign3A_1175 = arith.cmpi sgt, %iota3A_1169, %sign3A_1174 : vector<512x8xi32>
    %sign3A_1176 = arith.extui %sign3A_1175 : vector<512x8xi1> to vector<512x8xi32>
    %sign3A_1177 = arith.constant 0 : i32
    %sign3A_1178 = vector.broadcast %sign3A_1177 : i32 to vector<512x8xi32>
    %sign3A_1179 = arith.cmpi slt, %iota3A_1169, %sign3A_1178 : vector<512x8xi32>
    %sign3A_1180 = arith.extui %sign3A_1179 : vector<512x8xi1> to vector<512x8xi32>
    %sign3A_1181 = arith.subi %sign3A_1176, %sign3A_1180 : vector<512x8xi32>
    %sign3A_1182 = arith.constant 0 : i32
    %sign3A_1183 = arith.cmpi sgt, %jit3A_1170, %sign3A_1182 : i32
    %sign3A_1184 = arith.extui %sign3A_1183 : i1 to i32
    %sign3A_1185 = arith.constant 0 : i32
    %sign3A_1186 = arith.cmpi slt, %jit3A_1170, %sign3A_1185 : i32
    %sign3A_1187 = arith.extui %sign3A_1186 : i1 to i32
    %sign3A_1188 = arith.subi %sign3A_1184, %sign3A_1187 : i32
    %ne3A_1189 = vector.broadcast %sign3A_1188 : i32 to vector<512x8xi32>
    %ne3A_1190 = arith.cmpi ne, %sign3A_1181, %ne3A_1189 : vector<512x8xi32>
    %rem3A_1191 = vector.broadcast %jit3A_1170 : i32 to vector<512x8xi32>
    %rem3A_1192 = arith.remsi %iota3A_1169, %rem3A_1191 : vector<512x8xi32>
    %ne3A_1193 = arith.constant 0 : i32
    %ne3A_1194 = vector.broadcast %ne3A_1193 : i32 to vector<512x8xi32>
    %ne3A_1195 = arith.cmpi ne, %rem3A_1192, %ne3A_1194 : vector<512x8xi32>
    %and3A_1196 = arith.andi %ne3A_1190, %ne3A_1195 : vector<512x8xi1>
    %sub3A_1197 = arith.constant 1 : i32
    %sub3A_1198 = vector.broadcast %sub3A_1197 : i32 to vector<512x8xi32>
    %sub3A_1199 = arith.subi %div3A_1172, %sub3A_1198 : vector<512x8xi32>
    %select_n3A_1200 = arith.select %and3A_1196, %sub3A_1199, %div3A_1172 : vector<512x8xi1>, vector<512x8xi32>
    %iota3A_1201 = tpu.iota {dimensions = array<i32: 1>} : vector<512x8xi32>
    %eq3A_1202 = arith.cmpi eq, %select_n3A_1200, %iota3A_1201 : vector<512x8xi32>
    %jit3A_1203 = arith.constant 1.000000e+00 : f32
    %jit3A_1204 = arith.constant 0.000000e+00 : f32
    %broadcast_in_dim3A_1205 = vector.broadcast %jit3A_1203 : f32 to vector<512x8xf32>
    %broadcast_in_dim3A_1206 = vector.broadcast %jit3A_1204 : f32 to vector<512x8xf32>
    %select_n3A_1207 = arith.select %eq3A_1202, %broadcast_in_dim3A_1205, %broadcast_in_dim3A_1206 : vector<512x8xi1>, vector<512x8xf32>
    %dot_general3A_1208 = arith.constant dense<0.000000e+00> : vector<256x8xf32>
    %dot_general3A_1209 = tpu.matmul %exp3A_1168, %select_n3A_1207, %dot_general3A_1208 {dimension_numbers = #tpu.dot_dimension_numbers<[1], [0], [0], [1], [0, 0, 1, 1], [], []>, transpose_lhs_hint = false} : vector<256x512xf32>, vector<512x8xf32>, vector<256x8xf32> -> vector<256x8xf32>
    %max3A_1210 = arith.constant 1.000000e-30 : f32
    %max3A_1211 = vector.broadcast %max3A_1210 : f32 to vector<256x8xf32>
    %max3A_1212 = arith.maximumf %dot_general3A_1209, %max3A_1211 : vector<256x8xf32>
    %div3A_1213 = arith.constant 1.000000e+00 : f32
    %div3A_1214 = vector.broadcast %div3A_1213 : f32 to vector<256x8xf32>
    %div3A_1215 = arith.divf %div3A_1214, %max3A_1212 : vector<256x8xf32>
    %concatenate3A_1216 = tpu.concatenate %concatenate3A_1088, %concatenate3A_1088, %concatenate3A_1088, %concatenate3A_1088, %concatenate3A_1088, %concatenate3A_1088, %concatenate3A_1088, %concatenate3A_1088 in 0 : vector<64x96xf32>, vector<64x96xf32>, vector<64x96xf32>, vector<64x96xf32>, vector<64x96xf32>, vector<64x96xf32>, vector<64x96xf32>, vector<64x96xf32> -> vector<512x96xf32>
    %jit3A_1217 = arith.constant 0.000000e+00 : f32
    %broadcast_in_dim3A_1218 = vector.broadcast %jit3A_1217 : f32 to vector<512x96xf32>
    %select_n3A_1219 = arith.select %eq3A_1153, %concatenate3A_1216, %broadcast_in_dim3A_1218 : vector<512x96xi1>, vector<512x96xf32>
    %dot_general3A_1220 = arith.constant dense<0.000000e+00> : vector<256x96xf32>
    %dot_general3A_1221 = tpu.matmul %exp3A_1168, %select_n3A_1219, %dot_general3A_1220 {dimension_numbers = #tpu.dot_dimension_numbers<[1], [0], [0], [1], [0, 0, 1, 1], [], []>, transpose_lhs_hint = false} : vector<256x512xf32>, vector<512x96xf32>, vector<256x96xf32> -> vector<256x96xf32>
    %iota3A_1222 = tpu.iota {dimensions = array<i32: 0>} : vector<8x96xi32>
    %iota3A_1223 = tpu.iota {dimensions = array<i32: 1>} : vector<8x96xi32>
    %jit3A_1224 = arith.constant 12 : i32
    %div3A_1225 = vector.broadcast %jit3A_1224 : i32 to vector<8x96xi32>
    %div3A_1226 = arith.divsi %iota3A_1223, %div3A_1225 : vector<8x96xi32>
    %sign3A_1227 = arith.constant 0 : i32
    %sign3A_1228 = vector.broadcast %sign3A_1227 : i32 to vector<8x96xi32>
    %sign3A_1229 = arith.cmpi sgt, %iota3A_1223, %sign3A_1228 : vector<8x96xi32>
    %sign3A_1230 = arith.extui %sign3A_1229 : vector<8x96xi1> to vector<8x96xi32>
    %sign3A_1231 = arith.constant 0 : i32
    %sign3A_1232 = vector.broadcast %sign3A_1231 : i32 to vector<8x96xi32>
    %sign3A_1233 = arith.cmpi slt, %iota3A_1223, %sign3A_1232 : vector<8x96xi32>
    %sign3A_1234 = arith.extui %sign3A_1233 : vector<8x96xi1> to vector<8x96xi32>
    %sign3A_1235 = arith.subi %sign3A_1230, %sign3A_1234 : vector<8x96xi32>
    %sign3A_1236 = arith.constant 0 : i32
    %sign3A_1237 = arith.cmpi sgt, %jit3A_1224, %sign3A_1236 : i32
    %sign3A_1238 = arith.extui %sign3A_1237 : i1 to i32
    %sign3A_1239 = arith.constant 0 : i32
    %sign3A_1240 = arith.cmpi slt, %jit3A_1224, %sign3A_1239 : i32
    %sign3A_1241 = arith.extui %sign3A_1240 : i1 to i32
    %sign3A_1242 = arith.subi %sign3A_1238, %sign3A_1241 : i32
    %ne3A_1243 = vector.broadcast %sign3A_1242 : i32 to vector<8x96xi32>
    %ne3A_1244 = arith.cmpi ne, %sign3A_1235, %ne3A_1243 : vector<8x96xi32>
    %rem3A_1245 = vector.broadcast %jit3A_1224 : i32 to vector<8x96xi32>
    %rem3A_1246 = arith.remsi %iota3A_1223, %rem3A_1245 : vector<8x96xi32>
    %ne3A_1247 = arith.constant 0 : i32
    %ne3A_1248 = vector.broadcast %ne3A_1247 : i32 to vector<8x96xi32>
    %ne3A_1249 = arith.cmpi ne, %rem3A_1246, %ne3A_1248 : vector<8x96xi32>
    %and3A_1250 = arith.andi %ne3A_1244, %ne3A_1249 : vector<8x96xi1>
    %sub3A_1251 = arith.constant 1 : i32
    %sub3A_1252 = vector.broadcast %sub3A_1251 : i32 to vector<8x96xi32>
    %sub3A_1253 = arith.subi %div3A_1226, %sub3A_1252 : vector<8x96xi32>
    %select_n3A_1254 = arith.select %and3A_1250, %sub3A_1253, %div3A_1226 : vector<8x96xi1>, vector<8x96xi32>
    %eq3A_1255 = arith.cmpi eq, %iota3A_1222, %select_n3A_1254 : vector<8x96xi32>
    %jit3A_1256 = arith.constant 1.000000e+00 : f32
    %jit3A_1257 = arith.constant 0.000000e+00 : f32
    %broadcast_in_dim3A_1258 = vector.broadcast %jit3A_1256 : f32 to vector<8x96xf32>
    %broadcast_in_dim3A_1259 = vector.broadcast %jit3A_1257 : f32 to vector<8x96xf32>
    %select_n3A_1260 = arith.select %eq3A_1255, %broadcast_in_dim3A_1258, %broadcast_in_dim3A_1259 : vector<8x96xi1>, vector<8x96xf32>
    %dot_general3A_1261 = arith.constant dense<0.000000e+00> : vector<256x96xf32>
    %dot_general3A_1262 = tpu.matmul %div3A_1215, %select_n3A_1260, %dot_general3A_1261 {dimension_numbers = #tpu.dot_dimension_numbers<[1], [0], [0], [1], [0, 0, 1, 1], [], []>, transpose_lhs_hint = false} : vector<256x8xf32>, vector<8x96xf32>, vector<256x96xf32> -> vector<256x96xf32>
    %mul3A_1263 = arith.mulf %dot_general3A_1221, %dot_general3A_1262 : vector<256x96xf32>
    %dot_general3A_1264 = arith.constant dense<0.000000e+00> : vector<256x96xf32>
    %dot_general3A_1265 = tpu.matmul %mul3A_1263, %get3A_1, %dot_general3A_1264 {dimension_numbers = #tpu.dot_dimension_numbers<[1], [0], [0], [1], [0, 0, 1, 1], [], []>, transpose_lhs_hint = false} : vector<256x96xf32>, vector<96x96xf32>, vector<256x96xf32> -> vector<256x96xf32>
    %add3A_1266 = vector.broadcast %get3A_4 : vector<1x96xf32> to vector<256x96xf32>
    %add3A_1267 = arith.addf %dot_general3A_1265, %add3A_1266 : vector<256x96xf32>
    %reshape3A_1268 = vector.shape_cast %add3A_1267 : vector<256x96xf32> to vector<16x16x96xf32>
    %mul3A_1269 = arith.constant 14 : i32
    %mul3A_1270 = arith.muli %arg1, %mul3A_1269 : i32
    %add3A_1271 = arith.constant 5 : i32
    %add3A_1272 = arith.addi %mul3A_1270, %add3A_1271 : i32
    %get3A_1273 = arith.constant 0 : index
    %get3A_1274 = arith.constant 0 : index
    %get3A_1275 = arith.constant 0 : index
    %get3A_1276 = arith.constant 0 : index
    %get3A_1277 = vector.load %arg3[%get3A_1273, %get3A_1274, %get3A_1275, %get3A_1276] : memref<1x14x256x96xf32, #tpu.memory_space<vmem>>, vector<1x14x256x96xf32>
    %slice3A_1278 = vector.extract_strided_slice %get3A_1277 {offsets = [0, 5, 0, 0], sizes = [1, 1, 256, 96], strides = [1, 1, 1, 1]} : vector<1x14x256x96xf32> to vector<1x1x256x96xf32>
    %squeeze3A_1279 = vector.shape_cast %slice3A_1278 : vector<1x1x256x96xf32> to vector<256x96xf32>
    %get3A_1280 = arith.index_cast %arg0 : i32 to index
    %get3A_1281 = arith.index_cast %add3A_1272 : i32 to index
    %get3A_1282 = arith.constant 0 : index
    %get3A_1283 = memref.load %arg2[%get3A_1280, %get3A_1281, %get3A_1282] : memref<4x196x4xi32, #tpu.memory_space<smem>>
    %get3A_1284 = arith.constant 0 : index
    %get3A_1285 = arith.index_cast %get3A_1283 : i32 to index
    %get3A_1286 = arith.constant 0 : index
    %get3A_1287 = arith.constant 0 : index
    %get3A_1288 = vector.load %arg4[%get3A_1284, %get3A_1285, %get3A_1286, %get3A_1287] : memref<1x196x16x96xf32, #tpu.memory_space<vmem>>, vector<1x1x16x96xf32>
    %get3A_1289 = vector.shape_cast %get3A_1288 : vector<1x1x16x96xf32> to vector<16x96xf32>
    %get3A_1290 = arith.constant 0 : index
    %get3A_1291 = arith.index_cast %get3A_1283 : i32 to index
    %get3A_1292 = arith.constant 0 : index
    %get3A_1293 = arith.constant 0 : index
    %get3A_1294 = vector.load %arg5[%get3A_1290, %get3A_1291, %get3A_1292, %get3A_1293] : memref<1x196x16x96xf32, #tpu.memory_space<vmem>>, vector<1x1x16x96xf32>
    %get3A_1295 = vector.shape_cast %get3A_1294 : vector<1x1x16x96xf32> to vector<16x96xf32>
    %get3A_1296 = arith.index_cast %arg0 : i32 to index
    %get3A_1297 = arith.index_cast %add3A_1272 : i32 to index
    %get3A_1298 = arith.constant 1 : index
    %get3A_1299 = memref.load %arg2[%get3A_1296, %get3A_1297, %get3A_1298] : memref<4x196x4xi32, #tpu.memory_space<smem>>
    %get3A_1300 = arith.constant 0 : index
    %get3A_1301 = arith.index_cast %get3A_1299 : i32 to index
    %get3A_1302 = arith.constant 0 : index
    %get3A_1303 = arith.constant 0 : index
    %get3A_1304 = vector.load %arg4[%get3A_1300, %get3A_1301, %get3A_1302, %get3A_1303] : memref<1x196x16x96xf32, #tpu.memory_space<vmem>>, vector<1x1x16x96xf32>
    %get3A_1305 = vector.shape_cast %get3A_1304 : vector<1x1x16x96xf32> to vector<16x96xf32>
    %get3A_1306 = arith.constant 0 : index
    %get3A_1307 = arith.index_cast %get3A_1299 : i32 to index
    %get3A_1308 = arith.constant 0 : index
    %get3A_1309 = arith.constant 0 : index
    %get3A_1310 = vector.load %arg5[%get3A_1306, %get3A_1307, %get3A_1308, %get3A_1309] : memref<1x196x16x96xf32, #tpu.memory_space<vmem>>, vector<1x1x16x96xf32>
    %get3A_1311 = vector.shape_cast %get3A_1310 : vector<1x1x16x96xf32> to vector<16x96xf32>
    %get3A_1312 = arith.index_cast %arg0 : i32 to index
    %get3A_1313 = arith.index_cast %add3A_1272 : i32 to index
    %get3A_1314 = arith.constant 2 : index
    %get3A_1315 = memref.load %arg2[%get3A_1312, %get3A_1313, %get3A_1314] : memref<4x196x4xi32, #tpu.memory_space<smem>>
    %get3A_1316 = arith.constant 0 : index
    %get3A_1317 = arith.index_cast %get3A_1315 : i32 to index
    %get3A_1318 = arith.constant 0 : index
    %get3A_1319 = arith.constant 0 : index
    %get3A_1320 = vector.load %arg4[%get3A_1316, %get3A_1317, %get3A_1318, %get3A_1319] : memref<1x196x16x96xf32, #tpu.memory_space<vmem>>, vector<1x1x16x96xf32>
    %get3A_1321 = vector.shape_cast %get3A_1320 : vector<1x1x16x96xf32> to vector<16x96xf32>
    %get3A_1322 = arith.constant 0 : index
    %get3A_1323 = arith.index_cast %get3A_1315 : i32 to index
    %get3A_1324 = arith.constant 0 : index
    %get3A_1325 = arith.constant 0 : index
    %get3A_1326 = vector.load %arg5[%get3A_1322, %get3A_1323, %get3A_1324, %get3A_1325] : memref<1x196x16x96xf32, #tpu.memory_space<vmem>>, vector<1x1x16x96xf32>
    %get3A_1327 = vector.shape_cast %get3A_1326 : vector<1x1x16x96xf32> to vector<16x96xf32>
    %get3A_1328 = arith.index_cast %arg0 : i32 to index
    %get3A_1329 = arith.index_cast %add3A_1272 : i32 to index
    %get3A_1330 = arith.constant 3 : index
    %get3A_1331 = memref.load %arg2[%get3A_1328, %get3A_1329, %get3A_1330] : memref<4x196x4xi32, #tpu.memory_space<smem>>
    %get3A_1332 = arith.constant 0 : index
    %get3A_1333 = arith.index_cast %get3A_1331 : i32 to index
    %get3A_1334 = arith.constant 0 : index
    %get3A_1335 = arith.constant 0 : index
    %get3A_1336 = vector.load %arg4[%get3A_1332, %get3A_1333, %get3A_1334, %get3A_1335] : memref<1x196x16x96xf32, #tpu.memory_space<vmem>>, vector<1x1x16x96xf32>
    %get3A_1337 = vector.shape_cast %get3A_1336 : vector<1x1x16x96xf32> to vector<16x96xf32>
    %get3A_1338 = arith.constant 0 : index
    %get3A_1339 = arith.index_cast %get3A_1331 : i32 to index
    %get3A_1340 = arith.constant 0 : index
    %get3A_1341 = arith.constant 0 : index
    %get3A_1342 = vector.load %arg5[%get3A_1338, %get3A_1339, %get3A_1340, %get3A_1341] : memref<1x196x16x96xf32, #tpu.memory_space<vmem>>, vector<1x1x16x96xf32>
    %get3A_1343 = vector.shape_cast %get3A_1342 : vector<1x1x16x96xf32> to vector<16x96xf32>
    %concatenate3A_1344 = tpu.concatenate %get3A_1289, %get3A_1305, %get3A_1321, %get3A_1337 in 0 : vector<16x96xf32>, vector<16x96xf32>, vector<16x96xf32>, vector<16x96xf32> -> vector<64x96xf32>
    %concatenate3A_1345 = tpu.concatenate %get3A_1295, %get3A_1311, %get3A_1327, %get3A_1343 in 0 : vector<16x96xf32>, vector<16x96xf32>, vector<16x96xf32>, vector<16x96xf32> -> vector<64x96xf32>
    %iota3A_1346 = tpu.iota {dimensions = array<i32: 0>} : vector<512x96xi32>
    %jit3A_1347 = arith.constant 64 : i32
    %div3A_1348 = vector.broadcast %jit3A_1347 : i32 to vector<512x96xi32>
    %div3A_1349 = arith.divsi %iota3A_1346, %div3A_1348 : vector<512x96xi32>
    %sign3A_1350 = arith.constant 0 : i32
    %sign3A_1351 = vector.broadcast %sign3A_1350 : i32 to vector<512x96xi32>
    %sign3A_1352 = arith.cmpi sgt, %iota3A_1346, %sign3A_1351 : vector<512x96xi32>
    %sign3A_1353 = arith.extui %sign3A_1352 : vector<512x96xi1> to vector<512x96xi32>
    %sign3A_1354 = arith.constant 0 : i32
    %sign3A_1355 = vector.broadcast %sign3A_1354 : i32 to vector<512x96xi32>
    %sign3A_1356 = arith.cmpi slt, %iota3A_1346, %sign3A_1355 : vector<512x96xi32>
    %sign3A_1357 = arith.extui %sign3A_1356 : vector<512x96xi1> to vector<512x96xi32>
    %sign3A_1358 = arith.subi %sign3A_1353, %sign3A_1357 : vector<512x96xi32>
    %sign3A_1359 = arith.constant 0 : i32
    %sign3A_1360 = arith.cmpi sgt, %jit3A_1347, %sign3A_1359 : i32
    %sign3A_1361 = arith.extui %sign3A_1360 : i1 to i32
    %sign3A_1362 = arith.constant 0 : i32
    %sign3A_1363 = arith.cmpi slt, %jit3A_1347, %sign3A_1362 : i32
    %sign3A_1364 = arith.extui %sign3A_1363 : i1 to i32
    %sign3A_1365 = arith.subi %sign3A_1361, %sign3A_1364 : i32
    %ne3A_1366 = vector.broadcast %sign3A_1365 : i32 to vector<512x96xi32>
    %ne3A_1367 = arith.cmpi ne, %sign3A_1358, %ne3A_1366 : vector<512x96xi32>
    %rem3A_1368 = vector.broadcast %jit3A_1347 : i32 to vector<512x96xi32>
    %rem3A_1369 = arith.remsi %iota3A_1346, %rem3A_1368 : vector<512x96xi32>
    %ne3A_1370 = arith.constant 0 : i32
    %ne3A_1371 = vector.broadcast %ne3A_1370 : i32 to vector<512x96xi32>
    %ne3A_1372 = arith.cmpi ne, %rem3A_1369, %ne3A_1371 : vector<512x96xi32>
    %and3A_1373 = arith.andi %ne3A_1367, %ne3A_1372 : vector<512x96xi1>
    %sub3A_1374 = arith.constant 1 : i32
    %sub3A_1375 = vector.broadcast %sub3A_1374 : i32 to vector<512x96xi32>
    %sub3A_1376 = arith.subi %div3A_1349, %sub3A_1375 : vector<512x96xi32>
    %select_n3A_1377 = arith.select %and3A_1373, %sub3A_1376, %div3A_1349 : vector<512x96xi1>, vector<512x96xi32>
    %iota3A_1378 = tpu.iota {dimensions = array<i32: 1>} : vector<512x96xi32>
    %jit3A_1379 = arith.constant 12 : i32
    %div3A_1380 = vector.broadcast %jit3A_1379 : i32 to vector<512x96xi32>
    %div3A_1381 = arith.divsi %iota3A_1378, %div3A_1380 : vector<512x96xi32>
    %sign3A_1382 = arith.constant 0 : i32
    %sign3A_1383 = vector.broadcast %sign3A_1382 : i32 to vector<512x96xi32>
    %sign3A_1384 = arith.cmpi sgt, %iota3A_1378, %sign3A_1383 : vector<512x96xi32>
    %sign3A_1385 = arith.extui %sign3A_1384 : vector<512x96xi1> to vector<512x96xi32>
    %sign3A_1386 = arith.constant 0 : i32
    %sign3A_1387 = vector.broadcast %sign3A_1386 : i32 to vector<512x96xi32>
    %sign3A_1388 = arith.cmpi slt, %iota3A_1378, %sign3A_1387 : vector<512x96xi32>
    %sign3A_1389 = arith.extui %sign3A_1388 : vector<512x96xi1> to vector<512x96xi32>
    %sign3A_1390 = arith.subi %sign3A_1385, %sign3A_1389 : vector<512x96xi32>
    %sign3A_1391 = arith.constant 0 : i32
    %sign3A_1392 = arith.cmpi sgt, %jit3A_1379, %sign3A_1391 : i32
    %sign3A_1393 = arith.extui %sign3A_1392 : i1 to i32
    %sign3A_1394 = arith.constant 0 : i32
    %sign3A_1395 = arith.cmpi slt, %jit3A_1379, %sign3A_1394 : i32
    %sign3A_1396 = arith.extui %sign3A_1395 : i1 to i32
    %sign3A_1397 = arith.subi %sign3A_1393, %sign3A_1396 : i32
    %ne3A_1398 = vector.broadcast %sign3A_1397 : i32 to vector<512x96xi32>
    %ne3A_1399 = arith.cmpi ne, %sign3A_1390, %ne3A_1398 : vector<512x96xi32>
    %rem3A_1400 = vector.broadcast %jit3A_1379 : i32 to vector<512x96xi32>
    %rem3A_1401 = arith.remsi %iota3A_1378, %rem3A_1400 : vector<512x96xi32>
    %ne3A_1402 = arith.constant 0 : i32
    %ne3A_1403 = vector.broadcast %ne3A_1402 : i32 to vector<512x96xi32>
    %ne3A_1404 = arith.cmpi ne, %rem3A_1401, %ne3A_1403 : vector<512x96xi32>
    %and3A_1405 = arith.andi %ne3A_1399, %ne3A_1404 : vector<512x96xi1>
    %sub3A_1406 = arith.constant 1 : i32
    %sub3A_1407 = vector.broadcast %sub3A_1406 : i32 to vector<512x96xi32>
    %sub3A_1408 = arith.subi %div3A_1381, %sub3A_1407 : vector<512x96xi32>
    %select_n3A_1409 = arith.select %and3A_1405, %sub3A_1408, %div3A_1381 : vector<512x96xi1>, vector<512x96xi32>
    %eq3A_1410 = arith.cmpi eq, %select_n3A_1377, %select_n3A_1409 : vector<512x96xi32>
    %concatenate3A_1411 = tpu.concatenate %concatenate3A_1344, %concatenate3A_1344, %concatenate3A_1344, %concatenate3A_1344, %concatenate3A_1344, %concatenate3A_1344, %concatenate3A_1344, %concatenate3A_1344 in 0 : vector<64x96xf32>, vector<64x96xf32>, vector<64x96xf32>, vector<64x96xf32>, vector<64x96xf32>, vector<64x96xf32>, vector<64x96xf32>, vector<64x96xf32> -> vector<512x96xf32>
    %jit3A_1412 = arith.constant 0.000000e+00 : f32
    %broadcast_in_dim3A_1413 = vector.broadcast %jit3A_1412 : f32 to vector<512x96xf32>
    %select_n3A_1414 = arith.select %eq3A_1410, %concatenate3A_1411, %broadcast_in_dim3A_1413 : vector<512x96xi1>, vector<512x96xf32>
    %mul3A_1415 = arith.constant 0.102062076 : f32
    %mul3A_1416 = vector.broadcast %mul3A_1415 : f32 to vector<256x96xf32>
    %mul3A_1417 = arith.mulf %squeeze3A_1279, %mul3A_1416 : vector<256x96xf32>
    %dot_general3A_1418 = arith.constant dense<0.000000e+00> : vector<256x512xf32>
    %dot_general3A_1419 = tpu.matmul %mul3A_1417, %select_n3A_1414, %dot_general3A_1418 {dimension_numbers = #tpu.dot_dimension_numbers<[1], [1], [0], [0], [0, 0, 1, 0], [], []>, transpose_lhs_hint = false} : vector<256x96xf32>, vector<512x96xf32>, vector<256x512xf32> -> vector<256x512xf32>
    %reduce_max3A_1420 = arith.constant dense<0xFF800000> : vector<256xf32>
    %reduce_max3A_1421 = vector.multi_reduction <maximumf>, %dot_general3A_1419, %reduce_max3A_1420 [1] : vector<256x512xf32> to vector<256xf32>
    %broadcast_in_dim3A_1422 = vector.shape_cast %reduce_max3A_1421 : vector<256xf32> to vector<256x1xf32>
    %sub3A_1423 = vector.broadcast %broadcast_in_dim3A_1422 : vector<256x1xf32> to vector<256x512xf32>
    %sub3A_1424 = arith.subf %dot_general3A_1419, %sub3A_1423 : vector<256x512xf32>
    %exp3A_1425 = math.exp %sub3A_1424 : vector<256x512xf32>
    %iota3A_1426 = tpu.iota {dimensions = array<i32: 0>} : vector<512x8xi32>
    %jit3A_1427 = arith.constant 64 : i32
    %div3A_1428 = vector.broadcast %jit3A_1427 : i32 to vector<512x8xi32>
    %div3A_1429 = arith.divsi %iota3A_1426, %div3A_1428 : vector<512x8xi32>
    %sign3A_1430 = arith.constant 0 : i32
    %sign3A_1431 = vector.broadcast %sign3A_1430 : i32 to vector<512x8xi32>
    %sign3A_1432 = arith.cmpi sgt, %iota3A_1426, %sign3A_1431 : vector<512x8xi32>
    %sign3A_1433 = arith.extui %sign3A_1432 : vector<512x8xi1> to vector<512x8xi32>
    %sign3A_1434 = arith.constant 0 : i32
    %sign3A_1435 = vector.broadcast %sign3A_1434 : i32 to vector<512x8xi32>
    %sign3A_1436 = arith.cmpi slt, %iota3A_1426, %sign3A_1435 : vector<512x8xi32>
    %sign3A_1437 = arith.extui %sign3A_1436 : vector<512x8xi1> to vector<512x8xi32>
    %sign3A_1438 = arith.subi %sign3A_1433, %sign3A_1437 : vector<512x8xi32>
    %sign3A_1439 = arith.constant 0 : i32
    %sign3A_1440 = arith.cmpi sgt, %jit3A_1427, %sign3A_1439 : i32
    %sign3A_1441 = arith.extui %sign3A_1440 : i1 to i32
    %sign3A_1442 = arith.constant 0 : i32
    %sign3A_1443 = arith.cmpi slt, %jit3A_1427, %sign3A_1442 : i32
    %sign3A_1444 = arith.extui %sign3A_1443 : i1 to i32
    %sign3A_1445 = arith.subi %sign3A_1441, %sign3A_1444 : i32
    %ne3A_1446 = vector.broadcast %sign3A_1445 : i32 to vector<512x8xi32>
    %ne3A_1447 = arith.cmpi ne, %sign3A_1438, %ne3A_1446 : vector<512x8xi32>
    %rem3A_1448 = vector.broadcast %jit3A_1427 : i32 to vector<512x8xi32>
    %rem3A_1449 = arith.remsi %iota3A_1426, %rem3A_1448 : vector<512x8xi32>
    %ne3A_1450 = arith.constant 0 : i32
    %ne3A_1451 = vector.broadcast %ne3A_1450 : i32 to vector<512x8xi32>
    %ne3A_1452 = arith.cmpi ne, %rem3A_1449, %ne3A_1451 : vector<512x8xi32>
    %and3A_1453 = arith.andi %ne3A_1447, %ne3A_1452 : vector<512x8xi1>
    %sub3A_1454 = arith.constant 1 : i32
    %sub3A_1455 = vector.broadcast %sub3A_1454 : i32 to vector<512x8xi32>
    %sub3A_1456 = arith.subi %div3A_1429, %sub3A_1455 : vector<512x8xi32>
    %select_n3A_1457 = arith.select %and3A_1453, %sub3A_1456, %div3A_1429 : vector<512x8xi1>, vector<512x8xi32>
    %iota3A_1458 = tpu.iota {dimensions = array<i32: 1>} : vector<512x8xi32>
    %eq3A_1459 = arith.cmpi eq, %select_n3A_1457, %iota3A_1458 : vector<512x8xi32>
    %jit3A_1460 = arith.constant 1.000000e+00 : f32
    %jit3A_1461 = arith.constant 0.000000e+00 : f32
    %broadcast_in_dim3A_1462 = vector.broadcast %jit3A_1460 : f32 to vector<512x8xf32>
    %broadcast_in_dim3A_1463 = vector.broadcast %jit3A_1461 : f32 to vector<512x8xf32>
    %select_n3A_1464 = arith.select %eq3A_1459, %broadcast_in_dim3A_1462, %broadcast_in_dim3A_1463 : vector<512x8xi1>, vector<512x8xf32>
    %dot_general3A_1465 = arith.constant dense<0.000000e+00> : vector<256x8xf32>
    %dot_general3A_1466 = tpu.matmul %exp3A_1425, %select_n3A_1464, %dot_general3A_1465 {dimension_numbers = #tpu.dot_dimension_numbers<[1], [0], [0], [1], [0, 0, 1, 1], [], []>, transpose_lhs_hint = false} : vector<256x512xf32>, vector<512x8xf32>, vector<256x8xf32> -> vector<256x8xf32>
    %max3A_1467 = arith.constant 1.000000e-30 : f32
    %max3A_1468 = vector.broadcast %max3A_1467 : f32 to vector<256x8xf32>
    %max3A_1469 = arith.maximumf %dot_general3A_1466, %max3A_1468 : vector<256x8xf32>
    %div3A_1470 = arith.constant 1.000000e+00 : f32
    %div3A_1471 = vector.broadcast %div3A_1470 : f32 to vector<256x8xf32>
    %div3A_1472 = arith.divf %div3A_1471, %max3A_1469 : vector<256x8xf32>
    %concatenate3A_1473 = tpu.concatenate %concatenate3A_1345, %concatenate3A_1345, %concatenate3A_1345, %concatenate3A_1345, %concatenate3A_1345, %concatenate3A_1345, %concatenate3A_1345, %concatenate3A_1345 in 0 : vector<64x96xf32>, vector<64x96xf32>, vector<64x96xf32>, vector<64x96xf32>, vector<64x96xf32>, vector<64x96xf32>, vector<64x96xf32>, vector<64x96xf32> -> vector<512x96xf32>
    %jit3A_1474 = arith.constant 0.000000e+00 : f32
    %broadcast_in_dim3A_1475 = vector.broadcast %jit3A_1474 : f32 to vector<512x96xf32>
    %select_n3A_1476 = arith.select %eq3A_1410, %concatenate3A_1473, %broadcast_in_dim3A_1475 : vector<512x96xi1>, vector<512x96xf32>
    %dot_general3A_1477 = arith.constant dense<0.000000e+00> : vector<256x96xf32>
    %dot_general3A_1478 = tpu.matmul %exp3A_1425, %select_n3A_1476, %dot_general3A_1477 {dimension_numbers = #tpu.dot_dimension_numbers<[1], [0], [0], [1], [0, 0, 1, 1], [], []>, transpose_lhs_hint = false} : vector<256x512xf32>, vector<512x96xf32>, vector<256x96xf32> -> vector<256x96xf32>
    %iota3A_1479 = tpu.iota {dimensions = array<i32: 0>} : vector<8x96xi32>
    %iota3A_1480 = tpu.iota {dimensions = array<i32: 1>} : vector<8x96xi32>
    %jit3A_1481 = arith.constant 12 : i32
    %div3A_1482 = vector.broadcast %jit3A_1481 : i32 to vector<8x96xi32>
    %div3A_1483 = arith.divsi %iota3A_1480, %div3A_1482 : vector<8x96xi32>
    %sign3A_1484 = arith.constant 0 : i32
    %sign3A_1485 = vector.broadcast %sign3A_1484 : i32 to vector<8x96xi32>
    %sign3A_1486 = arith.cmpi sgt, %iota3A_1480, %sign3A_1485 : vector<8x96xi32>
    %sign3A_1487 = arith.extui %sign3A_1486 : vector<8x96xi1> to vector<8x96xi32>
    %sign3A_1488 = arith.constant 0 : i32
    %sign3A_1489 = vector.broadcast %sign3A_1488 : i32 to vector<8x96xi32>
    %sign3A_1490 = arith.cmpi slt, %iota3A_1480, %sign3A_1489 : vector<8x96xi32>
    %sign3A_1491 = arith.extui %sign3A_1490 : vector<8x96xi1> to vector<8x96xi32>
    %sign3A_1492 = arith.subi %sign3A_1487, %sign3A_1491 : vector<8x96xi32>
    %sign3A_1493 = arith.constant 0 : i32
    %sign3A_1494 = arith.cmpi sgt, %jit3A_1481, %sign3A_1493 : i32
    %sign3A_1495 = arith.extui %sign3A_1494 : i1 to i32
    %sign3A_1496 = arith.constant 0 : i32
    %sign3A_1497 = arith.cmpi slt, %jit3A_1481, %sign3A_1496 : i32
    %sign3A_1498 = arith.extui %sign3A_1497 : i1 to i32
    %sign3A_1499 = arith.subi %sign3A_1495, %sign3A_1498 : i32
    %ne3A_1500 = vector.broadcast %sign3A_1499 : i32 to vector<8x96xi32>
    %ne3A_1501 = arith.cmpi ne, %sign3A_1492, %ne3A_1500 : vector<8x96xi32>
    %rem3A_1502 = vector.broadcast %jit3A_1481 : i32 to vector<8x96xi32>
    %rem3A_1503 = arith.remsi %iota3A_1480, %rem3A_1502 : vector<8x96xi32>
    %ne3A_1504 = arith.constant 0 : i32
    %ne3A_1505 = vector.broadcast %ne3A_1504 : i32 to vector<8x96xi32>
    %ne3A_1506 = arith.cmpi ne, %rem3A_1503, %ne3A_1505 : vector<8x96xi32>
    %and3A_1507 = arith.andi %ne3A_1501, %ne3A_1506 : vector<8x96xi1>
    %sub3A_1508 = arith.constant 1 : i32
    %sub3A_1509 = vector.broadcast %sub3A_1508 : i32 to vector<8x96xi32>
    %sub3A_1510 = arith.subi %div3A_1483, %sub3A_1509 : vector<8x96xi32>
    %select_n3A_1511 = arith.select %and3A_1507, %sub3A_1510, %div3A_1483 : vector<8x96xi1>, vector<8x96xi32>
    %eq3A_1512 = arith.cmpi eq, %iota3A_1479, %select_n3A_1511 : vector<8x96xi32>
    %jit3A_1513 = arith.constant 1.000000e+00 : f32
    %jit3A_1514 = arith.constant 0.000000e+00 : f32
    %broadcast_in_dim3A_1515 = vector.broadcast %jit3A_1513 : f32 to vector<8x96xf32>
    %broadcast_in_dim3A_1516 = vector.broadcast %jit3A_1514 : f32 to vector<8x96xf32>
    %select_n3A_1517 = arith.select %eq3A_1512, %broadcast_in_dim3A_1515, %broadcast_in_dim3A_1516 : vector<8x96xi1>, vector<8x96xf32>
    %dot_general3A_1518 = arith.constant dense<0.000000e+00> : vector<256x96xf32>
    %dot_general3A_1519 = tpu.matmul %div3A_1472, %select_n3A_1517, %dot_general3A_1518 {dimension_numbers = #tpu.dot_dimension_numbers<[1], [0], [0], [1], [0, 0, 1, 1], [], []>, transpose_lhs_hint = false} : vector<256x8xf32>, vector<8x96xf32>, vector<256x96xf32> -> vector<256x96xf32>
    %mul3A_1520 = arith.mulf %dot_general3A_1478, %dot_general3A_1519 : vector<256x96xf32>
    %dot_general3A_1521 = arith.constant dense<0.000000e+00> : vector<256x96xf32>
    %dot_general3A_1522 = tpu.matmul %mul3A_1520, %get3A_1, %dot_general3A_1521 {dimension_numbers = #tpu.dot_dimension_numbers<[1], [0], [0], [1], [0, 0, 1, 1], [], []>, transpose_lhs_hint = false} : vector<256x96xf32>, vector<96x96xf32>, vector<256x96xf32> -> vector<256x96xf32>
    %add3A_1523 = vector.broadcast %get3A_4 : vector<1x96xf32> to vector<256x96xf32>
    %add3A_1524 = arith.addf %dot_general3A_1522, %add3A_1523 : vector<256x96xf32>
    %reshape3A_1525 = vector.shape_cast %add3A_1524 : vector<256x96xf32> to vector<16x16x96xf32>
    %mul3A_1526 = arith.constant 14 : i32
    %mul3A_1527 = arith.muli %arg1, %mul3A_1526 : i32
    %add3A_1528 = arith.constant 6 : i32
    %add3A_1529 = arith.addi %mul3A_1527, %add3A_1528 : i32
    %get3A_1530 = arith.constant 0 : index
    %get3A_1531 = arith.constant 0 : index
    %get3A_1532 = arith.constant 0 : index
    %get3A_1533 = arith.constant 0 : index
    %get3A_1534 = vector.load %arg3[%get3A_1530, %get3A_1531, %get3A_1532, %get3A_1533] : memref<1x14x256x96xf32, #tpu.memory_space<vmem>>, vector<1x14x256x96xf32>
    %slice3A_1535 = vector.extract_strided_slice %get3A_1534 {offsets = [0, 6, 0, 0], sizes = [1, 1, 256, 96], strides = [1, 1, 1, 1]} : vector<1x14x256x96xf32> to vector<1x1x256x96xf32>
    %squeeze3A_1536 = vector.shape_cast %slice3A_1535 : vector<1x1x256x96xf32> to vector<256x96xf32>
    %get3A_1537 = arith.index_cast %arg0 : i32 to index
    %get3A_1538 = arith.index_cast %add3A_1529 : i32 to index
    %get3A_1539 = arith.constant 0 : index
    %get3A_1540 = memref.load %arg2[%get3A_1537, %get3A_1538, %get3A_1539] : memref<4x196x4xi32, #tpu.memory_space<smem>>
    %get3A_1541 = arith.constant 0 : index
    %get3A_1542 = arith.index_cast %get3A_1540 : i32 to index
    %get3A_1543 = arith.constant 0 : index
    %get3A_1544 = arith.constant 0 : index
    %get3A_1545 = vector.load %arg4[%get3A_1541, %get3A_1542, %get3A_1543, %get3A_1544] : memref<1x196x16x96xf32, #tpu.memory_space<vmem>>, vector<1x1x16x96xf32>
    %get3A_1546 = vector.shape_cast %get3A_1545 : vector<1x1x16x96xf32> to vector<16x96xf32>
    %get3A_1547 = arith.constant 0 : index
    %get3A_1548 = arith.index_cast %get3A_1540 : i32 to index
    %get3A_1549 = arith.constant 0 : index
    %get3A_1550 = arith.constant 0 : index
    %get3A_1551 = vector.load %arg5[%get3A_1547, %get3A_1548, %get3A_1549, %get3A_1550] : memref<1x196x16x96xf32, #tpu.memory_space<vmem>>, vector<1x1x16x96xf32>
    %get3A_1552 = vector.shape_cast %get3A_1551 : vector<1x1x16x96xf32> to vector<16x96xf32>
    %get3A_1553 = arith.index_cast %arg0 : i32 to index
    %get3A_1554 = arith.index_cast %add3A_1529 : i32 to index
    %get3A_1555 = arith.constant 1 : index
    %get3A_1556 = memref.load %arg2[%get3A_1553, %get3A_1554, %get3A_1555] : memref<4x196x4xi32, #tpu.memory_space<smem>>
    %get3A_1557 = arith.constant 0 : index
    %get3A_1558 = arith.index_cast %get3A_1556 : i32 to index
    %get3A_1559 = arith.constant 0 : index
    %get3A_1560 = arith.constant 0 : index
    %get3A_1561 = vector.load %arg4[%get3A_1557, %get3A_1558, %get3A_1559, %get3A_1560] : memref<1x196x16x96xf32, #tpu.memory_space<vmem>>, vector<1x1x16x96xf32>
    %get3A_1562 = vector.shape_cast %get3A_1561 : vector<1x1x16x96xf32> to vector<16x96xf32>
    %get3A_1563 = arith.constant 0 : index
    %get3A_1564 = arith.index_cast %get3A_1556 : i32 to index
    %get3A_1565 = arith.constant 0 : index
    %get3A_1566 = arith.constant 0 : index
    %get3A_1567 = vector.load %arg5[%get3A_1563, %get3A_1564, %get3A_1565, %get3A_1566] : memref<1x196x16x96xf32, #tpu.memory_space<vmem>>, vector<1x1x16x96xf32>
    %get3A_1568 = vector.shape_cast %get3A_1567 : vector<1x1x16x96xf32> to vector<16x96xf32>
    %get3A_1569 = arith.index_cast %arg0 : i32 to index
    %get3A_1570 = arith.index_cast %add3A_1529 : i32 to index
    %get3A_1571 = arith.constant 2 : index
    %get3A_1572 = memref.load %arg2[%get3A_1569, %get3A_1570, %get3A_1571] : memref<4x196x4xi32, #tpu.memory_space<smem>>
    %get3A_1573 = arith.constant 0 : index
    %get3A_1574 = arith.index_cast %get3A_1572 : i32 to index
    %get3A_1575 = arith.constant 0 : index
    %get3A_1576 = arith.constant 0 : index
    %get3A_1577 = vector.load %arg4[%get3A_1573, %get3A_1574, %get3A_1575, %get3A_1576] : memref<1x196x16x96xf32, #tpu.memory_space<vmem>>, vector<1x1x16x96xf32>
    %get3A_1578 = vector.shape_cast %get3A_1577 : vector<1x1x16x96xf32> to vector<16x96xf32>
    %get3A_1579 = arith.constant 0 : index
    %get3A_1580 = arith.index_cast %get3A_1572 : i32 to index
    %get3A_1581 = arith.constant 0 : index
    %get3A_1582 = arith.constant 0 : index
    %get3A_1583 = vector.load %arg5[%get3A_1579, %get3A_1580, %get3A_1581, %get3A_1582] : memref<1x196x16x96xf32, #tpu.memory_space<vmem>>, vector<1x1x16x96xf32>
    %get3A_1584 = vector.shape_cast %get3A_1583 : vector<1x1x16x96xf32> to vector<16x96xf32>
    %get3A_1585 = arith.index_cast %arg0 : i32 to index
    %get3A_1586 = arith.index_cast %add3A_1529 : i32 to index
    %get3A_1587 = arith.constant 3 : index
    %get3A_1588 = memref.load %arg2[%get3A_1585, %get3A_1586, %get3A_1587] : memref<4x196x4xi32, #tpu.memory_space<smem>>
    %get3A_1589 = arith.constant 0 : index
    %get3A_1590 = arith.index_cast %get3A_1588 : i32 to index
    %get3A_1591 = arith.constant 0 : index
    %get3A_1592 = arith.constant 0 : index
    %get3A_1593 = vector.load %arg4[%get3A_1589, %get3A_1590, %get3A_1591, %get3A_1592] : memref<1x196x16x96xf32, #tpu.memory_space<vmem>>, vector<1x1x16x96xf32>
    %get3A_1594 = vector.shape_cast %get3A_1593 : vector<1x1x16x96xf32> to vector<16x96xf32>
    %get3A_1595 = arith.constant 0 : index
    %get3A_1596 = arith.index_cast %get3A_1588 : i32 to index
    %get3A_1597 = arith.constant 0 : index
    %get3A_1598 = arith.constant 0 : index
    %get3A_1599 = vector.load %arg5[%get3A_1595, %get3A_1596, %get3A_1597, %get3A_1598] : memref<1x196x16x96xf32, #tpu.memory_space<vmem>>, vector<1x1x16x96xf32>
    %get3A_1600 = vector.shape_cast %get3A_1599 : vector<1x1x16x96xf32> to vector<16x96xf32>
    %concatenate3A_1601 = tpu.concatenate %get3A_1546, %get3A_1562, %get3A_1578, %get3A_1594 in 0 : vector<16x96xf32>, vector<16x96xf32>, vector<16x96xf32>, vector<16x96xf32> -> vector<64x96xf32>
    %concatenate3A_1602 = tpu.concatenate %get3A_1552, %get3A_1568, %get3A_1584, %get3A_1600 in 0 : vector<16x96xf32>, vector<16x96xf32>, vector<16x96xf32>, vector<16x96xf32> -> vector<64x96xf32>
    %iota3A_1603 = tpu.iota {dimensions = array<i32: 0>} : vector<512x96xi32>
    %jit3A_1604 = arith.constant 64 : i32
    %div3A_1605 = vector.broadcast %jit3A_1604 : i32 to vector<512x96xi32>
    %div3A_1606 = arith.divsi %iota3A_1603, %div3A_1605 : vector<512x96xi32>
    %sign3A_1607 = arith.constant 0 : i32
    %sign3A_1608 = vector.broadcast %sign3A_1607 : i32 to vector<512x96xi32>
    %sign3A_1609 = arith.cmpi sgt, %iota3A_1603, %sign3A_1608 : vector<512x96xi32>
    %sign3A_1610 = arith.extui %sign3A_1609 : vector<512x96xi1> to vector<512x96xi32>
    %sign3A_1611 = arith.constant 0 : i32
    %sign3A_1612 = vector.broadcast %sign3A_1611 : i32 to vector<512x96xi32>
    %sign3A_1613 = arith.cmpi slt, %iota3A_1603, %sign3A_1612 : vector<512x96xi32>
    %sign3A_1614 = arith.extui %sign3A_1613 : vector<512x96xi1> to vector<512x96xi32>
    %sign3A_1615 = arith.subi %sign3A_1610, %sign3A_1614 : vector<512x96xi32>
    %sign3A_1616 = arith.constant 0 : i32
    %sign3A_1617 = arith.cmpi sgt, %jit3A_1604, %sign3A_1616 : i32
    %sign3A_1618 = arith.extui %sign3A_1617 : i1 to i32
    %sign3A_1619 = arith.constant 0 : i32
    %sign3A_1620 = arith.cmpi slt, %jit3A_1604, %sign3A_1619 : i32
    %sign3A_1621 = arith.extui %sign3A_1620 : i1 to i32
    %sign3A_1622 = arith.subi %sign3A_1618, %sign3A_1621 : i32
    %ne3A_1623 = vector.broadcast %sign3A_1622 : i32 to vector<512x96xi32>
    %ne3A_1624 = arith.cmpi ne, %sign3A_1615, %ne3A_1623 : vector<512x96xi32>
    %rem3A_1625 = vector.broadcast %jit3A_1604 : i32 to vector<512x96xi32>
    %rem3A_1626 = arith.remsi %iota3A_1603, %rem3A_1625 : vector<512x96xi32>
    %ne3A_1627 = arith.constant 0 : i32
    %ne3A_1628 = vector.broadcast %ne3A_1627 : i32 to vector<512x96xi32>
    %ne3A_1629 = arith.cmpi ne, %rem3A_1626, %ne3A_1628 : vector<512x96xi32>
    %and3A_1630 = arith.andi %ne3A_1624, %ne3A_1629 : vector<512x96xi1>
    %sub3A_1631 = arith.constant 1 : i32
    %sub3A_1632 = vector.broadcast %sub3A_1631 : i32 to vector<512x96xi32>
    %sub3A_1633 = arith.subi %div3A_1606, %sub3A_1632 : vector<512x96xi32>
    %select_n3A_1634 = arith.select %and3A_1630, %sub3A_1633, %div3A_1606 : vector<512x96xi1>, vector<512x96xi32>
    %iota3A_1635 = tpu.iota {dimensions = array<i32: 1>} : vector<512x96xi32>
    %jit3A_1636 = arith.constant 12 : i32
    %div3A_1637 = vector.broadcast %jit3A_1636 : i32 to vector<512x96xi32>
    %div3A_1638 = arith.divsi %iota3A_1635, %div3A_1637 : vector<512x96xi32>
    %sign3A_1639 = arith.constant 0 : i32
    %sign3A_1640 = vector.broadcast %sign3A_1639 : i32 to vector<512x96xi32>
    %sign3A_1641 = arith.cmpi sgt, %iota3A_1635, %sign3A_1640 : vector<512x96xi32>
    %sign3A_1642 = arith.extui %sign3A_1641 : vector<512x96xi1> to vector<512x96xi32>
    %sign3A_1643 = arith.constant 0 : i32
    %sign3A_1644 = vector.broadcast %sign3A_1643 : i32 to vector<512x96xi32>
    %sign3A_1645 = arith.cmpi slt, %iota3A_1635, %sign3A_1644 : vector<512x96xi32>
    %sign3A_1646 = arith.extui %sign3A_1645 : vector<512x96xi1> to vector<512x96xi32>
    %sign3A_1647 = arith.subi %sign3A_1642, %sign3A_1646 : vector<512x96xi32>
    %sign3A_1648 = arith.constant 0 : i32
    %sign3A_1649 = arith.cmpi sgt, %jit3A_1636, %sign3A_1648 : i32
    %sign3A_1650 = arith.extui %sign3A_1649 : i1 to i32
    %sign3A_1651 = arith.constant 0 : i32
    %sign3A_1652 = arith.cmpi slt, %jit3A_1636, %sign3A_1651 : i32
    %sign3A_1653 = arith.extui %sign3A_1652 : i1 to i32
    %sign3A_1654 = arith.subi %sign3A_1650, %sign3A_1653 : i32
    %ne3A_1655 = vector.broadcast %sign3A_1654 : i32 to vector<512x96xi32>
    %ne3A_1656 = arith.cmpi ne, %sign3A_1647, %ne3A_1655 : vector<512x96xi32>
    %rem3A_1657 = vector.broadcast %jit3A_1636 : i32 to vector<512x96xi32>
    %rem3A_1658 = arith.remsi %iota3A_1635, %rem3A_1657 : vector<512x96xi32>
    %ne3A_1659 = arith.constant 0 : i32
    %ne3A_1660 = vector.broadcast %ne3A_1659 : i32 to vector<512x96xi32>
    %ne3A_1661 = arith.cmpi ne, %rem3A_1658, %ne3A_1660 : vector<512x96xi32>
    %and3A_1662 = arith.andi %ne3A_1656, %ne3A_1661 : vector<512x96xi1>
    %sub3A_1663 = arith.constant 1 : i32
    %sub3A_1664 = vector.broadcast %sub3A_1663 : i32 to vector<512x96xi32>
    %sub3A_1665 = arith.subi %div3A_1638, %sub3A_1664 : vector<512x96xi32>
    %select_n3A_1666 = arith.select %and3A_1662, %sub3A_1665, %div3A_1638 : vector<512x96xi1>, vector<512x96xi32>
    %eq3A_1667 = arith.cmpi eq, %select_n3A_1634, %select_n3A_1666 : vector<512x96xi32>
    %concatenate3A_1668 = tpu.concatenate %concatenate3A_1601, %concatenate3A_1601, %concatenate3A_1601, %concatenate3A_1601, %concatenate3A_1601, %concatenate3A_1601, %concatenate3A_1601, %concatenate3A_1601 in 0 : vector<64x96xf32>, vector<64x96xf32>, vector<64x96xf32>, vector<64x96xf32>, vector<64x96xf32>, vector<64x96xf32>, vector<64x96xf32>, vector<64x96xf32> -> vector<512x96xf32>
    %jit3A_1669 = arith.constant 0.000000e+00 : f32
    %broadcast_in_dim3A_1670 = vector.broadcast %jit3A_1669 : f32 to vector<512x96xf32>
    %select_n3A_1671 = arith.select %eq3A_1667, %concatenate3A_1668, %broadcast_in_dim3A_1670 : vector<512x96xi1>, vector<512x96xf32>
    %mul3A_1672 = arith.constant 0.102062076 : f32
    %mul3A_1673 = vector.broadcast %mul3A_1672 : f32 to vector<256x96xf32>
    %mul3A_1674 = arith.mulf %squeeze3A_1536, %mul3A_1673 : vector<256x96xf32>
    %dot_general3A_1675 = arith.constant dense<0.000000e+00> : vector<256x512xf32>
    %dot_general3A_1676 = tpu.matmul %mul3A_1674, %select_n3A_1671, %dot_general3A_1675 {dimension_numbers = #tpu.dot_dimension_numbers<[1], [1], [0], [0], [0, 0, 1, 0], [], []>, transpose_lhs_hint = false} : vector<256x96xf32>, vector<512x96xf32>, vector<256x512xf32> -> vector<256x512xf32>
    %reduce_max3A_1677 = arith.constant dense<0xFF800000> : vector<256xf32>
    %reduce_max3A_1678 = vector.multi_reduction <maximumf>, %dot_general3A_1676, %reduce_max3A_1677 [1] : vector<256x512xf32> to vector<256xf32>
    %broadcast_in_dim3A_1679 = vector.shape_cast %reduce_max3A_1678 : vector<256xf32> to vector<256x1xf32>
    %sub3A_1680 = vector.broadcast %broadcast_in_dim3A_1679 : vector<256x1xf32> to vector<256x512xf32>
    %sub3A_1681 = arith.subf %dot_general3A_1676, %sub3A_1680 : vector<256x512xf32>
    %exp3A_1682 = math.exp %sub3A_1681 : vector<256x512xf32>
    %iota3A_1683 = tpu.iota {dimensions = array<i32: 0>} : vector<512x8xi32>
    %jit3A_1684 = arith.constant 64 : i32
    %div3A_1685 = vector.broadcast %jit3A_1684 : i32 to vector<512x8xi32>
    %div3A_1686 = arith.divsi %iota3A_1683, %div3A_1685 : vector<512x8xi32>
    %sign3A_1687 = arith.constant 0 : i32
    %sign3A_1688 = vector.broadcast %sign3A_1687 : i32 to vector<512x8xi32>
    %sign3A_1689 = arith.cmpi sgt, %iota3A_1683, %sign3A_1688 : vector<512x8xi32>
    %sign3A_1690 = arith.extui %sign3A_1689 : vector<512x8xi1> to vector<512x8xi32>
    %sign3A_1691 = arith.constant 0 : i32
    %sign3A_1692 = vector.broadcast %sign3A_1691 : i32 to vector<512x8xi32>
    %sign3A_1693 = arith.cmpi slt, %iota3A_1683, %sign3A_1692 : vector<512x8xi32>
    %sign3A_1694 = arith.extui %sign3A_1693 : vector<512x8xi1> to vector<512x8xi32>
    %sign3A_1695 = arith.subi %sign3A_1690, %sign3A_1694 : vector<512x8xi32>
    %sign3A_1696 = arith.constant 0 : i32
    %sign3A_1697 = arith.cmpi sgt, %jit3A_1684, %sign3A_1696 : i32
    %sign3A_1698 = arith.extui %sign3A_1697 : i1 to i32
    %sign3A_1699 = arith.constant 0 : i32
    %sign3A_1700 = arith.cmpi slt, %jit3A_1684, %sign3A_1699 : i32
    %sign3A_1701 = arith.extui %sign3A_1700 : i1 to i32
    %sign3A_1702 = arith.subi %sign3A_1698, %sign3A_1701 : i32
    %ne3A_1703 = vector.broadcast %sign3A_1702 : i32 to vector<512x8xi32>
    %ne3A_1704 = arith.cmpi ne, %sign3A_1695, %ne3A_1703 : vector<512x8xi32>
    %rem3A_1705 = vector.broadcast %jit3A_1684 : i32 to vector<512x8xi32>
    %rem3A_1706 = arith.remsi %iota3A_1683, %rem3A_1705 : vector<512x8xi32>
    %ne3A_1707 = arith.constant 0 : i32
    %ne3A_1708 = vector.broadcast %ne3A_1707 : i32 to vector<512x8xi32>
    %ne3A_1709 = arith.cmpi ne, %rem3A_1706, %ne3A_1708 : vector<512x8xi32>
    %and3A_1710 = arith.andi %ne3A_1704, %ne3A_1709 : vector<512x8xi1>
    %sub3A_1711 = arith.constant 1 : i32
    %sub3A_1712 = vector.broadcast %sub3A_1711 : i32 to vector<512x8xi32>
    %sub3A_1713 = arith.subi %div3A_1686, %sub3A_1712 : vector<512x8xi32>
    %select_n3A_1714 = arith.select %and3A_1710, %sub3A_1713, %div3A_1686 : vector<512x8xi1>, vector<512x8xi32>
    %iota3A_1715 = tpu.iota {dimensions = array<i32: 1>} : vector<512x8xi32>
    %eq3A_1716 = arith.cmpi eq, %select_n3A_1714, %iota3A_1715 : vector<512x8xi32>
    %jit3A_1717 = arith.constant 1.000000e+00 : f32
    %jit3A_1718 = arith.constant 0.000000e+00 : f32
    %broadcast_in_dim3A_1719 = vector.broadcast %jit3A_1717 : f32 to vector<512x8xf32>
    %broadcast_in_dim3A_1720 = vector.broadcast %jit3A_1718 : f32 to vector<512x8xf32>
    %select_n3A_1721 = arith.select %eq3A_1716, %broadcast_in_dim3A_1719, %broadcast_in_dim3A_1720 : vector<512x8xi1>, vector<512x8xf32>
    %dot_general3A_1722 = arith.constant dense<0.000000e+00> : vector<256x8xf32>
    %dot_general3A_1723 = tpu.matmul %exp3A_1682, %select_n3A_1721, %dot_general3A_1722 {dimension_numbers = #tpu.dot_dimension_numbers<[1], [0], [0], [1], [0, 0, 1, 1], [], []>, transpose_lhs_hint = false} : vector<256x512xf32>, vector<512x8xf32>, vector<256x8xf32> -> vector<256x8xf32>
    %max3A_1724 = arith.constant 1.000000e-30 : f32
    %max3A_1725 = vector.broadcast %max3A_1724 : f32 to vector<256x8xf32>
    %max3A_1726 = arith.maximumf %dot_general3A_1723, %max3A_1725 : vector<256x8xf32>
    %div3A_1727 = arith.constant 1.000000e+00 : f32
    %div3A_1728 = vector.broadcast %div3A_1727 : f32 to vector<256x8xf32>
    %div3A_1729 = arith.divf %div3A_1728, %max3A_1726 : vector<256x8xf32>
    %concatenate3A_1730 = tpu.concatenate %concatenate3A_1602, %concatenate3A_1602, %concatenate3A_1602, %concatenate3A_1602, %concatenate3A_1602, %concatenate3A_1602, %concatenate3A_1602, %concatenate3A_1602 in 0 : vector<64x96xf32>, vector<64x96xf32>, vector<64x96xf32>, vector<64x96xf32>, vector<64x96xf32>, vector<64x96xf32>, vector<64x96xf32>, vector<64x96xf32> -> vector<512x96xf32>
    %jit3A_1731 = arith.constant 0.000000e+00 : f32
    %broadcast_in_dim3A_1732 = vector.broadcast %jit3A_1731 : f32 to vector<512x96xf32>
    %select_n3A_1733 = arith.select %eq3A_1667, %concatenate3A_1730, %broadcast_in_dim3A_1732 : vector<512x96xi1>, vector<512x96xf32>
    %dot_general3A_1734 = arith.constant dense<0.000000e+00> : vector<256x96xf32>
    %dot_general3A_1735 = tpu.matmul %exp3A_1682, %select_n3A_1733, %dot_general3A_1734 {dimension_numbers = #tpu.dot_dimension_numbers<[1], [0], [0], [1], [0, 0, 1, 1], [], []>, transpose_lhs_hint = false} : vector<256x512xf32>, vector<512x96xf32>, vector<256x96xf32> -> vector<256x96xf32>
    %iota3A_1736 = tpu.iota {dimensions = array<i32: 0>} : vector<8x96xi32>
    %iota3A_1737 = tpu.iota {dimensions = array<i32: 1>} : vector<8x96xi32>
    %jit3A_1738 = arith.constant 12 : i32
    %div3A_1739 = vector.broadcast %jit3A_1738 : i32 to vector<8x96xi32>
    %div3A_1740 = arith.divsi %iota3A_1737, %div3A_1739 : vector<8x96xi32>
    %sign3A_1741 = arith.constant 0 : i32
    %sign3A_1742 = vector.broadcast %sign3A_1741 : i32 to vector<8x96xi32>
    %sign3A_1743 = arith.cmpi sgt, %iota3A_1737, %sign3A_1742 : vector<8x96xi32>
    %sign3A_1744 = arith.extui %sign3A_1743 : vector<8x96xi1> to vector<8x96xi32>
    %sign3A_1745 = arith.constant 0 : i32
    %sign3A_1746 = vector.broadcast %sign3A_1745 : i32 to vector<8x96xi32>
    %sign3A_1747 = arith.cmpi slt, %iota3A_1737, %sign3A_1746 : vector<8x96xi32>
    %sign3A_1748 = arith.extui %sign3A_1747 : vector<8x96xi1> to vector<8x96xi32>
    %sign3A_1749 = arith.subi %sign3A_1744, %sign3A_1748 : vector<8x96xi32>
    %sign3A_1750 = arith.constant 0 : i32
    %sign3A_1751 = arith.cmpi sgt, %jit3A_1738, %sign3A_1750 : i32
    %sign3A_1752 = arith.extui %sign3A_1751 : i1 to i32
    %sign3A_1753 = arith.constant 0 : i32
    %sign3A_1754 = arith.cmpi slt, %jit3A_1738, %sign3A_1753 : i32
    %sign3A_1755 = arith.extui %sign3A_1754 : i1 to i32
    %sign3A_1756 = arith.subi %sign3A_1752, %sign3A_1755 : i32
    %ne3A_1757 = vector.broadcast %sign3A_1756 : i32 to vector<8x96xi32>
    %ne3A_1758 = arith.cmpi ne, %sign3A_1749, %ne3A_1757 : vector<8x96xi32>
    %rem3A_1759 = vector.broadcast %jit3A_1738 : i32 to vector<8x96xi32>
    %rem3A_1760 = arith.remsi %iota3A_1737, %rem3A_1759 : vector<8x96xi32>
    %ne3A_1761 = arith.constant 0 : i32
    %ne3A_1762 = vector.broadcast %ne3A_1761 : i32 to vector<8x96xi32>
    %ne3A_1763 = arith.cmpi ne, %rem3A_1760, %ne3A_1762 : vector<8x96xi32>
    %and3A_1764 = arith.andi %ne3A_1758, %ne3A_1763 : vector<8x96xi1>
    %sub3A_1765 = arith.constant 1 : i32
    %sub3A_1766 = vector.broadcast %sub3A_1765 : i32 to vector<8x96xi32>
    %sub3A_1767 = arith.subi %div3A_1740, %sub3A_1766 : vector<8x96xi32>
    %select_n3A_1768 = arith.select %and3A_1764, %sub3A_1767, %div3A_1740 : vector<8x96xi1>, vector<8x96xi32>
    %eq3A_1769 = arith.cmpi eq, %iota3A_1736, %select_n3A_1768 : vector<8x96xi32>
    %jit3A_1770 = arith.constant 1.000000e+00 : f32
    %jit3A_1771 = arith.constant 0.000000e+00 : f32
    %broadcast_in_dim3A_1772 = vector.broadcast %jit3A_1770 : f32 to vector<8x96xf32>
    %broadcast_in_dim3A_1773 = vector.broadcast %jit3A_1771 : f32 to vector<8x96xf32>
    %select_n3A_1774 = arith.select %eq3A_1769, %broadcast_in_dim3A_1772, %broadcast_in_dim3A_1773 : vector<8x96xi1>, vector<8x96xf32>
    %dot_general3A_1775 = arith.constant dense<0.000000e+00> : vector<256x96xf32>
    %dot_general3A_1776 = tpu.matmul %div3A_1729, %select_n3A_1774, %dot_general3A_1775 {dimension_numbers = #tpu.dot_dimension_numbers<[1], [0], [0], [1], [0, 0, 1, 1], [], []>, transpose_lhs_hint = false} : vector<256x8xf32>, vector<8x96xf32>, vector<256x96xf32> -> vector<256x96xf32>
    %mul3A_1777 = arith.mulf %dot_general3A_1735, %dot_general3A_1776 : vector<256x96xf32>
    %dot_general3A_1778 = arith.constant dense<0.000000e+00> : vector<256x96xf32>
    %dot_general3A_1779 = tpu.matmul %mul3A_1777, %get3A_1, %dot_general3A_1778 {dimension_numbers = #tpu.dot_dimension_numbers<[1], [0], [0], [1], [0, 0, 1, 1], [], []>, transpose_lhs_hint = false} : vector<256x96xf32>, vector<96x96xf32>, vector<256x96xf32> -> vector<256x96xf32>
    %add3A_1780 = vector.broadcast %get3A_4 : vector<1x96xf32> to vector<256x96xf32>
    %add3A_1781 = arith.addf %dot_general3A_1779, %add3A_1780 : vector<256x96xf32>
    %reshape3A_1782 = vector.shape_cast %add3A_1781 : vector<256x96xf32> to vector<16x16x96xf32>
    %mul3A_1783 = arith.constant 14 : i32
    %mul3A_1784 = arith.muli %arg1, %mul3A_1783 : i32
    %add3A_1785 = arith.constant 7 : i32
    %add3A_1786 = arith.addi %mul3A_1784, %add3A_1785 : i32
    %get3A_1787 = arith.constant 0 : index
    %get3A_1788 = arith.constant 0 : index
    %get3A_1789 = arith.constant 0 : index
    %get3A_1790 = arith.constant 0 : index
    %get3A_1791 = vector.load %arg3[%get3A_1787, %get3A_1788, %get3A_1789, %get3A_1790] : memref<1x14x256x96xf32, #tpu.memory_space<vmem>>, vector<1x14x256x96xf32>
    %slice3A_1792 = vector.extract_strided_slice %get3A_1791 {offsets = [0, 7, 0, 0], sizes = [1, 1, 256, 96], strides = [1, 1, 1, 1]} : vector<1x14x256x96xf32> to vector<1x1x256x96xf32>
    %squeeze3A_1793 = vector.shape_cast %slice3A_1792 : vector<1x1x256x96xf32> to vector<256x96xf32>
    %get3A_1794 = arith.index_cast %arg0 : i32 to index
    %get3A_1795 = arith.index_cast %add3A_1786 : i32 to index
    %get3A_1796 = arith.constant 0 : index
    %get3A_1797 = memref.load %arg2[%get3A_1794, %get3A_1795, %get3A_1796] : memref<4x196x4xi32, #tpu.memory_space<smem>>
    %get3A_1798 = arith.constant 0 : index
    %get3A_1799 = arith.index_cast %get3A_1797 : i32 to index
    %get3A_1800 = arith.constant 0 : index
    %get3A_1801 = arith.constant 0 : index
    %get3A_1802 = vector.load %arg4[%get3A_1798, %get3A_1799, %get3A_1800, %get3A_1801] : memref<1x196x16x96xf32, #tpu.memory_space<vmem>>, vector<1x1x16x96xf32>
    %get3A_1803 = vector.shape_cast %get3A_1802 : vector<1x1x16x96xf32> to vector<16x96xf32>
    %get3A_1804 = arith.constant 0 : index
    %get3A_1805 = arith.index_cast %get3A_1797 : i32 to index
    %get3A_1806 = arith.constant 0 : index
    %get3A_1807 = arith.constant 0 : index
    %get3A_1808 = vector.load %arg5[%get3A_1804, %get3A_1805, %get3A_1806, %get3A_1807] : memref<1x196x16x96xf32, #tpu.memory_space<vmem>>, vector<1x1x16x96xf32>
    %get3A_1809 = vector.shape_cast %get3A_1808 : vector<1x1x16x96xf32> to vector<16x96xf32>
    %get3A_1810 = arith.index_cast %arg0 : i32 to index
    %get3A_1811 = arith.index_cast %add3A_1786 : i32 to index
    %get3A_1812 = arith.constant 1 : index
    %get3A_1813 = memref.load %arg2[%get3A_1810, %get3A_1811, %get3A_1812] : memref<4x196x4xi32, #tpu.memory_space<smem>>
    %get3A_1814 = arith.constant 0 : index
    %get3A_1815 = arith.index_cast %get3A_1813 : i32 to index
    %get3A_1816 = arith.constant 0 : index
    %get3A_1817 = arith.constant 0 : index
    %get3A_1818 = vector.load %arg4[%get3A_1814, %get3A_1815, %get3A_1816, %get3A_1817] : memref<1x196x16x96xf32, #tpu.memory_space<vmem>>, vector<1x1x16x96xf32>
    %get3A_1819 = vector.shape_cast %get3A_1818 : vector<1x1x16x96xf32> to vector<16x96xf32>
    %get3A_1820 = arith.constant 0 : index
    %get3A_1821 = arith.index_cast %get3A_1813 : i32 to index
    %get3A_1822 = arith.constant 0 : index
    %get3A_1823 = arith.constant 0 : index
    %get3A_1824 = vector.load %arg5[%get3A_1820, %get3A_1821, %get3A_1822, %get3A_1823] : memref<1x196x16x96xf32, #tpu.memory_space<vmem>>, vector<1x1x16x96xf32>
    %get3A_1825 = vector.shape_cast %get3A_1824 : vector<1x1x16x96xf32> to vector<16x96xf32>
    %get3A_1826 = arith.index_cast %arg0 : i32 to index
    %get3A_1827 = arith.index_cast %add3A_1786 : i32 to index
    %get3A_1828 = arith.constant 2 : index
    %get3A_1829 = memref.load %arg2[%get3A_1826, %get3A_1827, %get3A_1828] : memref<4x196x4xi32, #tpu.memory_space<smem>>
    %get3A_1830 = arith.constant 0 : index
    %get3A_1831 = arith.index_cast %get3A_1829 : i32 to index
    %get3A_1832 = arith.constant 0 : index
    %get3A_1833 = arith.constant 0 : index
    %get3A_1834 = vector.load %arg4[%get3A_1830, %get3A_1831, %get3A_1832, %get3A_1833] : memref<1x196x16x96xf32, #tpu.memory_space<vmem>>, vector<1x1x16x96xf32>
    %get3A_1835 = vector.shape_cast %get3A_1834 : vector<1x1x16x96xf32> to vector<16x96xf32>
    %get3A_1836 = arith.constant 0 : index
    %get3A_1837 = arith.index_cast %get3A_1829 : i32 to index
    %get3A_1838 = arith.constant 0 : index
    %get3A_1839 = arith.constant 0 : index
    %get3A_1840 = vector.load %arg5[%get3A_1836, %get3A_1837, %get3A_1838, %get3A_1839] : memref<1x196x16x96xf32, #tpu.memory_space<vmem>>, vector<1x1x16x96xf32>
    %get3A_1841 = vector.shape_cast %get3A_1840 : vector<1x1x16x96xf32> to vector<16x96xf32>
    %get3A_1842 = arith.index_cast %arg0 : i32 to index
    %get3A_1843 = arith.index_cast %add3A_1786 : i32 to index
    %get3A_1844 = arith.constant 3 : index
    %get3A_1845 = memref.load %arg2[%get3A_1842, %get3A_1843, %get3A_1844] : memref<4x196x4xi32, #tpu.memory_space<smem>>
    %get3A_1846 = arith.constant 0 : index
    %get3A_1847 = arith.index_cast %get3A_1845 : i32 to index
    %get3A_1848 = arith.constant 0 : index
    %get3A_1849 = arith.constant 0 : index
    %get3A_1850 = vector.load %arg4[%get3A_1846, %get3A_1847, %get3A_1848, %get3A_1849] : memref<1x196x16x96xf32, #tpu.memory_space<vmem>>, vector<1x1x16x96xf32>
    %get3A_1851 = vector.shape_cast %get3A_1850 : vector<1x1x16x96xf32> to vector<16x96xf32>
    %get3A_1852 = arith.constant 0 : index
    %get3A_1853 = arith.index_cast %get3A_1845 : i32 to index
    %get3A_1854 = arith.constant 0 : index
    %get3A_1855 = arith.constant 0 : index
    %get3A_1856 = vector.load %arg5[%get3A_1852, %get3A_1853, %get3A_1854, %get3A_1855] : memref<1x196x16x96xf32, #tpu.memory_space<vmem>>, vector<1x1x16x96xf32>
    %get3A_1857 = vector.shape_cast %get3A_1856 : vector<1x1x16x96xf32> to vector<16x96xf32>
    %concatenate3A_1858 = tpu.concatenate %get3A_1803, %get3A_1819, %get3A_1835, %get3A_1851 in 0 : vector<16x96xf32>, vector<16x96xf32>, vector<16x96xf32>, vector<16x96xf32> -> vector<64x96xf32>
    %concatenate3A_1859 = tpu.concatenate %get3A_1809, %get3A_1825, %get3A_1841, %get3A_1857 in 0 : vector<16x96xf32>, vector<16x96xf32>, vector<16x96xf32>, vector<16x96xf32> -> vector<64x96xf32>
    %iota3A_1860 = tpu.iota {dimensions = array<i32: 0>} : vector<512x96xi32>
    %jit3A_1861 = arith.constant 64 : i32
    %div3A_1862 = vector.broadcast %jit3A_1861 : i32 to vector<512x96xi32>
    %div3A_1863 = arith.divsi %iota3A_1860, %div3A_1862 : vector<512x96xi32>
    %sign3A_1864 = arith.constant 0 : i32
    %sign3A_1865 = vector.broadcast %sign3A_1864 : i32 to vector<512x96xi32>
    %sign3A_1866 = arith.cmpi sgt, %iota3A_1860, %sign3A_1865 : vector<512x96xi32>
    %sign3A_1867 = arith.extui %sign3A_1866 : vector<512x96xi1> to vector<512x96xi32>
    %sign3A_1868 = arith.constant 0 : i32
    %sign3A_1869 = vector.broadcast %sign3A_1868 : i32 to vector<512x96xi32>
    %sign3A_1870 = arith.cmpi slt, %iota3A_1860, %sign3A_1869 : vector<512x96xi32>
    %sign3A_1871 = arith.extui %sign3A_1870 : vector<512x96xi1> to vector<512x96xi32>
    %sign3A_1872 = arith.subi %sign3A_1867, %sign3A_1871 : vector<512x96xi32>
    %sign3A_1873 = arith.constant 0 : i32
    %sign3A_1874 = arith.cmpi sgt, %jit3A_1861, %sign3A_1873 : i32
    %sign3A_1875 = arith.extui %sign3A_1874 : i1 to i32
    %sign3A_1876 = arith.constant 0 : i32
    %sign3A_1877 = arith.cmpi slt, %jit3A_1861, %sign3A_1876 : i32
    %sign3A_1878 = arith.extui %sign3A_1877 : i1 to i32
    %sign3A_1879 = arith.subi %sign3A_1875, %sign3A_1878 : i32
    %ne3A_1880 = vector.broadcast %sign3A_1879 : i32 to vector<512x96xi32>
    %ne3A_1881 = arith.cmpi ne, %sign3A_1872, %ne3A_1880 : vector<512x96xi32>
    %rem3A_1882 = vector.broadcast %jit3A_1861 : i32 to vector<512x96xi32>
    %rem3A_1883 = arith.remsi %iota3A_1860, %rem3A_1882 : vector<512x96xi32>
    %ne3A_1884 = arith.constant 0 : i32
    %ne3A_1885 = vector.broadcast %ne3A_1884 : i32 to vector<512x96xi32>
    %ne3A_1886 = arith.cmpi ne, %rem3A_1883, %ne3A_1885 : vector<512x96xi32>
    %and3A_1887 = arith.andi %ne3A_1881, %ne3A_1886 : vector<512x96xi1>
    %sub3A_1888 = arith.constant 1 : i32
    %sub3A_1889 = vector.broadcast %sub3A_1888 : i32 to vector<512x96xi32>
    %sub3A_1890 = arith.subi %div3A_1863, %sub3A_1889 : vector<512x96xi32>
    %select_n3A_1891 = arith.select %and3A_1887, %sub3A_1890, %div3A_1863 : vector<512x96xi1>, vector<512x96xi32>
    %iota3A_1892 = tpu.iota {dimensions = array<i32: 1>} : vector<512x96xi32>
    %jit3A_1893 = arith.constant 12 : i32
    %div3A_1894 = vector.broadcast %jit3A_1893 : i32 to vector<512x96xi32>
    %div3A_1895 = arith.divsi %iota3A_1892, %div3A_1894 : vector<512x96xi32>
    %sign3A_1896 = arith.constant 0 : i32
    %sign3A_1897 = vector.broadcast %sign3A_1896 : i32 to vector<512x96xi32>
    %sign3A_1898 = arith.cmpi sgt, %iota3A_1892, %sign3A_1897 : vector<512x96xi32>
    %sign3A_1899 = arith.extui %sign3A_1898 : vector<512x96xi1> to vector<512x96xi32>
    %sign3A_1900 = arith.constant 0 : i32
    %sign3A_1901 = vector.broadcast %sign3A_1900 : i32 to vector<512x96xi32>
    %sign3A_1902 = arith.cmpi slt, %iota3A_1892, %sign3A_1901 : vector<512x96xi32>
    %sign3A_1903 = arith.extui %sign3A_1902 : vector<512x96xi1> to vector<512x96xi32>
    %sign3A_1904 = arith.subi %sign3A_1899, %sign3A_1903 : vector<512x96xi32>
    %sign3A_1905 = arith.constant 0 : i32
    %sign3A_1906 = arith.cmpi sgt, %jit3A_1893, %sign3A_1905 : i32
    %sign3A_1907 = arith.extui %sign3A_1906 : i1 to i32
    %sign3A_1908 = arith.constant 0 : i32
    %sign3A_1909 = arith.cmpi slt, %jit3A_1893, %sign3A_1908 : i32
    %sign3A_1910 = arith.extui %sign3A_1909 : i1 to i32
    %sign3A_1911 = arith.subi %sign3A_1907, %sign3A_1910 : i32
    %ne3A_1912 = vector.broadcast %sign3A_1911 : i32 to vector<512x96xi32>
    %ne3A_1913 = arith.cmpi ne, %sign3A_1904, %ne3A_1912 : vector<512x96xi32>
    %rem3A_1914 = vector.broadcast %jit3A_1893 : i32 to vector<512x96xi32>
    %rem3A_1915 = arith.remsi %iota3A_1892, %rem3A_1914 : vector<512x96xi32>
    %ne3A_1916 = arith.constant 0 : i32
    %ne3A_1917 = vector.broadcast %ne3A_1916 : i32 to vector<512x96xi32>
    %ne3A_1918 = arith.cmpi ne, %rem3A_1915, %ne3A_1917 : vector<512x96xi32>
    %and3A_1919 = arith.andi %ne3A_1913, %ne3A_1918 : vector<512x96xi1>
    %sub3A_1920 = arith.constant 1 : i32
    %sub3A_1921 = vector.broadcast %sub3A_1920 : i32 to vector<512x96xi32>
    %sub3A_1922 = arith.subi %div3A_1895, %sub3A_1921 : vector<512x96xi32>
    %select_n3A_1923 = arith.select %and3A_1919, %sub3A_1922, %div3A_1895 : vector<512x96xi1>, vector<512x96xi32>
    %eq3A_1924 = arith.cmpi eq, %select_n3A_1891, %select_n3A_1923 : vector<512x96xi32>
    %concatenate3A_1925 = tpu.concatenate %concatenate3A_1858, %concatenate3A_1858, %concatenate3A_1858, %concatenate3A_1858, %concatenate3A_1858, %concatenate3A_1858, %concatenate3A_1858, %concatenate3A_1858 in 0 : vector<64x96xf32>, vector<64x96xf32>, vector<64x96xf32>, vector<64x96xf32>, vector<64x96xf32>, vector<64x96xf32>, vector<64x96xf32>, vector<64x96xf32> -> vector<512x96xf32>
    %jit3A_1926 = arith.constant 0.000000e+00 : f32
    %broadcast_in_dim3A_1927 = vector.broadcast %jit3A_1926 : f32 to vector<512x96xf32>
    %select_n3A_1928 = arith.select %eq3A_1924, %concatenate3A_1925, %broadcast_in_dim3A_1927 : vector<512x96xi1>, vector<512x96xf32>
    %mul3A_1929 = arith.constant 0.102062076 : f32
    %mul3A_1930 = vector.broadcast %mul3A_1929 : f32 to vector<256x96xf32>
    %mul3A_1931 = arith.mulf %squeeze3A_1793, %mul3A_1930 : vector<256x96xf32>
    %dot_general3A_1932 = arith.constant dense<0.000000e+00> : vector<256x512xf32>
    %dot_general3A_1933 = tpu.matmul %mul3A_1931, %select_n3A_1928, %dot_general3A_1932 {dimension_numbers = #tpu.dot_dimension_numbers<[1], [1], [0], [0], [0, 0, 1, 0], [], []>, transpose_lhs_hint = false} : vector<256x96xf32>, vector<512x96xf32>, vector<256x512xf32> -> vector<256x512xf32>
    %reduce_max3A_1934 = arith.constant dense<0xFF800000> : vector<256xf32>
    %reduce_max3A_1935 = vector.multi_reduction <maximumf>, %dot_general3A_1933, %reduce_max3A_1934 [1] : vector<256x512xf32> to vector<256xf32>
    %broadcast_in_dim3A_1936 = vector.shape_cast %reduce_max3A_1935 : vector<256xf32> to vector<256x1xf32>
    %sub3A_1937 = vector.broadcast %broadcast_in_dim3A_1936 : vector<256x1xf32> to vector<256x512xf32>
    %sub3A_1938 = arith.subf %dot_general3A_1933, %sub3A_1937 : vector<256x512xf32>
    %exp3A_1939 = math.exp %sub3A_1938 : vector<256x512xf32>
    %iota3A_1940 = tpu.iota {dimensions = array<i32: 0>} : vector<512x8xi32>
    %jit3A_1941 = arith.constant 64 : i32
    %div3A_1942 = vector.broadcast %jit3A_1941 : i32 to vector<512x8xi32>
    %div3A_1943 = arith.divsi %iota3A_1940, %div3A_1942 : vector<512x8xi32>
    %sign3A_1944 = arith.constant 0 : i32
    %sign3A_1945 = vector.broadcast %sign3A_1944 : i32 to vector<512x8xi32>
    %sign3A_1946 = arith.cmpi sgt, %iota3A_1940, %sign3A_1945 : vector<512x8xi32>
    %sign3A_1947 = arith.extui %sign3A_1946 : vector<512x8xi1> to vector<512x8xi32>
    %sign3A_1948 = arith.constant 0 : i32
    %sign3A_1949 = vector.broadcast %sign3A_1948 : i32 to vector<512x8xi32>
    %sign3A_1950 = arith.cmpi slt, %iota3A_1940, %sign3A_1949 : vector<512x8xi32>
    %sign3A_1951 = arith.extui %sign3A_1950 : vector<512x8xi1> to vector<512x8xi32>
    %sign3A_1952 = arith.subi %sign3A_1947, %sign3A_1951 : vector<512x8xi32>
    %sign3A_1953 = arith.constant 0 : i32
    %sign3A_1954 = arith.cmpi sgt, %jit3A_1941, %sign3A_1953 : i32
    %sign3A_1955 = arith.extui %sign3A_1954 : i1 to i32
    %sign3A_1956 = arith.constant 0 : i32
    %sign3A_1957 = arith.cmpi slt, %jit3A_1941, %sign3A_1956 : i32
    %sign3A_1958 = arith.extui %sign3A_1957 : i1 to i32
    %sign3A_1959 = arith.subi %sign3A_1955, %sign3A_1958 : i32
    %ne3A_1960 = vector.broadcast %sign3A_1959 : i32 to vector<512x8xi32>
    %ne3A_1961 = arith.cmpi ne, %sign3A_1952, %ne3A_1960 : vector<512x8xi32>
    %rem3A_1962 = vector.broadcast %jit3A_1941 : i32 to vector<512x8xi32>
    %rem3A_1963 = arith.remsi %iota3A_1940, %rem3A_1962 : vector<512x8xi32>
    %ne3A_1964 = arith.constant 0 : i32
    %ne3A_1965 = vector.broadcast %ne3A_1964 : i32 to vector<512x8xi32>
    %ne3A_1966 = arith.cmpi ne, %rem3A_1963, %ne3A_1965 : vector<512x8xi32>
    %and3A_1967 = arith.andi %ne3A_1961, %ne3A_1966 : vector<512x8xi1>
    %sub3A_1968 = arith.constant 1 : i32
    %sub3A_1969 = vector.broadcast %sub3A_1968 : i32 to vector<512x8xi32>
    %sub3A_1970 = arith.subi %div3A_1943, %sub3A_1969 : vector<512x8xi32>
    %select_n3A_1971 = arith.select %and3A_1967, %sub3A_1970, %div3A_1943 : vector<512x8xi1>, vector<512x8xi32>
    %iota3A_1972 = tpu.iota {dimensions = array<i32: 1>} : vector<512x8xi32>
    %eq3A_1973 = arith.cmpi eq, %select_n3A_1971, %iota3A_1972 : vector<512x8xi32>
    %jit3A_1974 = arith.constant 1.000000e+00 : f32
    %jit3A_1975 = arith.constant 0.000000e+00 : f32
    %broadcast_in_dim3A_1976 = vector.broadcast %jit3A_1974 : f32 to vector<512x8xf32>
    %broadcast_in_dim3A_1977 = vector.broadcast %jit3A_1975 : f32 to vector<512x8xf32>
    %select_n3A_1978 = arith.select %eq3A_1973, %broadcast_in_dim3A_1976, %broadcast_in_dim3A_1977 : vector<512x8xi1>, vector<512x8xf32>
    %dot_general3A_1979 = arith.constant dense<0.000000e+00> : vector<256x8xf32>
    %dot_general3A_1980 = tpu.matmul %exp3A_1939, %select_n3A_1978, %dot_general3A_1979 {dimension_numbers = #tpu.dot_dimension_numbers<[1], [0], [0], [1], [0, 0, 1, 1], [], []>, transpose_lhs_hint = false} : vector<256x512xf32>, vector<512x8xf32>, vector<256x8xf32> -> vector<256x8xf32>
    %max3A_1981 = arith.constant 1.000000e-30 : f32
    %max3A_1982 = vector.broadcast %max3A_1981 : f32 to vector<256x8xf32>
    %max3A_1983 = arith.maximumf %dot_general3A_1980, %max3A_1982 : vector<256x8xf32>
    %div3A_1984 = arith.constant 1.000000e+00 : f32
    %div3A_1985 = vector.broadcast %div3A_1984 : f32 to vector<256x8xf32>
    %div3A_1986 = arith.divf %div3A_1985, %max3A_1983 : vector<256x8xf32>
    %concatenate3A_1987 = tpu.concatenate %concatenate3A_1859, %concatenate3A_1859, %concatenate3A_1859, %concatenate3A_1859, %concatenate3A_1859, %concatenate3A_1859, %concatenate3A_1859, %concatenate3A_1859 in 0 : vector<64x96xf32>, vector<64x96xf32>, vector<64x96xf32>, vector<64x96xf32>, vector<64x96xf32>, vector<64x96xf32>, vector<64x96xf32>, vector<64x96xf32> -> vector<512x96xf32>
    %jit3A_1988 = arith.constant 0.000000e+00 : f32
    %broadcast_in_dim3A_1989 = vector.broadcast %jit3A_1988 : f32 to vector<512x96xf32>
    %select_n3A_1990 = arith.select %eq3A_1924, %concatenate3A_1987, %broadcast_in_dim3A_1989 : vector<512x96xi1>, vector<512x96xf32>
    %dot_general3A_1991 = arith.constant dense<0.000000e+00> : vector<256x96xf32>
    %dot_general3A_1992 = tpu.matmul %exp3A_1939, %select_n3A_1990, %dot_general3A_1991 {dimension_numbers = #tpu.dot_dimension_numbers<[1], [0], [0], [1], [0, 0, 1, 1], [], []>, transpose_lhs_hint = false} : vector<256x512xf32>, vector<512x96xf32>, vector<256x96xf32> -> vector<256x96xf32>
    %iota3A_1993 = tpu.iota {dimensions = array<i32: 0>} : vector<8x96xi32>
    %iota3A_1994 = tpu.iota {dimensions = array<i32: 1>} : vector<8x96xi32>
    %jit3A_1995 = arith.constant 12 : i32
    %div3A_1996 = vector.broadcast %jit3A_1995 : i32 to vector<8x96xi32>
    %div3A_1997 = arith.divsi %iota3A_1994, %div3A_1996 : vector<8x96xi32>
    %sign3A_1998 = arith.constant 0 : i32
    %sign3A_1999 = vector.broadcast %sign3A_1998 : i32 to vector<8x96xi32>
    %sign3A_2000 = arith.cmpi sgt, %iota3A_1994, %sign3A_1999 : vector<8x96xi32>
    %sign3A_2001 = arith.extui %sign3A_2000 : vector<8x96xi1> to vector<8x96xi32>
    %sign3A_2002 = arith.constant 0 : i32
    %sign3A_2003 = vector.broadcast %sign3A_2002 : i32 to vector<8x96xi32>
    %sign3A_2004 = arith.cmpi slt, %iota3A_1994, %sign3A_2003 : vector<8x96xi32>
    %sign3A_2005 = arith.extui %sign3A_2004 : vector<8x96xi1> to vector<8x96xi32>
    %sign3A_2006 = arith.subi %sign3A_2001, %sign3A_2005 : vector<8x96xi32>
    %sign3A_2007 = arith.constant 0 : i32
    %sign3A_2008 = arith.cmpi sgt, %jit3A_1995, %sign3A_2007 : i32
    %sign3A_2009 = arith.extui %sign3A_2008 : i1 to i32
    %sign3A_2010 = arith.constant 0 : i32
    %sign3A_2011 = arith.cmpi slt, %jit3A_1995, %sign3A_2010 : i32
    %sign3A_2012 = arith.extui %sign3A_2011 : i1 to i32
    %sign3A_2013 = arith.subi %sign3A_2009, %sign3A_2012 : i32
    %ne3A_2014 = vector.broadcast %sign3A_2013 : i32 to vector<8x96xi32>
    %ne3A_2015 = arith.cmpi ne, %sign3A_2006, %ne3A_2014 : vector<8x96xi32>
    %rem3A_2016 = vector.broadcast %jit3A_1995 : i32 to vector<8x96xi32>
    %rem3A_2017 = arith.remsi %iota3A_1994, %rem3A_2016 : vector<8x96xi32>
    %ne3A_2018 = arith.constant 0 : i32
    %ne3A_2019 = vector.broadcast %ne3A_2018 : i32 to vector<8x96xi32>
    %ne3A_2020 = arith.cmpi ne, %rem3A_2017, %ne3A_2019 : vector<8x96xi32>
    %and3A_2021 = arith.andi %ne3A_2015, %ne3A_2020 : vector<8x96xi1>
    %sub3A_2022 = arith.constant 1 : i32
    %sub3A_2023 = vector.broadcast %sub3A_2022 : i32 to vector<8x96xi32>
    %sub3A_2024 = arith.subi %div3A_1997, %sub3A_2023 : vector<8x96xi32>
    %select_n3A_2025 = arith.select %and3A_2021, %sub3A_2024, %div3A_1997 : vector<8x96xi1>, vector<8x96xi32>
    %eq3A_2026 = arith.cmpi eq, %iota3A_1993, %select_n3A_2025 : vector<8x96xi32>
    %jit3A_2027 = arith.constant 1.000000e+00 : f32
    %jit3A_2028 = arith.constant 0.000000e+00 : f32
    %broadcast_in_dim3A_2029 = vector.broadcast %jit3A_2027 : f32 to vector<8x96xf32>
    %broadcast_in_dim3A_2030 = vector.broadcast %jit3A_2028 : f32 to vector<8x96xf32>
    %select_n3A_2031 = arith.select %eq3A_2026, %broadcast_in_dim3A_2029, %broadcast_in_dim3A_2030 : vector<8x96xi1>, vector<8x96xf32>
    %dot_general3A_2032 = arith.constant dense<0.000000e+00> : vector<256x96xf32>
    %dot_general3A_2033 = tpu.matmul %div3A_1986, %select_n3A_2031, %dot_general3A_2032 {dimension_numbers = #tpu.dot_dimension_numbers<[1], [0], [0], [1], [0, 0, 1, 1], [], []>, transpose_lhs_hint = false} : vector<256x8xf32>, vector<8x96xf32>, vector<256x96xf32> -> vector<256x96xf32>
    %mul3A_2034 = arith.mulf %dot_general3A_1992, %dot_general3A_2033 : vector<256x96xf32>
    %dot_general3A_2035 = arith.constant dense<0.000000e+00> : vector<256x96xf32>
    %dot_general3A_2036 = tpu.matmul %mul3A_2034, %get3A_1, %dot_general3A_2035 {dimension_numbers = #tpu.dot_dimension_numbers<[1], [0], [0], [1], [0, 0, 1, 1], [], []>, transpose_lhs_hint = false} : vector<256x96xf32>, vector<96x96xf32>, vector<256x96xf32> -> vector<256x96xf32>
    %add3A_2037 = vector.broadcast %get3A_4 : vector<1x96xf32> to vector<256x96xf32>
    %add3A_2038 = arith.addf %dot_general3A_2036, %add3A_2037 : vector<256x96xf32>
    %reshape3A_2039 = vector.shape_cast %add3A_2038 : vector<256x96xf32> to vector<16x16x96xf32>
    %mul3A_2040 = arith.constant 14 : i32
    %mul3A_2041 = arith.muli %arg1, %mul3A_2040 : i32
    %add3A_2042 = arith.constant 8 : i32
    %add3A_2043 = arith.addi %mul3A_2041, %add3A_2042 : i32
    %get3A_2044 = arith.constant 0 : index
    %get3A_2045 = arith.constant 0 : index
    %get3A_2046 = arith.constant 0 : index
    %get3A_2047 = arith.constant 0 : index
    %get3A_2048 = vector.load %arg3[%get3A_2044, %get3A_2045, %get3A_2046, %get3A_2047] : memref<1x14x256x96xf32, #tpu.memory_space<vmem>>, vector<1x14x256x96xf32>
    %slice3A_2049 = vector.extract_strided_slice %get3A_2048 {offsets = [0, 8, 0, 0], sizes = [1, 1, 256, 96], strides = [1, 1, 1, 1]} : vector<1x14x256x96xf32> to vector<1x1x256x96xf32>
    %squeeze3A_2050 = vector.shape_cast %slice3A_2049 : vector<1x1x256x96xf32> to vector<256x96xf32>
    %get3A_2051 = arith.index_cast %arg0 : i32 to index
    %get3A_2052 = arith.index_cast %add3A_2043 : i32 to index
    %get3A_2053 = arith.constant 0 : index
    %get3A_2054 = memref.load %arg2[%get3A_2051, %get3A_2052, %get3A_2053] : memref<4x196x4xi32, #tpu.memory_space<smem>>
    %get3A_2055 = arith.constant 0 : index
    %get3A_2056 = arith.index_cast %get3A_2054 : i32 to index
    %get3A_2057 = arith.constant 0 : index
    %get3A_2058 = arith.constant 0 : index
    %get3A_2059 = vector.load %arg4[%get3A_2055, %get3A_2056, %get3A_2057, %get3A_2058] : memref<1x196x16x96xf32, #tpu.memory_space<vmem>>, vector<1x1x16x96xf32>
    %get3A_2060 = vector.shape_cast %get3A_2059 : vector<1x1x16x96xf32> to vector<16x96xf32>
    %get3A_2061 = arith.constant 0 : index
    %get3A_2062 = arith.index_cast %get3A_2054 : i32 to index
    %get3A_2063 = arith.constant 0 : index
    %get3A_2064 = arith.constant 0 : index
    %get3A_2065 = vector.load %arg5[%get3A_2061, %get3A_2062, %get3A_2063, %get3A_2064] : memref<1x196x16x96xf32, #tpu.memory_space<vmem>>, vector<1x1x16x96xf32>
    %get3A_2066 = vector.shape_cast %get3A_2065 : vector<1x1x16x96xf32> to vector<16x96xf32>
    %get3A_2067 = arith.index_cast %arg0 : i32 to index
    %get3A_2068 = arith.index_cast %add3A_2043 : i32 to index
    %get3A_2069 = arith.constant 1 : index
    %get3A_2070 = memref.load %arg2[%get3A_2067, %get3A_2068, %get3A_2069] : memref<4x196x4xi32, #tpu.memory_space<smem>>
    %get3A_2071 = arith.constant 0 : index
    %get3A_2072 = arith.index_cast %get3A_2070 : i32 to index
    %get3A_2073 = arith.constant 0 : index
    %get3A_2074 = arith.constant 0 : index
    %get3A_2075 = vector.load %arg4[%get3A_2071, %get3A_2072, %get3A_2073, %get3A_2074] : memref<1x196x16x96xf32, #tpu.memory_space<vmem>>, vector<1x1x16x96xf32>
    %get3A_2076 = vector.shape_cast %get3A_2075 : vector<1x1x16x96xf32> to vector<16x96xf32>
    %get3A_2077 = arith.constant 0 : index
    %get3A_2078 = arith.index_cast %get3A_2070 : i32 to index
    %get3A_2079 = arith.constant 0 : index
    %get3A_2080 = arith.constant 0 : index
    %get3A_2081 = vector.load %arg5[%get3A_2077, %get3A_2078, %get3A_2079, %get3A_2080] : memref<1x196x16x96xf32, #tpu.memory_space<vmem>>, vector<1x1x16x96xf32>
    %get3A_2082 = vector.shape_cast %get3A_2081 : vector<1x1x16x96xf32> to vector<16x96xf32>
    %get3A_2083 = arith.index_cast %arg0 : i32 to index
    %get3A_2084 = arith.index_cast %add3A_2043 : i32 to index
    %get3A_2085 = arith.constant 2 : index
    %get3A_2086 = memref.load %arg2[%get3A_2083, %get3A_2084, %get3A_2085] : memref<4x196x4xi32, #tpu.memory_space<smem>>
    %get3A_2087 = arith.constant 0 : index
    %get3A_2088 = arith.index_cast %get3A_2086 : i32 to index
    %get3A_2089 = arith.constant 0 : index
    %get3A_2090 = arith.constant 0 : index
    %get3A_2091 = vector.load %arg4[%get3A_2087, %get3A_2088, %get3A_2089, %get3A_2090] : memref<1x196x16x96xf32, #tpu.memory_space<vmem>>, vector<1x1x16x96xf32>
    %get3A_2092 = vector.shape_cast %get3A_2091 : vector<1x1x16x96xf32> to vector<16x96xf32>
    %get3A_2093 = arith.constant 0 : index
    %get3A_2094 = arith.index_cast %get3A_2086 : i32 to index
    %get3A_2095 = arith.constant 0 : index
    %get3A_2096 = arith.constant 0 : index
    %get3A_2097 = vector.load %arg5[%get3A_2093, %get3A_2094, %get3A_2095, %get3A_2096] : memref<1x196x16x96xf32, #tpu.memory_space<vmem>>, vector<1x1x16x96xf32>
    %get3A_2098 = vector.shape_cast %get3A_2097 : vector<1x1x16x96xf32> to vector<16x96xf32>
    %get3A_2099 = arith.index_cast %arg0 : i32 to index
    %get3A_2100 = arith.index_cast %add3A_2043 : i32 to index
    %get3A_2101 = arith.constant 3 : index
    %get3A_2102 = memref.load %arg2[%get3A_2099, %get3A_2100, %get3A_2101] : memref<4x196x4xi32, #tpu.memory_space<smem>>
    %get3A_2103 = arith.constant 0 : index
    %get3A_2104 = arith.index_cast %get3A_2102 : i32 to index
    %get3A_2105 = arith.constant 0 : index
    %get3A_2106 = arith.constant 0 : index
    %get3A_2107 = vector.load %arg4[%get3A_2103, %get3A_2104, %get3A_2105, %get3A_2106] : memref<1x196x16x96xf32, #tpu.memory_space<vmem>>, vector<1x1x16x96xf32>
    %get3A_2108 = vector.shape_cast %get3A_2107 : vector<1x1x16x96xf32> to vector<16x96xf32>
    %get3A_2109 = arith.constant 0 : index
    %get3A_2110 = arith.index_cast %get3A_2102 : i32 to index
    %get3A_2111 = arith.constant 0 : index
    %get3A_2112 = arith.constant 0 : index
    %get3A_2113 = vector.load %arg5[%get3A_2109, %get3A_2110, %get3A_2111, %get3A_2112] : memref<1x196x16x96xf32, #tpu.memory_space<vmem>>, vector<1x1x16x96xf32>
    %get3A_2114 = vector.shape_cast %get3A_2113 : vector<1x1x16x96xf32> to vector<16x96xf32>
    %concatenate3A_2115 = tpu.concatenate %get3A_2060, %get3A_2076, %get3A_2092, %get3A_2108 in 0 : vector<16x96xf32>, vector<16x96xf32>, vector<16x96xf32>, vector<16x96xf32> -> vector<64x96xf32>
    %concatenate3A_2116 = tpu.concatenate %get3A_2066, %get3A_2082, %get3A_2098, %get3A_2114 in 0 : vector<16x96xf32>, vector<16x96xf32>, vector<16x96xf32>, vector<16x96xf32> -> vector<64x96xf32>
    %iota3A_2117 = tpu.iota {dimensions = array<i32: 0>} : vector<512x96xi32>
    %jit3A_2118 = arith.constant 64 : i32
    %div3A_2119 = vector.broadcast %jit3A_2118 : i32 to vector<512x96xi32>
    %div3A_2120 = arith.divsi %iota3A_2117, %div3A_2119 : vector<512x96xi32>
    %sign3A_2121 = arith.constant 0 : i32
    %sign3A_2122 = vector.broadcast %sign3A_2121 : i32 to vector<512x96xi32>
    %sign3A_2123 = arith.cmpi sgt, %iota3A_2117, %sign3A_2122 : vector<512x96xi32>
    %sign3A_2124 = arith.extui %sign3A_2123 : vector<512x96xi1> to vector<512x96xi32>
    %sign3A_2125 = arith.constant 0 : i32
    %sign3A_2126 = vector.broadcast %sign3A_2125 : i32 to vector<512x96xi32>
    %sign3A_2127 = arith.cmpi slt, %iota3A_2117, %sign3A_2126 : vector<512x96xi32>
    %sign3A_2128 = arith.extui %sign3A_2127 : vector<512x96xi1> to vector<512x96xi32>
    %sign3A_2129 = arith.subi %sign3A_2124, %sign3A_2128 : vector<512x96xi32>
    %sign3A_2130 = arith.constant 0 : i32
    %sign3A_2131 = arith.cmpi sgt, %jit3A_2118, %sign3A_2130 : i32
    %sign3A_2132 = arith.extui %sign3A_2131 : i1 to i32
    %sign3A_2133 = arith.constant 0 : i32
    %sign3A_2134 = arith.cmpi slt, %jit3A_2118, %sign3A_2133 : i32
    %sign3A_2135 = arith.extui %sign3A_2134 : i1 to i32
    %sign3A_2136 = arith.subi %sign3A_2132, %sign3A_2135 : i32
    %ne3A_2137 = vector.broadcast %sign3A_2136 : i32 to vector<512x96xi32>
    %ne3A_2138 = arith.cmpi ne, %sign3A_2129, %ne3A_2137 : vector<512x96xi32>
    %rem3A_2139 = vector.broadcast %jit3A_2118 : i32 to vector<512x96xi32>
    %rem3A_2140 = arith.remsi %iota3A_2117, %rem3A_2139 : vector<512x96xi32>
    %ne3A_2141 = arith.constant 0 : i32
    %ne3A_2142 = vector.broadcast %ne3A_2141 : i32 to vector<512x96xi32>
    %ne3A_2143 = arith.cmpi ne, %rem3A_2140, %ne3A_2142 : vector<512x96xi32>
    %and3A_2144 = arith.andi %ne3A_2138, %ne3A_2143 : vector<512x96xi1>
    %sub3A_2145 = arith.constant 1 : i32
    %sub3A_2146 = vector.broadcast %sub3A_2145 : i32 to vector<512x96xi32>
    %sub3A_2147 = arith.subi %div3A_2120, %sub3A_2146 : vector<512x96xi32>
    %select_n3A_2148 = arith.select %and3A_2144, %sub3A_2147, %div3A_2120 : vector<512x96xi1>, vector<512x96xi32>
    %iota3A_2149 = tpu.iota {dimensions = array<i32: 1>} : vector<512x96xi32>
    %jit3A_2150 = arith.constant 12 : i32
    %div3A_2151 = vector.broadcast %jit3A_2150 : i32 to vector<512x96xi32>
    %div3A_2152 = arith.divsi %iota3A_2149, %div3A_2151 : vector<512x96xi32>
    %sign3A_2153 = arith.constant 0 : i32
    %sign3A_2154 = vector.broadcast %sign3A_2153 : i32 to vector<512x96xi32>
    %sign3A_2155 = arith.cmpi sgt, %iota3A_2149, %sign3A_2154 : vector<512x96xi32>
    %sign3A_2156 = arith.extui %sign3A_2155 : vector<512x96xi1> to vector<512x96xi32>
    %sign3A_2157 = arith.constant 0 : i32
    %sign3A_2158 = vector.broadcast %sign3A_2157 : i32 to vector<512x96xi32>
    %sign3A_2159 = arith.cmpi slt, %iota3A_2149, %sign3A_2158 : vector<512x96xi32>
    %sign3A_2160 = arith.extui %sign3A_2159 : vector<512x96xi1> to vector<512x96xi32>
    %sign3A_2161 = arith.subi %sign3A_2156, %sign3A_2160 : vector<512x96xi32>
    %sign3A_2162 = arith.constant 0 : i32
    %sign3A_2163 = arith.cmpi sgt, %jit3A_2150, %sign3A_2162 : i32
    %sign3A_2164 = arith.extui %sign3A_2163 : i1 to i32
    %sign3A_2165 = arith.constant 0 : i32
    %sign3A_2166 = arith.cmpi slt, %jit3A_2150, %sign3A_2165 : i32
    %sign3A_2167 = arith.extui %sign3A_2166 : i1 to i32
    %sign3A_2168 = arith.subi %sign3A_2164, %sign3A_2167 : i32
    %ne3A_2169 = vector.broadcast %sign3A_2168 : i32 to vector<512x96xi32>
    %ne3A_2170 = arith.cmpi ne, %sign3A_2161, %ne3A_2169 : vector<512x96xi32>
    %rem3A_2171 = vector.broadcast %jit3A_2150 : i32 to vector<512x96xi32>
    %rem3A_2172 = arith.remsi %iota3A_2149, %rem3A_2171 : vector<512x96xi32>
    %ne3A_2173 = arith.constant 0 : i32
    %ne3A_2174 = vector.broadcast %ne3A_2173 : i32 to vector<512x96xi32>
    %ne3A_2175 = arith.cmpi ne, %rem3A_2172, %ne3A_2174 : vector<512x96xi32>
    %and3A_2176 = arith.andi %ne3A_2170, %ne3A_2175 : vector<512x96xi1>
    %sub3A_2177 = arith.constant 1 : i32
    %sub3A_2178 = vector.broadcast %sub3A_2177 : i32 to vector<512x96xi32>
    %sub3A_2179 = arith.subi %div3A_2152, %sub3A_2178 : vector<512x96xi32>
    %select_n3A_2180 = arith.select %and3A_2176, %sub3A_2179, %div3A_2152 : vector<512x96xi1>, vector<512x96xi32>
    %eq3A_2181 = arith.cmpi eq, %select_n3A_2148, %select_n3A_2180 : vector<512x96xi32>
    %concatenate3A_2182 = tpu.concatenate %concatenate3A_2115, %concatenate3A_2115, %concatenate3A_2115, %concatenate3A_2115, %concatenate3A_2115, %concatenate3A_2115, %concatenate3A_2115, %concatenate3A_2115 in 0 : vector<64x96xf32>, vector<64x96xf32>, vector<64x96xf32>, vector<64x96xf32>, vector<64x96xf32>, vector<64x96xf32>, vector<64x96xf32>, vector<64x96xf32> -> vector<512x96xf32>
    %jit3A_2183 = arith.constant 0.000000e+00 : f32
    %broadcast_in_dim3A_2184 = vector.broadcast %jit3A_2183 : f32 to vector<512x96xf32>
    %select_n3A_2185 = arith.select %eq3A_2181, %concatenate3A_2182, %broadcast_in_dim3A_2184 : vector<512x96xi1>, vector<512x96xf32>
    %mul3A_2186 = arith.constant 0.102062076 : f32
    %mul3A_2187 = vector.broadcast %mul3A_2186 : f32 to vector<256x96xf32>
    %mul3A_2188 = arith.mulf %squeeze3A_2050, %mul3A_2187 : vector<256x96xf32>
    %dot_general3A_2189 = arith.constant dense<0.000000e+00> : vector<256x512xf32>
    %dot_general3A_2190 = tpu.matmul %mul3A_2188, %select_n3A_2185, %dot_general3A_2189 {dimension_numbers = #tpu.dot_dimension_numbers<[1], [1], [0], [0], [0, 0, 1, 0], [], []>, transpose_lhs_hint = false} : vector<256x96xf32>, vector<512x96xf32>, vector<256x512xf32> -> vector<256x512xf32>
    %reduce_max3A_2191 = arith.constant dense<0xFF800000> : vector<256xf32>
    %reduce_max3A_2192 = vector.multi_reduction <maximumf>, %dot_general3A_2190, %reduce_max3A_2191 [1] : vector<256x512xf32> to vector<256xf32>
    %broadcast_in_dim3A_2193 = vector.shape_cast %reduce_max3A_2192 : vector<256xf32> to vector<256x1xf32>
    %sub3A_2194 = vector.broadcast %broadcast_in_dim3A_2193 : vector<256x1xf32> to vector<256x512xf32>
    %sub3A_2195 = arith.subf %dot_general3A_2190, %sub3A_2194 : vector<256x512xf32>
    %exp3A_2196 = math.exp %sub3A_2195 : vector<256x512xf32>
    %iota3A_2197 = tpu.iota {dimensions = array<i32: 0>} : vector<512x8xi32>
    %jit3A_2198 = arith.constant 64 : i32
    %div3A_2199 = vector.broadcast %jit3A_2198 : i32 to vector<512x8xi32>
    %div3A_2200 = arith.divsi %iota3A_2197, %div3A_2199 : vector<512x8xi32>
    %sign3A_2201 = arith.constant 0 : i32
    %sign3A_2202 = vector.broadcast %sign3A_2201 : i32 to vector<512x8xi32>
    %sign3A_2203 = arith.cmpi sgt, %iota3A_2197, %sign3A_2202 : vector<512x8xi32>
    %sign3A_2204 = arith.extui %sign3A_2203 : vector<512x8xi1> to vector<512x8xi32>
    %sign3A_2205 = arith.constant 0 : i32
    %sign3A_2206 = vector.broadcast %sign3A_2205 : i32 to vector<512x8xi32>
    %sign3A_2207 = arith.cmpi slt, %iota3A_2197, %sign3A_2206 : vector<512x8xi32>
    %sign3A_2208 = arith.extui %sign3A_2207 : vector<512x8xi1> to vector<512x8xi32>
    %sign3A_2209 = arith.subi %sign3A_2204, %sign3A_2208 : vector<512x8xi32>
    %sign3A_2210 = arith.constant 0 : i32
    %sign3A_2211 = arith.cmpi sgt, %jit3A_2198, %sign3A_2210 : i32
    %sign3A_2212 = arith.extui %sign3A_2211 : i1 to i32
    %sign3A_2213 = arith.constant 0 : i32
    %sign3A_2214 = arith.cmpi slt, %jit3A_2198, %sign3A_2213 : i32
    %sign3A_2215 = arith.extui %sign3A_2214 : i1 to i32
    %sign3A_2216 = arith.subi %sign3A_2212, %sign3A_2215 : i32
    %ne3A_2217 = vector.broadcast %sign3A_2216 : i32 to vector<512x8xi32>
    %ne3A_2218 = arith.cmpi ne, %sign3A_2209, %ne3A_2217 : vector<512x8xi32>
    %rem3A_2219 = vector.broadcast %jit3A_2198 : i32 to vector<512x8xi32>
    %rem3A_2220 = arith.remsi %iota3A_2197, %rem3A_2219 : vector<512x8xi32>
    %ne3A_2221 = arith.constant 0 : i32
    %ne3A_2222 = vector.broadcast %ne3A_2221 : i32 to vector<512x8xi32>
    %ne3A_2223 = arith.cmpi ne, %rem3A_2220, %ne3A_2222 : vector<512x8xi32>
    %and3A_2224 = arith.andi %ne3A_2218, %ne3A_2223 : vector<512x8xi1>
    %sub3A_2225 = arith.constant 1 : i32
    %sub3A_2226 = vector.broadcast %sub3A_2225 : i32 to vector<512x8xi32>
    %sub3A_2227 = arith.subi %div3A_2200, %sub3A_2226 : vector<512x8xi32>
    %select_n3A_2228 = arith.select %and3A_2224, %sub3A_2227, %div3A_2200 : vector<512x8xi1>, vector<512x8xi32>
    %iota3A_2229 = tpu.iota {dimensions = array<i32: 1>} : vector<512x8xi32>
    %eq3A_2230 = arith.cmpi eq, %select_n3A_2228, %iota3A_2229 : vector<512x8xi32>
    %jit3A_2231 = arith.constant 1.000000e+00 : f32
    %jit3A_2232 = arith.constant 0.000000e+00 : f32
    %broadcast_in_dim3A_2233 = vector.broadcast %jit3A_2231 : f32 to vector<512x8xf32>
    %broadcast_in_dim3A_2234 = vector.broadcast %jit3A_2232 : f32 to vector<512x8xf32>
    %select_n3A_2235 = arith.select %eq3A_2230, %broadcast_in_dim3A_2233, %broadcast_in_dim3A_2234 : vector<512x8xi1>, vector<512x8xf32>
    %dot_general3A_2236 = arith.constant dense<0.000000e+00> : vector<256x8xf32>
    %dot_general3A_2237 = tpu.matmul %exp3A_2196, %select_n3A_2235, %dot_general3A_2236 {dimension_numbers = #tpu.dot_dimension_numbers<[1], [0], [0], [1], [0, 0, 1, 1], [], []>, transpose_lhs_hint = false} : vector<256x512xf32>, vector<512x8xf32>, vector<256x8xf32> -> vector<256x8xf32>
    %max3A_2238 = arith.constant 1.000000e-30 : f32
    %max3A_2239 = vector.broadcast %max3A_2238 : f32 to vector<256x8xf32>
    %max3A_2240 = arith.maximumf %dot_general3A_2237, %max3A_2239 : vector<256x8xf32>
    %div3A_2241 = arith.constant 1.000000e+00 : f32
    %div3A_2242 = vector.broadcast %div3A_2241 : f32 to vector<256x8xf32>
    %div3A_2243 = arith.divf %div3A_2242, %max3A_2240 : vector<256x8xf32>
    %concatenate3A_2244 = tpu.concatenate %concatenate3A_2116, %concatenate3A_2116, %concatenate3A_2116, %concatenate3A_2116, %concatenate3A_2116, %concatenate3A_2116, %concatenate3A_2116, %concatenate3A_2116 in 0 : vector<64x96xf32>, vector<64x96xf32>, vector<64x96xf32>, vector<64x96xf32>, vector<64x96xf32>, vector<64x96xf32>, vector<64x96xf32>, vector<64x96xf32> -> vector<512x96xf32>
    %jit3A_2245 = arith.constant 0.000000e+00 : f32
    %broadcast_in_dim3A_2246 = vector.broadcast %jit3A_2245 : f32 to vector<512x96xf32>
    %select_n3A_2247 = arith.select %eq3A_2181, %concatenate3A_2244, %broadcast_in_dim3A_2246 : vector<512x96xi1>, vector<512x96xf32>
    %dot_general3A_2248 = arith.constant dense<0.000000e+00> : vector<256x96xf32>
    %dot_general3A_2249 = tpu.matmul %exp3A_2196, %select_n3A_2247, %dot_general3A_2248 {dimension_numbers = #tpu.dot_dimension_numbers<[1], [0], [0], [1], [0, 0, 1, 1], [], []>, transpose_lhs_hint = false} : vector<256x512xf32>, vector<512x96xf32>, vector<256x96xf32> -> vector<256x96xf32>
    %iota3A_2250 = tpu.iota {dimensions = array<i32: 0>} : vector<8x96xi32>
    %iota3A_2251 = tpu.iota {dimensions = array<i32: 1>} : vector<8x96xi32>
    %jit3A_2252 = arith.constant 12 : i32
    %div3A_2253 = vector.broadcast %jit3A_2252 : i32 to vector<8x96xi32>
    %div3A_2254 = arith.divsi %iota3A_2251, %div3A_2253 : vector<8x96xi32>
    %sign3A_2255 = arith.constant 0 : i32
    %sign3A_2256 = vector.broadcast %sign3A_2255 : i32 to vector<8x96xi32>
    %sign3A_2257 = arith.cmpi sgt, %iota3A_2251, %sign3A_2256 : vector<8x96xi32>
    %sign3A_2258 = arith.extui %sign3A_2257 : vector<8x96xi1> to vector<8x96xi32>
    %sign3A_2259 = arith.constant 0 : i32
    %sign3A_2260 = vector.broadcast %sign3A_2259 : i32 to vector<8x96xi32>
    %sign3A_2261 = arith.cmpi slt, %iota3A_2251, %sign3A_2260 : vector<8x96xi32>
    %sign3A_2262 = arith.extui %sign3A_2261 : vector<8x96xi1> to vector<8x96xi32>
    %sign3A_2263 = arith.subi %sign3A_2258, %sign3A_2262 : vector<8x96xi32>
    %sign3A_2264 = arith.constant 0 : i32
    %sign3A_2265 = arith.cmpi sgt, %jit3A_2252, %sign3A_2264 : i32
    %sign3A_2266 = arith.extui %sign3A_2265 : i1 to i32
    %sign3A_2267 = arith.constant 0 : i32
    %sign3A_2268 = arith.cmpi slt, %jit3A_2252, %sign3A_2267 : i32
    %sign3A_2269 = arith.extui %sign3A_2268 : i1 to i32
    %sign3A_2270 = arith.subi %sign3A_2266, %sign3A_2269 : i32
    %ne3A_2271 = vector.broadcast %sign3A_2270 : i32 to vector<8x96xi32>
    %ne3A_2272 = arith.cmpi ne, %sign3A_2263, %ne3A_2271 : vector<8x96xi32>
    %rem3A_2273 = vector.broadcast %jit3A_2252 : i32 to vector<8x96xi32>
    %rem3A_2274 = arith.remsi %iota3A_2251, %rem3A_2273 : vector<8x96xi32>
    %ne3A_2275 = arith.constant 0 : i32
    %ne3A_2276 = vector.broadcast %ne3A_2275 : i32 to vector<8x96xi32>
    %ne3A_2277 = arith.cmpi ne, %rem3A_2274, %ne3A_2276 : vector<8x96xi32>
    %and3A_2278 = arith.andi %ne3A_2272, %ne3A_2277 : vector<8x96xi1>
    %sub3A_2279 = arith.constant 1 : i32
    %sub3A_2280 = vector.broadcast %sub3A_2279 : i32 to vector<8x96xi32>
    %sub3A_2281 = arith.subi %div3A_2254, %sub3A_2280 : vector<8x96xi32>
    %select_n3A_2282 = arith.select %and3A_2278, %sub3A_2281, %div3A_2254 : vector<8x96xi1>, vector<8x96xi32>
    %eq3A_2283 = arith.cmpi eq, %iota3A_2250, %select_n3A_2282 : vector<8x96xi32>
    %jit3A_2284 = arith.constant 1.000000e+00 : f32
    %jit3A_2285 = arith.constant 0.000000e+00 : f32
    %broadcast_in_dim3A_2286 = vector.broadcast %jit3A_2284 : f32 to vector<8x96xf32>
    %broadcast_in_dim3A_2287 = vector.broadcast %jit3A_2285 : f32 to vector<8x96xf32>
    %select_n3A_2288 = arith.select %eq3A_2283, %broadcast_in_dim3A_2286, %broadcast_in_dim3A_2287 : vector<8x96xi1>, vector<8x96xf32>
    %dot_general3A_2289 = arith.constant dense<0.000000e+00> : vector<256x96xf32>
    %dot_general3A_2290 = tpu.matmul %div3A_2243, %select_n3A_2288, %dot_general3A_2289 {dimension_numbers = #tpu.dot_dimension_numbers<[1], [0], [0], [1], [0, 0, 1, 1], [], []>, transpose_lhs_hint = false} : vector<256x8xf32>, vector<8x96xf32>, vector<256x96xf32> -> vector<256x96xf32>
    %mul3A_2291 = arith.mulf %dot_general3A_2249, %dot_general3A_2290 : vector<256x96xf32>
    %dot_general3A_2292 = arith.constant dense<0.000000e+00> : vector<256x96xf32>
    %dot_general3A_2293 = tpu.matmul %mul3A_2291, %get3A_1, %dot_general3A_2292 {dimension_numbers = #tpu.dot_dimension_numbers<[1], [0], [0], [1], [0, 0, 1, 1], [], []>, transpose_lhs_hint = false} : vector<256x96xf32>, vector<96x96xf32>, vector<256x96xf32> -> vector<256x96xf32>
    %add3A_2294 = vector.broadcast %get3A_4 : vector<1x96xf32> to vector<256x96xf32>
    %add3A_2295 = arith.addf %dot_general3A_2293, %add3A_2294 : vector<256x96xf32>
    %reshape3A_2296 = vector.shape_cast %add3A_2295 : vector<256x96xf32> to vector<16x16x96xf32>
    %mul3A_2297 = arith.constant 14 : i32
    %mul3A_2298 = arith.muli %arg1, %mul3A_2297 : i32
    %add3A_2299 = arith.constant 9 : i32
    %add3A_2300 = arith.addi %mul3A_2298, %add3A_2299 : i32
    %get3A_2301 = arith.constant 0 : index
    %get3A_2302 = arith.constant 0 : index
    %get3A_2303 = arith.constant 0 : index
    %get3A_2304 = arith.constant 0 : index
    %get3A_2305 = vector.load %arg3[%get3A_2301, %get3A_2302, %get3A_2303, %get3A_2304] : memref<1x14x256x96xf32, #tpu.memory_space<vmem>>, vector<1x14x256x96xf32>
    %slice3A_2306 = vector.extract_strided_slice %get3A_2305 {offsets = [0, 9, 0, 0], sizes = [1, 1, 256, 96], strides = [1, 1, 1, 1]} : vector<1x14x256x96xf32> to vector<1x1x256x96xf32>
    %squeeze3A_2307 = vector.shape_cast %slice3A_2306 : vector<1x1x256x96xf32> to vector<256x96xf32>
    %get3A_2308 = arith.index_cast %arg0 : i32 to index
    %get3A_2309 = arith.index_cast %add3A_2300 : i32 to index
    %get3A_2310 = arith.constant 0 : index
    %get3A_2311 = memref.load %arg2[%get3A_2308, %get3A_2309, %get3A_2310] : memref<4x196x4xi32, #tpu.memory_space<smem>>
    %get3A_2312 = arith.constant 0 : index
    %get3A_2313 = arith.index_cast %get3A_2311 : i32 to index
    %get3A_2314 = arith.constant 0 : index
    %get3A_2315 = arith.constant 0 : index
    %get3A_2316 = vector.load %arg4[%get3A_2312, %get3A_2313, %get3A_2314, %get3A_2315] : memref<1x196x16x96xf32, #tpu.memory_space<vmem>>, vector<1x1x16x96xf32>
    %get3A_2317 = vector.shape_cast %get3A_2316 : vector<1x1x16x96xf32> to vector<16x96xf32>
    %get3A_2318 = arith.constant 0 : index
    %get3A_2319 = arith.index_cast %get3A_2311 : i32 to index
    %get3A_2320 = arith.constant 0 : index
    %get3A_2321 = arith.constant 0 : index
    %get3A_2322 = vector.load %arg5[%get3A_2318, %get3A_2319, %get3A_2320, %get3A_2321] : memref<1x196x16x96xf32, #tpu.memory_space<vmem>>, vector<1x1x16x96xf32>
    %get3A_2323 = vector.shape_cast %get3A_2322 : vector<1x1x16x96xf32> to vector<16x96xf32>
    %get3A_2324 = arith.index_cast %arg0 : i32 to index
    %get3A_2325 = arith.index_cast %add3A_2300 : i32 to index
    %get3A_2326 = arith.constant 1 : index
    %get3A_2327 = memref.load %arg2[%get3A_2324, %get3A_2325, %get3A_2326] : memref<4x196x4xi32, #tpu.memory_space<smem>>
    %get3A_2328 = arith.constant 0 : index
    %get3A_2329 = arith.index_cast %get3A_2327 : i32 to index
    %get3A_2330 = arith.constant 0 : index
    %get3A_2331 = arith.constant 0 : index
    %get3A_2332 = vector.load %arg4[%get3A_2328, %get3A_2329, %get3A_2330, %get3A_2331] : memref<1x196x16x96xf32, #tpu.memory_space<vmem>>, vector<1x1x16x96xf32>
    %get3A_2333 = vector.shape_cast %get3A_2332 : vector<1x1x16x96xf32> to vector<16x96xf32>
    %get3A_2334 = arith.constant 0 : index
    %get3A_2335 = arith.index_cast %get3A_2327 : i32 to index
    %get3A_2336 = arith.constant 0 : index
    %get3A_2337 = arith.constant 0 : index
    %get3A_2338 = vector.load %arg5[%get3A_2334, %get3A_2335, %get3A_2336, %get3A_2337] : memref<1x196x16x96xf32, #tpu.memory_space<vmem>>, vector<1x1x16x96xf32>
    %get3A_2339 = vector.shape_cast %get3A_2338 : vector<1x1x16x96xf32> to vector<16x96xf32>
    %get3A_2340 = arith.index_cast %arg0 : i32 to index
    %get3A_2341 = arith.index_cast %add3A_2300 : i32 to index
    %get3A_2342 = arith.constant 2 : index
    %get3A_2343 = memref.load %arg2[%get3A_2340, %get3A_2341, %get3A_2342] : memref<4x196x4xi32, #tpu.memory_space<smem>>
    %get3A_2344 = arith.constant 0 : index
    %get3A_2345 = arith.index_cast %get3A_2343 : i32 to index
    %get3A_2346 = arith.constant 0 : index
    %get3A_2347 = arith.constant 0 : index
    %get3A_2348 = vector.load %arg4[%get3A_2344, %get3A_2345, %get3A_2346, %get3A_2347] : memref<1x196x16x96xf32, #tpu.memory_space<vmem>>, vector<1x1x16x96xf32>
    %get3A_2349 = vector.shape_cast %get3A_2348 : vector<1x1x16x96xf32> to vector<16x96xf32>
    %get3A_2350 = arith.constant 0 : index
    %get3A_2351 = arith.index_cast %get3A_2343 : i32 to index
    %get3A_2352 = arith.constant 0 : index
    %get3A_2353 = arith.constant 0 : index
    %get3A_2354 = vector.load %arg5[%get3A_2350, %get3A_2351, %get3A_2352, %get3A_2353] : memref<1x196x16x96xf32, #tpu.memory_space<vmem>>, vector<1x1x16x96xf32>
    %get3A_2355 = vector.shape_cast %get3A_2354 : vector<1x1x16x96xf32> to vector<16x96xf32>
    %get3A_2356 = arith.index_cast %arg0 : i32 to index
    %get3A_2357 = arith.index_cast %add3A_2300 : i32 to index
    %get3A_2358 = arith.constant 3 : index
    %get3A_2359 = memref.load %arg2[%get3A_2356, %get3A_2357, %get3A_2358] : memref<4x196x4xi32, #tpu.memory_space<smem>>
    %get3A_2360 = arith.constant 0 : index
    %get3A_2361 = arith.index_cast %get3A_2359 : i32 to index
    %get3A_2362 = arith.constant 0 : index
    %get3A_2363 = arith.constant 0 : index
    %get3A_2364 = vector.load %arg4[%get3A_2360, %get3A_2361, %get3A_2362, %get3A_2363] : memref<1x196x16x96xf32, #tpu.memory_space<vmem>>, vector<1x1x16x96xf32>
    %get3A_2365 = vector.shape_cast %get3A_2364 : vector<1x1x16x96xf32> to vector<16x96xf32>
    %get3A_2366 = arith.constant 0 : index
    %get3A_2367 = arith.index_cast %get3A_2359 : i32 to index
    %get3A_2368 = arith.constant 0 : index
    %get3A_2369 = arith.constant 0 : index
    %get3A_2370 = vector.load %arg5[%get3A_2366, %get3A_2367, %get3A_2368, %get3A_2369] : memref<1x196x16x96xf32, #tpu.memory_space<vmem>>, vector<1x1x16x96xf32>
    %get3A_2371 = vector.shape_cast %get3A_2370 : vector<1x1x16x96xf32> to vector<16x96xf32>
    %concatenate3A_2372 = tpu.concatenate %get3A_2317, %get3A_2333, %get3A_2349, %get3A_2365 in 0 : vector<16x96xf32>, vector<16x96xf32>, vector<16x96xf32>, vector<16x96xf32> -> vector<64x96xf32>
    %concatenate3A_2373 = tpu.concatenate %get3A_2323, %get3A_2339, %get3A_2355, %get3A_2371 in 0 : vector<16x96xf32>, vector<16x96xf32>, vector<16x96xf32>, vector<16x96xf32> -> vector<64x96xf32>
    %iota3A_2374 = tpu.iota {dimensions = array<i32: 0>} : vector<512x96xi32>
    %jit3A_2375 = arith.constant 64 : i32
    %div3A_2376 = vector.broadcast %jit3A_2375 : i32 to vector<512x96xi32>
    %div3A_2377 = arith.divsi %iota3A_2374, %div3A_2376 : vector<512x96xi32>
    %sign3A_2378 = arith.constant 0 : i32
    %sign3A_2379 = vector.broadcast %sign3A_2378 : i32 to vector<512x96xi32>
    %sign3A_2380 = arith.cmpi sgt, %iota3A_2374, %sign3A_2379 : vector<512x96xi32>
    %sign3A_2381 = arith.extui %sign3A_2380 : vector<512x96xi1> to vector<512x96xi32>
    %sign3A_2382 = arith.constant 0 : i32
    %sign3A_2383 = vector.broadcast %sign3A_2382 : i32 to vector<512x96xi32>
    %sign3A_2384 = arith.cmpi slt, %iota3A_2374, %sign3A_2383 : vector<512x96xi32>
    %sign3A_2385 = arith.extui %sign3A_2384 : vector<512x96xi1> to vector<512x96xi32>
    %sign3A_2386 = arith.subi %sign3A_2381, %sign3A_2385 : vector<512x96xi32>
    %sign3A_2387 = arith.constant 0 : i32
    %sign3A_2388 = arith.cmpi sgt, %jit3A_2375, %sign3A_2387 : i32
    %sign3A_2389 = arith.extui %sign3A_2388 : i1 to i32
    %sign3A_2390 = arith.constant 0 : i32
    %sign3A_2391 = arith.cmpi slt, %jit3A_2375, %sign3A_2390 : i32
    %sign3A_2392 = arith.extui %sign3A_2391 : i1 to i32
    %sign3A_2393 = arith.subi %sign3A_2389, %sign3A_2392 : i32
    %ne3A_2394 = vector.broadcast %sign3A_2393 : i32 to vector<512x96xi32>
    %ne3A_2395 = arith.cmpi ne, %sign3A_2386, %ne3A_2394 : vector<512x96xi32>
    %rem3A_2396 = vector.broadcast %jit3A_2375 : i32 to vector<512x96xi32>
    %rem3A_2397 = arith.remsi %iota3A_2374, %rem3A_2396 : vector<512x96xi32>
    %ne3A_2398 = arith.constant 0 : i32
    %ne3A_2399 = vector.broadcast %ne3A_2398 : i32 to vector<512x96xi32>
    %ne3A_2400 = arith.cmpi ne, %rem3A_2397, %ne3A_2399 : vector<512x96xi32>
    %and3A_2401 = arith.andi %ne3A_2395, %ne3A_2400 : vector<512x96xi1>
    %sub3A_2402 = arith.constant 1 : i32
    %sub3A_2403 = vector.broadcast %sub3A_2402 : i32 to vector<512x96xi32>
    %sub3A_2404 = arith.subi %div3A_2377, %sub3A_2403 : vector<512x96xi32>
    %select_n3A_2405 = arith.select %and3A_2401, %sub3A_2404, %div3A_2377 : vector<512x96xi1>, vector<512x96xi32>
    %iota3A_2406 = tpu.iota {dimensions = array<i32: 1>} : vector<512x96xi32>
    %jit3A_2407 = arith.constant 12 : i32
    %div3A_2408 = vector.broadcast %jit3A_2407 : i32 to vector<512x96xi32>
    %div3A_2409 = arith.divsi %iota3A_2406, %div3A_2408 : vector<512x96xi32>
    %sign3A_2410 = arith.constant 0 : i32
    %sign3A_2411 = vector.broadcast %sign3A_2410 : i32 to vector<512x96xi32>
    %sign3A_2412 = arith.cmpi sgt, %iota3A_2406, %sign3A_2411 : vector<512x96xi32>
    %sign3A_2413 = arith.extui %sign3A_2412 : vector<512x96xi1> to vector<512x96xi32>
    %sign3A_2414 = arith.constant 0 : i32
    %sign3A_2415 = vector.broadcast %sign3A_2414 : i32 to vector<512x96xi32>
    %sign3A_2416 = arith.cmpi slt, %iota3A_2406, %sign3A_2415 : vector<512x96xi32>
    %sign3A_2417 = arith.extui %sign3A_2416 : vector<512x96xi1> to vector<512x96xi32>
    %sign3A_2418 = arith.subi %sign3A_2413, %sign3A_2417 : vector<512x96xi32>
    %sign3A_2419 = arith.constant 0 : i32
    %sign3A_2420 = arith.cmpi sgt, %jit3A_2407, %sign3A_2419 : i32
    %sign3A_2421 = arith.extui %sign3A_2420 : i1 to i32
    %sign3A_2422 = arith.constant 0 : i32
    %sign3A_2423 = arith.cmpi slt, %jit3A_2407, %sign3A_2422 : i32
    %sign3A_2424 = arith.extui %sign3A_2423 : i1 to i32
    %sign3A_2425 = arith.subi %sign3A_2421, %sign3A_2424 : i32
    %ne3A_2426 = vector.broadcast %sign3A_2425 : i32 to vector<512x96xi32>
    %ne3A_2427 = arith.cmpi ne, %sign3A_2418, %ne3A_2426 : vector<512x96xi32>
    %rem3A_2428 = vector.broadcast %jit3A_2407 : i32 to vector<512x96xi32>
    %rem3A_2429 = arith.remsi %iota3A_2406, %rem3A_2428 : vector<512x96xi32>
    %ne3A_2430 = arith.constant 0 : i32
    %ne3A_2431 = vector.broadcast %ne3A_2430 : i32 to vector<512x96xi32>
    %ne3A_2432 = arith.cmpi ne, %rem3A_2429, %ne3A_2431 : vector<512x96xi32>
    %and3A_2433 = arith.andi %ne3A_2427, %ne3A_2432 : vector<512x96xi1>
    %sub3A_2434 = arith.constant 1 : i32
    %sub3A_2435 = vector.broadcast %sub3A_2434 : i32 to vector<512x96xi32>
    %sub3A_2436 = arith.subi %div3A_2409, %sub3A_2435 : vector<512x96xi32>
    %select_n3A_2437 = arith.select %and3A_2433, %sub3A_2436, %div3A_2409 : vector<512x96xi1>, vector<512x96xi32>
    %eq3A_2438 = arith.cmpi eq, %select_n3A_2405, %select_n3A_2437 : vector<512x96xi32>
    %concatenate3A_2439 = tpu.concatenate %concatenate3A_2372, %concatenate3A_2372, %concatenate3A_2372, %concatenate3A_2372, %concatenate3A_2372, %concatenate3A_2372, %concatenate3A_2372, %concatenate3A_2372 in 0 : vector<64x96xf32>, vector<64x96xf32>, vector<64x96xf32>, vector<64x96xf32>, vector<64x96xf32>, vector<64x96xf32>, vector<64x96xf32>, vector<64x96xf32> -> vector<512x96xf32>
    %jit3A_2440 = arith.constant 0.000000e+00 : f32
    %broadcast_in_dim3A_2441 = vector.broadcast %jit3A_2440 : f32 to vector<512x96xf32>
    %select_n3A_2442 = arith.select %eq3A_2438, %concatenate3A_2439, %broadcast_in_dim3A_2441 : vector<512x96xi1>, vector<512x96xf32>
    %mul3A_2443 = arith.constant 0.102062076 : f32
    %mul3A_2444 = vector.broadcast %mul3A_2443 : f32 to vector<256x96xf32>
    %mul3A_2445 = arith.mulf %squeeze3A_2307, %mul3A_2444 : vector<256x96xf32>
    %dot_general3A_2446 = arith.constant dense<0.000000e+00> : vector<256x512xf32>
    %dot_general3A_2447 = tpu.matmul %mul3A_2445, %select_n3A_2442, %dot_general3A_2446 {dimension_numbers = #tpu.dot_dimension_numbers<[1], [1], [0], [0], [0, 0, 1, 0], [], []>, transpose_lhs_hint = false} : vector<256x96xf32>, vector<512x96xf32>, vector<256x512xf32> -> vector<256x512xf32>
    %reduce_max3A_2448 = arith.constant dense<0xFF800000> : vector<256xf32>
    %reduce_max3A_2449 = vector.multi_reduction <maximumf>, %dot_general3A_2447, %reduce_max3A_2448 [1] : vector<256x512xf32> to vector<256xf32>
    %broadcast_in_dim3A_2450 = vector.shape_cast %reduce_max3A_2449 : vector<256xf32> to vector<256x1xf32>
    %sub3A_2451 = vector.broadcast %broadcast_in_dim3A_2450 : vector<256x1xf32> to vector<256x512xf32>
    %sub3A_2452 = arith.subf %dot_general3A_2447, %sub3A_2451 : vector<256x512xf32>
    %exp3A_2453 = math.exp %sub3A_2452 : vector<256x512xf32>
    %iota3A_2454 = tpu.iota {dimensions = array<i32: 0>} : vector<512x8xi32>
    %jit3A_2455 = arith.constant 64 : i32
    %div3A_2456 = vector.broadcast %jit3A_2455 : i32 to vector<512x8xi32>
    %div3A_2457 = arith.divsi %iota3A_2454, %div3A_2456 : vector<512x8xi32>
    %sign3A_2458 = arith.constant 0 : i32
    %sign3A_2459 = vector.broadcast %sign3A_2458 : i32 to vector<512x8xi32>
    %sign3A_2460 = arith.cmpi sgt, %iota3A_2454, %sign3A_2459 : vector<512x8xi32>
    %sign3A_2461 = arith.extui %sign3A_2460 : vector<512x8xi1> to vector<512x8xi32>
    %sign3A_2462 = arith.constant 0 : i32
    %sign3A_2463 = vector.broadcast %sign3A_2462 : i32 to vector<512x8xi32>
    %sign3A_2464 = arith.cmpi slt, %iota3A_2454, %sign3A_2463 : vector<512x8xi32>
    %sign3A_2465 = arith.extui %sign3A_2464 : vector<512x8xi1> to vector<512x8xi32>
    %sign3A_2466 = arith.subi %sign3A_2461, %sign3A_2465 : vector<512x8xi32>
    %sign3A_2467 = arith.constant 0 : i32
    %sign3A_2468 = arith.cmpi sgt, %jit3A_2455, %sign3A_2467 : i32
    %sign3A_2469 = arith.extui %sign3A_2468 : i1 to i32
    %sign3A_2470 = arith.constant 0 : i32
    %sign3A_2471 = arith.cmpi slt, %jit3A_2455, %sign3A_2470 : i32
    %sign3A_2472 = arith.extui %sign3A_2471 : i1 to i32
    %sign3A_2473 = arith.subi %sign3A_2469, %sign3A_2472 : i32
    %ne3A_2474 = vector.broadcast %sign3A_2473 : i32 to vector<512x8xi32>
    %ne3A_2475 = arith.cmpi ne, %sign3A_2466, %ne3A_2474 : vector<512x8xi32>
    %rem3A_2476 = vector.broadcast %jit3A_2455 : i32 to vector<512x8xi32>
    %rem3A_2477 = arith.remsi %iota3A_2454, %rem3A_2476 : vector<512x8xi32>
    %ne3A_2478 = arith.constant 0 : i32
    %ne3A_2479 = vector.broadcast %ne3A_2478 : i32 to vector<512x8xi32>
    %ne3A_2480 = arith.cmpi ne, %rem3A_2477, %ne3A_2479 : vector<512x8xi32>
    %and3A_2481 = arith.andi %ne3A_2475, %ne3A_2480 : vector<512x8xi1>
    %sub3A_2482 = arith.constant 1 : i32
    %sub3A_2483 = vector.broadcast %sub3A_2482 : i32 to vector<512x8xi32>
    %sub3A_2484 = arith.subi %div3A_2457, %sub3A_2483 : vector<512x8xi32>
    %select_n3A_2485 = arith.select %and3A_2481, %sub3A_2484, %div3A_2457 : vector<512x8xi1>, vector<512x8xi32>
    %iota3A_2486 = tpu.iota {dimensions = array<i32: 1>} : vector<512x8xi32>
    %eq3A_2487 = arith.cmpi eq, %select_n3A_2485, %iota3A_2486 : vector<512x8xi32>
    %jit3A_2488 = arith.constant 1.000000e+00 : f32
    %jit3A_2489 = arith.constant 0.000000e+00 : f32
    %broadcast_in_dim3A_2490 = vector.broadcast %jit3A_2488 : f32 to vector<512x8xf32>
    %broadcast_in_dim3A_2491 = vector.broadcast %jit3A_2489 : f32 to vector<512x8xf32>
    %select_n3A_2492 = arith.select %eq3A_2487, %broadcast_in_dim3A_2490, %broadcast_in_dim3A_2491 : vector<512x8xi1>, vector<512x8xf32>
    %dot_general3A_2493 = arith.constant dense<0.000000e+00> : vector<256x8xf32>
    %dot_general3A_2494 = tpu.matmul %exp3A_2453, %select_n3A_2492, %dot_general3A_2493 {dimension_numbers = #tpu.dot_dimension_numbers<[1], [0], [0], [1], [0, 0, 1, 1], [], []>, transpose_lhs_hint = false} : vector<256x512xf32>, vector<512x8xf32>, vector<256x8xf32> -> vector<256x8xf32>
    %max3A_2495 = arith.constant 1.000000e-30 : f32
    %max3A_2496 = vector.broadcast %max3A_2495 : f32 to vector<256x8xf32>
    %max3A_2497 = arith.maximumf %dot_general3A_2494, %max3A_2496 : vector<256x8xf32>
    %div3A_2498 = arith.constant 1.000000e+00 : f32
    %div3A_2499 = vector.broadcast %div3A_2498 : f32 to vector<256x8xf32>
    %div3A_2500 = arith.divf %div3A_2499, %max3A_2497 : vector<256x8xf32>
    %concatenate3A_2501 = tpu.concatenate %concatenate3A_2373, %concatenate3A_2373, %concatenate3A_2373, %concatenate3A_2373, %concatenate3A_2373, %concatenate3A_2373, %concatenate3A_2373, %concatenate3A_2373 in 0 : vector<64x96xf32>, vector<64x96xf32>, vector<64x96xf32>, vector<64x96xf32>, vector<64x96xf32>, vector<64x96xf32>, vector<64x96xf32>, vector<64x96xf32> -> vector<512x96xf32>
    %jit3A_2502 = arith.constant 0.000000e+00 : f32
    %broadcast_in_dim3A_2503 = vector.broadcast %jit3A_2502 : f32 to vector<512x96xf32>
    %select_n3A_2504 = arith.select %eq3A_2438, %concatenate3A_2501, %broadcast_in_dim3A_2503 : vector<512x96xi1>, vector<512x96xf32>
    %dot_general3A_2505 = arith.constant dense<0.000000e+00> : vector<256x96xf32>
    %dot_general3A_2506 = tpu.matmul %exp3A_2453, %select_n3A_2504, %dot_general3A_2505 {dimension_numbers = #tpu.dot_dimension_numbers<[1], [0], [0], [1], [0, 0, 1, 1], [], []>, transpose_lhs_hint = false} : vector<256x512xf32>, vector<512x96xf32>, vector<256x96xf32> -> vector<256x96xf32>
    %iota3A_2507 = tpu.iota {dimensions = array<i32: 0>} : vector<8x96xi32>
    %iota3A_2508 = tpu.iota {dimensions = array<i32: 1>} : vector<8x96xi32>
    %jit3A_2509 = arith.constant 12 : i32
    %div3A_2510 = vector.broadcast %jit3A_2509 : i32 to vector<8x96xi32>
    %div3A_2511 = arith.divsi %iota3A_2508, %div3A_2510 : vector<8x96xi32>
    %sign3A_2512 = arith.constant 0 : i32
    %sign3A_2513 = vector.broadcast %sign3A_2512 : i32 to vector<8x96xi32>
    %sign3A_2514 = arith.cmpi sgt, %iota3A_2508, %sign3A_2513 : vector<8x96xi32>
    %sign3A_2515 = arith.extui %sign3A_2514 : vector<8x96xi1> to vector<8x96xi32>
    %sign3A_2516 = arith.constant 0 : i32
    %sign3A_2517 = vector.broadcast %sign3A_2516 : i32 to vector<8x96xi32>
    %sign3A_2518 = arith.cmpi slt, %iota3A_2508, %sign3A_2517 : vector<8x96xi32>
    %sign3A_2519 = arith.extui %sign3A_2518 : vector<8x96xi1> to vector<8x96xi32>
    %sign3A_2520 = arith.subi %sign3A_2515, %sign3A_2519 : vector<8x96xi32>
    %sign3A_2521 = arith.constant 0 : i32
    %sign3A_2522 = arith.cmpi sgt, %jit3A_2509, %sign3A_2521 : i32
    %sign3A_2523 = arith.extui %sign3A_2522 : i1 to i32
    %sign3A_2524 = arith.constant 0 : i32
    %sign3A_2525 = arith.cmpi slt, %jit3A_2509, %sign3A_2524 : i32
    %sign3A_2526 = arith.extui %sign3A_2525 : i1 to i32
    %sign3A_2527 = arith.subi %sign3A_2523, %sign3A_2526 : i32
    %ne3A_2528 = vector.broadcast %sign3A_2527 : i32 to vector<8x96xi32>
    %ne3A_2529 = arith.cmpi ne, %sign3A_2520, %ne3A_2528 : vector<8x96xi32>
    %rem3A_2530 = vector.broadcast %jit3A_2509 : i32 to vector<8x96xi32>
    %rem3A_2531 = arith.remsi %iota3A_2508, %rem3A_2530 : vector<8x96xi32>
    %ne3A_2532 = arith.constant 0 : i32
    %ne3A_2533 = vector.broadcast %ne3A_2532 : i32 to vector<8x96xi32>
    %ne3A_2534 = arith.cmpi ne, %rem3A_2531, %ne3A_2533 : vector<8x96xi32>
    %and3A_2535 = arith.andi %ne3A_2529, %ne3A_2534 : vector<8x96xi1>
    %sub3A_2536 = arith.constant 1 : i32
    %sub3A_2537 = vector.broadcast %sub3A_2536 : i32 to vector<8x96xi32>
    %sub3A_2538 = arith.subi %div3A_2511, %sub3A_2537 : vector<8x96xi32>
    %select_n3A_2539 = arith.select %and3A_2535, %sub3A_2538, %div3A_2511 : vector<8x96xi1>, vector<8x96xi32>
    %eq3A_2540 = arith.cmpi eq, %iota3A_2507, %select_n3A_2539 : vector<8x96xi32>
    %jit3A_2541 = arith.constant 1.000000e+00 : f32
    %jit3A_2542 = arith.constant 0.000000e+00 : f32
    %broadcast_in_dim3A_2543 = vector.broadcast %jit3A_2541 : f32 to vector<8x96xf32>
    %broadcast_in_dim3A_2544 = vector.broadcast %jit3A_2542 : f32 to vector<8x96xf32>
    %select_n3A_2545 = arith.select %eq3A_2540, %broadcast_in_dim3A_2543, %broadcast_in_dim3A_2544 : vector<8x96xi1>, vector<8x96xf32>
    %dot_general3A_2546 = arith.constant dense<0.000000e+00> : vector<256x96xf32>
    %dot_general3A_2547 = tpu.matmul %div3A_2500, %select_n3A_2545, %dot_general3A_2546 {dimension_numbers = #tpu.dot_dimension_numbers<[1], [0], [0], [1], [0, 0, 1, 1], [], []>, transpose_lhs_hint = false} : vector<256x8xf32>, vector<8x96xf32>, vector<256x96xf32> -> vector<256x96xf32>
    %mul3A_2548 = arith.mulf %dot_general3A_2506, %dot_general3A_2547 : vector<256x96xf32>
    %dot_general3A_2549 = arith.constant dense<0.000000e+00> : vector<256x96xf32>
    %dot_general3A_2550 = tpu.matmul %mul3A_2548, %get3A_1, %dot_general3A_2549 {dimension_numbers = #tpu.dot_dimension_numbers<[1], [0], [0], [1], [0, 0, 1, 1], [], []>, transpose_lhs_hint = false} : vector<256x96xf32>, vector<96x96xf32>, vector<256x96xf32> -> vector<256x96xf32>
    %add3A_2551 = vector.broadcast %get3A_4 : vector<1x96xf32> to vector<256x96xf32>
    %add3A_2552 = arith.addf %dot_general3A_2550, %add3A_2551 : vector<256x96xf32>
    %reshape3A_2553 = vector.shape_cast %add3A_2552 : vector<256x96xf32> to vector<16x16x96xf32>
    %mul3A_2554 = arith.constant 14 : i32
    %mul3A_2555 = arith.muli %arg1, %mul3A_2554 : i32
    %add3A_2556 = arith.constant 10 : i32
    %add3A_2557 = arith.addi %mul3A_2555, %add3A_2556 : i32
    %get3A_2558 = arith.constant 0 : index
    %get3A_2559 = arith.constant 0 : index
    %get3A_2560 = arith.constant 0 : index
    %get3A_2561 = arith.constant 0 : index
    %get3A_2562 = vector.load %arg3[%get3A_2558, %get3A_2559, %get3A_2560, %get3A_2561] : memref<1x14x256x96xf32, #tpu.memory_space<vmem>>, vector<1x14x256x96xf32>
    %slice3A_2563 = vector.extract_strided_slice %get3A_2562 {offsets = [0, 10, 0, 0], sizes = [1, 1, 256, 96], strides = [1, 1, 1, 1]} : vector<1x14x256x96xf32> to vector<1x1x256x96xf32>
    %squeeze3A_2564 = vector.shape_cast %slice3A_2563 : vector<1x1x256x96xf32> to vector<256x96xf32>
    %get3A_2565 = arith.index_cast %arg0 : i32 to index
    %get3A_2566 = arith.index_cast %add3A_2557 : i32 to index
    %get3A_2567 = arith.constant 0 : index
    %get3A_2568 = memref.load %arg2[%get3A_2565, %get3A_2566, %get3A_2567] : memref<4x196x4xi32, #tpu.memory_space<smem>>
    %get3A_2569 = arith.constant 0 : index
    %get3A_2570 = arith.index_cast %get3A_2568 : i32 to index
    %get3A_2571 = arith.constant 0 : index
    %get3A_2572 = arith.constant 0 : index
    %get3A_2573 = vector.load %arg4[%get3A_2569, %get3A_2570, %get3A_2571, %get3A_2572] : memref<1x196x16x96xf32, #tpu.memory_space<vmem>>, vector<1x1x16x96xf32>
    %get3A_2574 = vector.shape_cast %get3A_2573 : vector<1x1x16x96xf32> to vector<16x96xf32>
    %get3A_2575 = arith.constant 0 : index
    %get3A_2576 = arith.index_cast %get3A_2568 : i32 to index
    %get3A_2577 = arith.constant 0 : index
    %get3A_2578 = arith.constant 0 : index
    %get3A_2579 = vector.load %arg5[%get3A_2575, %get3A_2576, %get3A_2577, %get3A_2578] : memref<1x196x16x96xf32, #tpu.memory_space<vmem>>, vector<1x1x16x96xf32>
    %get3A_2580 = vector.shape_cast %get3A_2579 : vector<1x1x16x96xf32> to vector<16x96xf32>
    %get3A_2581 = arith.index_cast %arg0 : i32 to index
    %get3A_2582 = arith.index_cast %add3A_2557 : i32 to index
    %get3A_2583 = arith.constant 1 : index
    %get3A_2584 = memref.load %arg2[%get3A_2581, %get3A_2582, %get3A_2583] : memref<4x196x4xi32, #tpu.memory_space<smem>>
    %get3A_2585 = arith.constant 0 : index
    %get3A_2586 = arith.index_cast %get3A_2584 : i32 to index
    %get3A_2587 = arith.constant 0 : index
    %get3A_2588 = arith.constant 0 : index
    %get3A_2589 = vector.load %arg4[%get3A_2585, %get3A_2586, %get3A_2587, %get3A_2588] : memref<1x196x16x96xf32, #tpu.memory_space<vmem>>, vector<1x1x16x96xf32>
    %get3A_2590 = vector.shape_cast %get3A_2589 : vector<1x1x16x96xf32> to vector<16x96xf32>
    %get3A_2591 = arith.constant 0 : index
    %get3A_2592 = arith.index_cast %get3A_2584 : i32 to index
    %get3A_2593 = arith.constant 0 : index
    %get3A_2594 = arith.constant 0 : index
    %get3A_2595 = vector.load %arg5[%get3A_2591, %get3A_2592, %get3A_2593, %get3A_2594] : memref<1x196x16x96xf32, #tpu.memory_space<vmem>>, vector<1x1x16x96xf32>
    %get3A_2596 = vector.shape_cast %get3A_2595 : vector<1x1x16x96xf32> to vector<16x96xf32>
    %get3A_2597 = arith.index_cast %arg0 : i32 to index
    %get3A_2598 = arith.index_cast %add3A_2557 : i32 to index
    %get3A_2599 = arith.constant 2 : index
    %get3A_2600 = memref.load %arg2[%get3A_2597, %get3A_2598, %get3A_2599] : memref<4x196x4xi32, #tpu.memory_space<smem>>
    %get3A_2601 = arith.constant 0 : index
    %get3A_2602 = arith.index_cast %get3A_2600 : i32 to index
    %get3A_2603 = arith.constant 0 : index
    %get3A_2604 = arith.constant 0 : index
    %get3A_2605 = vector.load %arg4[%get3A_2601, %get3A_2602, %get3A_2603, %get3A_2604] : memref<1x196x16x96xf32, #tpu.memory_space<vmem>>, vector<1x1x16x96xf32>
    %get3A_2606 = vector.shape_cast %get3A_2605 : vector<1x1x16x96xf32> to vector<16x96xf32>
    %get3A_2607 = arith.constant 0 : index
    %get3A_2608 = arith.index_cast %get3A_2600 : i32 to index
    %get3A_2609 = arith.constant 0 : index
    %get3A_2610 = arith.constant 0 : index
    %get3A_2611 = vector.load %arg5[%get3A_2607, %get3A_2608, %get3A_2609, %get3A_2610] : memref<1x196x16x96xf32, #tpu.memory_space<vmem>>, vector<1x1x16x96xf32>
    %get3A_2612 = vector.shape_cast %get3A_2611 : vector<1x1x16x96xf32> to vector<16x96xf32>
    %get3A_2613 = arith.index_cast %arg0 : i32 to index
    %get3A_2614 = arith.index_cast %add3A_2557 : i32 to index
    %get3A_2615 = arith.constant 3 : index
    %get3A_2616 = memref.load %arg2[%get3A_2613, %get3A_2614, %get3A_2615] : memref<4x196x4xi32, #tpu.memory_space<smem>>
    %get3A_2617 = arith.constant 0 : index
    %get3A_2618 = arith.index_cast %get3A_2616 : i32 to index
    %get3A_2619 = arith.constant 0 : index
    %get3A_2620 = arith.constant 0 : index
    %get3A_2621 = vector.load %arg4[%get3A_2617, %get3A_2618, %get3A_2619, %get3A_2620] : memref<1x196x16x96xf32, #tpu.memory_space<vmem>>, vector<1x1x16x96xf32>
    %get3A_2622 = vector.shape_cast %get3A_2621 : vector<1x1x16x96xf32> to vector<16x96xf32>
    %get3A_2623 = arith.constant 0 : index
    %get3A_2624 = arith.index_cast %get3A_2616 : i32 to index
    %get3A_2625 = arith.constant 0 : index
    %get3A_2626 = arith.constant 0 : index
    %get3A_2627 = vector.load %arg5[%get3A_2623, %get3A_2624, %get3A_2625, %get3A_2626] : memref<1x196x16x96xf32, #tpu.memory_space<vmem>>, vector<1x1x16x96xf32>
    %get3A_2628 = vector.shape_cast %get3A_2627 : vector<1x1x16x96xf32> to vector<16x96xf32>
    %concatenate3A_2629 = tpu.concatenate %get3A_2574, %get3A_2590, %get3A_2606, %get3A_2622 in 0 : vector<16x96xf32>, vector<16x96xf32>, vector<16x96xf32>, vector<16x96xf32> -> vector<64x96xf32>
    %concatenate3A_2630 = tpu.concatenate %get3A_2580, %get3A_2596, %get3A_2612, %get3A_2628 in 0 : vector<16x96xf32>, vector<16x96xf32>, vector<16x96xf32>, vector<16x96xf32> -> vector<64x96xf32>
    %iota3A_2631 = tpu.iota {dimensions = array<i32: 0>} : vector<512x96xi32>
    %jit3A_2632 = arith.constant 64 : i32
    %div3A_2633 = vector.broadcast %jit3A_2632 : i32 to vector<512x96xi32>
    %div3A_2634 = arith.divsi %iota3A_2631, %div3A_2633 : vector<512x96xi32>
    %sign3A_2635 = arith.constant 0 : i32
    %sign3A_2636 = vector.broadcast %sign3A_2635 : i32 to vector<512x96xi32>
    %sign3A_2637 = arith.cmpi sgt, %iota3A_2631, %sign3A_2636 : vector<512x96xi32>
    %sign3A_2638 = arith.extui %sign3A_2637 : vector<512x96xi1> to vector<512x96xi32>
    %sign3A_2639 = arith.constant 0 : i32
    %sign3A_2640 = vector.broadcast %sign3A_2639 : i32 to vector<512x96xi32>
    %sign3A_2641 = arith.cmpi slt, %iota3A_2631, %sign3A_2640 : vector<512x96xi32>
    %sign3A_2642 = arith.extui %sign3A_2641 : vector<512x96xi1> to vector<512x96xi32>
    %sign3A_2643 = arith.subi %sign3A_2638, %sign3A_2642 : vector<512x96xi32>
    %sign3A_2644 = arith.constant 0 : i32
    %sign3A_2645 = arith.cmpi sgt, %jit3A_2632, %sign3A_2644 : i32
    %sign3A_2646 = arith.extui %sign3A_2645 : i1 to i32
    %sign3A_2647 = arith.constant 0 : i32
    %sign3A_2648 = arith.cmpi slt, %jit3A_2632, %sign3A_2647 : i32
    %sign3A_2649 = arith.extui %sign3A_2648 : i1 to i32
    %sign3A_2650 = arith.subi %sign3A_2646, %sign3A_2649 : i32
    %ne3A_2651 = vector.broadcast %sign3A_2650 : i32 to vector<512x96xi32>
    %ne3A_2652 = arith.cmpi ne, %sign3A_2643, %ne3A_2651 : vector<512x96xi32>
    %rem3A_2653 = vector.broadcast %jit3A_2632 : i32 to vector<512x96xi32>
    %rem3A_2654 = arith.remsi %iota3A_2631, %rem3A_2653 : vector<512x96xi32>
    %ne3A_2655 = arith.constant 0 : i32
    %ne3A_2656 = vector.broadcast %ne3A_2655 : i32 to vector<512x96xi32>
    %ne3A_2657 = arith.cmpi ne, %rem3A_2654, %ne3A_2656 : vector<512x96xi32>
    %and3A_2658 = arith.andi %ne3A_2652, %ne3A_2657 : vector<512x96xi1>
    %sub3A_2659 = arith.constant 1 : i32
    %sub3A_2660 = vector.broadcast %sub3A_2659 : i32 to vector<512x96xi32>
    %sub3A_2661 = arith.subi %div3A_2634, %sub3A_2660 : vector<512x96xi32>
    %select_n3A_2662 = arith.select %and3A_2658, %sub3A_2661, %div3A_2634 : vector<512x96xi1>, vector<512x96xi32>
    %iota3A_2663 = tpu.iota {dimensions = array<i32: 1>} : vector<512x96xi32>
    %jit3A_2664 = arith.constant 12 : i32
    %div3A_2665 = vector.broadcast %jit3A_2664 : i32 to vector<512x96xi32>
    %div3A_2666 = arith.divsi %iota3A_2663, %div3A_2665 : vector<512x96xi32>
    %sign3A_2667 = arith.constant 0 : i32
    %sign3A_2668 = vector.broadcast %sign3A_2667 : i32 to vector<512x96xi32>
    %sign3A_2669 = arith.cmpi sgt, %iota3A_2663, %sign3A_2668 : vector<512x96xi32>
    %sign3A_2670 = arith.extui %sign3A_2669 : vector<512x96xi1> to vector<512x96xi32>
    %sign3A_2671 = arith.constant 0 : i32
    %sign3A_2672 = vector.broadcast %sign3A_2671 : i32 to vector<512x96xi32>
    %sign3A_2673 = arith.cmpi slt, %iota3A_2663, %sign3A_2672 : vector<512x96xi32>
    %sign3A_2674 = arith.extui %sign3A_2673 : vector<512x96xi1> to vector<512x96xi32>
    %sign3A_2675 = arith.subi %sign3A_2670, %sign3A_2674 : vector<512x96xi32>
    %sign3A_2676 = arith.constant 0 : i32
    %sign3A_2677 = arith.cmpi sgt, %jit3A_2664, %sign3A_2676 : i32
    %sign3A_2678 = arith.extui %sign3A_2677 : i1 to i32
    %sign3A_2679 = arith.constant 0 : i32
    %sign3A_2680 = arith.cmpi slt, %jit3A_2664, %sign3A_2679 : i32
    %sign3A_2681 = arith.extui %sign3A_2680 : i1 to i32
    %sign3A_2682 = arith.subi %sign3A_2678, %sign3A_2681 : i32
    %ne3A_2683 = vector.broadcast %sign3A_2682 : i32 to vector<512x96xi32>
    %ne3A_2684 = arith.cmpi ne, %sign3A_2675, %ne3A_2683 : vector<512x96xi32>
    %rem3A_2685 = vector.broadcast %jit3A_2664 : i32 to vector<512x96xi32>
    %rem3A_2686 = arith.remsi %iota3A_2663, %rem3A_2685 : vector<512x96xi32>
    %ne3A_2687 = arith.constant 0 : i32
    %ne3A_2688 = vector.broadcast %ne3A_2687 : i32 to vector<512x96xi32>
    %ne3A_2689 = arith.cmpi ne, %rem3A_2686, %ne3A_2688 : vector<512x96xi32>
    %and3A_2690 = arith.andi %ne3A_2684, %ne3A_2689 : vector<512x96xi1>
    %sub3A_2691 = arith.constant 1 : i32
    %sub3A_2692 = vector.broadcast %sub3A_2691 : i32 to vector<512x96xi32>
    %sub3A_2693 = arith.subi %div3A_2666, %sub3A_2692 : vector<512x96xi32>
    %select_n3A_2694 = arith.select %and3A_2690, %sub3A_2693, %div3A_2666 : vector<512x96xi1>, vector<512x96xi32>
    %eq3A_2695 = arith.cmpi eq, %select_n3A_2662, %select_n3A_2694 : vector<512x96xi32>
    %concatenate3A_2696 = tpu.concatenate %concatenate3A_2629, %concatenate3A_2629, %concatenate3A_2629, %concatenate3A_2629, %concatenate3A_2629, %concatenate3A_2629, %concatenate3A_2629, %concatenate3A_2629 in 0 : vector<64x96xf32>, vector<64x96xf32>, vector<64x96xf32>, vector<64x96xf32>, vector<64x96xf32>, vector<64x96xf32>, vector<64x96xf32>, vector<64x96xf32> -> vector<512x96xf32>
    %jit3A_2697 = arith.constant 0.000000e+00 : f32
    %broadcast_in_dim3A_2698 = vector.broadcast %jit3A_2697 : f32 to vector<512x96xf32>
    %select_n3A_2699 = arith.select %eq3A_2695, %concatenate3A_2696, %broadcast_in_dim3A_2698 : vector<512x96xi1>, vector<512x96xf32>
    %mul3A_2700 = arith.constant 0.102062076 : f32
    %mul3A_2701 = vector.broadcast %mul3A_2700 : f32 to vector<256x96xf32>
    %mul3A_2702 = arith.mulf %squeeze3A_2564, %mul3A_2701 : vector<256x96xf32>
    %dot_general3A_2703 = arith.constant dense<0.000000e+00> : vector<256x512xf32>
    %dot_general3A_2704 = tpu.matmul %mul3A_2702, %select_n3A_2699, %dot_general3A_2703 {dimension_numbers = #tpu.dot_dimension_numbers<[1], [1], [0], [0], [0, 0, 1, 0], [], []>, transpose_lhs_hint = false} : vector<256x96xf32>, vector<512x96xf32>, vector<256x512xf32> -> vector<256x512xf32>
    %reduce_max3A_2705 = arith.constant dense<0xFF800000> : vector<256xf32>
    %reduce_max3A_2706 = vector.multi_reduction <maximumf>, %dot_general3A_2704, %reduce_max3A_2705 [1] : vector<256x512xf32> to vector<256xf32>
    %broadcast_in_dim3A_2707 = vector.shape_cast %reduce_max3A_2706 : vector<256xf32> to vector<256x1xf32>
    %sub3A_2708 = vector.broadcast %broadcast_in_dim3A_2707 : vector<256x1xf32> to vector<256x512xf32>
    %sub3A_2709 = arith.subf %dot_general3A_2704, %sub3A_2708 : vector<256x512xf32>
    %exp3A_2710 = math.exp %sub3A_2709 : vector<256x512xf32>
    %iota3A_2711 = tpu.iota {dimensions = array<i32: 0>} : vector<512x8xi32>
    %jit3A_2712 = arith.constant 64 : i32
    %div3A_2713 = vector.broadcast %jit3A_2712 : i32 to vector<512x8xi32>
    %div3A_2714 = arith.divsi %iota3A_2711, %div3A_2713 : vector<512x8xi32>
    %sign3A_2715 = arith.constant 0 : i32
    %sign3A_2716 = vector.broadcast %sign3A_2715 : i32 to vector<512x8xi32>
    %sign3A_2717 = arith.cmpi sgt, %iota3A_2711, %sign3A_2716 : vector<512x8xi32>
    %sign3A_2718 = arith.extui %sign3A_2717 : vector<512x8xi1> to vector<512x8xi32>
    %sign3A_2719 = arith.constant 0 : i32
    %sign3A_2720 = vector.broadcast %sign3A_2719 : i32 to vector<512x8xi32>
    %sign3A_2721 = arith.cmpi slt, %iota3A_2711, %sign3A_2720 : vector<512x8xi32>
    %sign3A_2722 = arith.extui %sign3A_2721 : vector<512x8xi1> to vector<512x8xi32>
    %sign3A_2723 = arith.subi %sign3A_2718, %sign3A_2722 : vector<512x8xi32>
    %sign3A_2724 = arith.constant 0 : i32
    %sign3A_2725 = arith.cmpi sgt, %jit3A_2712, %sign3A_2724 : i32
    %sign3A_2726 = arith.extui %sign3A_2725 : i1 to i32
    %sign3A_2727 = arith.constant 0 : i32
    %sign3A_2728 = arith.cmpi slt, %jit3A_2712, %sign3A_2727 : i32
    %sign3A_2729 = arith.extui %sign3A_2728 : i1 to i32
    %sign3A_2730 = arith.subi %sign3A_2726, %sign3A_2729 : i32
    %ne3A_2731 = vector.broadcast %sign3A_2730 : i32 to vector<512x8xi32>
    %ne3A_2732 = arith.cmpi ne, %sign3A_2723, %ne3A_2731 : vector<512x8xi32>
    %rem3A_2733 = vector.broadcast %jit3A_2712 : i32 to vector<512x8xi32>
    %rem3A_2734 = arith.remsi %iota3A_2711, %rem3A_2733 : vector<512x8xi32>
    %ne3A_2735 = arith.constant 0 : i32
    %ne3A_2736 = vector.broadcast %ne3A_2735 : i32 to vector<512x8xi32>
    %ne3A_2737 = arith.cmpi ne, %rem3A_2734, %ne3A_2736 : vector<512x8xi32>
    %and3A_2738 = arith.andi %ne3A_2732, %ne3A_2737 : vector<512x8xi1>
    %sub3A_2739 = arith.constant 1 : i32
    %sub3A_2740 = vector.broadcast %sub3A_2739 : i32 to vector<512x8xi32>
    %sub3A_2741 = arith.subi %div3A_2714, %sub3A_2740 : vector<512x8xi32>
    %select_n3A_2742 = arith.select %and3A_2738, %sub3A_2741, %div3A_2714 : vector<512x8xi1>, vector<512x8xi32>
    %iota3A_2743 = tpu.iota {dimensions = array<i32: 1>} : vector<512x8xi32>
    %eq3A_2744 = arith.cmpi eq, %select_n3A_2742, %iota3A_2743 : vector<512x8xi32>
    %jit3A_2745 = arith.constant 1.000000e+00 : f32
    %jit3A_2746 = arith.constant 0.000000e+00 : f32
    %broadcast_in_dim3A_2747 = vector.broadcast %jit3A_2745 : f32 to vector<512x8xf32>
    %broadcast_in_dim3A_2748 = vector.broadcast %jit3A_2746 : f32 to vector<512x8xf32>
    %select_n3A_2749 = arith.select %eq3A_2744, %broadcast_in_dim3A_2747, %broadcast_in_dim3A_2748 : vector<512x8xi1>, vector<512x8xf32>
    %dot_general3A_2750 = arith.constant dense<0.000000e+00> : vector<256x8xf32>
    %dot_general3A_2751 = tpu.matmul %exp3A_2710, %select_n3A_2749, %dot_general3A_2750 {dimension_numbers = #tpu.dot_dimension_numbers<[1], [0], [0], [1], [0, 0, 1, 1], [], []>, transpose_lhs_hint = false} : vector<256x512xf32>, vector<512x8xf32>, vector<256x8xf32> -> vector<256x8xf32>
    %max3A_2752 = arith.constant 1.000000e-30 : f32
    %max3A_2753 = vector.broadcast %max3A_2752 : f32 to vector<256x8xf32>
    %max3A_2754 = arith.maximumf %dot_general3A_2751, %max3A_2753 : vector<256x8xf32>
    %div3A_2755 = arith.constant 1.000000e+00 : f32
    %div3A_2756 = vector.broadcast %div3A_2755 : f32 to vector<256x8xf32>
    %div3A_2757 = arith.divf %div3A_2756, %max3A_2754 : vector<256x8xf32>
    %concatenate3A_2758 = tpu.concatenate %concatenate3A_2630, %concatenate3A_2630, %concatenate3A_2630, %concatenate3A_2630, %concatenate3A_2630, %concatenate3A_2630, %concatenate3A_2630, %concatenate3A_2630 in 0 : vector<64x96xf32>, vector<64x96xf32>, vector<64x96xf32>, vector<64x96xf32>, vector<64x96xf32>, vector<64x96xf32>, vector<64x96xf32>, vector<64x96xf32> -> vector<512x96xf32>
    %jit3A_2759 = arith.constant 0.000000e+00 : f32
    %broadcast_in_dim3A_2760 = vector.broadcast %jit3A_2759 : f32 to vector<512x96xf32>
    %select_n3A_2761 = arith.select %eq3A_2695, %concatenate3A_2758, %broadcast_in_dim3A_2760 : vector<512x96xi1>, vector<512x96xf32>
    %dot_general3A_2762 = arith.constant dense<0.000000e+00> : vector<256x96xf32>
    %dot_general3A_2763 = tpu.matmul %exp3A_2710, %select_n3A_2761, %dot_general3A_2762 {dimension_numbers = #tpu.dot_dimension_numbers<[1], [0], [0], [1], [0, 0, 1, 1], [], []>, transpose_lhs_hint = false} : vector<256x512xf32>, vector<512x96xf32>, vector<256x96xf32> -> vector<256x96xf32>
    %iota3A_2764 = tpu.iota {dimensions = array<i32: 0>} : vector<8x96xi32>
    %iota3A_2765 = tpu.iota {dimensions = array<i32: 1>} : vector<8x96xi32>
    %jit3A_2766 = arith.constant 12 : i32
    %div3A_2767 = vector.broadcast %jit3A_2766 : i32 to vector<8x96xi32>
    %div3A_2768 = arith.divsi %iota3A_2765, %div3A_2767 : vector<8x96xi32>
    %sign3A_2769 = arith.constant 0 : i32
    %sign3A_2770 = vector.broadcast %sign3A_2769 : i32 to vector<8x96xi32>
    %sign3A_2771 = arith.cmpi sgt, %iota3A_2765, %sign3A_2770 : vector<8x96xi32>
    %sign3A_2772 = arith.extui %sign3A_2771 : vector<8x96xi1> to vector<8x96xi32>
    %sign3A_2773 = arith.constant 0 : i32
    %sign3A_2774 = vector.broadcast %sign3A_2773 : i32 to vector<8x96xi32>
    %sign3A_2775 = arith.cmpi slt, %iota3A_2765, %sign3A_2774 : vector<8x96xi32>
    %sign3A_2776 = arith.extui %sign3A_2775 : vector<8x96xi1> to vector<8x96xi32>
    %sign3A_2777 = arith.subi %sign3A_2772, %sign3A_2776 : vector<8x96xi32>
    %sign3A_2778 = arith.constant 0 : i32
    %sign3A_2779 = arith.cmpi sgt, %jit3A_2766, %sign3A_2778 : i32
    %sign3A_2780 = arith.extui %sign3A_2779 : i1 to i32
    %sign3A_2781 = arith.constant 0 : i32
    %sign3A_2782 = arith.cmpi slt, %jit3A_2766, %sign3A_2781 : i32
    %sign3A_2783 = arith.extui %sign3A_2782 : i1 to i32
    %sign3A_2784 = arith.subi %sign3A_2780, %sign3A_2783 : i32
    %ne3A_2785 = vector.broadcast %sign3A_2784 : i32 to vector<8x96xi32>
    %ne3A_2786 = arith.cmpi ne, %sign3A_2777, %ne3A_2785 : vector<8x96xi32>
    %rem3A_2787 = vector.broadcast %jit3A_2766 : i32 to vector<8x96xi32>
    %rem3A_2788 = arith.remsi %iota3A_2765, %rem3A_2787 : vector<8x96xi32>
    %ne3A_2789 = arith.constant 0 : i32
    %ne3A_2790 = vector.broadcast %ne3A_2789 : i32 to vector<8x96xi32>
    %ne3A_2791 = arith.cmpi ne, %rem3A_2788, %ne3A_2790 : vector<8x96xi32>
    %and3A_2792 = arith.andi %ne3A_2786, %ne3A_2791 : vector<8x96xi1>
    %sub3A_2793 = arith.constant 1 : i32
    %sub3A_2794 = vector.broadcast %sub3A_2793 : i32 to vector<8x96xi32>
    %sub3A_2795 = arith.subi %div3A_2768, %sub3A_2794 : vector<8x96xi32>
    %select_n3A_2796 = arith.select %and3A_2792, %sub3A_2795, %div3A_2768 : vector<8x96xi1>, vector<8x96xi32>
    %eq3A_2797 = arith.cmpi eq, %iota3A_2764, %select_n3A_2796 : vector<8x96xi32>
    %jit3A_2798 = arith.constant 1.000000e+00 : f32
    %jit3A_2799 = arith.constant 0.000000e+00 : f32
    %broadcast_in_dim3A_2800 = vector.broadcast %jit3A_2798 : f32 to vector<8x96xf32>
    %broadcast_in_dim3A_2801 = vector.broadcast %jit3A_2799 : f32 to vector<8x96xf32>
    %select_n3A_2802 = arith.select %eq3A_2797, %broadcast_in_dim3A_2800, %broadcast_in_dim3A_2801 : vector<8x96xi1>, vector<8x96xf32>
    %dot_general3A_2803 = arith.constant dense<0.000000e+00> : vector<256x96xf32>
    %dot_general3A_2804 = tpu.matmul %div3A_2757, %select_n3A_2802, %dot_general3A_2803 {dimension_numbers = #tpu.dot_dimension_numbers<[1], [0], [0], [1], [0, 0, 1, 1], [], []>, transpose_lhs_hint = false} : vector<256x8xf32>, vector<8x96xf32>, vector<256x96xf32> -> vector<256x96xf32>
    %mul3A_2805 = arith.mulf %dot_general3A_2763, %dot_general3A_2804 : vector<256x96xf32>
    %dot_general3A_2806 = arith.constant dense<0.000000e+00> : vector<256x96xf32>
    %dot_general3A_2807 = tpu.matmul %mul3A_2805, %get3A_1, %dot_general3A_2806 {dimension_numbers = #tpu.dot_dimension_numbers<[1], [0], [0], [1], [0, 0, 1, 1], [], []>, transpose_lhs_hint = false} : vector<256x96xf32>, vector<96x96xf32>, vector<256x96xf32> -> vector<256x96xf32>
    %add3A_2808 = vector.broadcast %get3A_4 : vector<1x96xf32> to vector<256x96xf32>
    %add3A_2809 = arith.addf %dot_general3A_2807, %add3A_2808 : vector<256x96xf32>
    %reshape3A_2810 = vector.shape_cast %add3A_2809 : vector<256x96xf32> to vector<16x16x96xf32>
    %mul3A_2811 = arith.constant 14 : i32
    %mul3A_2812 = arith.muli %arg1, %mul3A_2811 : i32
    %add3A_2813 = arith.constant 11 : i32
    %add3A_2814 = arith.addi %mul3A_2812, %add3A_2813 : i32
    %get3A_2815 = arith.constant 0 : index
    %get3A_2816 = arith.constant 0 : index
    %get3A_2817 = arith.constant 0 : index
    %get3A_2818 = arith.constant 0 : index
    %get3A_2819 = vector.load %arg3[%get3A_2815, %get3A_2816, %get3A_2817, %get3A_2818] : memref<1x14x256x96xf32, #tpu.memory_space<vmem>>, vector<1x14x256x96xf32>
    %slice3A_2820 = vector.extract_strided_slice %get3A_2819 {offsets = [0, 11, 0, 0], sizes = [1, 1, 256, 96], strides = [1, 1, 1, 1]} : vector<1x14x256x96xf32> to vector<1x1x256x96xf32>
    %squeeze3A_2821 = vector.shape_cast %slice3A_2820 : vector<1x1x256x96xf32> to vector<256x96xf32>
    %get3A_2822 = arith.index_cast %arg0 : i32 to index
    %get3A_2823 = arith.index_cast %add3A_2814 : i32 to index
    %get3A_2824 = arith.constant 0 : index
    %get3A_2825 = memref.load %arg2[%get3A_2822, %get3A_2823, %get3A_2824] : memref<4x196x4xi32, #tpu.memory_space<smem>>
    %get3A_2826 = arith.constant 0 : index
    %get3A_2827 = arith.index_cast %get3A_2825 : i32 to index
    %get3A_2828 = arith.constant 0 : index
    %get3A_2829 = arith.constant 0 : index
    %get3A_2830 = vector.load %arg4[%get3A_2826, %get3A_2827, %get3A_2828, %get3A_2829] : memref<1x196x16x96xf32, #tpu.memory_space<vmem>>, vector<1x1x16x96xf32>
    %get3A_2831 = vector.shape_cast %get3A_2830 : vector<1x1x16x96xf32> to vector<16x96xf32>
    %get3A_2832 = arith.constant 0 : index
    %get3A_2833 = arith.index_cast %get3A_2825 : i32 to index
    %get3A_2834 = arith.constant 0 : index
    %get3A_2835 = arith.constant 0 : index
    %get3A_2836 = vector.load %arg5[%get3A_2832, %get3A_2833, %get3A_2834, %get3A_2835] : memref<1x196x16x96xf32, #tpu.memory_space<vmem>>, vector<1x1x16x96xf32>
    %get3A_2837 = vector.shape_cast %get3A_2836 : vector<1x1x16x96xf32> to vector<16x96xf32>
    %get3A_2838 = arith.index_cast %arg0 : i32 to index
    %get3A_2839 = arith.index_cast %add3A_2814 : i32 to index
    %get3A_2840 = arith.constant 1 : index
    %get3A_2841 = memref.load %arg2[%get3A_2838, %get3A_2839, %get3A_2840] : memref<4x196x4xi32, #tpu.memory_space<smem>>
    %get3A_2842 = arith.constant 0 : index
    %get3A_2843 = arith.index_cast %get3A_2841 : i32 to index
    %get3A_2844 = arith.constant 0 : index
    %get3A_2845 = arith.constant 0 : index
    %get3A_2846 = vector.load %arg4[%get3A_2842, %get3A_2843, %get3A_2844, %get3A_2845] : memref<1x196x16x96xf32, #tpu.memory_space<vmem>>, vector<1x1x16x96xf32>
    %get3A_2847 = vector.shape_cast %get3A_2846 : vector<1x1x16x96xf32> to vector<16x96xf32>
    %get3A_2848 = arith.constant 0 : index
    %get3A_2849 = arith.index_cast %get3A_2841 : i32 to index
    %get3A_2850 = arith.constant 0 : index
    %get3A_2851 = arith.constant 0 : index
    %get3A_2852 = vector.load %arg5[%get3A_2848, %get3A_2849, %get3A_2850, %get3A_2851] : memref<1x196x16x96xf32, #tpu.memory_space<vmem>>, vector<1x1x16x96xf32>
    %get3A_2853 = vector.shape_cast %get3A_2852 : vector<1x1x16x96xf32> to vector<16x96xf32>
    %get3A_2854 = arith.index_cast %arg0 : i32 to index
    %get3A_2855 = arith.index_cast %add3A_2814 : i32 to index
    %get3A_2856 = arith.constant 2 : index
    %get3A_2857 = memref.load %arg2[%get3A_2854, %get3A_2855, %get3A_2856] : memref<4x196x4xi32, #tpu.memory_space<smem>>
    %get3A_2858 = arith.constant 0 : index
    %get3A_2859 = arith.index_cast %get3A_2857 : i32 to index
    %get3A_2860 = arith.constant 0 : index
    %get3A_2861 = arith.constant 0 : index
    %get3A_2862 = vector.load %arg4[%get3A_2858, %get3A_2859, %get3A_2860, %get3A_2861] : memref<1x196x16x96xf32, #tpu.memory_space<vmem>>, vector<1x1x16x96xf32>
    %get3A_2863 = vector.shape_cast %get3A_2862 : vector<1x1x16x96xf32> to vector<16x96xf32>
    %get3A_2864 = arith.constant 0 : index
    %get3A_2865 = arith.index_cast %get3A_2857 : i32 to index
    %get3A_2866 = arith.constant 0 : index
    %get3A_2867 = arith.constant 0 : index
    %get3A_2868 = vector.load %arg5[%get3A_2864, %get3A_2865, %get3A_2866, %get3A_2867] : memref<1x196x16x96xf32, #tpu.memory_space<vmem>>, vector<1x1x16x96xf32>
    %get3A_2869 = vector.shape_cast %get3A_2868 : vector<1x1x16x96xf32> to vector<16x96xf32>
    %get3A_2870 = arith.index_cast %arg0 : i32 to index
    %get3A_2871 = arith.index_cast %add3A_2814 : i32 to index
    %get3A_2872 = arith.constant 3 : index
    %get3A_2873 = memref.load %arg2[%get3A_2870, %get3A_2871, %get3A_2872] : memref<4x196x4xi32, #tpu.memory_space<smem>>
    %get3A_2874 = arith.constant 0 : index
    %get3A_2875 = arith.index_cast %get3A_2873 : i32 to index
    %get3A_2876 = arith.constant 0 : index
    %get3A_2877 = arith.constant 0 : index
    %get3A_2878 = vector.load %arg4[%get3A_2874, %get3A_2875, %get3A_2876, %get3A_2877] : memref<1x196x16x96xf32, #tpu.memory_space<vmem>>, vector<1x1x16x96xf32>
    %get3A_2879 = vector.shape_cast %get3A_2878 : vector<1x1x16x96xf32> to vector<16x96xf32>
    %get3A_2880 = arith.constant 0 : index
    %get3A_2881 = arith.index_cast %get3A_2873 : i32 to index
    %get3A_2882 = arith.constant 0 : index
    %get3A_2883 = arith.constant 0 : index
    %get3A_2884 = vector.load %arg5[%get3A_2880, %get3A_2881, %get3A_2882, %get3A_2883] : memref<1x196x16x96xf32, #tpu.memory_space<vmem>>, vector<1x1x16x96xf32>
    %get3A_2885 = vector.shape_cast %get3A_2884 : vector<1x1x16x96xf32> to vector<16x96xf32>
    %concatenate3A_2886 = tpu.concatenate %get3A_2831, %get3A_2847, %get3A_2863, %get3A_2879 in 0 : vector<16x96xf32>, vector<16x96xf32>, vector<16x96xf32>, vector<16x96xf32> -> vector<64x96xf32>
    %concatenate3A_2887 = tpu.concatenate %get3A_2837, %get3A_2853, %get3A_2869, %get3A_2885 in 0 : vector<16x96xf32>, vector<16x96xf32>, vector<16x96xf32>, vector<16x96xf32> -> vector<64x96xf32>
    %iota3A_2888 = tpu.iota {dimensions = array<i32: 0>} : vector<512x96xi32>
    %jit3A_2889 = arith.constant 64 : i32
    %div3A_2890 = vector.broadcast %jit3A_2889 : i32 to vector<512x96xi32>
    %div3A_2891 = arith.divsi %iota3A_2888, %div3A_2890 : vector<512x96xi32>
    %sign3A_2892 = arith.constant 0 : i32
    %sign3A_2893 = vector.broadcast %sign3A_2892 : i32 to vector<512x96xi32>
    %sign3A_2894 = arith.cmpi sgt, %iota3A_2888, %sign3A_2893 : vector<512x96xi32>
    %sign3A_2895 = arith.extui %sign3A_2894 : vector<512x96xi1> to vector<512x96xi32>
    %sign3A_2896 = arith.constant 0 : i32
    %sign3A_2897 = vector.broadcast %sign3A_2896 : i32 to vector<512x96xi32>
    %sign3A_2898 = arith.cmpi slt, %iota3A_2888, %sign3A_2897 : vector<512x96xi32>
    %sign3A_2899 = arith.extui %sign3A_2898 : vector<512x96xi1> to vector<512x96xi32>
    %sign3A_2900 = arith.subi %sign3A_2895, %sign3A_2899 : vector<512x96xi32>
    %sign3A_2901 = arith.constant 0 : i32
    %sign3A_2902 = arith.cmpi sgt, %jit3A_2889, %sign3A_2901 : i32
    %sign3A_2903 = arith.extui %sign3A_2902 : i1 to i32
    %sign3A_2904 = arith.constant 0 : i32
    %sign3A_2905 = arith.cmpi slt, %jit3A_2889, %sign3A_2904 : i32
    %sign3A_2906 = arith.extui %sign3A_2905 : i1 to i32
    %sign3A_2907 = arith.subi %sign3A_2903, %sign3A_2906 : i32
    %ne3A_2908 = vector.broadcast %sign3A_2907 : i32 to vector<512x96xi32>
    %ne3A_2909 = arith.cmpi ne, %sign3A_2900, %ne3A_2908 : vector<512x96xi32>
    %rem3A_2910 = vector.broadcast %jit3A_2889 : i32 to vector<512x96xi32>
    %rem3A_2911 = arith.remsi %iota3A_2888, %rem3A_2910 : vector<512x96xi32>
    %ne3A_2912 = arith.constant 0 : i32
    %ne3A_2913 = vector.broadcast %ne3A_2912 : i32 to vector<512x96xi32>
    %ne3A_2914 = arith.cmpi ne, %rem3A_2911, %ne3A_2913 : vector<512x96xi32>
    %and3A_2915 = arith.andi %ne3A_2909, %ne3A_2914 : vector<512x96xi1>
    %sub3A_2916 = arith.constant 1 : i32
    %sub3A_2917 = vector.broadcast %sub3A_2916 : i32 to vector<512x96xi32>
    %sub3A_2918 = arith.subi %div3A_2891, %sub3A_2917 : vector<512x96xi32>
    %select_n3A_2919 = arith.select %and3A_2915, %sub3A_2918, %div3A_2891 : vector<512x96xi1>, vector<512x96xi32>
    %iota3A_2920 = tpu.iota {dimensions = array<i32: 1>} : vector<512x96xi32>
    %jit3A_2921 = arith.constant 12 : i32
    %div3A_2922 = vector.broadcast %jit3A_2921 : i32 to vector<512x96xi32>
    %div3A_2923 = arith.divsi %iota3A_2920, %div3A_2922 : vector<512x96xi32>
    %sign3A_2924 = arith.constant 0 : i32
    %sign3A_2925 = vector.broadcast %sign3A_2924 : i32 to vector<512x96xi32>
    %sign3A_2926 = arith.cmpi sgt, %iota3A_2920, %sign3A_2925 : vector<512x96xi32>
    %sign3A_2927 = arith.extui %sign3A_2926 : vector<512x96xi1> to vector<512x96xi32>
    %sign3A_2928 = arith.constant 0 : i32
    %sign3A_2929 = vector.broadcast %sign3A_2928 : i32 to vector<512x96xi32>
    %sign3A_2930 = arith.cmpi slt, %iota3A_2920, %sign3A_2929 : vector<512x96xi32>
    %sign3A_2931 = arith.extui %sign3A_2930 : vector<512x96xi1> to vector<512x96xi32>
    %sign3A_2932 = arith.subi %sign3A_2927, %sign3A_2931 : vector<512x96xi32>
    %sign3A_2933 = arith.constant 0 : i32
    %sign3A_2934 = arith.cmpi sgt, %jit3A_2921, %sign3A_2933 : i32
    %sign3A_2935 = arith.extui %sign3A_2934 : i1 to i32
    %sign3A_2936 = arith.constant 0 : i32
    %sign3A_2937 = arith.cmpi slt, %jit3A_2921, %sign3A_2936 : i32
    %sign3A_2938 = arith.extui %sign3A_2937 : i1 to i32
    %sign3A_2939 = arith.subi %sign3A_2935, %sign3A_2938 : i32
    %ne3A_2940 = vector.broadcast %sign3A_2939 : i32 to vector<512x96xi32>
    %ne3A_2941 = arith.cmpi ne, %sign3A_2932, %ne3A_2940 : vector<512x96xi32>
    %rem3A_2942 = vector.broadcast %jit3A_2921 : i32 to vector<512x96xi32>
    %rem3A_2943 = arith.remsi %iota3A_2920, %rem3A_2942 : vector<512x96xi32>
    %ne3A_2944 = arith.constant 0 : i32
    %ne3A_2945 = vector.broadcast %ne3A_2944 : i32 to vector<512x96xi32>
    %ne3A_2946 = arith.cmpi ne, %rem3A_2943, %ne3A_2945 : vector<512x96xi32>
    %and3A_2947 = arith.andi %ne3A_2941, %ne3A_2946 : vector<512x96xi1>
    %sub3A_2948 = arith.constant 1 : i32
    %sub3A_2949 = vector.broadcast %sub3A_2948 : i32 to vector<512x96xi32>
    %sub3A_2950 = arith.subi %div3A_2923, %sub3A_2949 : vector<512x96xi32>
    %select_n3A_2951 = arith.select %and3A_2947, %sub3A_2950, %div3A_2923 : vector<512x96xi1>, vector<512x96xi32>
    %eq3A_2952 = arith.cmpi eq, %select_n3A_2919, %select_n3A_2951 : vector<512x96xi32>
    %concatenate3A_2953 = tpu.concatenate %concatenate3A_2886, %concatenate3A_2886, %concatenate3A_2886, %concatenate3A_2886, %concatenate3A_2886, %concatenate3A_2886, %concatenate3A_2886, %concatenate3A_2886 in 0 : vector<64x96xf32>, vector<64x96xf32>, vector<64x96xf32>, vector<64x96xf32>, vector<64x96xf32>, vector<64x96xf32>, vector<64x96xf32>, vector<64x96xf32> -> vector<512x96xf32>
    %jit3A_2954 = arith.constant 0.000000e+00 : f32
    %broadcast_in_dim3A_2955 = vector.broadcast %jit3A_2954 : f32 to vector<512x96xf32>
    %select_n3A_2956 = arith.select %eq3A_2952, %concatenate3A_2953, %broadcast_in_dim3A_2955 : vector<512x96xi1>, vector<512x96xf32>
    %mul3A_2957 = arith.constant 0.102062076 : f32
    %mul3A_2958 = vector.broadcast %mul3A_2957 : f32 to vector<256x96xf32>
    %mul3A_2959 = arith.mulf %squeeze3A_2821, %mul3A_2958 : vector<256x96xf32>
    %dot_general3A_2960 = arith.constant dense<0.000000e+00> : vector<256x512xf32>
    %dot_general3A_2961 = tpu.matmul %mul3A_2959, %select_n3A_2956, %dot_general3A_2960 {dimension_numbers = #tpu.dot_dimension_numbers<[1], [1], [0], [0], [0, 0, 1, 0], [], []>, transpose_lhs_hint = false} : vector<256x96xf32>, vector<512x96xf32>, vector<256x512xf32> -> vector<256x512xf32>
    %reduce_max3A_2962 = arith.constant dense<0xFF800000> : vector<256xf32>
    %reduce_max3A_2963 = vector.multi_reduction <maximumf>, %dot_general3A_2961, %reduce_max3A_2962 [1] : vector<256x512xf32> to vector<256xf32>
    %broadcast_in_dim3A_2964 = vector.shape_cast %reduce_max3A_2963 : vector<256xf32> to vector<256x1xf32>
    %sub3A_2965 = vector.broadcast %broadcast_in_dim3A_2964 : vector<256x1xf32> to vector<256x512xf32>
    %sub3A_2966 = arith.subf %dot_general3A_2961, %sub3A_2965 : vector<256x512xf32>
    %exp3A_2967 = math.exp %sub3A_2966 : vector<256x512xf32>
    %iota3A_2968 = tpu.iota {dimensions = array<i32: 0>} : vector<512x8xi32>
    %jit3A_2969 = arith.constant 64 : i32
    %div3A_2970 = vector.broadcast %jit3A_2969 : i32 to vector<512x8xi32>
    %div3A_2971 = arith.divsi %iota3A_2968, %div3A_2970 : vector<512x8xi32>
    %sign3A_2972 = arith.constant 0 : i32
    %sign3A_2973 = vector.broadcast %sign3A_2972 : i32 to vector<512x8xi32>
    %sign3A_2974 = arith.cmpi sgt, %iota3A_2968, %sign3A_2973 : vector<512x8xi32>
    %sign3A_2975 = arith.extui %sign3A_2974 : vector<512x8xi1> to vector<512x8xi32>
    %sign3A_2976 = arith.constant 0 : i32
    %sign3A_2977 = vector.broadcast %sign3A_2976 : i32 to vector<512x8xi32>
    %sign3A_2978 = arith.cmpi slt, %iota3A_2968, %sign3A_2977 : vector<512x8xi32>
    %sign3A_2979 = arith.extui %sign3A_2978 : vector<512x8xi1> to vector<512x8xi32>
    %sign3A_2980 = arith.subi %sign3A_2975, %sign3A_2979 : vector<512x8xi32>
    %sign3A_2981 = arith.constant 0 : i32
    %sign3A_2982 = arith.cmpi sgt, %jit3A_2969, %sign3A_2981 : i32
    %sign3A_2983 = arith.extui %sign3A_2982 : i1 to i32
    %sign3A_2984 = arith.constant 0 : i32
    %sign3A_2985 = arith.cmpi slt, %jit3A_2969, %sign3A_2984 : i32
    %sign3A_2986 = arith.extui %sign3A_2985 : i1 to i32
    %sign3A_2987 = arith.subi %sign3A_2983, %sign3A_2986 : i32
    %ne3A_2988 = vector.broadcast %sign3A_2987 : i32 to vector<512x8xi32>
    %ne3A_2989 = arith.cmpi ne, %sign3A_2980, %ne3A_2988 : vector<512x8xi32>
    %rem3A_2990 = vector.broadcast %jit3A_2969 : i32 to vector<512x8xi32>
    %rem3A_2991 = arith.remsi %iota3A_2968, %rem3A_2990 : vector<512x8xi32>
    %ne3A_2992 = arith.constant 0 : i32
    %ne3A_2993 = vector.broadcast %ne3A_2992 : i32 to vector<512x8xi32>
    %ne3A_2994 = arith.cmpi ne, %rem3A_2991, %ne3A_2993 : vector<512x8xi32>
    %and3A_2995 = arith.andi %ne3A_2989, %ne3A_2994 : vector<512x8xi1>
    %sub3A_2996 = arith.constant 1 : i32
    %sub3A_2997 = vector.broadcast %sub3A_2996 : i32 to vector<512x8xi32>
    %sub3A_2998 = arith.subi %div3A_2971, %sub3A_2997 : vector<512x8xi32>
    %select_n3A_2999 = arith.select %and3A_2995, %sub3A_2998, %div3A_2971 : vector<512x8xi1>, vector<512x8xi32>
    %iota3A_3000 = tpu.iota {dimensions = array<i32: 1>} : vector<512x8xi32>
    %eq3A_3001 = arith.cmpi eq, %select_n3A_2999, %iota3A_3000 : vector<512x8xi32>
    %jit3A_3002 = arith.constant 1.000000e+00 : f32
    %jit3A_3003 = arith.constant 0.000000e+00 : f32
    %broadcast_in_dim3A_3004 = vector.broadcast %jit3A_3002 : f32 to vector<512x8xf32>
    %broadcast_in_dim3A_3005 = vector.broadcast %jit3A_3003 : f32 to vector<512x8xf32>
    %select_n3A_3006 = arith.select %eq3A_3001, %broadcast_in_dim3A_3004, %broadcast_in_dim3A_3005 : vector<512x8xi1>, vector<512x8xf32>
    %dot_general3A_3007 = arith.constant dense<0.000000e+00> : vector<256x8xf32>
    %dot_general3A_3008 = tpu.matmul %exp3A_2967, %select_n3A_3006, %dot_general3A_3007 {dimension_numbers = #tpu.dot_dimension_numbers<[1], [0], [0], [1], [0, 0, 1, 1], [], []>, transpose_lhs_hint = false} : vector<256x512xf32>, vector<512x8xf32>, vector<256x8xf32> -> vector<256x8xf32>
    %max3A_3009 = arith.constant 1.000000e-30 : f32
    %max3A_3010 = vector.broadcast %max3A_3009 : f32 to vector<256x8xf32>
    %max3A_3011 = arith.maximumf %dot_general3A_3008, %max3A_3010 : vector<256x8xf32>
    %div3A_3012 = arith.constant 1.000000e+00 : f32
    %div3A_3013 = vector.broadcast %div3A_3012 : f32 to vector<256x8xf32>
    %div3A_3014 = arith.divf %div3A_3013, %max3A_3011 : vector<256x8xf32>
    %concatenate3A_3015 = tpu.concatenate %concatenate3A_2887, %concatenate3A_2887, %concatenate3A_2887, %concatenate3A_2887, %concatenate3A_2887, %concatenate3A_2887, %concatenate3A_2887, %concatenate3A_2887 in 0 : vector<64x96xf32>, vector<64x96xf32>, vector<64x96xf32>, vector<64x96xf32>, vector<64x96xf32>, vector<64x96xf32>, vector<64x96xf32>, vector<64x96xf32> -> vector<512x96xf32>
    %jit3A_3016 = arith.constant 0.000000e+00 : f32
    %broadcast_in_dim3A_3017 = vector.broadcast %jit3A_3016 : f32 to vector<512x96xf32>
    %select_n3A_3018 = arith.select %eq3A_2952, %concatenate3A_3015, %broadcast_in_dim3A_3017 : vector<512x96xi1>, vector<512x96xf32>
    %dot_general3A_3019 = arith.constant dense<0.000000e+00> : vector<256x96xf32>
    %dot_general3A_3020 = tpu.matmul %exp3A_2967, %select_n3A_3018, %dot_general3A_3019 {dimension_numbers = #tpu.dot_dimension_numbers<[1], [0], [0], [1], [0, 0, 1, 1], [], []>, transpose_lhs_hint = false} : vector<256x512xf32>, vector<512x96xf32>, vector<256x96xf32> -> vector<256x96xf32>
    %iota3A_3021 = tpu.iota {dimensions = array<i32: 0>} : vector<8x96xi32>
    %iota3A_3022 = tpu.iota {dimensions = array<i32: 1>} : vector<8x96xi32>
    %jit3A_3023 = arith.constant 12 : i32
    %div3A_3024 = vector.broadcast %jit3A_3023 : i32 to vector<8x96xi32>
    %div3A_3025 = arith.divsi %iota3A_3022, %div3A_3024 : vector<8x96xi32>
    %sign3A_3026 = arith.constant 0 : i32
    %sign3A_3027 = vector.broadcast %sign3A_3026 : i32 to vector<8x96xi32>
    %sign3A_3028 = arith.cmpi sgt, %iota3A_3022, %sign3A_3027 : vector<8x96xi32>
    %sign3A_3029 = arith.extui %sign3A_3028 : vector<8x96xi1> to vector<8x96xi32>
    %sign3A_3030 = arith.constant 0 : i32
    %sign3A_3031 = vector.broadcast %sign3A_3030 : i32 to vector<8x96xi32>
    %sign3A_3032 = arith.cmpi slt, %iota3A_3022, %sign3A_3031 : vector<8x96xi32>
    %sign3A_3033 = arith.extui %sign3A_3032 : vector<8x96xi1> to vector<8x96xi32>
    %sign3A_3034 = arith.subi %sign3A_3029, %sign3A_3033 : vector<8x96xi32>
    %sign3A_3035 = arith.constant 0 : i32
    %sign3A_3036 = arith.cmpi sgt, %jit3A_3023, %sign3A_3035 : i32
    %sign3A_3037 = arith.extui %sign3A_3036 : i1 to i32
    %sign3A_3038 = arith.constant 0 : i32
    %sign3A_3039 = arith.cmpi slt, %jit3A_3023, %sign3A_3038 : i32
    %sign3A_3040 = arith.extui %sign3A_3039 : i1 to i32
    %sign3A_3041 = arith.subi %sign3A_3037, %sign3A_3040 : i32
    %ne3A_3042 = vector.broadcast %sign3A_3041 : i32 to vector<8x96xi32>
    %ne3A_3043 = arith.cmpi ne, %sign3A_3034, %ne3A_3042 : vector<8x96xi32>
    %rem3A_3044 = vector.broadcast %jit3A_3023 : i32 to vector<8x96xi32>
    %rem3A_3045 = arith.remsi %iota3A_3022, %rem3A_3044 : vector<8x96xi32>
    %ne3A_3046 = arith.constant 0 : i32
    %ne3A_3047 = vector.broadcast %ne3A_3046 : i32 to vector<8x96xi32>
    %ne3A_3048 = arith.cmpi ne, %rem3A_3045, %ne3A_3047 : vector<8x96xi32>
    %and3A_3049 = arith.andi %ne3A_3043, %ne3A_3048 : vector<8x96xi1>
    %sub3A_3050 = arith.constant 1 : i32
    %sub3A_3051 = vector.broadcast %sub3A_3050 : i32 to vector<8x96xi32>
    %sub3A_3052 = arith.subi %div3A_3025, %sub3A_3051 : vector<8x96xi32>
    %select_n3A_3053 = arith.select %and3A_3049, %sub3A_3052, %div3A_3025 : vector<8x96xi1>, vector<8x96xi32>
    %eq3A_3054 = arith.cmpi eq, %iota3A_3021, %select_n3A_3053 : vector<8x96xi32>
    %jit3A_3055 = arith.constant 1.000000e+00 : f32
    %jit3A_3056 = arith.constant 0.000000e+00 : f32
    %broadcast_in_dim3A_3057 = vector.broadcast %jit3A_3055 : f32 to vector<8x96xf32>
    %broadcast_in_dim3A_3058 = vector.broadcast %jit3A_3056 : f32 to vector<8x96xf32>
    %select_n3A_3059 = arith.select %eq3A_3054, %broadcast_in_dim3A_3057, %broadcast_in_dim3A_3058 : vector<8x96xi1>, vector<8x96xf32>
    %dot_general3A_3060 = arith.constant dense<0.000000e+00> : vector<256x96xf32>
    %dot_general3A_3061 = tpu.matmul %div3A_3014, %select_n3A_3059, %dot_general3A_3060 {dimension_numbers = #tpu.dot_dimension_numbers<[1], [0], [0], [1], [0, 0, 1, 1], [], []>, transpose_lhs_hint = false} : vector<256x8xf32>, vector<8x96xf32>, vector<256x96xf32> -> vector<256x96xf32>
    %mul3A_3062 = arith.mulf %dot_general3A_3020, %dot_general3A_3061 : vector<256x96xf32>
    %dot_general3A_3063 = arith.constant dense<0.000000e+00> : vector<256x96xf32>
    %dot_general3A_3064 = tpu.matmul %mul3A_3062, %get3A_1, %dot_general3A_3063 {dimension_numbers = #tpu.dot_dimension_numbers<[1], [0], [0], [1], [0, 0, 1, 1], [], []>, transpose_lhs_hint = false} : vector<256x96xf32>, vector<96x96xf32>, vector<256x96xf32> -> vector<256x96xf32>
    %add3A_3065 = vector.broadcast %get3A_4 : vector<1x96xf32> to vector<256x96xf32>
    %add3A_3066 = arith.addf %dot_general3A_3064, %add3A_3065 : vector<256x96xf32>
    %reshape3A_3067 = vector.shape_cast %add3A_3066 : vector<256x96xf32> to vector<16x16x96xf32>
    %mul3A_3068 = arith.constant 14 : i32
    %mul3A_3069 = arith.muli %arg1, %mul3A_3068 : i32
    %add3A_3070 = arith.constant 12 : i32
    %add3A_3071 = arith.addi %mul3A_3069, %add3A_3070 : i32
    %get3A_3072 = arith.constant 0 : index
    %get3A_3073 = arith.constant 0 : index
    %get3A_3074 = arith.constant 0 : index
    %get3A_3075 = arith.constant 0 : index
    %get3A_3076 = vector.load %arg3[%get3A_3072, %get3A_3073, %get3A_3074, %get3A_3075] : memref<1x14x256x96xf32, #tpu.memory_space<vmem>>, vector<1x14x256x96xf32>
    %slice3A_3077 = vector.extract_strided_slice %get3A_3076 {offsets = [0, 12, 0, 0], sizes = [1, 1, 256, 96], strides = [1, 1, 1, 1]} : vector<1x14x256x96xf32> to vector<1x1x256x96xf32>
    %squeeze3A_3078 = vector.shape_cast %slice3A_3077 : vector<1x1x256x96xf32> to vector<256x96xf32>
    %get3A_3079 = arith.index_cast %arg0 : i32 to index
    %get3A_3080 = arith.index_cast %add3A_3071 : i32 to index
    %get3A_3081 = arith.constant 0 : index
    %get3A_3082 = memref.load %arg2[%get3A_3079, %get3A_3080, %get3A_3081] : memref<4x196x4xi32, #tpu.memory_space<smem>>
    %get3A_3083 = arith.constant 0 : index
    %get3A_3084 = arith.index_cast %get3A_3082 : i32 to index
    %get3A_3085 = arith.constant 0 : index
    %get3A_3086 = arith.constant 0 : index
    %get3A_3087 = vector.load %arg4[%get3A_3083, %get3A_3084, %get3A_3085, %get3A_3086] : memref<1x196x16x96xf32, #tpu.memory_space<vmem>>, vector<1x1x16x96xf32>
    %get3A_3088 = vector.shape_cast %get3A_3087 : vector<1x1x16x96xf32> to vector<16x96xf32>
    %get3A_3089 = arith.constant 0 : index
    %get3A_3090 = arith.index_cast %get3A_3082 : i32 to index
    %get3A_3091 = arith.constant 0 : index
    %get3A_3092 = arith.constant 0 : index
    %get3A_3093 = vector.load %arg5[%get3A_3089, %get3A_3090, %get3A_3091, %get3A_3092] : memref<1x196x16x96xf32, #tpu.memory_space<vmem>>, vector<1x1x16x96xf32>
    %get3A_3094 = vector.shape_cast %get3A_3093 : vector<1x1x16x96xf32> to vector<16x96xf32>
    %get3A_3095 = arith.index_cast %arg0 : i32 to index
    %get3A_3096 = arith.index_cast %add3A_3071 : i32 to index
    %get3A_3097 = arith.constant 1 : index
    %get3A_3098 = memref.load %arg2[%get3A_3095, %get3A_3096, %get3A_3097] : memref<4x196x4xi32, #tpu.memory_space<smem>>
    %get3A_3099 = arith.constant 0 : index
    %get3A_3100 = arith.index_cast %get3A_3098 : i32 to index
    %get3A_3101 = arith.constant 0 : index
    %get3A_3102 = arith.constant 0 : index
    %get3A_3103 = vector.load %arg4[%get3A_3099, %get3A_3100, %get3A_3101, %get3A_3102] : memref<1x196x16x96xf32, #tpu.memory_space<vmem>>, vector<1x1x16x96xf32>
    %get3A_3104 = vector.shape_cast %get3A_3103 : vector<1x1x16x96xf32> to vector<16x96xf32>
    %get3A_3105 = arith.constant 0 : index
    %get3A_3106 = arith.index_cast %get3A_3098 : i32 to index
    %get3A_3107 = arith.constant 0 : index
    %get3A_3108 = arith.constant 0 : index
    %get3A_3109 = vector.load %arg5[%get3A_3105, %get3A_3106, %get3A_3107, %get3A_3108] : memref<1x196x16x96xf32, #tpu.memory_space<vmem>>, vector<1x1x16x96xf32>
    %get3A_3110 = vector.shape_cast %get3A_3109 : vector<1x1x16x96xf32> to vector<16x96xf32>
    %get3A_3111 = arith.index_cast %arg0 : i32 to index
    %get3A_3112 = arith.index_cast %add3A_3071 : i32 to index
    %get3A_3113 = arith.constant 2 : index
    %get3A_3114 = memref.load %arg2[%get3A_3111, %get3A_3112, %get3A_3113] : memref<4x196x4xi32, #tpu.memory_space<smem>>
    %get3A_3115 = arith.constant 0 : index
    %get3A_3116 = arith.index_cast %get3A_3114 : i32 to index
    %get3A_3117 = arith.constant 0 : index
    %get3A_3118 = arith.constant 0 : index
    %get3A_3119 = vector.load %arg4[%get3A_3115, %get3A_3116, %get3A_3117, %get3A_3118] : memref<1x196x16x96xf32, #tpu.memory_space<vmem>>, vector<1x1x16x96xf32>
    %get3A_3120 = vector.shape_cast %get3A_3119 : vector<1x1x16x96xf32> to vector<16x96xf32>
    %get3A_3121 = arith.constant 0 : index
    %get3A_3122 = arith.index_cast %get3A_3114 : i32 to index
    %get3A_3123 = arith.constant 0 : index
    %get3A_3124 = arith.constant 0 : index
    %get3A_3125 = vector.load %arg5[%get3A_3121, %get3A_3122, %get3A_3123, %get3A_3124] : memref<1x196x16x96xf32, #tpu.memory_space<vmem>>, vector<1x1x16x96xf32>
    %get3A_3126 = vector.shape_cast %get3A_3125 : vector<1x1x16x96xf32> to vector<16x96xf32>
    %get3A_3127 = arith.index_cast %arg0 : i32 to index
    %get3A_3128 = arith.index_cast %add3A_3071 : i32 to index
    %get3A_3129 = arith.constant 3 : index
    %get3A_3130 = memref.load %arg2[%get3A_3127, %get3A_3128, %get3A_3129] : memref<4x196x4xi32, #tpu.memory_space<smem>>
    %get3A_3131 = arith.constant 0 : index
    %get3A_3132 = arith.index_cast %get3A_3130 : i32 to index
    %get3A_3133 = arith.constant 0 : index
    %get3A_3134 = arith.constant 0 : index
    %get3A_3135 = vector.load %arg4[%get3A_3131, %get3A_3132, %get3A_3133, %get3A_3134] : memref<1x196x16x96xf32, #tpu.memory_space<vmem>>, vector<1x1x16x96xf32>
    %get3A_3136 = vector.shape_cast %get3A_3135 : vector<1x1x16x96xf32> to vector<16x96xf32>
    %get3A_3137 = arith.constant 0 : index
    %get3A_3138 = arith.index_cast %get3A_3130 : i32 to index
    %get3A_3139 = arith.constant 0 : index
    %get3A_3140 = arith.constant 0 : index
    %get3A_3141 = vector.load %arg5[%get3A_3137, %get3A_3138, %get3A_3139, %get3A_3140] : memref<1x196x16x96xf32, #tpu.memory_space<vmem>>, vector<1x1x16x96xf32>
    %get3A_3142 = vector.shape_cast %get3A_3141 : vector<1x1x16x96xf32> to vector<16x96xf32>
    %concatenate3A_3143 = tpu.concatenate %get3A_3088, %get3A_3104, %get3A_3120, %get3A_3136 in 0 : vector<16x96xf32>, vector<16x96xf32>, vector<16x96xf32>, vector<16x96xf32> -> vector<64x96xf32>
    %concatenate3A_3144 = tpu.concatenate %get3A_3094, %get3A_3110, %get3A_3126, %get3A_3142 in 0 : vector<16x96xf32>, vector<16x96xf32>, vector<16x96xf32>, vector<16x96xf32> -> vector<64x96xf32>
    %iota3A_3145 = tpu.iota {dimensions = array<i32: 0>} : vector<512x96xi32>
    %jit3A_3146 = arith.constant 64 : i32
    %div3A_3147 = vector.broadcast %jit3A_3146 : i32 to vector<512x96xi32>
    %div3A_3148 = arith.divsi %iota3A_3145, %div3A_3147 : vector<512x96xi32>
    %sign3A_3149 = arith.constant 0 : i32
    %sign3A_3150 = vector.broadcast %sign3A_3149 : i32 to vector<512x96xi32>
    %sign3A_3151 = arith.cmpi sgt, %iota3A_3145, %sign3A_3150 : vector<512x96xi32>
    %sign3A_3152 = arith.extui %sign3A_3151 : vector<512x96xi1> to vector<512x96xi32>
    %sign3A_3153 = arith.constant 0 : i32
    %sign3A_3154 = vector.broadcast %sign3A_3153 : i32 to vector<512x96xi32>
    %sign3A_3155 = arith.cmpi slt, %iota3A_3145, %sign3A_3154 : vector<512x96xi32>
    %sign3A_3156 = arith.extui %sign3A_3155 : vector<512x96xi1> to vector<512x96xi32>
    %sign3A_3157 = arith.subi %sign3A_3152, %sign3A_3156 : vector<512x96xi32>
    %sign3A_3158 = arith.constant 0 : i32
    %sign3A_3159 = arith.cmpi sgt, %jit3A_3146, %sign3A_3158 : i32
    %sign3A_3160 = arith.extui %sign3A_3159 : i1 to i32
    %sign3A_3161 = arith.constant 0 : i32
    %sign3A_3162 = arith.cmpi slt, %jit3A_3146, %sign3A_3161 : i32
    %sign3A_3163 = arith.extui %sign3A_3162 : i1 to i32
    %sign3A_3164 = arith.subi %sign3A_3160, %sign3A_3163 : i32
    %ne3A_3165 = vector.broadcast %sign3A_3164 : i32 to vector<512x96xi32>
    %ne3A_3166 = arith.cmpi ne, %sign3A_3157, %ne3A_3165 : vector<512x96xi32>
    %rem3A_3167 = vector.broadcast %jit3A_3146 : i32 to vector<512x96xi32>
    %rem3A_3168 = arith.remsi %iota3A_3145, %rem3A_3167 : vector<512x96xi32>
    %ne3A_3169 = arith.constant 0 : i32
    %ne3A_3170 = vector.broadcast %ne3A_3169 : i32 to vector<512x96xi32>
    %ne3A_3171 = arith.cmpi ne, %rem3A_3168, %ne3A_3170 : vector<512x96xi32>
    %and3A_3172 = arith.andi %ne3A_3166, %ne3A_3171 : vector<512x96xi1>
    %sub3A_3173 = arith.constant 1 : i32
    %sub3A_3174 = vector.broadcast %sub3A_3173 : i32 to vector<512x96xi32>
    %sub3A_3175 = arith.subi %div3A_3148, %sub3A_3174 : vector<512x96xi32>
    %select_n3A_3176 = arith.select %and3A_3172, %sub3A_3175, %div3A_3148 : vector<512x96xi1>, vector<512x96xi32>
    %iota3A_3177 = tpu.iota {dimensions = array<i32: 1>} : vector<512x96xi32>
    %jit3A_3178 = arith.constant 12 : i32
    %div3A_3179 = vector.broadcast %jit3A_3178 : i32 to vector<512x96xi32>
    %div3A_3180 = arith.divsi %iota3A_3177, %div3A_3179 : vector<512x96xi32>
    %sign3A_3181 = arith.constant 0 : i32
    %sign3A_3182 = vector.broadcast %sign3A_3181 : i32 to vector<512x96xi32>
    %sign3A_3183 = arith.cmpi sgt, %iota3A_3177, %sign3A_3182 : vector<512x96xi32>
    %sign3A_3184 = arith.extui %sign3A_3183 : vector<512x96xi1> to vector<512x96xi32>
    %sign3A_3185 = arith.constant 0 : i32
    %sign3A_3186 = vector.broadcast %sign3A_3185 : i32 to vector<512x96xi32>
    %sign3A_3187 = arith.cmpi slt, %iota3A_3177, %sign3A_3186 : vector<512x96xi32>
    %sign3A_3188 = arith.extui %sign3A_3187 : vector<512x96xi1> to vector<512x96xi32>
    %sign3A_3189 = arith.subi %sign3A_3184, %sign3A_3188 : vector<512x96xi32>
    %sign3A_3190 = arith.constant 0 : i32
    %sign3A_3191 = arith.cmpi sgt, %jit3A_3178, %sign3A_3190 : i32
    %sign3A_3192 = arith.extui %sign3A_3191 : i1 to i32
    %sign3A_3193 = arith.constant 0 : i32
    %sign3A_3194 = arith.cmpi slt, %jit3A_3178, %sign3A_3193 : i32
    %sign3A_3195 = arith.extui %sign3A_3194 : i1 to i32
    %sign3A_3196 = arith.subi %sign3A_3192, %sign3A_3195 : i32
    %ne3A_3197 = vector.broadcast %sign3A_3196 : i32 to vector<512x96xi32>
    %ne3A_3198 = arith.cmpi ne, %sign3A_3189, %ne3A_3197 : vector<512x96xi32>
    %rem3A_3199 = vector.broadcast %jit3A_3178 : i32 to vector<512x96xi32>
    %rem3A_3200 = arith.remsi %iota3A_3177, %rem3A_3199 : vector<512x96xi32>
    %ne3A_3201 = arith.constant 0 : i32
    %ne3A_3202 = vector.broadcast %ne3A_3201 : i32 to vector<512x96xi32>
    %ne3A_3203 = arith.cmpi ne, %rem3A_3200, %ne3A_3202 : vector<512x96xi32>
    %and3A_3204 = arith.andi %ne3A_3198, %ne3A_3203 : vector<512x96xi1>
    %sub3A_3205 = arith.constant 1 : i32
    %sub3A_3206 = vector.broadcast %sub3A_3205 : i32 to vector<512x96xi32>
    %sub3A_3207 = arith.subi %div3A_3180, %sub3A_3206 : vector<512x96xi32>
    %select_n3A_3208 = arith.select %and3A_3204, %sub3A_3207, %div3A_3180 : vector<512x96xi1>, vector<512x96xi32>
    %eq3A_3209 = arith.cmpi eq, %select_n3A_3176, %select_n3A_3208 : vector<512x96xi32>
    %concatenate3A_3210 = tpu.concatenate %concatenate3A_3143, %concatenate3A_3143, %concatenate3A_3143, %concatenate3A_3143, %concatenate3A_3143, %concatenate3A_3143, %concatenate3A_3143, %concatenate3A_3143 in 0 : vector<64x96xf32>, vector<64x96xf32>, vector<64x96xf32>, vector<64x96xf32>, vector<64x96xf32>, vector<64x96xf32>, vector<64x96xf32>, vector<64x96xf32> -> vector<512x96xf32>
    %jit3A_3211 = arith.constant 0.000000e+00 : f32
    %broadcast_in_dim3A_3212 = vector.broadcast %jit3A_3211 : f32 to vector<512x96xf32>
    %select_n3A_3213 = arith.select %eq3A_3209, %concatenate3A_3210, %broadcast_in_dim3A_3212 : vector<512x96xi1>, vector<512x96xf32>
    %mul3A_3214 = arith.constant 0.102062076 : f32
    %mul3A_3215 = vector.broadcast %mul3A_3214 : f32 to vector<256x96xf32>
    %mul3A_3216 = arith.mulf %squeeze3A_3078, %mul3A_3215 : vector<256x96xf32>
    %dot_general3A_3217 = arith.constant dense<0.000000e+00> : vector<256x512xf32>
    %dot_general3A_3218 = tpu.matmul %mul3A_3216, %select_n3A_3213, %dot_general3A_3217 {dimension_numbers = #tpu.dot_dimension_numbers<[1], [1], [0], [0], [0, 0, 1, 0], [], []>, transpose_lhs_hint = false} : vector<256x96xf32>, vector<512x96xf32>, vector<256x512xf32> -> vector<256x512xf32>
    %reduce_max3A_3219 = arith.constant dense<0xFF800000> : vector<256xf32>
    %reduce_max3A_3220 = vector.multi_reduction <maximumf>, %dot_general3A_3218, %reduce_max3A_3219 [1] : vector<256x512xf32> to vector<256xf32>
    %broadcast_in_dim3A_3221 = vector.shape_cast %reduce_max3A_3220 : vector<256xf32> to vector<256x1xf32>
    %sub3A_3222 = vector.broadcast %broadcast_in_dim3A_3221 : vector<256x1xf32> to vector<256x512xf32>
    %sub3A_3223 = arith.subf %dot_general3A_3218, %sub3A_3222 : vector<256x512xf32>
    %exp3A_3224 = math.exp %sub3A_3223 : vector<256x512xf32>
    %iota3A_3225 = tpu.iota {dimensions = array<i32: 0>} : vector<512x8xi32>
    %jit3A_3226 = arith.constant 64 : i32
    %div3A_3227 = vector.broadcast %jit3A_3226 : i32 to vector<512x8xi32>
    %div3A_3228 = arith.divsi %iota3A_3225, %div3A_3227 : vector<512x8xi32>
    %sign3A_3229 = arith.constant 0 : i32
    %sign3A_3230 = vector.broadcast %sign3A_3229 : i32 to vector<512x8xi32>
    %sign3A_3231 = arith.cmpi sgt, %iota3A_3225, %sign3A_3230 : vector<512x8xi32>
    %sign3A_3232 = arith.extui %sign3A_3231 : vector<512x8xi1> to vector<512x8xi32>
    %sign3A_3233 = arith.constant 0 : i32
    %sign3A_3234 = vector.broadcast %sign3A_3233 : i32 to vector<512x8xi32>
    %sign3A_3235 = arith.cmpi slt, %iota3A_3225, %sign3A_3234 : vector<512x8xi32>
    %sign3A_3236 = arith.extui %sign3A_3235 : vector<512x8xi1> to vector<512x8xi32>
    %sign3A_3237 = arith.subi %sign3A_3232, %sign3A_3236 : vector<512x8xi32>
    %sign3A_3238 = arith.constant 0 : i32
    %sign3A_3239 = arith.cmpi sgt, %jit3A_3226, %sign3A_3238 : i32
    %sign3A_3240 = arith.extui %sign3A_3239 : i1 to i32
    %sign3A_3241 = arith.constant 0 : i32
    %sign3A_3242 = arith.cmpi slt, %jit3A_3226, %sign3A_3241 : i32
    %sign3A_3243 = arith.extui %sign3A_3242 : i1 to i32
    %sign3A_3244 = arith.subi %sign3A_3240, %sign3A_3243 : i32
    %ne3A_3245 = vector.broadcast %sign3A_3244 : i32 to vector<512x8xi32>
    %ne3A_3246 = arith.cmpi ne, %sign3A_3237, %ne3A_3245 : vector<512x8xi32>
    %rem3A_3247 = vector.broadcast %jit3A_3226 : i32 to vector<512x8xi32>
    %rem3A_3248 = arith.remsi %iota3A_3225, %rem3A_3247 : vector<512x8xi32>
    %ne3A_3249 = arith.constant 0 : i32
    %ne3A_3250 = vector.broadcast %ne3A_3249 : i32 to vector<512x8xi32>
    %ne3A_3251 = arith.cmpi ne, %rem3A_3248, %ne3A_3250 : vector<512x8xi32>
    %and3A_3252 = arith.andi %ne3A_3246, %ne3A_3251 : vector<512x8xi1>
    %sub3A_3253 = arith.constant 1 : i32
    %sub3A_3254 = vector.broadcast %sub3A_3253 : i32 to vector<512x8xi32>
    %sub3A_3255 = arith.subi %div3A_3228, %sub3A_3254 : vector<512x8xi32>
    %select_n3A_3256 = arith.select %and3A_3252, %sub3A_3255, %div3A_3228 : vector<512x8xi1>, vector<512x8xi32>
    %iota3A_3257 = tpu.iota {dimensions = array<i32: 1>} : vector<512x8xi32>
    %eq3A_3258 = arith.cmpi eq, %select_n3A_3256, %iota3A_3257 : vector<512x8xi32>
    %jit3A_3259 = arith.constant 1.000000e+00 : f32
    %jit3A_3260 = arith.constant 0.000000e+00 : f32
    %broadcast_in_dim3A_3261 = vector.broadcast %jit3A_3259 : f32 to vector<512x8xf32>
    %broadcast_in_dim3A_3262 = vector.broadcast %jit3A_3260 : f32 to vector<512x8xf32>
    %select_n3A_3263 = arith.select %eq3A_3258, %broadcast_in_dim3A_3261, %broadcast_in_dim3A_3262 : vector<512x8xi1>, vector<512x8xf32>
    %dot_general3A_3264 = arith.constant dense<0.000000e+00> : vector<256x8xf32>
    %dot_general3A_3265 = tpu.matmul %exp3A_3224, %select_n3A_3263, %dot_general3A_3264 {dimension_numbers = #tpu.dot_dimension_numbers<[1], [0], [0], [1], [0, 0, 1, 1], [], []>, transpose_lhs_hint = false} : vector<256x512xf32>, vector<512x8xf32>, vector<256x8xf32> -> vector<256x8xf32>
    %max3A_3266 = arith.constant 1.000000e-30 : f32
    %max3A_3267 = vector.broadcast %max3A_3266 : f32 to vector<256x8xf32>
    %max3A_3268 = arith.maximumf %dot_general3A_3265, %max3A_3267 : vector<256x8xf32>
    %div3A_3269 = arith.constant 1.000000e+00 : f32
    %div3A_3270 = vector.broadcast %div3A_3269 : f32 to vector<256x8xf32>
    %div3A_3271 = arith.divf %div3A_3270, %max3A_3268 : vector<256x8xf32>
    %concatenate3A_3272 = tpu.concatenate %concatenate3A_3144, %concatenate3A_3144, %concatenate3A_3144, %concatenate3A_3144, %concatenate3A_3144, %concatenate3A_3144, %concatenate3A_3144, %concatenate3A_3144 in 0 : vector<64x96xf32>, vector<64x96xf32>, vector<64x96xf32>, vector<64x96xf32>, vector<64x96xf32>, vector<64x96xf32>, vector<64x96xf32>, vector<64x96xf32> -> vector<512x96xf32>
    %jit3A_3273 = arith.constant 0.000000e+00 : f32
    %broadcast_in_dim3A_3274 = vector.broadcast %jit3A_3273 : f32 to vector<512x96xf32>
    %select_n3A_3275 = arith.select %eq3A_3209, %concatenate3A_3272, %broadcast_in_dim3A_3274 : vector<512x96xi1>, vector<512x96xf32>
    %dot_general3A_3276 = arith.constant dense<0.000000e+00> : vector<256x96xf32>
    %dot_general3A_3277 = tpu.matmul %exp3A_3224, %select_n3A_3275, %dot_general3A_3276 {dimension_numbers = #tpu.dot_dimension_numbers<[1], [0], [0], [1], [0, 0, 1, 1], [], []>, transpose_lhs_hint = false} : vector<256x512xf32>, vector<512x96xf32>, vector<256x96xf32> -> vector<256x96xf32>
    %iota3A_3278 = tpu.iota {dimensions = array<i32: 0>} : vector<8x96xi32>
    %iota3A_3279 = tpu.iota {dimensions = array<i32: 1>} : vector<8x96xi32>
    %jit3A_3280 = arith.constant 12 : i32
    %div3A_3281 = vector.broadcast %jit3A_3280 : i32 to vector<8x96xi32>
    %div3A_3282 = arith.divsi %iota3A_3279, %div3A_3281 : vector<8x96xi32>
    %sign3A_3283 = arith.constant 0 : i32
    %sign3A_3284 = vector.broadcast %sign3A_3283 : i32 to vector<8x96xi32>
    %sign3A_3285 = arith.cmpi sgt, %iota3A_3279, %sign3A_3284 : vector<8x96xi32>
    %sign3A_3286 = arith.extui %sign3A_3285 : vector<8x96xi1> to vector<8x96xi32>
    %sign3A_3287 = arith.constant 0 : i32
    %sign3A_3288 = vector.broadcast %sign3A_3287 : i32 to vector<8x96xi32>
    %sign3A_3289 = arith.cmpi slt, %iota3A_3279, %sign3A_3288 : vector<8x96xi32>
    %sign3A_3290 = arith.extui %sign3A_3289 : vector<8x96xi1> to vector<8x96xi32>
    %sign3A_3291 = arith.subi %sign3A_3286, %sign3A_3290 : vector<8x96xi32>
    %sign3A_3292 = arith.constant 0 : i32
    %sign3A_3293 = arith.cmpi sgt, %jit3A_3280, %sign3A_3292 : i32
    %sign3A_3294 = arith.extui %sign3A_3293 : i1 to i32
    %sign3A_3295 = arith.constant 0 : i32
    %sign3A_3296 = arith.cmpi slt, %jit3A_3280, %sign3A_3295 : i32
    %sign3A_3297 = arith.extui %sign3A_3296 : i1 to i32
    %sign3A_3298 = arith.subi %sign3A_3294, %sign3A_3297 : i32
    %ne3A_3299 = vector.broadcast %sign3A_3298 : i32 to vector<8x96xi32>
    %ne3A_3300 = arith.cmpi ne, %sign3A_3291, %ne3A_3299 : vector<8x96xi32>
    %rem3A_3301 = vector.broadcast %jit3A_3280 : i32 to vector<8x96xi32>
    %rem3A_3302 = arith.remsi %iota3A_3279, %rem3A_3301 : vector<8x96xi32>
    %ne3A_3303 = arith.constant 0 : i32
    %ne3A_3304 = vector.broadcast %ne3A_3303 : i32 to vector<8x96xi32>
    %ne3A_3305 = arith.cmpi ne, %rem3A_3302, %ne3A_3304 : vector<8x96xi32>
    %and3A_3306 = arith.andi %ne3A_3300, %ne3A_3305 : vector<8x96xi1>
    %sub3A_3307 = arith.constant 1 : i32
    %sub3A_3308 = vector.broadcast %sub3A_3307 : i32 to vector<8x96xi32>
    %sub3A_3309 = arith.subi %div3A_3282, %sub3A_3308 : vector<8x96xi32>
    %select_n3A_3310 = arith.select %and3A_3306, %sub3A_3309, %div3A_3282 : vector<8x96xi1>, vector<8x96xi32>
    %eq3A_3311 = arith.cmpi eq, %iota3A_3278, %select_n3A_3310 : vector<8x96xi32>
    %jit3A_3312 = arith.constant 1.000000e+00 : f32
    %jit3A_3313 = arith.constant 0.000000e+00 : f32
    %broadcast_in_dim3A_3314 = vector.broadcast %jit3A_3312 : f32 to vector<8x96xf32>
    %broadcast_in_dim3A_3315 = vector.broadcast %jit3A_3313 : f32 to vector<8x96xf32>
    %select_n3A_3316 = arith.select %eq3A_3311, %broadcast_in_dim3A_3314, %broadcast_in_dim3A_3315 : vector<8x96xi1>, vector<8x96xf32>
    %dot_general3A_3317 = arith.constant dense<0.000000e+00> : vector<256x96xf32>
    %dot_general3A_3318 = tpu.matmul %div3A_3271, %select_n3A_3316, %dot_general3A_3317 {dimension_numbers = #tpu.dot_dimension_numbers<[1], [0], [0], [1], [0, 0, 1, 1], [], []>, transpose_lhs_hint = false} : vector<256x8xf32>, vector<8x96xf32>, vector<256x96xf32> -> vector<256x96xf32>
    %mul3A_3319 = arith.mulf %dot_general3A_3277, %dot_general3A_3318 : vector<256x96xf32>
    %dot_general3A_3320 = arith.constant dense<0.000000e+00> : vector<256x96xf32>
    %dot_general3A_3321 = tpu.matmul %mul3A_3319, %get3A_1, %dot_general3A_3320 {dimension_numbers = #tpu.dot_dimension_numbers<[1], [0], [0], [1], [0, 0, 1, 1], [], []>, transpose_lhs_hint = false} : vector<256x96xf32>, vector<96x96xf32>, vector<256x96xf32> -> vector<256x96xf32>
    %add3A_3322 = vector.broadcast %get3A_4 : vector<1x96xf32> to vector<256x96xf32>
    %add3A_3323 = arith.addf %dot_general3A_3321, %add3A_3322 : vector<256x96xf32>
    %reshape3A_3324 = vector.shape_cast %add3A_3323 : vector<256x96xf32> to vector<16x16x96xf32>
    %mul3A_3325 = arith.constant 14 : i32
    %mul3A_3326 = arith.muli %arg1, %mul3A_3325 : i32
    %add3A_3327 = arith.constant 13 : i32
    %add3A_3328 = arith.addi %mul3A_3326, %add3A_3327 : i32
    %get3A_3329 = arith.constant 0 : index
    %get3A_3330 = arith.constant 0 : index
    %get3A_3331 = arith.constant 0 : index
    %get3A_3332 = arith.constant 0 : index
    %get3A_3333 = vector.load %arg3[%get3A_3329, %get3A_3330, %get3A_3331, %get3A_3332] : memref<1x14x256x96xf32, #tpu.memory_space<vmem>>, vector<1x14x256x96xf32>
    %slice3A_3334 = vector.extract_strided_slice %get3A_3333 {offsets = [0, 13, 0, 0], sizes = [1, 1, 256, 96], strides = [1, 1, 1, 1]} : vector<1x14x256x96xf32> to vector<1x1x256x96xf32>
    %squeeze3A_3335 = vector.shape_cast %slice3A_3334 : vector<1x1x256x96xf32> to vector<256x96xf32>
    %get3A_3336 = arith.index_cast %arg0 : i32 to index
    %get3A_3337 = arith.index_cast %add3A_3328 : i32 to index
    %get3A_3338 = arith.constant 0 : index
    %get3A_3339 = memref.load %arg2[%get3A_3336, %get3A_3337, %get3A_3338] : memref<4x196x4xi32, #tpu.memory_space<smem>>
    %get3A_3340 = arith.constant 0 : index
    %get3A_3341 = arith.index_cast %get3A_3339 : i32 to index
    %get3A_3342 = arith.constant 0 : index
    %get3A_3343 = arith.constant 0 : index
    %get3A_3344 = vector.load %arg4[%get3A_3340, %get3A_3341, %get3A_3342, %get3A_3343] : memref<1x196x16x96xf32, #tpu.memory_space<vmem>>, vector<1x1x16x96xf32>
    %get3A_3345 = vector.shape_cast %get3A_3344 : vector<1x1x16x96xf32> to vector<16x96xf32>
    %get3A_3346 = arith.constant 0 : index
    %get3A_3347 = arith.index_cast %get3A_3339 : i32 to index
    %get3A_3348 = arith.constant 0 : index
    %get3A_3349 = arith.constant 0 : index
    %get3A_3350 = vector.load %arg5[%get3A_3346, %get3A_3347, %get3A_3348, %get3A_3349] : memref<1x196x16x96xf32, #tpu.memory_space<vmem>>, vector<1x1x16x96xf32>
    %get3A_3351 = vector.shape_cast %get3A_3350 : vector<1x1x16x96xf32> to vector<16x96xf32>
    %get3A_3352 = arith.index_cast %arg0 : i32 to index
    %get3A_3353 = arith.index_cast %add3A_3328 : i32 to index
    %get3A_3354 = arith.constant 1 : index
    %get3A_3355 = memref.load %arg2[%get3A_3352, %get3A_3353, %get3A_3354] : memref<4x196x4xi32, #tpu.memory_space<smem>>
    %get3A_3356 = arith.constant 0 : index
    %get3A_3357 = arith.index_cast %get3A_3355 : i32 to index
    %get3A_3358 = arith.constant 0 : index
    %get3A_3359 = arith.constant 0 : index
    %get3A_3360 = vector.load %arg4[%get3A_3356, %get3A_3357, %get3A_3358, %get3A_3359] : memref<1x196x16x96xf32, #tpu.memory_space<vmem>>, vector<1x1x16x96xf32>
    %get3A_3361 = vector.shape_cast %get3A_3360 : vector<1x1x16x96xf32> to vector<16x96xf32>
    %get3A_3362 = arith.constant 0 : index
    %get3A_3363 = arith.index_cast %get3A_3355 : i32 to index
    %get3A_3364 = arith.constant 0 : index
    %get3A_3365 = arith.constant 0 : index
    %get3A_3366 = vector.load %arg5[%get3A_3362, %get3A_3363, %get3A_3364, %get3A_3365] : memref<1x196x16x96xf32, #tpu.memory_space<vmem>>, vector<1x1x16x96xf32>
    %get3A_3367 = vector.shape_cast %get3A_3366 : vector<1x1x16x96xf32> to vector<16x96xf32>
    %get3A_3368 = arith.index_cast %arg0 : i32 to index
    %get3A_3369 = arith.index_cast %add3A_3328 : i32 to index
    %get3A_3370 = arith.constant 2 : index
    %get3A_3371 = memref.load %arg2[%get3A_3368, %get3A_3369, %get3A_3370] : memref<4x196x4xi32, #tpu.memory_space<smem>>
    %get3A_3372 = arith.constant 0 : index
    %get3A_3373 = arith.index_cast %get3A_3371 : i32 to index
    %get3A_3374 = arith.constant 0 : index
    %get3A_3375 = arith.constant 0 : index
    %get3A_3376 = vector.load %arg4[%get3A_3372, %get3A_3373, %get3A_3374, %get3A_3375] : memref<1x196x16x96xf32, #tpu.memory_space<vmem>>, vector<1x1x16x96xf32>
    %get3A_3377 = vector.shape_cast %get3A_3376 : vector<1x1x16x96xf32> to vector<16x96xf32>
    %get3A_3378 = arith.constant 0 : index
    %get3A_3379 = arith.index_cast %get3A_3371 : i32 to index
    %get3A_3380 = arith.constant 0 : index
    %get3A_3381 = arith.constant 0 : index
    %get3A_3382 = vector.load %arg5[%get3A_3378, %get3A_3379, %get3A_3380, %get3A_3381] : memref<1x196x16x96xf32, #tpu.memory_space<vmem>>, vector<1x1x16x96xf32>
    %get3A_3383 = vector.shape_cast %get3A_3382 : vector<1x1x16x96xf32> to vector<16x96xf32>
    %get3A_3384 = arith.index_cast %arg0 : i32 to index
    %get3A_3385 = arith.index_cast %add3A_3328 : i32 to index
    %get3A_3386 = arith.constant 3 : index
    %get3A_3387 = memref.load %arg2[%get3A_3384, %get3A_3385, %get3A_3386] : memref<4x196x4xi32, #tpu.memory_space<smem>>
    %get3A_3388 = arith.constant 0 : index
    %get3A_3389 = arith.index_cast %get3A_3387 : i32 to index
    %get3A_3390 = arith.constant 0 : index
    %get3A_3391 = arith.constant 0 : index
    %get3A_3392 = vector.load %arg4[%get3A_3388, %get3A_3389, %get3A_3390, %get3A_3391] : memref<1x196x16x96xf32, #tpu.memory_space<vmem>>, vector<1x1x16x96xf32>
    %get3A_3393 = vector.shape_cast %get3A_3392 : vector<1x1x16x96xf32> to vector<16x96xf32>
    %get3A_3394 = arith.constant 0 : index
    %get3A_3395 = arith.index_cast %get3A_3387 : i32 to index
    %get3A_3396 = arith.constant 0 : index
    %get3A_3397 = arith.constant 0 : index
    %get3A_3398 = vector.load %arg5[%get3A_3394, %get3A_3395, %get3A_3396, %get3A_3397] : memref<1x196x16x96xf32, #tpu.memory_space<vmem>>, vector<1x1x16x96xf32>
    %get3A_3399 = vector.shape_cast %get3A_3398 : vector<1x1x16x96xf32> to vector<16x96xf32>
    %concatenate3A_3400 = tpu.concatenate %get3A_3345, %get3A_3361, %get3A_3377, %get3A_3393 in 0 : vector<16x96xf32>, vector<16x96xf32>, vector<16x96xf32>, vector<16x96xf32> -> vector<64x96xf32>
    %concatenate3A_3401 = tpu.concatenate %get3A_3351, %get3A_3367, %get3A_3383, %get3A_3399 in 0 : vector<16x96xf32>, vector<16x96xf32>, vector<16x96xf32>, vector<16x96xf32> -> vector<64x96xf32>
    %iota3A_3402 = tpu.iota {dimensions = array<i32: 0>} : vector<512x96xi32>
    %jit3A_3403 = arith.constant 64 : i32
    %div3A_3404 = vector.broadcast %jit3A_3403 : i32 to vector<512x96xi32>
    %div3A_3405 = arith.divsi %iota3A_3402, %div3A_3404 : vector<512x96xi32>
    %sign3A_3406 = arith.constant 0 : i32
    %sign3A_3407 = vector.broadcast %sign3A_3406 : i32 to vector<512x96xi32>
    %sign3A_3408 = arith.cmpi sgt, %iota3A_3402, %sign3A_3407 : vector<512x96xi32>
    %sign3A_3409 = arith.extui %sign3A_3408 : vector<512x96xi1> to vector<512x96xi32>
    %sign3A_3410 = arith.constant 0 : i32
    %sign3A_3411 = vector.broadcast %sign3A_3410 : i32 to vector<512x96xi32>
    %sign3A_3412 = arith.cmpi slt, %iota3A_3402, %sign3A_3411 : vector<512x96xi32>
    %sign3A_3413 = arith.extui %sign3A_3412 : vector<512x96xi1> to vector<512x96xi32>
    %sign3A_3414 = arith.subi %sign3A_3409, %sign3A_3413 : vector<512x96xi32>
    %sign3A_3415 = arith.constant 0 : i32
    %sign3A_3416 = arith.cmpi sgt, %jit3A_3403, %sign3A_3415 : i32
    %sign3A_3417 = arith.extui %sign3A_3416 : i1 to i32
    %sign3A_3418 = arith.constant 0 : i32
    %sign3A_3419 = arith.cmpi slt, %jit3A_3403, %sign3A_3418 : i32
    %sign3A_3420 = arith.extui %sign3A_3419 : i1 to i32
    %sign3A_3421 = arith.subi %sign3A_3417, %sign3A_3420 : i32
    %ne3A_3422 = vector.broadcast %sign3A_3421 : i32 to vector<512x96xi32>
    %ne3A_3423 = arith.cmpi ne, %sign3A_3414, %ne3A_3422 : vector<512x96xi32>
    %rem3A_3424 = vector.broadcast %jit3A_3403 : i32 to vector<512x96xi32>
    %rem3A_3425 = arith.remsi %iota3A_3402, %rem3A_3424 : vector<512x96xi32>
    %ne3A_3426 = arith.constant 0 : i32
    %ne3A_3427 = vector.broadcast %ne3A_3426 : i32 to vector<512x96xi32>
    %ne3A_3428 = arith.cmpi ne, %rem3A_3425, %ne3A_3427 : vector<512x96xi32>
    %and3A_3429 = arith.andi %ne3A_3423, %ne3A_3428 : vector<512x96xi1>
    %sub3A_3430 = arith.constant 1 : i32
    %sub3A_3431 = vector.broadcast %sub3A_3430 : i32 to vector<512x96xi32>
    %sub3A_3432 = arith.subi %div3A_3405, %sub3A_3431 : vector<512x96xi32>
    %select_n3A_3433 = arith.select %and3A_3429, %sub3A_3432, %div3A_3405 : vector<512x96xi1>, vector<512x96xi32>
    %iota3A_3434 = tpu.iota {dimensions = array<i32: 1>} : vector<512x96xi32>
    %jit3A_3435 = arith.constant 12 : i32
    %div3A_3436 = vector.broadcast %jit3A_3435 : i32 to vector<512x96xi32>
    %div3A_3437 = arith.divsi %iota3A_3434, %div3A_3436 : vector<512x96xi32>
    %sign3A_3438 = arith.constant 0 : i32
    %sign3A_3439 = vector.broadcast %sign3A_3438 : i32 to vector<512x96xi32>
    %sign3A_3440 = arith.cmpi sgt, %iota3A_3434, %sign3A_3439 : vector<512x96xi32>
    %sign3A_3441 = arith.extui %sign3A_3440 : vector<512x96xi1> to vector<512x96xi32>
    %sign3A_3442 = arith.constant 0 : i32
    %sign3A_3443 = vector.broadcast %sign3A_3442 : i32 to vector<512x96xi32>
    %sign3A_3444 = arith.cmpi slt, %iota3A_3434, %sign3A_3443 : vector<512x96xi32>
    %sign3A_3445 = arith.extui %sign3A_3444 : vector<512x96xi1> to vector<512x96xi32>
    %sign3A_3446 = arith.subi %sign3A_3441, %sign3A_3445 : vector<512x96xi32>
    %sign3A_3447 = arith.constant 0 : i32
    %sign3A_3448 = arith.cmpi sgt, %jit3A_3435, %sign3A_3447 : i32
    %sign3A_3449 = arith.extui %sign3A_3448 : i1 to i32
    %sign3A_3450 = arith.constant 0 : i32
    %sign3A_3451 = arith.cmpi slt, %jit3A_3435, %sign3A_3450 : i32
    %sign3A_3452 = arith.extui %sign3A_3451 : i1 to i32
    %sign3A_3453 = arith.subi %sign3A_3449, %sign3A_3452 : i32
    %ne3A_3454 = vector.broadcast %sign3A_3453 : i32 to vector<512x96xi32>
    %ne3A_3455 = arith.cmpi ne, %sign3A_3446, %ne3A_3454 : vector<512x96xi32>
    %rem3A_3456 = vector.broadcast %jit3A_3435 : i32 to vector<512x96xi32>
    %rem3A_3457 = arith.remsi %iota3A_3434, %rem3A_3456 : vector<512x96xi32>
    %ne3A_3458 = arith.constant 0 : i32
    %ne3A_3459 = vector.broadcast %ne3A_3458 : i32 to vector<512x96xi32>
    %ne3A_3460 = arith.cmpi ne, %rem3A_3457, %ne3A_3459 : vector<512x96xi32>
    %and3A_3461 = arith.andi %ne3A_3455, %ne3A_3460 : vector<512x96xi1>
    %sub3A_3462 = arith.constant 1 : i32
    %sub3A_3463 = vector.broadcast %sub3A_3462 : i32 to vector<512x96xi32>
    %sub3A_3464 = arith.subi %div3A_3437, %sub3A_3463 : vector<512x96xi32>
    %select_n3A_3465 = arith.select %and3A_3461, %sub3A_3464, %div3A_3437 : vector<512x96xi1>, vector<512x96xi32>
    %eq3A_3466 = arith.cmpi eq, %select_n3A_3433, %select_n3A_3465 : vector<512x96xi32>
    %concatenate3A_3467 = tpu.concatenate %concatenate3A_3400, %concatenate3A_3400, %concatenate3A_3400, %concatenate3A_3400, %concatenate3A_3400, %concatenate3A_3400, %concatenate3A_3400, %concatenate3A_3400 in 0 : vector<64x96xf32>, vector<64x96xf32>, vector<64x96xf32>, vector<64x96xf32>, vector<64x96xf32>, vector<64x96xf32>, vector<64x96xf32>, vector<64x96xf32> -> vector<512x96xf32>
    %jit3A_3468 = arith.constant 0.000000e+00 : f32
    %broadcast_in_dim3A_3469 = vector.broadcast %jit3A_3468 : f32 to vector<512x96xf32>
    %select_n3A_3470 = arith.select %eq3A_3466, %concatenate3A_3467, %broadcast_in_dim3A_3469 : vector<512x96xi1>, vector<512x96xf32>
    %mul3A_3471 = arith.constant 0.102062076 : f32
    %mul3A_3472 = vector.broadcast %mul3A_3471 : f32 to vector<256x96xf32>
    %mul3A_3473 = arith.mulf %squeeze3A_3335, %mul3A_3472 : vector<256x96xf32>
    %dot_general3A_3474 = arith.constant dense<0.000000e+00> : vector<256x512xf32>
    %dot_general3A_3475 = tpu.matmul %mul3A_3473, %select_n3A_3470, %dot_general3A_3474 {dimension_numbers = #tpu.dot_dimension_numbers<[1], [1], [0], [0], [0, 0, 1, 0], [], []>, transpose_lhs_hint = false} : vector<256x96xf32>, vector<512x96xf32>, vector<256x512xf32> -> vector<256x512xf32>
    %reduce_max3A_3476 = arith.constant dense<0xFF800000> : vector<256xf32>
    %reduce_max3A_3477 = vector.multi_reduction <maximumf>, %dot_general3A_3475, %reduce_max3A_3476 [1] : vector<256x512xf32> to vector<256xf32>
    %broadcast_in_dim3A_3478 = vector.shape_cast %reduce_max3A_3477 : vector<256xf32> to vector<256x1xf32>
    %sub3A_3479 = vector.broadcast %broadcast_in_dim3A_3478 : vector<256x1xf32> to vector<256x512xf32>
    %sub3A_3480 = arith.subf %dot_general3A_3475, %sub3A_3479 : vector<256x512xf32>
    %exp3A_3481 = math.exp %sub3A_3480 : vector<256x512xf32>
    %iota3A_3482 = tpu.iota {dimensions = array<i32: 0>} : vector<512x8xi32>
    %jit3A_3483 = arith.constant 64 : i32
    %div3A_3484 = vector.broadcast %jit3A_3483 : i32 to vector<512x8xi32>
    %div3A_3485 = arith.divsi %iota3A_3482, %div3A_3484 : vector<512x8xi32>
    %sign3A_3486 = arith.constant 0 : i32
    %sign3A_3487 = vector.broadcast %sign3A_3486 : i32 to vector<512x8xi32>
    %sign3A_3488 = arith.cmpi sgt, %iota3A_3482, %sign3A_3487 : vector<512x8xi32>
    %sign3A_3489 = arith.extui %sign3A_3488 : vector<512x8xi1> to vector<512x8xi32>
    %sign3A_3490 = arith.constant 0 : i32
    %sign3A_3491 = vector.broadcast %sign3A_3490 : i32 to vector<512x8xi32>
    %sign3A_3492 = arith.cmpi slt, %iota3A_3482, %sign3A_3491 : vector<512x8xi32>
    %sign3A_3493 = arith.extui %sign3A_3492 : vector<512x8xi1> to vector<512x8xi32>
    %sign3A_3494 = arith.subi %sign3A_3489, %sign3A_3493 : vector<512x8xi32>
    %sign3A_3495 = arith.constant 0 : i32
    %sign3A_3496 = arith.cmpi sgt, %jit3A_3483, %sign3A_3495 : i32
    %sign3A_3497 = arith.extui %sign3A_3496 : i1 to i32
    %sign3A_3498 = arith.constant 0 : i32
    %sign3A_3499 = arith.cmpi slt, %jit3A_3483, %sign3A_3498 : i32
    %sign3A_3500 = arith.extui %sign3A_3499 : i1 to i32
    %sign3A_3501 = arith.subi %sign3A_3497, %sign3A_3500 : i32
    %ne3A_3502 = vector.broadcast %sign3A_3501 : i32 to vector<512x8xi32>
    %ne3A_3503 = arith.cmpi ne, %sign3A_3494, %ne3A_3502 : vector<512x8xi32>
    %rem3A_3504 = vector.broadcast %jit3A_3483 : i32 to vector<512x8xi32>
    %rem3A_3505 = arith.remsi %iota3A_3482, %rem3A_3504 : vector<512x8xi32>
    %ne3A_3506 = arith.constant 0 : i32
    %ne3A_3507 = vector.broadcast %ne3A_3506 : i32 to vector<512x8xi32>
    %ne3A_3508 = arith.cmpi ne, %rem3A_3505, %ne3A_3507 : vector<512x8xi32>
    %and3A_3509 = arith.andi %ne3A_3503, %ne3A_3508 : vector<512x8xi1>
    %sub3A_3510 = arith.constant 1 : i32
    %sub3A_3511 = vector.broadcast %sub3A_3510 : i32 to vector<512x8xi32>
    %sub3A_3512 = arith.subi %div3A_3485, %sub3A_3511 : vector<512x8xi32>
    %select_n3A_3513 = arith.select %and3A_3509, %sub3A_3512, %div3A_3485 : vector<512x8xi1>, vector<512x8xi32>
    %iota3A_3514 = tpu.iota {dimensions = array<i32: 1>} : vector<512x8xi32>
    %eq3A_3515 = arith.cmpi eq, %select_n3A_3513, %iota3A_3514 : vector<512x8xi32>
    %jit3A_3516 = arith.constant 1.000000e+00 : f32
    %jit3A_3517 = arith.constant 0.000000e+00 : f32
    %broadcast_in_dim3A_3518 = vector.broadcast %jit3A_3516 : f32 to vector<512x8xf32>
    %broadcast_in_dim3A_3519 = vector.broadcast %jit3A_3517 : f32 to vector<512x8xf32>
    %select_n3A_3520 = arith.select %eq3A_3515, %broadcast_in_dim3A_3518, %broadcast_in_dim3A_3519 : vector<512x8xi1>, vector<512x8xf32>
    %dot_general3A_3521 = arith.constant dense<0.000000e+00> : vector<256x8xf32>
    %dot_general3A_3522 = tpu.matmul %exp3A_3481, %select_n3A_3520, %dot_general3A_3521 {dimension_numbers = #tpu.dot_dimension_numbers<[1], [0], [0], [1], [0, 0, 1, 1], [], []>, transpose_lhs_hint = false} : vector<256x512xf32>, vector<512x8xf32>, vector<256x8xf32> -> vector<256x8xf32>
    %max3A_3523 = arith.constant 1.000000e-30 : f32
    %max3A_3524 = vector.broadcast %max3A_3523 : f32 to vector<256x8xf32>
    %max3A_3525 = arith.maximumf %dot_general3A_3522, %max3A_3524 : vector<256x8xf32>
    %div3A_3526 = arith.constant 1.000000e+00 : f32
    %div3A_3527 = vector.broadcast %div3A_3526 : f32 to vector<256x8xf32>
    %div3A_3528 = arith.divf %div3A_3527, %max3A_3525 : vector<256x8xf32>
    %concatenate3A_3529 = tpu.concatenate %concatenate3A_3401, %concatenate3A_3401, %concatenate3A_3401, %concatenate3A_3401, %concatenate3A_3401, %concatenate3A_3401, %concatenate3A_3401, %concatenate3A_3401 in 0 : vector<64x96xf32>, vector<64x96xf32>, vector<64x96xf32>, vector<64x96xf32>, vector<64x96xf32>, vector<64x96xf32>, vector<64x96xf32>, vector<64x96xf32> -> vector<512x96xf32>
    %jit3A_3530 = arith.constant 0.000000e+00 : f32
    %broadcast_in_dim3A_3531 = vector.broadcast %jit3A_3530 : f32 to vector<512x96xf32>
    %select_n3A_3532 = arith.select %eq3A_3466, %concatenate3A_3529, %broadcast_in_dim3A_3531 : vector<512x96xi1>, vector<512x96xf32>
    %dot_general3A_3533 = arith.constant dense<0.000000e+00> : vector<256x96xf32>
    %dot_general3A_3534 = tpu.matmul %exp3A_3481, %select_n3A_3532, %dot_general3A_3533 {dimension_numbers = #tpu.dot_dimension_numbers<[1], [0], [0], [1], [0, 0, 1, 1], [], []>, transpose_lhs_hint = false} : vector<256x512xf32>, vector<512x96xf32>, vector<256x96xf32> -> vector<256x96xf32>
    %iota3A_3535 = tpu.iota {dimensions = array<i32: 0>} : vector<8x96xi32>
    %iota3A_3536 = tpu.iota {dimensions = array<i32: 1>} : vector<8x96xi32>
    %jit3A_3537 = arith.constant 12 : i32
    %div3A_3538 = vector.broadcast %jit3A_3537 : i32 to vector<8x96xi32>
    %div3A_3539 = arith.divsi %iota3A_3536, %div3A_3538 : vector<8x96xi32>
    %sign3A_3540 = arith.constant 0 : i32
    %sign3A_3541 = vector.broadcast %sign3A_3540 : i32 to vector<8x96xi32>
    %sign3A_3542 = arith.cmpi sgt, %iota3A_3536, %sign3A_3541 : vector<8x96xi32>
    %sign3A_3543 = arith.extui %sign3A_3542 : vector<8x96xi1> to vector<8x96xi32>
    %sign3A_3544 = arith.constant 0 : i32
    %sign3A_3545 = vector.broadcast %sign3A_3544 : i32 to vector<8x96xi32>
    %sign3A_3546 = arith.cmpi slt, %iota3A_3536, %sign3A_3545 : vector<8x96xi32>
    %sign3A_3547 = arith.extui %sign3A_3546 : vector<8x96xi1> to vector<8x96xi32>
    %sign3A_3548 = arith.subi %sign3A_3543, %sign3A_3547 : vector<8x96xi32>
    %sign3A_3549 = arith.constant 0 : i32
    %sign3A_3550 = arith.cmpi sgt, %jit3A_3537, %sign3A_3549 : i32
    %sign3A_3551 = arith.extui %sign3A_3550 : i1 to i32
    %sign3A_3552 = arith.constant 0 : i32
    %sign3A_3553 = arith.cmpi slt, %jit3A_3537, %sign3A_3552 : i32
    %sign3A_3554 = arith.extui %sign3A_3553 : i1 to i32
    %sign3A_3555 = arith.subi %sign3A_3551, %sign3A_3554 : i32
    %ne3A_3556 = vector.broadcast %sign3A_3555 : i32 to vector<8x96xi32>
    %ne3A_3557 = arith.cmpi ne, %sign3A_3548, %ne3A_3556 : vector<8x96xi32>
    %rem3A_3558 = vector.broadcast %jit3A_3537 : i32 to vector<8x96xi32>
    %rem3A_3559 = arith.remsi %iota3A_3536, %rem3A_3558 : vector<8x96xi32>
    %ne3A_3560 = arith.constant 0 : i32
    %ne3A_3561 = vector.broadcast %ne3A_3560 : i32 to vector<8x96xi32>
    %ne3A_3562 = arith.cmpi ne, %rem3A_3559, %ne3A_3561 : vector<8x96xi32>
    %and3A_3563 = arith.andi %ne3A_3557, %ne3A_3562 : vector<8x96xi1>
    %sub3A_3564 = arith.constant 1 : i32
    %sub3A_3565 = vector.broadcast %sub3A_3564 : i32 to vector<8x96xi32>
    %sub3A_3566 = arith.subi %div3A_3539, %sub3A_3565 : vector<8x96xi32>
    %select_n3A_3567 = arith.select %and3A_3563, %sub3A_3566, %div3A_3539 : vector<8x96xi1>, vector<8x96xi32>
    %eq3A_3568 = arith.cmpi eq, %iota3A_3535, %select_n3A_3567 : vector<8x96xi32>
    %jit3A_3569 = arith.constant 1.000000e+00 : f32
    %jit3A_3570 = arith.constant 0.000000e+00 : f32
    %broadcast_in_dim3A_3571 = vector.broadcast %jit3A_3569 : f32 to vector<8x96xf32>
    %broadcast_in_dim3A_3572 = vector.broadcast %jit3A_3570 : f32 to vector<8x96xf32>
    %select_n3A_3573 = arith.select %eq3A_3568, %broadcast_in_dim3A_3571, %broadcast_in_dim3A_3572 : vector<8x96xi1>, vector<8x96xf32>
    %dot_general3A_3574 = arith.constant dense<0.000000e+00> : vector<256x96xf32>
    %dot_general3A_3575 = tpu.matmul %div3A_3528, %select_n3A_3573, %dot_general3A_3574 {dimension_numbers = #tpu.dot_dimension_numbers<[1], [0], [0], [1], [0, 0, 1, 1], [], []>, transpose_lhs_hint = false} : vector<256x8xf32>, vector<8x96xf32>, vector<256x96xf32> -> vector<256x96xf32>
    %mul3A_3576 = arith.mulf %dot_general3A_3534, %dot_general3A_3575 : vector<256x96xf32>
    %dot_general3A_3577 = arith.constant dense<0.000000e+00> : vector<256x96xf32>
    %dot_general3A_3578 = tpu.matmul %mul3A_3576, %get3A_1, %dot_general3A_3577 {dimension_numbers = #tpu.dot_dimension_numbers<[1], [0], [0], [1], [0, 0, 1, 1], [], []>, transpose_lhs_hint = false} : vector<256x96xf32>, vector<96x96xf32>, vector<256x96xf32> -> vector<256x96xf32>
    %add3A_3579 = vector.broadcast %get3A_4 : vector<1x96xf32> to vector<256x96xf32>
    %add3A_3580 = arith.addf %dot_general3A_3578, %add3A_3579 : vector<256x96xf32>
    %reshape3A_3581 = vector.shape_cast %add3A_3580 : vector<256x96xf32> to vector<16x16x96xf32>
    %concatenate3A_3582 = tpu.concatenate %reshape3A, %reshape3A_497, %reshape3A_754, %reshape3A_1011, %reshape3A_1268, %reshape3A_1525, %reshape3A_1782, %reshape3A_2039, %reshape3A_2296, %reshape3A_2553, %reshape3A_2810, %reshape3A_3067, %reshape3A_3324, %reshape3A_3581 in 1 : vector<16x16x96xf32>, vector<16x16x96xf32>, vector<16x16x96xf32>, vector<16x16x96xf32>, vector<16x16x96xf32>, vector<16x16x96xf32>, vector<16x16x96xf32>, vector<16x16x96xf32>, vector<16x16x96xf32>, vector<16x16x96xf32>, vector<16x16x96xf32>, vector<16x16x96xf32>, vector<16x16x96xf32>, vector<16x16x96xf32> -> vector<16x224x96xf32>
    %reshape3A_3583 = vector.shape_cast %concatenate3A_3582 : vector<16x224x96xf32> to vector<1x16x224x96xf32>
    %swap3A = arith.constant 0 : index
    %swap3A_3584 = arith.constant 0 : index
    %swap3A_3585 = arith.constant 0 : index
    %swap3A_3586 = arith.constant 0 : index
    %swap3A_3587 = vector.load %arg8[%swap3A, %swap3A_3584, %swap3A_3585, %swap3A_3586] : memref<1x16x224x96xf32, #tpu.memory_space<vmem>>, vector<1x16x224x96xf32>
    tpu.vector_store %arg8[%swap3A, %swap3A_3584, %swap3A_3585, %swap3A_3586], %reshape3A_3583 {strides = array<i32>} : memref<1x16x224x96xf32, #tpu.memory_space<vmem>>, vector<1x16x224x96xf32>,
    return
  }
  func.func @transform_0(%arg0: i32, %arg1: i32, %arg2: memref<4x196x4xi32, #tpu.memory_space<smem>>) -> (i32, i32, i32, i32) {
    %c0_i32 = arith.constant 0 : i32
    %c0_i32_0 = arith.constant 0 : i32
    %c0_i32_1 = arith.constant 0 : i32
    return %arg0, %arg1, %c0_i32, %c0_i32_0 : i32, i32, i32, i32
  }
  func.func @transform_1(%arg0: i32, %arg1: i32, %arg2: memref<4x196x4xi32, #tpu.memory_space<smem>>) -> (i32, i32, i32, i32) {
    %add3A = arith.constant 1 : i32
    %add3A_0 = arith.addi %arg0, %add3A : i32
    %min3A = arith.constant 3 : i32
    %min3A_1 = arith.minsi %add3A_0, %min3A : i32
    %c0_i32 = arith.constant 0 : i32
    %c0_i32_2 = arith.constant 0 : i32
    %c0_i32_3 = arith.constant 0 : i32
    %c0_i32_4 = arith.constant 0 : i32
    return %min3A_1, %c0_i32, %c0_i32_2, %c0_i32_3 : i32, i32, i32, i32
  }
  func.func @transform_2(%arg0: i32, %arg1: i32, %arg2: memref<4x196x4xi32, #tpu.memory_space<smem>>) -> (i32, i32, i32, i32) {
    %add3A = arith.constant 1 : i32
    %add3A_0 = arith.addi %arg0, %add3A : i32
    %min3A = arith.constant 3 : i32
    %min3A_1 = arith.minsi %add3A_0, %min3A : i32
    %c0_i32 = arith.constant 0 : i32
    %c0_i32_2 = arith.constant 0 : i32
    %c0_i32_3 = arith.constant 0 : i32
    %c0_i32_4 = arith.constant 0 : i32
    return %min3A_1, %c0_i32, %c0_i32_2, %c0_i32_3 : i32, i32, i32, i32
  }
  func.func @transform_3(%arg0: i32, %arg1: i32, %arg2: memref<4x196x4xi32, #tpu.memory_space<smem>>) -> (i32, i32) {
    %c0_i32 = arith.constant 0 : i32
    %c0_i32_0 = arith.constant 0 : i32
    %c0_i32_1 = arith.constant 0 : i32
    return %c0_i32, %c0_i32_0 : i32, i32
  }
  func.func @transform_4(%arg0: i32, %arg1: i32, %arg2: memref<4x196x4xi32, #tpu.memory_space<smem>>) -> (i32, i32) {
    %c0_i32 = arith.constant 0 : i32
    %c0_i32_0 = arith.constant 0 : i32
    %c0_i32_1 = arith.constant 0 : i32
    return %c0_i32, %c0_i32_0 : i32, i32
  }
  func.func @transform_5(%arg0: i32, %arg1: i32, %arg2: memref<4x196x4xi32, #tpu.memory_space<smem>>) -> (i32, i32, i32, i32) {
    %jit3A = arith.constant 1 : i32
    %div3A = arith.divsi %arg1, %jit3A : i32
    %sign3A = arith.constant 0 : i32
    %sign3A_0 = arith.cmpi sgt, %arg1, %sign3A : i32
    %sign3A_1 = arith.extui %sign3A_0 : i1 to i32
    %sign3A_2 = arith.constant 0 : i32
    %sign3A_3 = arith.cmpi slt, %arg1, %sign3A_2 : i32
    %sign3A_4 = arith.extui %sign3A_3 : i1 to i32
    %sign3A_5 = arith.subi %sign3A_1, %sign3A_4 : i32
    %sign3A_6 = arith.constant 0 : i32
    %sign3A_7 = arith.cmpi sgt, %jit3A, %sign3A_6 : i32
    %sign3A_8 = arith.extui %sign3A_7 : i1 to i32
    %sign3A_9 = arith.constant 0 : i32
    %sign3A_10 = arith.cmpi slt, %jit3A, %sign3A_9 : i32
    %sign3A_11 = arith.extui %sign3A_10 : i1 to i32
    %sign3A_12 = arith.subi %sign3A_8, %sign3A_11 : i32
    %ne3A = arith.cmpi ne, %sign3A_5, %sign3A_12 : i32
    %rem3A = arith.remsi %arg1, %jit3A : i32
    %ne3A_13 = arith.constant 0 : i32
    %ne3A_14 = arith.cmpi ne, %rem3A, %ne3A_13 : i32
    %and3A = arith.andi %ne3A, %ne3A_14 : i1
    %sub3A = arith.constant 1 : i32
    %sub3A_15 = arith.subi %div3A, %sub3A : i32
    %select_n3A = arith.select %and3A, %sub3A_15, %div3A : i32
    %jit3A_16 = arith.constant 1 : i32
    %eq3A = arith.constant 0 : i32
    %eq3A_17 = arith.cmpi eq, %jit3A_16, %eq3A : i32
    %jit3A_18 = arith.constant 1 : i32
    %select_n3A_19 = arith.select %eq3A_17, %jit3A_18, %jit3A_16 : i32
    %rem3A_20 = arith.remsi %arg1, %select_n3A_19 : i32
    %ne3A_21 = arith.constant 0 : i32
    %ne3A_22 = arith.cmpi ne, %rem3A_20, %ne3A_21 : i32
    %lt3A = arith.constant 0 : i32
    %lt3A_23 = arith.cmpi slt, %rem3A_20, %lt3A : i32
    %lt3A_24 = arith.constant 0 : i32
    %lt3A_25 = arith.cmpi slt, %select_n3A_19, %lt3A_24 : i32
    %ne3A_26 = arith.xori %lt3A_23, %lt3A_25 : i1
    %and3A_27 = arith.andi %ne3A_26, %ne3A_22 : i1
    %add3A = arith.addi %rem3A_20, %select_n3A_19 : i32
    %select_n3A_28 = arith.select %and3A_27, %add3A, %rem3A_20 : i32
    %c0_i32 = arith.constant 0 : i32
    %c0_i32_29 = arith.constant 0 : i32
    return %arg0, %select_n3A, %select_n3A_28, %c0_i32 : i32, i32, i32, i32
  }
}

</mosaic_0001>

<sc_bundles>
// kernel: sparse-core-data-format-call.cloned.1.call-start
scs
called_computation_lowered:
.L_overlay_start_0:
0x0: {  	s2 =	sld [smem:$0x3FD9]  }
0x1: {  	s3 =	sld [smem:$0x3FFE];
	_ =	sdelay $0x1  }
0x2: {  	s1 =	srdreg.scid  }
0x3: {  	s0 =	sand.u32 $0x1, s1  }
0x4: {  	s18 =	sshll.u32 s0, $0xA;
	s2 =	sadd.s32 s3, s2  }
0x5: {  	s2 =	sadd.s32 s2, s18  }
0x6: {  	[smem:$0x3FC3] =	sst s2  }
0x7: {  	_ = 	snop  }
0x8: {  	s2 =	sld [smem:$0x3FD0];
	(tm) =	ssettm $0x1  }
0x9: {  	s19 =	sld [smem:$0x3FFB];
	_ =	sdelay $0x3  }
0xa: {  	_ =	strace s19  }
0xb: {  	s3 =	sld [smem:$0x3FFC];
	_ =	sdelay $0x3  }
0xc: {  	_ =	strace s3  }
0xd: {  	s3 =	sld [smem:$0x3FFD];
	_ =	sdelay $0x3  }
0xe: {  	_ =	strace s3  }
0xf: {  	_ =	strace $0x8FFFFFFF  }
0x10: {  	s20 =	sld [smem:$0x3FDB];
	_ =	sdelay $0x1  }
0x11: {  	s4 =	simm.s32 $_scs_section_size  }
0x12: {  	s5 =	simm.s32 $_size__tile_overlayer_lowered;
	s6 =	simm.s32 $_tile_overlayer_lowered  }
0x13: {  	s23 =	simm.s32 $0x1BFF;
	s22 =	sshll.u32 s6, $0x1;
	s3 =	sadd.s32 s4, s20  }
0x14: {  	s7 =	simm.s32 $0x0;
	s21 =	sshll.u32 s5, $0x1;
	s5 =	sadd.s32 s22, s3  }
0x15: {  	[timem:s7], [sflag:s23] =	dma.local [hbm:s5], s21  }
0x16: {  	_ =	swait.ge [sflag:s23], s21  }
0x17: {  	s4 =	ssub.s32 $0x0, s21;
	[sflag:s23] =	ssyncset.done $0x0  }
0x18: {  	[sflag:s23] =	ssyncadd.s32 s4;
	_ =	sdelay $0x1  }
0x19: {  	s24 =	simm.s32 $0x1B8B  }
0x1a: {  	_ =	swait.ge [sflag:s24], $0x1  }
0x1b: {  	[sflag:s24] =	ssyncset.done $0x0  }
0x1c: {  	s26 =	simm.s32 $0x1B8E;
	s25 =	sld [smem:$0x3FFE];
	[sflag:s24] =	ssyncadd.s32 $0xFFFFFFFF  }
0x1d: {  	s27 =	simm.s32 $execute0_lowered;
	[smem:$0x3FD2] =	sst s26  }
0x1e: {  	s5 =	sshll.u32 s27, $0x1;
	_ =	strace $0x80000046;
	[dreg:$0x1] =	wrdreg $0xFFFFFFFF  }
0x1f: {  	s28 =	simm.s32 $_size_execute0_lowered;
	s3 =	sadd.s32 s3, s5;
	[dreg:$0x0] =	wrdreg $0x0  }
0x20: {  	s5 =	sshll.u32 s28, $0x1;
	[dreg:$0x2] =	wrdreg s3  }
0x21: {  	[dreg:$0x3] =	wrdreg s5  }
0x22: {  	[dreg:$0x4] =	wrdreg $0xC0  }
0x23: {  	_ =	task [dreg:s7], $0x5FFFF  }
0x24: {  	[dreg:$0x1] =	wrdreg $0xFFFFFFFF  }
0x25: {  	[dreg:$0x0] =	wrdreg $0x60  }
0x26: {  	[dreg:$0x2] =	wrdreg s25  }
0x27: {  	[dreg:$0x3] =	wrdreg s2  }
0x28: {  	[dreg:$0x4] =	wrdreg $0x9  }
0x29: {  	_ =	task.clear_ibuf [dreg:s7], $0x5FFFF;
	_ =	strace $0x90000046  }
0x2a: {  	s29 =	simm.s32 $0x9;
	_ =	strace $0x80000048  }
0x2b: {  	_ =	swait.ge [sflag:s29], $0x1  }
0x2c: {  	[sflag:s29] =	ssyncadd.s32 $0xFFFFFFFF  }
0x2d: {  	_ =	strace $0x90000048  }
0x2e: {  	_ =	sfence  }
0x2f: {  	s30 =	sld [smem:$0x0];
	_ =	sdelay $0x2  }
0x30: {  	s31 =	sshll.u32 s1, $0xD;
	s1 =	sshrl.u32 s1, $0x2  }
0x31: {  	s3 =	sand.u32 $0x4000, s31;
	s1 =	sadd.s32 s1, s30  }
0x32: {  	s0 =	sor.u32 s3, s0;
	s1 =	sshll.u32 s1, $0x11  }
0x33: {  	s0 =	sor.u32 s1, s0  }
0x34: {  	s0 =	sadd.s32 $0x8F2B, s0  }
0x35: {  	[sflag:s0] =	ssyncadd.remote.s32 $0x1  }
0x36: {  	_ =	sfence.sel $0xFFFF  }
0x37: {  	[dreg:$0x0] =	wrdreg $0xFFFFFFFF;
	(pc) =	sbr.abs _section_cstart, $3  }
0x38: {  	[dreg:$0x1] =	wrdreg $0xFFFFFFFF  }
0x39: {  	_ =	task.clear_ibuf [dreg:s7], $0x2FFFF;
	_ =	strace $0x9FFFFFFF  }
0x3a: {  	(tm) =	ssettm $0x7FFFFFFF  }
0x3b: {  	_ =	shalt  }
tec
execute0_lowered:
.L_overlay_start_1:
0x0: {  	(tag) =	ssettag $0x1  }
0x1: {  	s0 =	rddreg [dreg:$0x0]  }
0x2: {  	s1 =	srdreg.scid;
	_ =	strace $0x80000047;
	s31 =	stileid.u32  }
0x3: {  	s2 =	simm.s32 $0x1;
	s7 =	simm.s32 $0x2;
	s15 =	simm.s32 $0x0  }
0x4: {  	s16 =	simm.s32 $0x0;
	s17 =	simm.s32 $0x0;
	s8 =	simm.s32 $0x0  }
0x5: {  	s10 =	simm.s32 $0x0;
	s12 =	simm.s32 $0x0;
	s11 =	simm.s32 $0x0  }
.Ltmp0:
0x6: {  	s9 =	simm.s32 $0x0;
	s30 =	sshll.u32 s1, $0x4;
	(pc) =	sbr.rel .LBB1_1-.Ltmp0, $4  }
0x7: {  	s6 =	sadd.s32 $0x310E00, s0;
	[sflag:s2] =	ssyncpa.u1 $0x0;
	s0 =	sand.u32 $0x10, s30  }
0x8: {  	s23 =	sand.u32 $0x3, s31;
	[dreg:$0x3] =	wrdreg s6;
	s0 =	sor.u32 s31, s0  }
0x9: {  	[sflag:s7] =	ssyncpa.u1 $0x0;
	[dreg:$0x4] =	wrdreg s23;
	s24 =	sshrl.u32 s0, $0x2  }
0xa: {  	s14 =	smov.u32 s23;
	s13 =	smov.u32 s24;
	[dreg:$0x5] =	wrdreg s24  }
.LBB1_9:
0xb: {  	p0 =	sgt.s32 s8, $0x80;
	s0 =	smov.u32 s8;
	s27 =	smul.u32 $0xA8000, s12  }
0xc: {  	s1 =	sshrl.u32 s8, $0x5;
	s28 =	smul.u32 $0xC00, s10;
	s0 =	simm.s32 @!p0 $0x80  }
0xd: {  	s4 =	sshrl.u32 s8, $0x3;
	s1 =	sand.u32 $0xFFFFFC, s1;
	s0 =	sadd.s32 s18, s0  }
0xe: {  	s5 =	rddreg [dreg:$0x1];
	s2 =	smulhi.u32 $0x2AAAAAB, s1;
	s3 =	sadd.s32 $0xFFFFFF80, s0  }
0xf: {  	s29 =	sand.u32 $0x7, s8;
	s0 =	ssub.s32 $0x100, s0;
	p0 =	sgt.s32 s3, $0x7F  }
0x10: {  	s6 =	rddreg [dreg:$0x3];
	s2 =	smul.u32 $0x60, s2;
	s0 =	simm.s32 @p0 $0x0  }
0x11: {  	s31 =	simm.s32 $0x800;
	s23 =	rddreg [dreg:$0x4];
	s0 =	smul.u32 s0, s19  }
0x12: {  	s24 =	rddreg [dreg:$0x5];
	s4 =	sand.u32 $0xF, s4;
	s3 =	sadd.s32 s5, s27  }
0x13: {  	s1 =	ssub.s32 s1, s2;
	s2 =	sadd.s32 s28, s3;
	s0 =	smul.u32 $0x60, s0  }
0x14: {  	s3 =	sshll.u32 s29, $0x12;
	s1 =	sshll.u32 s1, $0x5;
	s2 =	sadd.s32 s4, s2  }
0x15: {  	s30 =	sor.u32 $0x400, s3;
	s1 =	sadd.s32 s1, s2;
	s0 =	sand.u32 $0x3FFFFFE0, s0  }
0x16: {  	[hbm4b:s1+s30] =	stream.strided.scatter [tilespmem:s20], [sflag:$0x2], s0, s31, s30, $0x20;
	[tilespmem:$0x10100] =	vst v63  }
.LBB1_10:
0x17: {  	p0 =	slt.u32 s9, $0x2  }
0x18: {  	p1 =	sgt.s32 @!p0 s17, $0x3  }
0x19: {  	s0 =	smov.u32 s17;
	s1 =	sshra.s32 @!p0 s17, $0x1F;
	p1 =	por !p1, p0  }
0x1a: {  	s2 =	smov.u32 s16;
	s1 =	sand.u32 @!p0 s1, s17;
	s0 =	simm.s32 @p1 $0x3  }
0x1b: {  	s3 =	sshra.s32 @!p0 s16, $0x1F;
	p1 =	sgt.s32 @!p0 s16, $0xDF;
	s0 =	ssub.s32 @!p0 s0, s1  }
0x1c: {  	s4 =	sshra.s32 @!p0 s15, $0x1F;
	p2 =	por !p1, p0;
	s1 =	sadd.s32 @!p0 $0xFFFFFFFD, s0  }
0x1d: {  	s2 =	simm.s32 @p2 $0xDF;
	p1 =	sgt.s32 @!p0 s1, $0x0;
	s1 =	sand.u32 @!p0 s3, s16  }
0x1e: {  	s0 =	ssub.s32 @!p0 $0x4, s0;
	p2 =	sgt.s32 @!p0 s15, $0x80;
	s1 =	ssub.s32 @!p0 s2, s1  }
0x1f: {  	p2 =	por !p2, p0;
	s3 =	smov.u32 s15;
	s2 =	sadd.s32 @!p0 $0xFFFFFF21, s1  }
0x20: {  	s3 =	simm.s32 @p2 $0x80;
	p2 =	sgt.s32 @!p0 s2, $0x0;
	s2 =	sand.u32 @!p0 s4, s15  }
0x21: {  	s0 =	smul.u32 @!p0 $0x60, s0;
	p1 =	por !p1, p0;
	s2 =	ssub.s32 @!p0 s3, s2  }
0x22: {  	s1 =	ssub.s32 @!p0 $0xE0, s1;
	p2 =	por !p2, p0;
	s3 =	sadd.s32 @!p0 $0xFFFFFF80, s2  }
0x23: {  	s0 =	simm.s32 @!p1 $0x0;
	s1 =	simm.s32 @!p2 $0x0;
	p2 =	sgt.s32 @!p0 s3, $0x7F  }
0x24: {  	s2 =	ssub.s32 @!p0 $0x100, s2;
	s0 =	smul.u32 @!p0 s1, s0;
	p1 =	por !p2, p0  }
0x25: {  	s1 =	sadd.s32 $0x80, s11;
	s3 =	smov.u32 s13;
	s2 =	simm.s32 @!p1 $0x0  }
0x26: {  	p1 =	sgt.s32 s1, $0xDF;
	s0 =	smul.u32 @!p0 s2, s0;
	s2 =	sadd.s32 $0x8, s13  }
0x27: {  	s3 =	smov.u32 @p1 s2  }
0x28: {  	s5 =	smov.u32 s14;
	s2 =	sadd.s32 $0x4, s14;
	p2 =	sgt.s32 s3, $0xDF  }
0x29: {  	s9 =	sadd.s32 $0x1, s9;
	s5 =	smov.u32 @p2 s2  }
0x2a: {  	s17 =	smov.u32 s12;
	s1 =	simm.s32 @p1 $0x0;
	p1 =	sgt.s32 s5, $0x3  }
0x2b: {  	s12 =	smov.u32 s14;
	s5 =	smov.u32 @p1 s23;
	p1 =	sne.s32 s9, $0x3A  }
.Ltmp1:
0x2c: {  	s16 =	smov.u32 s10;
	s10 =	smov.u32 s13;
	(pc) =	sbr.rel @!p1 .LBB1_11-.Ltmp1, $4  }
0x2d: {  	s4 =	simm.s32 @!p0 $0x2;
	s15 =	smov.u32 s8;
	s0 =	sand.u32 @!p0 $0x3FFFFFE0, s0  }
0x2e: {  	s8 =	smov.u32 s11;
	s11 =	smov.u32 s1;
	_ =	swait.ge @!p0 [sflag:s4], s0  }
0x2f: {  	s0 =	ssub.s32 @!p0 $0x0, s0;
	s3 =	smov.u32 @p2 s24;
	[sflag:s4] =	ssyncset.done @!p0 $0x0  }
0x30: {  	s13 =	smov.u32 s3;
	[sflag:s4] =	ssyncadd.s32 @!p0 s0;
	s14 =	smov.u32 s5  }
.LBB1_1:
0x31: {  	p0 =	sgt.u32 s9, $0x37;
	s19 =	smov.u32 s14  }
0x32: {  	s0 =	sand.u32 @!p0 $0x1FFFFFF, s11;
	p1 =	sgt.s32 @!p0 s14, $0x3;
	s20 =	sshra.s32 @!p0 s14, $0x1F  }
0x33: {  	s21 =	sshra.s32 @!p0 s13, $0x1F;
	s18 =	smulhi.u32 @!p0 $0x2492493, s0;
	p1 =	por !p1, p0  }
0x34: {  	s20 =	sand.u32 @!p0 s20, s14;
	s21 =	sand.u32 @!p0 s21, s13;
	s19 =	simm.s32 @p1 $0x3  }
0x35: {  	p1 =	sgt.s32 @!p0 s13, $0xDF;
	s18 =	sshrl.u32 @!p0 s18, $0x1;
	s19 =	ssub.s32 @!p0 s19, s20  }
0x36: {  	p1 =	por !p1, p0;
	s20 =	smov.u32 s13;
	s18 =	smul.u32 @!p0 $0xE0, s18  }
0x37: {  	s20 =	simm.s32 @p1 $0xDF;
	p1 =	sgt.s32 @!p0 s11, $0x60;
	s19 =	sadd.s32 @!p0 $0xFFFFFFFD, s19  }
0x38: {  	s20 =	ssub.s32 @!p0 s20, s21;
	p1 =	por !p1, p0;
	s21 =	smov.u32 s11  }
0x39: {  	p2 =	sgt.s32 @!p0 s19, $0x0;
	s19 =	sshll.u32 @!p0 s19, $0x7;
	s22 =	sadd.s32 @!p0 $0xFFFFFF21, s20  }
0x3a: {  	s21 =	simm.s32 @p1 $0x60;
	p1 =	sgt.s32 @!p0 s22, $0x0;
	s22 =	sshra.s32 @!p0 s11, $0x1F  }
0x3b: {  	s20 =	ssub.s32 @!p0 $0xE0, s20;
	s19 =	ssub.s32 @!p0 $0x80, s19;
	s22 =	sand.u32 @!p0 s22, s11  }
0x3c: {  	p2 =	por !p2, p0;
	p1 =	por !p1, p0;
	s21 =	ssub.s32 @!p0 s21, s22  }
0x3d: {  	s19 =	simm.s32 @!p2 $0x0;
	s20 =	simm.s32 @!p1 $0x0;
	s22 =	sadd.s32 @!p0 $0xFFFFFFA0, s21  }
0x3e: {  	s0 =	ssub.s32 @!p0 s0, s18;
	s19 =	smul.u32 @!p0 s20, s19;
	p1 =	sgt.s32 @!p0 s22, $0x7F  }
0x3f: {  	s20 =	ssub.s32 @!p0 $0xE0, s21;
	s21 =	smul.u32 @!p0 $0xC4000, s14;
	p1 =	por !p1, p0  }
0x40: {  	s18 =	smul.u32 @!p0 $0xE00, s13;
	s22 =	sxor.u32 @!p0 $0xFFFFFFFF, s9;
	s20 =	simm.s32 @!p1 $0x0  }
0x41: {  	s22 =	sshll.u32 @!p0 s22, $0xE;
	s19 =	smul.u32 @!p0 s20, s19;
	s20 =	sadd.s32 @!p0 s6, s21  }
0x42: {  	s0 =	sshll.u32 @!p0 s0, $0x4;
	s21 =	sand.u32 @!p0 $0x4000, s22;
	s18 =	sadd.s32 @!p0 s18, s20  }
0x43: {  	s19 =	sand.u32 @!p0 $0x3FFFFF80, s19;
	s0 =	sadd.s32 @!p0 s0, s18;
	s18 =	simm.s32 @!p0 $0x0  }
0x44: {  	[tilespmem:s21], [sflag:$0x1] =	stream.linear.gather @!p0 [hbm4b:s0+s18], s19, $0x38;
	[tilespmem:$0x10100] =	vst v63  }
0x45: {  	p0 =	seq.s32 s9, $0x0  }
0x46: {  	p1 =	seq.s32 @!p0 s9, $0x39  }
0x47: {  	p0 =	por p0, p1  }
.Ltmp2:
0x48: {  	_ = 	snop;
	(pc) =	sbr.rel @p0 .LBB1_10-.Ltmp2, $1  }
0x49: {  	_ =	sdelay $0x3  }
0x4a: {  	p0 =	sgt.s32 s12, $0x3;
	s0 =	smov.u32 s12;
	s18 =	sshra.s32 s12, $0x1F  }
0x4b: {  	s19 =	sshra.s32 s10, $0x1F;
	s28 =	ssub.s32 $0x0, s8;
	s29 =	sshra.s32 s8, $0x1F  }
0x4c: {  	p1 =	sgt.s32 s8, $0x60;
	s21 =	smov.u32 s8;
	s0 =	simm.s32 @!p0 $0x3  }
0x4d: {  	s18 =	sand.u32 s18, s12;
	p0 =	sgt.s32 s10, $0xDF;
	s19 =	sand.u32 s19, s10  }
0x4e: {  	s21 =	simm.s32 @!p1 $0x60;
	s0 =	ssub.s32 s0, s18;
	s18 =	smov.u32 s10  }
0x4f: {  	s20 =	sadd.s32 $0xFFFFFFFD, s0;
	s18 =	simm.s32 @!p0 $0xDF;
	s0 =	ssub.s32 $0x4, s0  }
0x50: {  	p0 =	sgt.s32 s20, $0x0;
	s19 =	ssub.s32 s18, s19;
	s18 =	sand.u32 s28, s29  }
0x51: {  	s22 =	sadd.s32 $0xFFFFFF21, s19;
	s19 =	ssub.s32 $0xE0, s19;
	s20 =	sadd.s32 s18, s21  }
0x52: {  	s0 =	simm.s32 @p0 $0x0;
	p1 =	sgt.s32 s22, $0x0;
	s20 =	sadd.s32 $0xFFFFFFA0, s20  }
0x53: {  	s19 =	simm.s32 @p1 $0x0;
	s30 =	sshll.u32 s20, $0x7;
	p0 =	sgt.s32 s20, $0x7F  }
0x54: {  	s20 =	sadd.s32 $0x1, s12;
	s19 =	smul.u32 s0, s19;
	s0 =	ssub.s32 $0x4000, s30  }
0x55: {  	s22 =	sadd.s32 $0x1, s10;
	s0 =	simm.s32 @p0 $0x0;
	p0 =	slt.s32 s20, $0x4  }
0x56: {  	s20 =	simm.s32 @!p0 $0x4;
	p0 =	slt.s32 s22, $0xE0  }
0x57: {  	s21 =	ssub.s32 s20, s12;
	s22 =	simm.s32 @!p0 $0xE0;
	s20 =	sadd.s32 $0x80, s8  }
0x58: {  	s22 =	ssub.s32 s22, s10;
	p0 =	slt.s32 s20, $0xE0;
	p1 =	slt.s32 s21, $0x1  }
0x59: {  	s20 =	simm.s32 @!p0 $0xE0;
	p0 =	slt.s32 @!p1 s22, $0x1  }
0x5a: {  	s23 =	ssub.s32 s20, s8;
	p0 =	por p1, p0  }
0x5b: {  	p1 =	slt.s32 @!p0 s23, $0x1  }
0x5c: {  	s0 =	smul.u32 s19, s0;
	p0 =	por p0, p1  }
.Ltmp3:
0x5d: {  	s24 =	sand.u32 $0x1, s9;
	(pc) =	sbr.rel @p0 .LBB1_9-.Ltmp3, $4  }
0x5e: {  	s1 =	simm.s32 $0x1;
	s31 =	smul.u32 $0x10200, s24;
	s0 =	sand.u32 $0x3FFFFF80, s0  }
0x5f: {  	_ =	swait.ge [sflag:s1], s0  }
0x60: {  	s0 =	ssub.s32 $0x0, s0;
	[sflag:s1] =	ssyncset.done $0x0;
	s20 =	sshrl.u32 s31, $0x2  }
0x61: {  	[sflag:s1] =	ssyncadd.s32 s0;
	s20 =	sor.u32 $0x8000, s20  }
0x62: {  	s24 =	sshll.u32 s24, $0xE;
	s25 =	simm.s32 $0x0  }
.LBB1_4:
0x63: {  	s26 =	simm.s32 $0x0  }
.LBB1_5:
0x64: {  	s0 =	sadd.s32 s25, s26  }
0x65: {  	s27 =	sshll.u32 s0, $0x10  }
0x66: {  	s27 =	sshra.s32 s27, $0x2  }
0x67: {  	s29 =	sadd.s32 s27, s24  }
0x68: {  	s28 =	simm.s32 $0x0;
	s5 =	simm.s32 $0x0;
	s0 =	smul.u32 $0x10200, s0;
	v0 =	vmov s29  }
0x69: {  	s31 =	simm.s32 $0x10;
	s2 =	simm.s32 $0x20;
	s7 =	simm.s32 $0x30  }
0x6a: {  	s31 =	sand.u32 $0x78, s31;
	s2 =	sand.u32 $0x78, s2;
	s0 =	sshra.s32 s0, $0x2  }
0x6b: {  	s31 =	smul.u32 $0x204, s31;
	s27 =	sadd.s32 s0, s20;
	s0 =	sand.u32 $0x78, s5  }
0x6c: {  	s30 =	sand.u32 $0x3F80, s28;
	s2 =	smul.u32 $0x204, s2;
	s1 =	sxor.u32 $0x40, s0  }
0x6d: {  	s4 =	simm.s32 $0x50;
	s7 =	sand.u32 $0x78, s7;
	s1 =	smul.u32 $0x204, s1;
	v1 =	vld.idx.msk [tilespmem:v0+s30+$0x40 ss:$0x1], $0xffff  }
0x6e: {  	p0 =	sne.s32 s23, $0x1;
	s4 =	sand.u32 $0x78, s4;
	s7 =	smul.u32 $0x204, s7  }
0x6f: {  	s3 =	sand.u32 $0x7F, s28;
	s0 =	smul.u32 $0x204, s0;
	s1 =	sshrl.u32 s1, $0x2;
	v2 =	vld.idx.msk [tilespmem:v0+s30+$0x0 ss:$0x1], $0xffff  }
0x70: {  	s4 =	smul.u32 $0x204, s4;
	s29 =	simm.s32 $0x1;
	v3 =	vld.idx.msk [tilespmem:v0+s30+$0x10 ss:$0x1], $0xffff;
	s1 =	sadd.s32 s1, s27  }
0x71: {  	s31 =	sshrl.u32 s31, $0x2;
	s0 =	sshrl.u32 s0, $0x2;
	v4 =	vld.idx.msk [tilespmem:v0+s30+$0x20 ss:$0x1], $0xffff;
	s1 =	sadd.s32 s3, s1  }
.Ltmp4:
0x72: {  	s2 =	sshrl.u32 s2, $0x2;
	s0 =	sadd.s32 s0, s27;
	[tilespmem:s1+$0x0 ss:$0x81] =	vst.msk $0xffff, v1;
	v1 =	vld.idx.msk [tilespmem:v0+s30+$0x30 ss:$0x1], $0xffff;
	(pc) =	sbr.rel @!p0 .LBB1_7-.Ltmp4, $4  }
0x73: {  	s7 =	sshrl.u32 s7, $0x2;
	s6 =	sadd.s32 s31, s27;
	s0 =	sadd.s32 s3, s0  }
0x74: {  	s2 =	sadd.s32 s2, s27;
	s5 =	sadd.s32 s3, s6;
	s6 =	sshrl.u32 s4, $0x2;
	[tilespmem:s0+$0x0 ss:$0x81] =	vst.msk $0xffff, v2;
	v2 =	vld.idx.msk [tilespmem:v0+s30+$0x50 ss:$0x1], $0xffff  }
0x75: {  	s7 =	sadd.s32 s7, s27;
	s2 =	sadd.s32 s3, s2;
	[tilespmem:s5+$0x0 ss:$0x81] =	vst.msk $0xffff, v3;
	s1 =	sadd.s32 s6, s27  }
0x76: {  	s0 =	sadd.s32 s3, s7;
	[tilespmem:s2+$0x0 ss:$0x81] =	vst.msk $0xffff, v4;
	s30 =	simm.s32 $0x2808;
	s31 =	sadd.s32 s3, s1  }
.LBB1_6:
0x77: {  	s1 =	sadd.s32 $0xFFFFD800, s30;
	s2 =	sadd.s32 $0xFFFFE000, s30;
	[tilespmem:s0+$0x0 ss:$0x81] =	vst.msk $0xffff, v1;
	s0 =	smov.u32 s29  }
0x78: {  	s29 =	sadd.s32 $0x1, s29;
	s28 =	sadd.s32 $0x80, s28;
	s4 =	sadd.s32 $0xFFFFE800, s30  }
0x79: {  	s7 =	sadd.s32 $0xFFFFF000, s30;
	s1 =	sshrl.u32 s1, $0x7;
	p0 =	sne.s32 s23, s29;
	[tilespmem:s31+$0x0 ss:$0x81] =	vst.msk $0xffff, v2  }
0x7a: {  	s5 =	sshrl.u32 s30, $0x7;
	s3 =	sand.u32 $0x3F80, s28;
	s1 =	sand.u32 $0x78, s1  }
0x7b: {  	s2 =	sshrl.u32 s2, $0x7;
	s4 =	sshrl.u32 s4, $0x7;
	v3 =	vld.idx.msk [tilespmem:v0+s3+$0x40 ss:$0x1], $0xffff;
	s31 =	sxor.u32 $0x40, s1  }
0x7c: {  	s7 =	sshrl.u32 s7, $0x7;
	s5 =	sand.u32 $0x78, s5;
	v4 =	vld.idx.msk [tilespmem:v0+s3+$0x0 ss:$0x1], $0xffff;
	s31 =	smul.u32 $0x204, s31  }
0x7d: {  	s6 =	sand.u32 $0x7F, s0;
	s2 =	sand.u32 $0x78, s2;
	s4 =	sand.u32 $0x78, s4;
	v5 =	vld.idx.msk [tilespmem:v0+s3+$0x10 ss:$0x1], $0xffff  }
0x7e: {  	s7 =	sand.u32 $0x78, s7;
	s0 =	smul.u32 $0x204, s1;
	v6 =	vld.idx.msk [tilespmem:v0+s3+$0x20 ss:$0x1], $0xffff;
	s31 =	sshrl.u32 s31, $0x2  }
0x7f: {  	s2 =	smul.u32 $0x204, s2;
	v1 =	vld.idx.msk [tilespmem:v0+s3+$0x30 ss:$0x1], $0xffff;
	s1 =	sadd.s32 s31, s27  }
0x80: {  	s1 =	sadd.s32 s6, s1;
	v2 =	vld.idx.msk [tilespmem:v0+s3+$0x50 ss:$0x1], $0xffff;
	s3 =	smul.u32 $0x204, s4  }
0x81: {  	s0 =	sshrl.u32 s0, $0x2;
	s4 =	smul.u32 $0x204, s5;
	[tilespmem:s1+$0x0 ss:$0x81] =	vst.msk $0xffff, v3  }
0x82: {  	s0 =	sadd.s32 s0, s27;
	s1 =	sshrl.u32 s2, $0x2;
	s2 =	smul.u32 $0x204, s7  }
.Ltmp5:
0x83: {  	s1 =	sadd.s32 s1, s27;
	s3 =	sshrl.u32 s3, $0x2;
	(pc) =	sbr.rel @p0 .LBB1_6-.Ltmp5, $4  }
0x84: {  	s0 =	sadd.s32 s6, s0;
	s3 =	sadd.s32 s3, s27;
	s2 =	sshrl.u32 s2, $0x2  }
0x85: {  	[tilespmem:s0+$0x0 ss:$0x81] =	vst.msk $0xffff, v4;
	s0 =	sadd.s32 s6, s1;
	s1 =	sadd.s32 s2, s27;
	s2 =	sshrl.u32 s4, $0x2  }
0x86: {  	s3 =	sadd.s32 s6, s3;
	[tilespmem:s0+$0x0 ss:$0x81] =	vst.msk $0xffff, v5;
	s0 =	sadd.s32 s6, s1;
	s1 =	sadd.s32 s2, s27  }
0x87: {  	s30 =	sadd.s32 $0x8, s30;
	[tilespmem:s3+$0x0 ss:$0x81] =	vst.msk $0xffff, v6;
	s31 =	sadd.s32 s6, s1  }
.LBB1_7:
0x88: {  	s26 =	sadd.s32 $0x1, s26  }
0x89: {  	p0 =	sne.s32 s26, s22  }
.Ltmp6:
0x8a: {  	_ = 	snop;
	(pc) =	sbr.rel @p0 .LBB1_5-.Ltmp6, $3  }
0x8b: {  	_ =	sdelay $0x1  }
0x8c: {  	[tilespmem:s0+$0x0 ss:$0x81] =	vst.msk $0xffff, v1  }
0x8d: {  	[tilespmem:s31+$0x0 ss:$0x81] =	vst.msk $0xffff, v2  }
0x8e: {  	s25 =	sadd.s32 $0x1, s25  }
0x8f: {  	p0 =	sne.s32 s25, s21  }
.Ltmp7:
0x90: {  	_ = 	snop;
	(pc) =	sbr.rel @p0 .LBB1_4-.Ltmp7, $4  }
.Ltmp8:
0x91: {  	_ = 	snop;
	(pc) =	sbr.rel @!p0 .LBB1_9-.Ltmp8, $4  }
0x92: {  	_ = 	snop  }
0x93: {  	_ = 	snop  }
0x94: {  	_ = 	snop  }
0x95: {  	_ = 	snop  }
.LBB1_11:
0x96: {  	_ =	sfence.sel $0x180000  }
0x97: {  	s0 =	simm.s32 $0x1;
	[bflag:$0x0] =	sbarrier.arrive $0xFFFF  }
0x98: {  	s30 =	simm.s32 $0x2;
	[sflag:s0] =	ssyncpa.u1 $0x1  }
0x99: {  	[sflag:s30] =	ssyncpa.u1 $0x1  }
0x9a: {  	_ =	strace $0x90000047  }
0x9b: {  	s31 =	stileid.u32;
	[bflag:$0x2] =	sbarrier.arrive $0xFFFF  }
0x9c: {  	p0 =	sne.s32 s31, $0x0;
	s0 =	rddreg [dreg:$0x2]  }
0x9d: {  	s0 =	sadd.s32 @!p0 $0x100000, s0  }
0x9e: {  	[sflag:s0] =	ssyncadd.tile.s32 @!p0 $0x1;
	_ =	shalt  }
.Lfunc_end1:
_tile_overlayer_lowered:
.L_overlay_start_2:
0x9f: {  	(tag) =	ssettag $0x2  }
0xa0: {  	s0 =	rddreg [dreg:$0x0];
	s2 =	stileid.u32  }
0xa1: {  	s1 =	rddreg [dreg:$0x1];
	p0 =	sne.s32 s2, $0x0  }
0xa2: {  	s3 =	rddreg [dreg:$0x2];
	[bflag:$0x3] =	sbarrier.arrive $0xFFFF;
	s2 =	simm.s32 @!p0 $0x1C01  }
0xa3: {  	[timem:s3], [sflag:s2] =	dma.local @!p0 [hbm:s0], s1  }
0xa4: {  	s0 =	simm.s32 @!p0 $0x1  }
0xa5: {  	_ =	swait.ge @!p0 [sflag:s0], s1  }
0xa6: {  	s1 =	ssub.s32 @!p0 $0x0, s1;
	[sflag:s0] =	ssyncset.done @!p0 $0x0  }
0xa7: {  	[sflag:s0] =	ssyncadd.s32 @!p0 s1  }
0xa8: {  	[bflag:$0x3] =	sbarrier.arrive $0xFFFF  }
0xa9: {  	_ =	shalt  }

</sc_bundles>
